<compile_context>
chip_gen: v7x
topology: tpu7x:2x2x1
jax: 0.10.2.dev20260603
libtpu: 0.0.44.dev20260713+nightly
codegen_flags: <defaults>
</compile_context>

<pallas_src>
import functools

import jax
import jax.numpy as jnp
import numpy as np
from jax import lax
from jax.experimental import pallas as pl
from jax.experimental.pallas import tpu as pltpu
from jax.experimental.pallas import tpu_sc as plsc

B = 65536
NBLK = B // 128
NW = 32
BPW = NBLK // NW
K = 276
ROWS_OUT = 69 * NBLK * 4
ROUND = BPW // 2
CHUNK = 4 * ROUND
NCH = 69
NBUF = 3
RC_PAD = 288
TROWS = 6 * ROUND * 7

_mesh = plsc.VectorSubcoreMesh(core_axis_name="c", subcore_axis_name="s")


def _static_rc():
    g = []
    for r in range(6):
        for c in range(4):
            g.append([r * 7 + (c + i) for i in range(4)])
    for c in range(7):
        for r in range(3):
            g.append([(r + i) * 7 + c for i in range(4)])
    for r in range(3):
        for c in range(4):
            g.append([(r + i) * 7 + (c + i) for i in range(4)])
    for r in range(3):
        for c in range(3, 7):
            g.append([(r + i) * 7 + (c - i) for i in range(4)])
    gfl = np.array(g, dtype=np.int32).reshape(-1)
    rc = (gfl // 7) * (7 * ROUND) + gfl % 7
    return np.pad(rc, (0, RC_PAD - K)).astype(np.int32)


_RC_NP = _static_rc()


@functools.partial(
    pl.kernel,
    mesh=_mesh,
    out_type=jax.ShapeDtypeStruct((ROWS_OUT, 128), jnp.float32),
    compiler_params=pltpu.CompilerParams(needs_layout_passes=False),
    scratch_types=[
        pltpu.VMEM((RC_PAD,), jnp.int32),
        *[pltpu.VMEM((CHUNK,), jnp.int32) for _ in range(NBUF)],
        *[pltpu.VMEM((CHUNK, 128), jnp.float32) for _ in range(NBUF)],
        *[pltpu.SemaphoreType.DMA for _ in range(2 * NBUF)],
        pltpu.SemaphoreType.DMA,
        pltpu.VMEM_SHARED((16 * TROWS, 128), jnp.float32),
    ],
)
def _row_gather_kernel(x4_hbm, rc_hbm, out_hbm, rc_v, *ring):
    idx_v = ring[0:NBUF]
    buf_v = ring[NBUF:2 * NBUF]
    gsem = ring[2 * NBUF:3 * NBUF]
    osem = ring[3 * NBUF:4 * NBUF]
    ssem = ring[4 * NBUF]
    shared = ring[4 * NBUF + 1]
    wid = lax.axis_index("s") * 2 + lax.axis_index("c")
    sid = lax.axis_index("s")
    b0 = wid * BPW
    sh0 = sid * TROWS
    lanes = jax.lax.iota(jnp.int32, 16)
    pltpu.sync_copy(rc_hbm, rc_v)

    def build_idx(s, i):
        def build_body(p, carry2):
            o = p * 16 + lanes
            j = o & 3
            bblkloc = lax.shift_right_logical(o, 2)
            rc = plsc.load_gather(rc_v, [i * 4 + j])
            idx_v[s][pl.ds(p * 16, 16)] = sh0 + rc + bblkloc * 7
            return carry2

        lax.fori_loop(0, CHUNK // 16, build_body, 0)

    for rnd in range(2):
        bb = b0 + rnd * ROUND
        for r in range(6):
            for m in range(ROUND):
                pltpu.async_copy(
                    x4_hbm.at[r, bb + m],
                    shared.at[pl.ds(sh0 + (r * ROUND + m) * 7, 7)],
                    ssem,
                )
        for _ in range(6 * ROUND):
            pltpu.make_async_copy(
                x4_hbm.at[0, 0], shared.at[pl.ds(0, 7)], ssem
            ).wait()

        for s in range(NBUF):
            build_idx(s, jnp.int32(s))
            pltpu.async_copy(shared.at[idx_v[s]], buf_v[s], gsem[s])

        def ring_body(p, carry):
            for s in range(NBUF):
                i = p * NBUF + s
                obase = i * 2048 + bb * 4
                out_slice = out_hbm.at[pl.ds(obase, CHUNK)]
                pltpu.make_async_copy(shared.at[idx_v[s]], buf_v[s], gsem[s]).wait()
                pltpu.async_copy(buf_v[s], out_slice, osem[s])

                @pl.when(i + NBUF < NCH)
                def _():
                    build_idx(s, i + NBUF)
                    pltpu.make_async_copy(buf_v[s], out_slice, osem[s]).wait()
                    pltpu.async_copy(shared.at[idx_v[s]], buf_v[s], gsem[s])

            return carry

        lax.fori_loop(0, NCH // NBUF, ring_body, 0)
        for s in range(NBUF):
            pltpu.make_async_copy(buf_v[s], out_hbm.at[pl.ds(0, CHUNK)], osem[s]).wait()


def kernel(inputs, groupings):
    del groupings
    x4 = inputs.transpose(1, 0, 2).reshape(6, NBLK, 128, 7).transpose(0, 1, 3, 2)
    out_rows = _row_gather_kernel(x4, jnp.asarray(_RC_NP))
    return out_rows.reshape(69, NBLK, 4, 128).transpose(1, 3, 0, 2).reshape(B, 69, 4)

# --- scband reference (transcript-rebuilt; emitter-appended) ---
"""Pipeline reference for scband-pre-convolution-61383672594998 (READ-ONLY COPY).

The authoritative reference and input builder live on the scoring server;
editing this copy changes nothing except your own understanding.
"""

import jax, jax.numpy as jnp
import numpy as np


def four_groupings():
    # All 69 possible 4-in-a-row lines on a 6x7 Connect4 board,
    # as indices into the flattened (42,) board (row-major r*7+c).
    g = []
    # horizontal: 6 rows * 4 starting cols = 24
    for r in range(6):
        for c in range(4):
            g.append([r * 7 + (c + i) for i in range(4)])
    # vertical: 7 cols * 3 starting rows = 21
    for c in range(7):
        for r in range(3):
            g.append([(r + i) * 7 + c for i in range(4)])
    # diagonal down-right: 3 * 4 = 12
    for r in range(3):
        for c in range(4):
            g.append([(r + i) * 7 + (c + i) for i in range(4)])
    # diagonal down-left: 3 * 4 = 12
    for r in range(3):
        for c in range(3, 7):
            g.append([(r + i) * 7 + (c - i) for i in range(4)])
    return np.array(g, dtype=np.int32)  # (69, 4)


def setup_inputs(seed: int = 0) -> dict:
    key = jax.random.key(seed)
    inputs = jax.random.normal(key, (65536, 6, 7), dtype=jnp.float32)
    groupings = jnp.asarray(four_groupings())  # constant buffer of the layer
    return {"inputs": inputs, "groupings": groupings}


def reference(inputs, groupings):
    # Flatten each board (keras Flatten keeps batch dim), then gather the 69
    # four-in-a-row windows for every board: (B, 42) -> (B, 69, 4).
    flat = inputs.reshape(inputs.shape[0], -1)
    out = jnp.take(flat, groupings, axis=1)
    return out

if __name__ == "__main__":
    import jax
    _d = setup_inputs()
    print(jax.jit(kernel)(*tuple(_d.values())))

</pallas_src>

<mosaic_0001>
#map = affine_map<(d0, d1) -> (0, 0, 0, 0)>
#map1 = affine_map<(d0, d1) -> (0)>
#map2 = affine_map<(d0, d1) -> (0, 0)>
module attributes {stable_mosaic.version = 14 : i64} {
  func.func @_row_gather_kernel(%arg0: i32, %arg1: i32, %arg2: memref<6x512x7x128xf32, #tpu.memory_space<hbm>>, %arg3: memref<288xi32, #tpu.memory_space<hbm>>, %arg4: memref<141312x128xf32, #tpu.memory_space<hbm>>, %arg5: memref<288xi32, #tpu.memory_space<vmem>>, %arg6: memref<32xi32, #tpu.memory_space<vmem>>, %arg7: memref<32xi32, #tpu.memory_space<vmem>>, %arg8: memref<32xi32, #tpu.memory_space<vmem>>, %arg9: memref<32x128xf32, #tpu.memory_space<vmem>>, %arg10: memref<32x128xf32, #tpu.memory_space<vmem>>, %arg11: memref<32x128xf32, #tpu.memory_space<vmem>>, %arg12: memref<!tpu.dma_semaphore, #tpu.memory_space<semaphore_mem>>, %arg13: memref<!tpu.dma_semaphore, #tpu.memory_space<semaphore_mem>>, %arg14: memref<!tpu.dma_semaphore, #tpu.memory_space<semaphore_mem>>, %arg15: memref<!tpu.dma_semaphore, #tpu.memory_space<semaphore_mem>>, %arg16: memref<!tpu.dma_semaphore, #tpu.memory_space<semaphore_mem>>, %arg17: memref<!tpu.dma_semaphore, #tpu.memory_space<semaphore_mem>>, %arg18: memref<!tpu.dma_semaphore, #tpu.memory_space<semaphore_mem>>, %arg19: memref<5376x128xf32, #tpu.memory_space<vmem_shared>>) attributes {dimension_semantics = [#tpu.dimension_semantics<core_parallel>, #tpu.dimension_semantics<subcore_parallel>], iteration_bounds = array<i64: 2, 16>, scalar_prefetch = 0 : i64, scratch_operands = 15 : i64, tpu.core_type = #tpu.core_type<sc_vector_subcore>, window_params = [{transform_indices = #map}, {transform_indices = #map1}, {transform_indices = #map2}]} {
    %mul3A = arith.constant 2 : i32
    %mul3A_0 = arith.muli %arg1, %mul3A : i32
    %add3A = arith.addi %mul3A_0, %arg0 : i32
    %mul3A_1 = arith.constant 16 : i32
    %mul3A_2 = arith.muli %add3A, %mul3A_1 : i32
    %mul3A_3 = arith.constant 336 : i32
    %mul3A_4 = arith.muli %arg1, %mul3A_3 : i32
    %iota3A = tpu.iota {dimensions = array<i32: 0>} : vector<16xi32>
    "tpu.region"() ({
      %run_scoped3A = tpu.sem_alloc : memref<!tpu.dma_semaphore, #tpu.memory_space<semaphore_mem>>
      tpu.enqueue_dma source(%arg3 : memref<288xi32, #tpu.memory_space<hbm>>) target(%arg5 : memref<288xi32, #tpu.memory_space<vmem>>) target_semaphore(%run_scoped3A : memref<!tpu.dma_semaphore, #tpu.memory_space<semaphore_mem>>)
      tpu.wait_dma2 semaphore(%run_scoped3A : memref<!tpu.dma_semaphore, #tpu.memory_space<semaphore_mem>>) src(%arg3 : memref<288xi32, #tpu.memory_space<hbm>>) dst(%arg5 : memref<288xi32, #tpu.memory_space<vmem>>)
      tpu.yield
    }) : () -> ()
    %add3A_5 = arith.constant 0 : i32
    %add3A_6 = arith.addi %mul3A_2, %add3A_5 : i32
    %add3A_7 = arith.constant 0 : i32
    %add3A_8 = arith.addi %add3A_6, %add3A_7 : i32
    %add3A_9 = arith.constant 0 : i32
    %add3A_10 = arith.addi %mul3A_4, %add3A_9 : i32
    %dma_start3A = arith.constant 0 : i32
    %dma_start3A_11 = arith.constant 0 : i32
    %dma_start3A_12 = tpu.memref_slice %arg19[%add3A_10, %dma_start3A_11] : memref<5376x128xf32, #tpu.memory_space<vmem_shared>> -> memref<7x128xf32, #tpu.memory_space<vmem_shared>>
    %dma_start3A_13 = arith.constant 0 : i32
    %dma_start3A_14 = arith.constant 0 : i32
    %dma_start3A_15 = tpu.memref_slice %arg2[%dma_start3A, %add3A_8, %dma_start3A_13, %dma_start3A_14] : memref<6x512x7x128xf32, #tpu.memory_space<hbm>> -> memref<1x1x7x128xf32, #tpu.memory_space<hbm>>
    %dma_start3A_16 = tpu.memref_squeeze %dma_start3A_15 : memref<1x1x7x128xf32, #tpu.memory_space<hbm>> -> memref<7x128xf32, #tpu.memory_space<hbm>>
    tpu.enqueue_dma source(%dma_start3A_16 : memref<7x128xf32, #tpu.memory_space<hbm>>) target(%dma_start3A_12 : memref<7x128xf32, #tpu.memory_space<vmem_shared>>) target_semaphore(%arg18 : memref<!tpu.dma_semaphore, #tpu.memory_space<semaphore_mem>>)
    %add3A_17 = arith.constant 1 : i32
    %add3A_18 = arith.addi %add3A_6, %add3A_17 : i32
    %add3A_19 = arith.constant 7 : i32
    %add3A_20 = arith.addi %mul3A_4, %add3A_19 : i32
    %dma_start3A_21 = arith.constant 0 : i32
    %dma_start3A_22 = arith.constant 0 : i32
    %dma_start3A_23 = tpu.memref_slice %arg19[%add3A_20, %dma_start3A_22] : memref<5376x128xf32, #tpu.memory_space<vmem_shared>> -> memref<7x128xf32, #tpu.memory_space<vmem_shared>>
    %dma_start3A_24 = arith.constant 0 : i32
    %dma_start3A_25 = arith.constant 0 : i32
    %dma_start3A_26 = tpu.memref_slice %arg2[%dma_start3A_21, %add3A_18, %dma_start3A_24, %dma_start3A_25] : memref<6x512x7x128xf32, #tpu.memory_space<hbm>> -> memref<1x1x7x128xf32, #tpu.memory_space<hbm>>
    %dma_start3A_27 = tpu.memref_squeeze %dma_start3A_26 : memref<1x1x7x128xf32, #tpu.memory_space<hbm>> -> memref<7x128xf32, #tpu.memory_space<hbm>>
    tpu.enqueue_dma source(%dma_start3A_27 : memref<7x128xf32, #tpu.memory_space<hbm>>) target(%dma_start3A_23 : memref<7x128xf32, #tpu.memory_space<vmem_shared>>) target_semaphore(%arg18 : memref<!tpu.dma_semaphore, #tpu.memory_space<semaphore_mem>>)
    %add3A_28 = arith.constant 2 : i32
    %add3A_29 = arith.addi %add3A_6, %add3A_28 : i32
    %add3A_30 = arith.constant 14 : i32
    %add3A_31 = arith.addi %mul3A_4, %add3A_30 : i32
    %dma_start3A_32 = arith.constant 0 : i32
    %dma_start3A_33 = arith.constant 0 : i32
    %dma_start3A_34 = tpu.memref_slice %arg19[%add3A_31, %dma_start3A_33] : memref<5376x128xf32, #tpu.memory_space<vmem_shared>> -> memref<7x128xf32, #tpu.memory_space<vmem_shared>>
    %dma_start3A_35 = arith.constant 0 : i32
    %dma_start3A_36 = arith.constant 0 : i32
    %dma_start3A_37 = tpu.memref_slice %arg2[%dma_start3A_32, %add3A_29, %dma_start3A_35, %dma_start3A_36] : memref<6x512x7x128xf32, #tpu.memory_space<hbm>> -> memref<1x1x7x128xf32, #tpu.memory_space<hbm>>
    %dma_start3A_38 = tpu.memref_squeeze %dma_start3A_37 : memref<1x1x7x128xf32, #tpu.memory_space<hbm>> -> memref<7x128xf32, #tpu.memory_space<hbm>>
    tpu.enqueue_dma source(%dma_start3A_38 : memref<7x128xf32, #tpu.memory_space<hbm>>) target(%dma_start3A_34 : memref<7x128xf32, #tpu.memory_space<vmem_shared>>) target_semaphore(%arg18 : memref<!tpu.dma_semaphore, #tpu.memory_space<semaphore_mem>>)
    %add3A_39 = arith.constant 3 : i32
    %add3A_40 = arith.addi %add3A_6, %add3A_39 : i32
    %add3A_41 = arith.constant 21 : i32
    %add3A_42 = arith.addi %mul3A_4, %add3A_41 : i32
    %dma_start3A_43 = arith.constant 0 : i32
    %dma_start3A_44 = arith.constant 0 : i32
    %dma_start3A_45 = tpu.memref_slice %arg19[%add3A_42, %dma_start3A_44] : memref<5376x128xf32, #tpu.memory_space<vmem_shared>> -> memref<7x128xf32, #tpu.memory_space<vmem_shared>>
    %dma_start3A_46 = arith.constant 0 : i32
    %dma_start3A_47 = arith.constant 0 : i32
    %dma_start3A_48 = tpu.memref_slice %arg2[%dma_start3A_43, %add3A_40, %dma_start3A_46, %dma_start3A_47] : memref<6x512x7x128xf32, #tpu.memory_space<hbm>> -> memref<1x1x7x128xf32, #tpu.memory_space<hbm>>
    %dma_start3A_49 = tpu.memref_squeeze %dma_start3A_48 : memref<1x1x7x128xf32, #tpu.memory_space<hbm>> -> memref<7x128xf32, #tpu.memory_space<hbm>>
    tpu.enqueue_dma source(%dma_start3A_49 : memref<7x128xf32, #tpu.memory_space<hbm>>) target(%dma_start3A_45 : memref<7x128xf32, #tpu.memory_space<vmem_shared>>) target_semaphore(%arg18 : memref<!tpu.dma_semaphore, #tpu.memory_space<semaphore_mem>>)
    %add3A_50 = arith.constant 4 : i32
    %add3A_51 = arith.addi %add3A_6, %add3A_50 : i32
    %add3A_52 = arith.constant 28 : i32
    %add3A_53 = arith.addi %mul3A_4, %add3A_52 : i32
    %dma_start3A_54 = arith.constant 0 : i32
    %dma_start3A_55 = arith.constant 0 : i32
    %dma_start3A_56 = tpu.memref_slice %arg19[%add3A_53, %dma_start3A_55] : memref<5376x128xf32, #tpu.memory_space<vmem_shared>> -> memref<7x128xf32, #tpu.memory_space<vmem_shared>>
    %dma_start3A_57 = arith.constant 0 : i32
    %dma_start3A_58 = arith.constant 0 : i32
    %dma_start3A_59 = tpu.memref_slice %arg2[%dma_start3A_54, %add3A_51, %dma_start3A_57, %dma_start3A_58] : memref<6x512x7x128xf32, #tpu.memory_space<hbm>> -> memref<1x1x7x128xf32, #tpu.memory_space<hbm>>
    %dma_start3A_60 = tpu.memref_squeeze %dma_start3A_59 : memref<1x1x7x128xf32, #tpu.memory_space<hbm>> -> memref<7x128xf32, #tpu.memory_space<hbm>>
    tpu.enqueue_dma source(%dma_start3A_60 : memref<7x128xf32, #tpu.memory_space<hbm>>) target(%dma_start3A_56 : memref<7x128xf32, #tpu.memory_space<vmem_shared>>) target_semaphore(%arg18 : memref<!tpu.dma_semaphore, #tpu.memory_space<semaphore_mem>>)
    %add3A_61 = arith.constant 5 : i32
    %add3A_62 = arith.addi %add3A_6, %add3A_61 : i32
    %add3A_63 = arith.constant 35 : i32
    %add3A_64 = arith.addi %mul3A_4, %add3A_63 : i32
    %dma_start3A_65 = arith.constant 0 : i32
    %dma_start3A_66 = arith.constant 0 : i32
    %dma_start3A_67 = tpu.memref_slice %arg19[%add3A_64, %dma_start3A_66] : memref<5376x128xf32, #tpu.memory_space<vmem_shared>> -> memref<7x128xf32, #tpu.memory_space<vmem_shared>>
    %dma_start3A_68 = arith.constant 0 : i32
    %dma_start3A_69 = arith.constant 0 : i32
    %dma_start3A_70 = tpu.memref_slice %arg2[%dma_start3A_65, %add3A_62, %dma_start3A_68, %dma_start3A_69] : memref<6x512x7x128xf32, #tpu.memory_space<hbm>> -> memref<1x1x7x128xf32, #tpu.memory_space<hbm>>
    %dma_start3A_71 = tpu.memref_squeeze %dma_start3A_70 : memref<1x1x7x128xf32, #tpu.memory_space<hbm>> -> memref<7x128xf32, #tpu.memory_space<hbm>>
    tpu.enqueue_dma source(%dma_start3A_71 : memref<7x128xf32, #tpu.memory_space<hbm>>) target(%dma_start3A_67 : memref<7x128xf32, #tpu.memory_space<vmem_shared>>) target_semaphore(%arg18 : memref<!tpu.dma_semaphore, #tpu.memory_space<semaphore_mem>>)
    %add3A_72 = arith.constant 6 : i32
    %add3A_73 = arith.addi %add3A_6, %add3A_72 : i32
    %add3A_74 = arith.constant 42 : i32
    %add3A_75 = arith.addi %mul3A_4, %add3A_74 : i32
    %dma_start3A_76 = arith.constant 0 : i32
    %dma_start3A_77 = arith.constant 0 : i32
    %dma_start3A_78 = tpu.memref_slice %arg19[%add3A_75, %dma_start3A_77] : memref<5376x128xf32, #tpu.memory_space<vmem_shared>> -> memref<7x128xf32, #tpu.memory_space<vmem_shared>>
    %dma_start3A_79 = arith.constant 0 : i32
    %dma_start3A_80 = arith.constant 0 : i32
    %dma_start3A_81 = tpu.memref_slice %arg2[%dma_start3A_76, %add3A_73, %dma_start3A_79, %dma_start3A_80] : memref<6x512x7x128xf32, #tpu.memory_space<hbm>> -> memref<1x1x7x128xf32, #tpu.memory_space<hbm>>
    %dma_start3A_82 = tpu.memref_squeeze %dma_start3A_81 : memref<1x1x7x128xf32, #tpu.memory_space<hbm>> -> memref<7x128xf32, #tpu.memory_space<hbm>>
    tpu.enqueue_dma source(%dma_start3A_82 : memref<7x128xf32, #tpu.memory_space<hbm>>) target(%dma_start3A_78 : memref<7x128xf32, #tpu.memory_space<vmem_shared>>) target_semaphore(%arg18 : memref<!tpu.dma_semaphore, #tpu.memory_space<semaphore_mem>>)
    %add3A_83 = arith.constant 7 : i32
    %add3A_84 = arith.addi %add3A_6, %add3A_83 : i32
    %add3A_85 = arith.constant 49 : i32
    %add3A_86 = arith.addi %mul3A_4, %add3A_85 : i32
    %dma_start3A_87 = arith.constant 0 : i32
    %dma_start3A_88 = arith.constant 0 : i32
    %dma_start3A_89 = tpu.memref_slice %arg19[%add3A_86, %dma_start3A_88] : memref<5376x128xf32, #tpu.memory_space<vmem_shared>> -> memref<7x128xf32, #tpu.memory_space<vmem_shared>>
    %dma_start3A_90 = arith.constant 0 : i32
    %dma_start3A_91 = arith.constant 0 : i32
    %dma_start3A_92 = tpu.memref_slice %arg2[%dma_start3A_87, %add3A_84, %dma_start3A_90, %dma_start3A_91] : memref<6x512x7x128xf32, #tpu.memory_space<hbm>> -> memref<1x1x7x128xf32, #tpu.memory_space<hbm>>
    %dma_start3A_93 = tpu.memref_squeeze %dma_start3A_92 : memref<1x1x7x128xf32, #tpu.memory_space<hbm>> -> memref<7x128xf32, #tpu.memory_space<hbm>>
    tpu.enqueue_dma source(%dma_start3A_93 : memref<7x128xf32, #tpu.memory_space<hbm>>) target(%dma_start3A_89 : memref<7x128xf32, #tpu.memory_space<vmem_shared>>) target_semaphore(%arg18 : memref<!tpu.dma_semaphore, #tpu.memory_space<semaphore_mem>>)
    %add3A_94 = arith.constant 0 : i32
    %add3A_95 = arith.addi %add3A_6, %add3A_94 : i32
    %add3A_96 = arith.constant 56 : i32
    %add3A_97 = arith.addi %mul3A_4, %add3A_96 : i32
    %dma_start3A_98 = arith.constant 1 : i32
    %dma_start3A_99 = arith.constant 0 : i32
    %dma_start3A_100 = tpu.memref_slice %arg19[%add3A_97, %dma_start3A_99] : memref<5376x128xf32, #tpu.memory_space<vmem_shared>> -> memref<7x128xf32, #tpu.memory_space<vmem_shared>>
    %dma_start3A_101 = arith.constant 0 : i32
    %dma_start3A_102 = arith.constant 0 : i32
    %dma_start3A_103 = tpu.memref_slice %arg2[%dma_start3A_98, %add3A_95, %dma_start3A_101, %dma_start3A_102] : memref<6x512x7x128xf32, #tpu.memory_space<hbm>> -> memref<1x1x7x128xf32, #tpu.memory_space<hbm>>
    %dma_start3A_104 = tpu.memref_squeeze %dma_start3A_103 : memref<1x1x7x128xf32, #tpu.memory_space<hbm>> -> memref<7x128xf32, #tpu.memory_space<hbm>>
    tpu.enqueue_dma source(%dma_start3A_104 : memref<7x128xf32, #tpu.memory_space<hbm>>) target(%dma_start3A_100 : memref<7x128xf32, #tpu.memory_space<vmem_shared>>) target_semaphore(%arg18 : memref<!tpu.dma_semaphore, #tpu.memory_space<semaphore_mem>>)
    %add3A_105 = arith.constant 1 : i32
    %add3A_106 = arith.addi %add3A_6, %add3A_105 : i32
    %add3A_107 = arith.constant 63 : i32
    %add3A_108 = arith.addi %mul3A_4, %add3A_107 : i32
    %dma_start3A_109 = arith.constant 1 : i32
    %dma_start3A_110 = arith.constant 0 : i32
    %dma_start3A_111 = tpu.memref_slice %arg19[%add3A_108, %dma_start3A_110] : memref<5376x128xf32, #tpu.memory_space<vmem_shared>> -> memref<7x128xf32, #tpu.memory_space<vmem_shared>>
    %dma_start3A_112 = arith.constant 0 : i32
    %dma_start3A_113 = arith.constant 0 : i32
    %dma_start3A_114 = tpu.memref_slice %arg2[%dma_start3A_109, %add3A_106, %dma_start3A_112, %dma_start3A_113] : memref<6x512x7x128xf32, #tpu.memory_space<hbm>> -> memref<1x1x7x128xf32, #tpu.memory_space<hbm>>
    %dma_start3A_115 = tpu.memref_squeeze %dma_start3A_114 : memref<1x1x7x128xf32, #tpu.memory_space<hbm>> -> memref<7x128xf32, #tpu.memory_space<hbm>>
    tpu.enqueue_dma source(%dma_start3A_115 : memref<7x128xf32, #tpu.memory_space<hbm>>) target(%dma_start3A_111 : memref<7x128xf32, #tpu.memory_space<vmem_shared>>) target_semaphore(%arg18 : memref<!tpu.dma_semaphore, #tpu.memory_space<semaphore_mem>>)
    %add3A_116 = arith.constant 2 : i32
    %add3A_117 = arith.addi %add3A_6, %add3A_116 : i32
    %add3A_118 = arith.constant 70 : i32
    %add3A_119 = arith.addi %mul3A_4, %add3A_118 : i32
    %dma_start3A_120 = arith.constant 1 : i32
    %dma_start3A_121 = arith.constant 0 : i32
    %dma_start3A_122 = tpu.memref_slice %arg19[%add3A_119, %dma_start3A_121] : memref<5376x128xf32, #tpu.memory_space<vmem_shared>> -> memref<7x128xf32, #tpu.memory_space<vmem_shared>>
    %dma_start3A_123 = arith.constant 0 : i32
    %dma_start3A_124 = arith.constant 0 : i32
    %dma_start3A_125 = tpu.memref_slice %arg2[%dma_start3A_120, %add3A_117, %dma_start3A_123, %dma_start3A_124] : memref<6x512x7x128xf32, #tpu.memory_space<hbm>> -> memref<1x1x7x128xf32, #tpu.memory_space<hbm>>
    %dma_start3A_126 = tpu.memref_squeeze %dma_start3A_125 : memref<1x1x7x128xf32, #tpu.memory_space<hbm>> -> memref<7x128xf32, #tpu.memory_space<hbm>>
    tpu.enqueue_dma source(%dma_start3A_126 : memref<7x128xf32, #tpu.memory_space<hbm>>) target(%dma_start3A_122 : memref<7x128xf32, #tpu.memory_space<vmem_shared>>) target_semaphore(%arg18 : memref<!tpu.dma_semaphore, #tpu.memory_space<semaphore_mem>>)
    %add3A_127 = arith.constant 3 : i32
    %add3A_128 = arith.addi %add3A_6, %add3A_127 : i32
    %add3A_129 = arith.constant 77 : i32
    %add3A_130 = arith.addi %mul3A_4, %add3A_129 : i32
    %dma_start3A_131 = arith.constant 1 : i32
    %dma_start3A_132 = arith.constant 0 : i32
    %dma_start3A_133 = tpu.memref_slice %arg19[%add3A_130, %dma_start3A_132] : memref<5376x128xf32, #tpu.memory_space<vmem_shared>> -> memref<7x128xf32, #tpu.memory_space<vmem_shared>>
    %dma_start3A_134 = arith.constant 0 : i32
    %dma_start3A_135 = arith.constant 0 : i32
    %dma_start3A_136 = tpu.memref_slice %arg2[%dma_start3A_131, %add3A_128, %dma_start3A_134, %dma_start3A_135] : memref<6x512x7x128xf32, #tpu.memory_space<hbm>> -> memref<1x1x7x128xf32, #tpu.memory_space<hbm>>
    %dma_start3A_137 = tpu.memref_squeeze %dma_start3A_136 : memref<1x1x7x128xf32, #tpu.memory_space<hbm>> -> memref<7x128xf32, #tpu.memory_space<hbm>>
    tpu.enqueue_dma source(%dma_start3A_137 : memref<7x128xf32, #tpu.memory_space<hbm>>) target(%dma_start3A_133 : memref<7x128xf32, #tpu.memory_space<vmem_shared>>) target_semaphore(%arg18 : memref<!tpu.dma_semaphore, #tpu.memory_space<semaphore_mem>>)
    %add3A_138 = arith.constant 4 : i32
    %add3A_139 = arith.addi %add3A_6, %add3A_138 : i32
    %add3A_140 = arith.constant 84 : i32
    %add3A_141 = arith.addi %mul3A_4, %add3A_140 : i32
    %dma_start3A_142 = arith.constant 1 : i32
    %dma_start3A_143 = arith.constant 0 : i32
    %dma_start3A_144 = tpu.memref_slice %arg19[%add3A_141, %dma_start3A_143] : memref<5376x128xf32, #tpu.memory_space<vmem_shared>> -> memref<7x128xf32, #tpu.memory_space<vmem_shared>>
    %dma_start3A_145 = arith.constant 0 : i32
    %dma_start3A_146 = arith.constant 0 : i32
    %dma_start3A_147 = tpu.memref_slice %arg2[%dma_start3A_142, %add3A_139, %dma_start3A_145, %dma_start3A_146] : memref<6x512x7x128xf32, #tpu.memory_space<hbm>> -> memref<1x1x7x128xf32, #tpu.memory_space<hbm>>
    %dma_start3A_148 = tpu.memref_squeeze %dma_start3A_147 : memref<1x1x7x128xf32, #tpu.memory_space<hbm>> -> memref<7x128xf32, #tpu.memory_space<hbm>>
    tpu.enqueue_dma source(%dma_start3A_148 : memref<7x128xf32, #tpu.memory_space<hbm>>) target(%dma_start3A_144 : memref<7x128xf32, #tpu.memory_space<vmem_shared>>) target_semaphore(%arg18 : memref<!tpu.dma_semaphore, #tpu.memory_space<semaphore_mem>>)
    %add3A_149 = arith.constant 5 : i32
    %add3A_150 = arith.addi %add3A_6, %add3A_149 : i32
    %add3A_151 = arith.constant 91 : i32
    %add3A_152 = arith.addi %mul3A_4, %add3A_151 : i32
    %dma_start3A_153 = arith.constant 1 : i32
    %dma_start3A_154 = arith.constant 0 : i32
    %dma_start3A_155 = tpu.memref_slice %arg19[%add3A_152, %dma_start3A_154] : memref<5376x128xf32, #tpu.memory_space<vmem_shared>> -> memref<7x128xf32, #tpu.memory_space<vmem_shared>>
    %dma_start3A_156 = arith.constant 0 : i32
    %dma_start3A_157 = arith.constant 0 : i32
    %dma_start3A_158 = tpu.memref_slice %arg2[%dma_start3A_153, %add3A_150, %dma_start3A_156, %dma_start3A_157] : memref<6x512x7x128xf32, #tpu.memory_space<hbm>> -> memref<1x1x7x128xf32, #tpu.memory_space<hbm>>
    %dma_start3A_159 = tpu.memref_squeeze %dma_start3A_158 : memref<1x1x7x128xf32, #tpu.memory_space<hbm>> -> memref<7x128xf32, #tpu.memory_space<hbm>>
    tpu.enqueue_dma source(%dma_start3A_159 : memref<7x128xf32, #tpu.memory_space<hbm>>) target(%dma_start3A_155 : memref<7x128xf32, #tpu.memory_space<vmem_shared>>) target_semaphore(%arg18 : memref<!tpu.dma_semaphore, #tpu.memory_space<semaphore_mem>>)
    %add3A_160 = arith.constant 6 : i32
    %add3A_161 = arith.addi %add3A_6, %add3A_160 : i32
    %add3A_162 = arith.constant 98 : i32
    %add3A_163 = arith.addi %mul3A_4, %add3A_162 : i32
    %dma_start3A_164 = arith.constant 1 : i32
    %dma_start3A_165 = arith.constant 0 : i32
    %dma_start3A_166 = tpu.memref_slice %arg19[%add3A_163, %dma_start3A_165] : memref<5376x128xf32, #tpu.memory_space<vmem_shared>> -> memref<7x128xf32, #tpu.memory_space<vmem_shared>>
    %dma_start3A_167 = arith.constant 0 : i32
    %dma_start3A_168 = arith.constant 0 : i32
    %dma_start3A_169 = tpu.memref_slice %arg2[%dma_start3A_164, %add3A_161, %dma_start3A_167, %dma_start3A_168] : memref<6x512x7x128xf32, #tpu.memory_space<hbm>> -> memref<1x1x7x128xf32, #tpu.memory_space<hbm>>
    %dma_start3A_170 = tpu.memref_squeeze %dma_start3A_169 : memref<1x1x7x128xf32, #tpu.memory_space<hbm>> -> memref<7x128xf32, #tpu.memory_space<hbm>>
    tpu.enqueue_dma source(%dma_start3A_170 : memref<7x128xf32, #tpu.memory_space<hbm>>) target(%dma_start3A_166 : memref<7x128xf32, #tpu.memory_space<vmem_shared>>) target_semaphore(%arg18 : memref<!tpu.dma_semaphore, #tpu.memory_space<semaphore_mem>>)
    %add3A_171 = arith.constant 7 : i32
    %add3A_172 = arith.addi %add3A_6, %add3A_171 : i32
    %add3A_173 = arith.constant 105 : i32
    %add3A_174 = arith.addi %mul3A_4, %add3A_173 : i32
    %dma_start3A_175 = arith.constant 1 : i32
    %dma_start3A_176 = arith.constant 0 : i32
    %dma_start3A_177 = tpu.memref_slice %arg19[%add3A_174, %dma_start3A_176] : memref<5376x128xf32, #tpu.memory_space<vmem_shared>> -> memref<7x128xf32, #tpu.memory_space<vmem_shared>>
    %dma_start3A_178 = arith.constant 0 : i32
    %dma_start3A_179 = arith.constant 0 : i32
    %dma_start3A_180 = tpu.memref_slice %arg2[%dma_start3A_175, %add3A_172, %dma_start3A_178, %dma_start3A_179] : memref<6x512x7x128xf32, #tpu.memory_space<hbm>> -> memref<1x1x7x128xf32, #tpu.memory_space<hbm>>
    %dma_start3A_181 = tpu.memref_squeeze %dma_start3A_180 : memref<1x1x7x128xf32, #tpu.memory_space<hbm>> -> memref<7x128xf32, #tpu.memory_space<hbm>>
    tpu.enqueue_dma source(%dma_start3A_181 : memref<7x128xf32, #tpu.memory_space<hbm>>) target(%dma_start3A_177 : memref<7x128xf32, #tpu.memory_space<vmem_shared>>) target_semaphore(%arg18 : memref<!tpu.dma_semaphore, #tpu.memory_space<semaphore_mem>>)
    %add3A_182 = arith.constant 0 : i32
    %add3A_183 = arith.addi %add3A_6, %add3A_182 : i32
    %add3A_184 = arith.constant 112 : i32
    %add3A_185 = arith.addi %mul3A_4, %add3A_184 : i32
    %dma_start3A_186 = arith.constant 2 : i32
    %dma_start3A_187 = arith.constant 0 : i32
    %dma_start3A_188 = tpu.memref_slice %arg19[%add3A_185, %dma_start3A_187] : memref<5376x128xf32, #tpu.memory_space<vmem_shared>> -> memref<7x128xf32, #tpu.memory_space<vmem_shared>>
    %dma_start3A_189 = arith.constant 0 : i32
    %dma_start3A_190 = arith.constant 0 : i32
    %dma_start3A_191 = tpu.memref_slice %arg2[%dma_start3A_186, %add3A_183, %dma_start3A_189, %dma_start3A_190] : memref<6x512x7x128xf32, #tpu.memory_space<hbm>> -> memref<1x1x7x128xf32, #tpu.memory_space<hbm>>
    %dma_start3A_192 = tpu.memref_squeeze %dma_start3A_191 : memref<1x1x7x128xf32, #tpu.memory_space<hbm>> -> memref<7x128xf32, #tpu.memory_space<hbm>>
    tpu.enqueue_dma source(%dma_start3A_192 : memref<7x128xf32, #tpu.memory_space<hbm>>) target(%dma_start3A_188 : memref<7x128xf32, #tpu.memory_space<vmem_shared>>) target_semaphore(%arg18 : memref<!tpu.dma_semaphore, #tpu.memory_space<semaphore_mem>>)
    %add3A_193 = arith.constant 1 : i32
    %add3A_194 = arith.addi %add3A_6, %add3A_193 : i32
    %add3A_195 = arith.constant 119 : i32
    %add3A_196 = arith.addi %mul3A_4, %add3A_195 : i32
    %dma_start3A_197 = arith.constant 2 : i32
    %dma_start3A_198 = arith.constant 0 : i32
    %dma_start3A_199 = tpu.memref_slice %arg19[%add3A_196, %dma_start3A_198] : memref<5376x128xf32, #tpu.memory_space<vmem_shared>> -> memref<7x128xf32, #tpu.memory_space<vmem_shared>>
    %dma_start3A_200 = arith.constant 0 : i32
    %dma_start3A_201 = arith.constant 0 : i32
    %dma_start3A_202 = tpu.memref_slice %arg2[%dma_start3A_197, %add3A_194, %dma_start3A_200, %dma_start3A_201] : memref<6x512x7x128xf32, #tpu.memory_space<hbm>> -> memref<1x1x7x128xf32, #tpu.memory_space<hbm>>
    %dma_start3A_203 = tpu.memref_squeeze %dma_start3A_202 : memref<1x1x7x128xf32, #tpu.memory_space<hbm>> -> memref<7x128xf32, #tpu.memory_space<hbm>>
    tpu.enqueue_dma source(%dma_start3A_203 : memref<7x128xf32, #tpu.memory_space<hbm>>) target(%dma_start3A_199 : memref<7x128xf32, #tpu.memory_space<vmem_shared>>) target_semaphore(%arg18 : memref<!tpu.dma_semaphore, #tpu.memory_space<semaphore_mem>>)
    %add3A_204 = arith.constant 2 : i32
    %add3A_205 = arith.addi %add3A_6, %add3A_204 : i32
    %add3A_206 = arith.constant 126 : i32
    %add3A_207 = arith.addi %mul3A_4, %add3A_206 : i32
    %dma_start3A_208 = arith.constant 2 : i32
    %dma_start3A_209 = arith.constant 0 : i32
    %dma_start3A_210 = tpu.memref_slice %arg19[%add3A_207, %dma_start3A_209] : memref<5376x128xf32, #tpu.memory_space<vmem_shared>> -> memref<7x128xf32, #tpu.memory_space<vmem_shared>>
    %dma_start3A_211 = arith.constant 0 : i32
    %dma_start3A_212 = arith.constant 0 : i32
    %dma_start3A_213 = tpu.memref_slice %arg2[%dma_start3A_208, %add3A_205, %dma_start3A_211, %dma_start3A_212] : memref<6x512x7x128xf32, #tpu.memory_space<hbm>> -> memref<1x1x7x128xf32, #tpu.memory_space<hbm>>
    %dma_start3A_214 = tpu.memref_squeeze %dma_start3A_213 : memref<1x1x7x128xf32, #tpu.memory_space<hbm>> -> memref<7x128xf32, #tpu.memory_space<hbm>>
    tpu.enqueue_dma source(%dma_start3A_214 : memref<7x128xf32, #tpu.memory_space<hbm>>) target(%dma_start3A_210 : memref<7x128xf32, #tpu.memory_space<vmem_shared>>) target_semaphore(%arg18 : memref<!tpu.dma_semaphore, #tpu.memory_space<semaphore_mem>>)
    %add3A_215 = arith.constant 3 : i32
    %add3A_216 = arith.addi %add3A_6, %add3A_215 : i32
    %add3A_217 = arith.constant 133 : i32
    %add3A_218 = arith.addi %mul3A_4, %add3A_217 : i32
    %dma_start3A_219 = arith.constant 2 : i32
    %dma_start3A_220 = arith.constant 0 : i32
    %dma_start3A_221 = tpu.memref_slice %arg19[%add3A_218, %dma_start3A_220] : memref<5376x128xf32, #tpu.memory_space<vmem_shared>> -> memref<7x128xf32, #tpu.memory_space<vmem_shared>>
    %dma_start3A_222 = arith.constant 0 : i32
    %dma_start3A_223 = arith.constant 0 : i32
    %dma_start3A_224 = tpu.memref_slice %arg2[%dma_start3A_219, %add3A_216, %dma_start3A_222, %dma_start3A_223] : memref<6x512x7x128xf32, #tpu.memory_space<hbm>> -> memref<1x1x7x128xf32, #tpu.memory_space<hbm>>
    %dma_start3A_225 = tpu.memref_squeeze %dma_start3A_224 : memref<1x1x7x128xf32, #tpu.memory_space<hbm>> -> memref<7x128xf32, #tpu.memory_space<hbm>>
    tpu.enqueue_dma source(%dma_start3A_225 : memref<7x128xf32, #tpu.memory_space<hbm>>) target(%dma_start3A_221 : memref<7x128xf32, #tpu.memory_space<vmem_shared>>) target_semaphore(%arg18 : memref<!tpu.dma_semaphore, #tpu.memory_space<semaphore_mem>>)
    %add3A_226 = arith.constant 4 : i32
    %add3A_227 = arith.addi %add3A_6, %add3A_226 : i32
    %add3A_228 = arith.constant 140 : i32
    %add3A_229 = arith.addi %mul3A_4, %add3A_228 : i32
    %dma_start3A_230 = arith.constant 2 : i32
    %dma_start3A_231 = arith.constant 0 : i32
    %dma_start3A_232 = tpu.memref_slice %arg19[%add3A_229, %dma_start3A_231] : memref<5376x128xf32, #tpu.memory_space<vmem_shared>> -> memref<7x128xf32, #tpu.memory_space<vmem_shared>>
    %dma_start3A_233 = arith.constant 0 : i32
    %dma_start3A_234 = arith.constant 0 : i32
    %dma_start3A_235 = tpu.memref_slice %arg2[%dma_start3A_230, %add3A_227, %dma_start3A_233, %dma_start3A_234] : memref<6x512x7x128xf32, #tpu.memory_space<hbm>> -> memref<1x1x7x128xf32, #tpu.memory_space<hbm>>
    %dma_start3A_236 = tpu.memref_squeeze %dma_start3A_235 : memref<1x1x7x128xf32, #tpu.memory_space<hbm>> -> memref<7x128xf32, #tpu.memory_space<hbm>>
    tpu.enqueue_dma source(%dma_start3A_236 : memref<7x128xf32, #tpu.memory_space<hbm>>) target(%dma_start3A_232 : memref<7x128xf32, #tpu.memory_space<vmem_shared>>) target_semaphore(%arg18 : memref<!tpu.dma_semaphore, #tpu.memory_space<semaphore_mem>>)
    %add3A_237 = arith.constant 5 : i32
    %add3A_238 = arith.addi %add3A_6, %add3A_237 : i32
    %add3A_239 = arith.constant 147 : i32
    %add3A_240 = arith.addi %mul3A_4, %add3A_239 : i32
    %dma_start3A_241 = arith.constant 2 : i32
    %dma_start3A_242 = arith.constant 0 : i32
    %dma_start3A_243 = tpu.memref_slice %arg19[%add3A_240, %dma_start3A_242] : memref<5376x128xf32, #tpu.memory_space<vmem_shared>> -> memref<7x128xf32, #tpu.memory_space<vmem_shared>>
    %dma_start3A_244 = arith.constant 0 : i32
    %dma_start3A_245 = arith.constant 0 : i32
    %dma_start3A_246 = tpu.memref_slice %arg2[%dma_start3A_241, %add3A_238, %dma_start3A_244, %dma_start3A_245] : memref<6x512x7x128xf32, #tpu.memory_space<hbm>> -> memref<1x1x7x128xf32, #tpu.memory_space<hbm>>
    %dma_start3A_247 = tpu.memref_squeeze %dma_start3A_246 : memref<1x1x7x128xf32, #tpu.memory_space<hbm>> -> memref<7x128xf32, #tpu.memory_space<hbm>>
    tpu.enqueue_dma source(%dma_start3A_247 : memref<7x128xf32, #tpu.memory_space<hbm>>) target(%dma_start3A_243 : memref<7x128xf32, #tpu.memory_space<vmem_shared>>) target_semaphore(%arg18 : memref<!tpu.dma_semaphore, #tpu.memory_space<semaphore_mem>>)
    %add3A_248 = arith.constant 6 : i32
    %add3A_249 = arith.addi %add3A_6, %add3A_248 : i32
    %add3A_250 = arith.constant 154 : i32
    %add3A_251 = arith.addi %mul3A_4, %add3A_250 : i32
    %dma_start3A_252 = arith.constant 2 : i32
    %dma_start3A_253 = arith.constant 0 : i32
    %dma_start3A_254 = tpu.memref_slice %arg19[%add3A_251, %dma_start3A_253] : memref<5376x128xf32, #tpu.memory_space<vmem_shared>> -> memref<7x128xf32, #tpu.memory_space<vmem_shared>>
    %dma_start3A_255 = arith.constant 0 : i32
    %dma_start3A_256 = arith.constant 0 : i32
    %dma_start3A_257 = tpu.memref_slice %arg2[%dma_start3A_252, %add3A_249, %dma_start3A_255, %dma_start3A_256] : memref<6x512x7x128xf32, #tpu.memory_space<hbm>> -> memref<1x1x7x128xf32, #tpu.memory_space<hbm>>
    %dma_start3A_258 = tpu.memref_squeeze %dma_start3A_257 : memref<1x1x7x128xf32, #tpu.memory_space<hbm>> -> memref<7x128xf32, #tpu.memory_space<hbm>>
    tpu.enqueue_dma source(%dma_start3A_258 : memref<7x128xf32, #tpu.memory_space<hbm>>) target(%dma_start3A_254 : memref<7x128xf32, #tpu.memory_space<vmem_shared>>) target_semaphore(%arg18 : memref<!tpu.dma_semaphore, #tpu.memory_space<semaphore_mem>>)
    %add3A_259 = arith.constant 7 : i32
    %add3A_260 = arith.addi %add3A_6, %add3A_259 : i32
    %add3A_261 = arith.constant 161 : i32
    %add3A_262 = arith.addi %mul3A_4, %add3A_261 : i32
    %dma_start3A_263 = arith.constant 2 : i32
    %dma_start3A_264 = arith.constant 0 : i32
    %dma_start3A_265 = tpu.memref_slice %arg19[%add3A_262, %dma_start3A_264] : memref<5376x128xf32, #tpu.memory_space<vmem_shared>> -> memref<7x128xf32, #tpu.memory_space<vmem_shared>>
    %dma_start3A_266 = arith.constant 0 : i32
    %dma_start3A_267 = arith.constant 0 : i32
    %dma_start3A_268 = tpu.memref_slice %arg2[%dma_start3A_263, %add3A_260, %dma_start3A_266, %dma_start3A_267] : memref<6x512x7x128xf32, #tpu.memory_space<hbm>> -> memref<1x1x7x128xf32, #tpu.memory_space<hbm>>
    %dma_start3A_269 = tpu.memref_squeeze %dma_start3A_268 : memref<1x1x7x128xf32, #tpu.memory_space<hbm>> -> memref<7x128xf32, #tpu.memory_space<hbm>>
    tpu.enqueue_dma source(%dma_start3A_269 : memref<7x128xf32, #tpu.memory_space<hbm>>) target(%dma_start3A_265 : memref<7x128xf32, #tpu.memory_space<vmem_shared>>) target_semaphore(%arg18 : memref<!tpu.dma_semaphore, #tpu.memory_space<semaphore_mem>>)
    %add3A_270 = arith.constant 0 : i32
    %add3A_271 = arith.addi %add3A_6, %add3A_270 : i32
    %add3A_272 = arith.constant 168 : i32
    %add3A_273 = arith.addi %mul3A_4, %add3A_272 : i32
    %dma_start3A_274 = arith.constant 3 : i32
    %dma_start3A_275 = arith.constant 0 : i32
    %dma_start3A_276 = tpu.memref_slice %arg19[%add3A_273, %dma_start3A_275] : memref<5376x128xf32, #tpu.memory_space<vmem_shared>> -> memref<7x128xf32, #tpu.memory_space<vmem_shared>>
    %dma_start3A_277 = arith.constant 0 : i32
    %dma_start3A_278 = arith.constant 0 : i32
    %dma_start3A_279 = tpu.memref_slice %arg2[%dma_start3A_274, %add3A_271, %dma_start3A_277, %dma_start3A_278] : memref<6x512x7x128xf32, #tpu.memory_space<hbm>> -> memref<1x1x7x128xf32, #tpu.memory_space<hbm>>
    %dma_start3A_280 = tpu.memref_squeeze %dma_start3A_279 : memref<1x1x7x128xf32, #tpu.memory_space<hbm>> -> memref<7x128xf32, #tpu.memory_space<hbm>>
    tpu.enqueue_dma source(%dma_start3A_280 : memref<7x128xf32, #tpu.memory_space<hbm>>) target(%dma_start3A_276 : memref<7x128xf32, #tpu.memory_space<vmem_shared>>) target_semaphore(%arg18 : memref<!tpu.dma_semaphore, #tpu.memory_space<semaphore_mem>>)
    %add3A_281 = arith.constant 1 : i32
    %add3A_282 = arith.addi %add3A_6, %add3A_281 : i32
    %add3A_283 = arith.constant 175 : i32
    %add3A_284 = arith.addi %mul3A_4, %add3A_283 : i32
    %dma_start3A_285 = arith.constant 3 : i32
    %dma_start3A_286 = arith.constant 0 : i32
    %dma_start3A_287 = tpu.memref_slice %arg19[%add3A_284, %dma_start3A_286] : memref<5376x128xf32, #tpu.memory_space<vmem_shared>> -> memref<7x128xf32, #tpu.memory_space<vmem_shared>>
    %dma_start3A_288 = arith.constant 0 : i32
    %dma_start3A_289 = arith.constant 0 : i32
    %dma_start3A_290 = tpu.memref_slice %arg2[%dma_start3A_285, %add3A_282, %dma_start3A_288, %dma_start3A_289] : memref<6x512x7x128xf32, #tpu.memory_space<hbm>> -> memref<1x1x7x128xf32, #tpu.memory_space<hbm>>
    %dma_start3A_291 = tpu.memref_squeeze %dma_start3A_290 : memref<1x1x7x128xf32, #tpu.memory_space<hbm>> -> memref<7x128xf32, #tpu.memory_space<hbm>>
    tpu.enqueue_dma source(%dma_start3A_291 : memref<7x128xf32, #tpu.memory_space<hbm>>) target(%dma_start3A_287 : memref<7x128xf32, #tpu.memory_space<vmem_shared>>) target_semaphore(%arg18 : memref<!tpu.dma_semaphore, #tpu.memory_space<semaphore_mem>>)
    %add3A_292 = arith.constant 2 : i32
    %add3A_293 = arith.addi %add3A_6, %add3A_292 : i32
    %add3A_294 = arith.constant 182 : i32
    %add3A_295 = arith.addi %mul3A_4, %add3A_294 : i32
    %dma_start3A_296 = arith.constant 3 : i32
    %dma_start3A_297 = arith.constant 0 : i32
    %dma_start3A_298 = tpu.memref_slice %arg19[%add3A_295, %dma_start3A_297] : memref<5376x128xf32, #tpu.memory_space<vmem_shared>> -> memref<7x128xf32, #tpu.memory_space<vmem_shared>>
    %dma_start3A_299 = arith.constant 0 : i32
    %dma_start3A_300 = arith.constant 0 : i32
    %dma_start3A_301 = tpu.memref_slice %arg2[%dma_start3A_296, %add3A_293, %dma_start3A_299, %dma_start3A_300] : memref<6x512x7x128xf32, #tpu.memory_space<hbm>> -> memref<1x1x7x128xf32, #tpu.memory_space<hbm>>
    %dma_start3A_302 = tpu.memref_squeeze %dma_start3A_301 : memref<1x1x7x128xf32, #tpu.memory_space<hbm>> -> memref<7x128xf32, #tpu.memory_space<hbm>>
    tpu.enqueue_dma source(%dma_start3A_302 : memref<7x128xf32, #tpu.memory_space<hbm>>) target(%dma_start3A_298 : memref<7x128xf32, #tpu.memory_space<vmem_shared>>) target_semaphore(%arg18 : memref<!tpu.dma_semaphore, #tpu.memory_space<semaphore_mem>>)
    %add3A_303 = arith.constant 3 : i32
    %add3A_304 = arith.addi %add3A_6, %add3A_303 : i32
    %add3A_305 = arith.constant 189 : i32
    %add3A_306 = arith.addi %mul3A_4, %add3A_305 : i32
    %dma_start3A_307 = arith.constant 3 : i32
    %dma_start3A_308 = arith.constant 0 : i32
    %dma_start3A_309 = tpu.memref_slice %arg19[%add3A_306, %dma_start3A_308] : memref<5376x128xf32, #tpu.memory_space<vmem_shared>> -> memref<7x128xf32, #tpu.memory_space<vmem_shared>>
    %dma_start3A_310 = arith.constant 0 : i32
    %dma_start3A_311 = arith.constant 0 : i32
    %dma_start3A_312 = tpu.memref_slice %arg2[%dma_start3A_307, %add3A_304, %dma_start3A_310, %dma_start3A_311] : memref<6x512x7x128xf32, #tpu.memory_space<hbm>> -> memref<1x1x7x128xf32, #tpu.memory_space<hbm>>
    %dma_start3A_313 = tpu.memref_squeeze %dma_start3A_312 : memref<1x1x7x128xf32, #tpu.memory_space<hbm>> -> memref<7x128xf32, #tpu.memory_space<hbm>>
    tpu.enqueue_dma source(%dma_start3A_313 : memref<7x128xf32, #tpu.memory_space<hbm>>) target(%dma_start3A_309 : memref<7x128xf32, #tpu.memory_space<vmem_shared>>) target_semaphore(%arg18 : memref<!tpu.dma_semaphore, #tpu.memory_space<semaphore_mem>>)
    %add3A_314 = arith.constant 4 : i32
    %add3A_315 = arith.addi %add3A_6, %add3A_314 : i32
    %add3A_316 = arith.constant 196 : i32
    %add3A_317 = arith.addi %mul3A_4, %add3A_316 : i32
    %dma_start3A_318 = arith.constant 3 : i32
    %dma_start3A_319 = arith.constant 0 : i32
    %dma_start3A_320 = tpu.memref_slice %arg19[%add3A_317, %dma_start3A_319] : memref<5376x128xf32, #tpu.memory_space<vmem_shared>> -> memref<7x128xf32, #tpu.memory_space<vmem_shared>>
    %dma_start3A_321 = arith.constant 0 : i32
    %dma_start3A_322 = arith.constant 0 : i32
    %dma_start3A_323 = tpu.memref_slice %arg2[%dma_start3A_318, %add3A_315, %dma_start3A_321, %dma_start3A_322] : memref<6x512x7x128xf32, #tpu.memory_space<hbm>> -> memref<1x1x7x128xf32, #tpu.memory_space<hbm>>
    %dma_start3A_324 = tpu.memref_squeeze %dma_start3A_323 : memref<1x1x7x128xf32, #tpu.memory_space<hbm>> -> memref<7x128xf32, #tpu.memory_space<hbm>>
    tpu.enqueue_dma source(%dma_start3A_324 : memref<7x128xf32, #tpu.memory_space<hbm>>) target(%dma_start3A_320 : memref<7x128xf32, #tpu.memory_space<vmem_shared>>) target_semaphore(%arg18 : memref<!tpu.dma_semaphore, #tpu.memory_space<semaphore_mem>>)
    %add3A_325 = arith.constant 5 : i32
    %add3A_326 = arith.addi %add3A_6, %add3A_325 : i32
    %add3A_327 = arith.constant 203 : i32
    %add3A_328 = arith.addi %mul3A_4, %add3A_327 : i32
    %dma_start3A_329 = arith.constant 3 : i32
    %dma_start3A_330 = arith.constant 0 : i32
    %dma_start3A_331 = tpu.memref_slice %arg19[%add3A_328, %dma_start3A_330] : memref<5376x128xf32, #tpu.memory_space<vmem_shared>> -> memref<7x128xf32, #tpu.memory_space<vmem_shared>>
    %dma_start3A_332 = arith.constant 0 : i32
    %dma_start3A_333 = arith.constant 0 : i32
    %dma_start3A_334 = tpu.memref_slice %arg2[%dma_start3A_329, %add3A_326, %dma_start3A_332, %dma_start3A_333] : memref<6x512x7x128xf32, #tpu.memory_space<hbm>> -> memref<1x1x7x128xf32, #tpu.memory_space<hbm>>
    %dma_start3A_335 = tpu.memref_squeeze %dma_start3A_334 : memref<1x1x7x128xf32, #tpu.memory_space<hbm>> -> memref<7x128xf32, #tpu.memory_space<hbm>>
    tpu.enqueue_dma source(%dma_start3A_335 : memref<7x128xf32, #tpu.memory_space<hbm>>) target(%dma_start3A_331 : memref<7x128xf32, #tpu.memory_space<vmem_shared>>) target_semaphore(%arg18 : memref<!tpu.dma_semaphore, #tpu.memory_space<semaphore_mem>>)
    %add3A_336 = arith.constant 6 : i32
    %add3A_337 = arith.addi %add3A_6, %add3A_336 : i32
    %add3A_338 = arith.constant 210 : i32
    %add3A_339 = arith.addi %mul3A_4, %add3A_338 : i32
    %dma_start3A_340 = arith.constant 3 : i32
    %dma_start3A_341 = arith.constant 0 : i32
    %dma_start3A_342 = tpu.memref_slice %arg19[%add3A_339, %dma_start3A_341] : memref<5376x128xf32, #tpu.memory_space<vmem_shared>> -> memref<7x128xf32, #tpu.memory_space<vmem_shared>>
    %dma_start3A_343 = arith.constant 0 : i32
    %dma_start3A_344 = arith.constant 0 : i32
    %dma_start3A_345 = tpu.memref_slice %arg2[%dma_start3A_340, %add3A_337, %dma_start3A_343, %dma_start3A_344] : memref<6x512x7x128xf32, #tpu.memory_space<hbm>> -> memref<1x1x7x128xf32, #tpu.memory_space<hbm>>
    %dma_start3A_346 = tpu.memref_squeeze %dma_start3A_345 : memref<1x1x7x128xf32, #tpu.memory_space<hbm>> -> memref<7x128xf32, #tpu.memory_space<hbm>>
    tpu.enqueue_dma source(%dma_start3A_346 : memref<7x128xf32, #tpu.memory_space<hbm>>) target(%dma_start3A_342 : memref<7x128xf32, #tpu.memory_space<vmem_shared>>) target_semaphore(%arg18 : memref<!tpu.dma_semaphore, #tpu.memory_space<semaphore_mem>>)
    %add3A_347 = arith.constant 7 : i32
    %add3A_348 = arith.addi %add3A_6, %add3A_347 : i32
    %add3A_349 = arith.constant 217 : i32
    %add3A_350 = arith.addi %mul3A_4, %add3A_349 : i32
    %dma_start3A_351 = arith.constant 3 : i32
    %dma_start3A_352 = arith.constant 0 : i32
    %dma_start3A_353 = tpu.memref_slice %arg19[%add3A_350, %dma_start3A_352] : memref<5376x128xf32, #tpu.memory_space<vmem_shared>> -> memref<7x128xf32, #tpu.memory_space<vmem_shared>>
    %dma_start3A_354 = arith.constant 0 : i32
    %dma_start3A_355 = arith.constant 0 : i32
    %dma_start3A_356 = tpu.memref_slice %arg2[%dma_start3A_351, %add3A_348, %dma_start3A_354, %dma_start3A_355] : memref<6x512x7x128xf32, #tpu.memory_space<hbm>> -> memref<1x1x7x128xf32, #tpu.memory_space<hbm>>
    %dma_start3A_357 = tpu.memref_squeeze %dma_start3A_356 : memref<1x1x7x128xf32, #tpu.memory_space<hbm>> -> memref<7x128xf32, #tpu.memory_space<hbm>>
    tpu.enqueue_dma source(%dma_start3A_357 : memref<7x128xf32, #tpu.memory_space<hbm>>) target(%dma_start3A_353 : memref<7x128xf32, #tpu.memory_space<vmem_shared>>) target_semaphore(%arg18 : memref<!tpu.dma_semaphore, #tpu.memory_space<semaphore_mem>>)
    %add3A_358 = arith.constant 0 : i32
    %add3A_359 = arith.addi %add3A_6, %add3A_358 : i32
    %add3A_360 = arith.constant 224 : i32
    %add3A_361 = arith.addi %mul3A_4, %add3A_360 : i32
    %dma_start3A_362 = arith.constant 4 : i32
    %dma_start3A_363 = arith.constant 0 : i32
    %dma_start3A_364 = tpu.memref_slice %arg19[%add3A_361, %dma_start3A_363] : memref<5376x128xf32, #tpu.memory_space<vmem_shared>> -> memref<7x128xf32, #tpu.memory_space<vmem_shared>>
    %dma_start3A_365 = arith.constant 0 : i32
    %dma_start3A_366 = arith.constant 0 : i32
    %dma_start3A_367 = tpu.memref_slice %arg2[%dma_start3A_362, %add3A_359, %dma_start3A_365, %dma_start3A_366] : memref<6x512x7x128xf32, #tpu.memory_space<hbm>> -> memref<1x1x7x128xf32, #tpu.memory_space<hbm>>
    %dma_start3A_368 = tpu.memref_squeeze %dma_start3A_367 : memref<1x1x7x128xf32, #tpu.memory_space<hbm>> -> memref<7x128xf32, #tpu.memory_space<hbm>>
    tpu.enqueue_dma source(%dma_start3A_368 : memref<7x128xf32, #tpu.memory_space<hbm>>) target(%dma_start3A_364 : memref<7x128xf32, #tpu.memory_space<vmem_shared>>) target_semaphore(%arg18 : memref<!tpu.dma_semaphore, #tpu.memory_space<semaphore_mem>>)
    %add3A_369 = arith.constant 1 : i32
    %add3A_370 = arith.addi %add3A_6, %add3A_369 : i32
    %add3A_371 = arith.constant 231 : i32
    %add3A_372 = arith.addi %mul3A_4, %add3A_371 : i32
    %dma_start3A_373 = arith.constant 4 : i32
    %dma_start3A_374 = arith.constant 0 : i32
    %dma_start3A_375 = tpu.memref_slice %arg19[%add3A_372, %dma_start3A_374] : memref<5376x128xf32, #tpu.memory_space<vmem_shared>> -> memref<7x128xf32, #tpu.memory_space<vmem_shared>>
    %dma_start3A_376 = arith.constant 0 : i32
    %dma_start3A_377 = arith.constant 0 : i32
    %dma_start3A_378 = tpu.memref_slice %arg2[%dma_start3A_373, %add3A_370, %dma_start3A_376, %dma_start3A_377] : memref<6x512x7x128xf32, #tpu.memory_space<hbm>> -> memref<1x1x7x128xf32, #tpu.memory_space<hbm>>
    %dma_start3A_379 = tpu.memref_squeeze %dma_start3A_378 : memref<1x1x7x128xf32, #tpu.memory_space<hbm>> -> memref<7x128xf32, #tpu.memory_space<hbm>>
    tpu.enqueue_dma source(%dma_start3A_379 : memref<7x128xf32, #tpu.memory_space<hbm>>) target(%dma_start3A_375 : memref<7x128xf32, #tpu.memory_space<vmem_shared>>) target_semaphore(%arg18 : memref<!tpu.dma_semaphore, #tpu.memory_space<semaphore_mem>>)
    %add3A_380 = arith.constant 2 : i32
    %add3A_381 = arith.addi %add3A_6, %add3A_380 : i32
    %add3A_382 = arith.constant 238 : i32
    %add3A_383 = arith.addi %mul3A_4, %add3A_382 : i32
    %dma_start3A_384 = arith.constant 4 : i32
    %dma_start3A_385 = arith.constant 0 : i32
    %dma_start3A_386 = tpu.memref_slice %arg19[%add3A_383, %dma_start3A_385] : memref<5376x128xf32, #tpu.memory_space<vmem_shared>> -> memref<7x128xf32, #tpu.memory_space<vmem_shared>>
    %dma_start3A_387 = arith.constant 0 : i32
    %dma_start3A_388 = arith.constant 0 : i32
    %dma_start3A_389 = tpu.memref_slice %arg2[%dma_start3A_384, %add3A_381, %dma_start3A_387, %dma_start3A_388] : memref<6x512x7x128xf32, #tpu.memory_space<hbm>> -> memref<1x1x7x128xf32, #tpu.memory_space<hbm>>
    %dma_start3A_390 = tpu.memref_squeeze %dma_start3A_389 : memref<1x1x7x128xf32, #tpu.memory_space<hbm>> -> memref<7x128xf32, #tpu.memory_space<hbm>>
    tpu.enqueue_dma source(%dma_start3A_390 : memref<7x128xf32, #tpu.memory_space<hbm>>) target(%dma_start3A_386 : memref<7x128xf32, #tpu.memory_space<vmem_shared>>) target_semaphore(%arg18 : memref<!tpu.dma_semaphore, #tpu.memory_space<semaphore_mem>>)
    %add3A_391 = arith.constant 3 : i32
    %add3A_392 = arith.addi %add3A_6, %add3A_391 : i32
    %add3A_393 = arith.constant 245 : i32
    %add3A_394 = arith.addi %mul3A_4, %add3A_393 : i32
    %dma_start3A_395 = arith.constant 4 : i32
    %dma_start3A_396 = arith.constant 0 : i32
    %dma_start3A_397 = tpu.memref_slice %arg19[%add3A_394, %dma_start3A_396] : memref<5376x128xf32, #tpu.memory_space<vmem_shared>> -> memref<7x128xf32, #tpu.memory_space<vmem_shared>>
    %dma_start3A_398 = arith.constant 0 : i32
    %dma_start3A_399 = arith.constant 0 : i32
    %dma_start3A_400 = tpu.memref_slice %arg2[%dma_start3A_395, %add3A_392, %dma_start3A_398, %dma_start3A_399] : memref<6x512x7x128xf32, #tpu.memory_space<hbm>> -> memref<1x1x7x128xf32, #tpu.memory_space<hbm>>
    %dma_start3A_401 = tpu.memref_squeeze %dma_start3A_400 : memref<1x1x7x128xf32, #tpu.memory_space<hbm>> -> memref<7x128xf32, #tpu.memory_space<hbm>>
    tpu.enqueue_dma source(%dma_start3A_401 : memref<7x128xf32, #tpu.memory_space<hbm>>) target(%dma_start3A_397 : memref<7x128xf32, #tpu.memory_space<vmem_shared>>) target_semaphore(%arg18 : memref<!tpu.dma_semaphore, #tpu.memory_space<semaphore_mem>>)
    %add3A_402 = arith.constant 4 : i32
    %add3A_403 = arith.addi %add3A_6, %add3A_402 : i32
    %add3A_404 = arith.constant 252 : i32
    %add3A_405 = arith.addi %mul3A_4, %add3A_404 : i32
    %dma_start3A_406 = arith.constant 4 : i32
    %dma_start3A_407 = arith.constant 0 : i32
    %dma_start3A_408 = tpu.memref_slice %arg19[%add3A_405, %dma_start3A_407] : memref<5376x128xf32, #tpu.memory_space<vmem_shared>> -> memref<7x128xf32, #tpu.memory_space<vmem_shared>>
    %dma_start3A_409 = arith.constant 0 : i32
    %dma_start3A_410 = arith.constant 0 : i32
    %dma_start3A_411 = tpu.memref_slice %arg2[%dma_start3A_406, %add3A_403, %dma_start3A_409, %dma_start3A_410] : memref<6x512x7x128xf32, #tpu.memory_space<hbm>> -> memref<1x1x7x128xf32, #tpu.memory_space<hbm>>
    %dma_start3A_412 = tpu.memref_squeeze %dma_start3A_411 : memref<1x1x7x128xf32, #tpu.memory_space<hbm>> -> memref<7x128xf32, #tpu.memory_space<hbm>>
    tpu.enqueue_dma source(%dma_start3A_412 : memref<7x128xf32, #tpu.memory_space<hbm>>) target(%dma_start3A_408 : memref<7x128xf32, #tpu.memory_space<vmem_shared>>) target_semaphore(%arg18 : memref<!tpu.dma_semaphore, #tpu.memory_space<semaphore_mem>>)
    %add3A_413 = arith.constant 5 : i32
    %add3A_414 = arith.addi %add3A_6, %add3A_413 : i32
    %add3A_415 = arith.constant 259 : i32
    %add3A_416 = arith.addi %mul3A_4, %add3A_415 : i32
    %dma_start3A_417 = arith.constant 4 : i32
    %dma_start3A_418 = arith.constant 0 : i32
    %dma_start3A_419 = tpu.memref_slice %arg19[%add3A_416, %dma_start3A_418] : memref<5376x128xf32, #tpu.memory_space<vmem_shared>> -> memref<7x128xf32, #tpu.memory_space<vmem_shared>>
    %dma_start3A_420 = arith.constant 0 : i32
    %dma_start3A_421 = arith.constant 0 : i32
    %dma_start3A_422 = tpu.memref_slice %arg2[%dma_start3A_417, %add3A_414, %dma_start3A_420, %dma_start3A_421] : memref<6x512x7x128xf32, #tpu.memory_space<hbm>> -> memref<1x1x7x128xf32, #tpu.memory_space<hbm>>
    %dma_start3A_423 = tpu.memref_squeeze %dma_start3A_422 : memref<1x1x7x128xf32, #tpu.memory_space<hbm>> -> memref<7x128xf32, #tpu.memory_space<hbm>>
    tpu.enqueue_dma source(%dma_start3A_423 : memref<7x128xf32, #tpu.memory_space<hbm>>) target(%dma_start3A_419 : memref<7x128xf32, #tpu.memory_space<vmem_shared>>) target_semaphore(%arg18 : memref<!tpu.dma_semaphore, #tpu.memory_space<semaphore_mem>>)
    %add3A_424 = arith.constant 6 : i32
    %add3A_425 = arith.addi %add3A_6, %add3A_424 : i32
    %add3A_426 = arith.constant 266 : i32
    %add3A_427 = arith.addi %mul3A_4, %add3A_426 : i32
    %dma_start3A_428 = arith.constant 4 : i32
    %dma_start3A_429 = arith.constant 0 : i32
    %dma_start3A_430 = tpu.memref_slice %arg19[%add3A_427, %dma_start3A_429] : memref<5376x128xf32, #tpu.memory_space<vmem_shared>> -> memref<7x128xf32, #tpu.memory_space<vmem_shared>>
    %dma_start3A_431 = arith.constant 0 : i32
    %dma_start3A_432 = arith.constant 0 : i32
    %dma_start3A_433 = tpu.memref_slice %arg2[%dma_start3A_428, %add3A_425, %dma_start3A_431, %dma_start3A_432] : memref<6x512x7x128xf32, #tpu.memory_space<hbm>> -> memref<1x1x7x128xf32, #tpu.memory_space<hbm>>
    %dma_start3A_434 = tpu.memref_squeeze %dma_start3A_433 : memref<1x1x7x128xf32, #tpu.memory_space<hbm>> -> memref<7x128xf32, #tpu.memory_space<hbm>>
    tpu.enqueue_dma source(%dma_start3A_434 : memref<7x128xf32, #tpu.memory_space<hbm>>) target(%dma_start3A_430 : memref<7x128xf32, #tpu.memory_space<vmem_shared>>) target_semaphore(%arg18 : memref<!tpu.dma_semaphore, #tpu.memory_space<semaphore_mem>>)
    %add3A_435 = arith.constant 7 : i32
    %add3A_436 = arith.addi %add3A_6, %add3A_435 : i32
    %add3A_437 = arith.constant 273 : i32
    %add3A_438 = arith.addi %mul3A_4, %add3A_437 : i32
    %dma_start3A_439 = arith.constant 4 : i32
    %dma_start3A_440 = arith.constant 0 : i32
    %dma_start3A_441 = tpu.memref_slice %arg19[%add3A_438, %dma_start3A_440] : memref<5376x128xf32, #tpu.memory_space<vmem_shared>> -> memref<7x128xf32, #tpu.memory_space<vmem_shared>>
    %dma_start3A_442 = arith.constant 0 : i32
    %dma_start3A_443 = arith.constant 0 : i32
    %dma_start3A_444 = tpu.memref_slice %arg2[%dma_start3A_439, %add3A_436, %dma_start3A_442, %dma_start3A_443] : memref<6x512x7x128xf32, #tpu.memory_space<hbm>> -> memref<1x1x7x128xf32, #tpu.memory_space<hbm>>
    %dma_start3A_445 = tpu.memref_squeeze %dma_start3A_444 : memref<1x1x7x128xf32, #tpu.memory_space<hbm>> -> memref<7x128xf32, #tpu.memory_space<hbm>>
    tpu.enqueue_dma source(%dma_start3A_445 : memref<7x128xf32, #tpu.memory_space<hbm>>) target(%dma_start3A_441 : memref<7x128xf32, #tpu.memory_space<vmem_shared>>) target_semaphore(%arg18 : memref<!tpu.dma_semaphore, #tpu.memory_space<semaphore_mem>>)
    %add3A_446 = arith.constant 0 : i32
    %add3A_447 = arith.addi %add3A_6, %add3A_446 : i32
    %add3A_448 = arith.constant 280 : i32
    %add3A_449 = arith.addi %mul3A_4, %add3A_448 : i32
    %dma_start3A_450 = arith.constant 5 : i32
    %dma_start3A_451 = arith.constant 0 : i32
    %dma_start3A_452 = tpu.memref_slice %arg19[%add3A_449, %dma_start3A_451] : memref<5376x128xf32, #tpu.memory_space<vmem_shared>> -> memref<7x128xf32, #tpu.memory_space<vmem_shared>>
    %dma_start3A_453 = arith.constant 0 : i32
    %dma_start3A_454 = arith.constant 0 : i32
    %dma_start3A_455 = tpu.memref_slice %arg2[%dma_start3A_450, %add3A_447, %dma_start3A_453, %dma_start3A_454] : memref<6x512x7x128xf32, #tpu.memory_space<hbm>> -> memref<1x1x7x128xf32, #tpu.memory_space<hbm>>
    %dma_start3A_456 = tpu.memref_squeeze %dma_start3A_455 : memref<1x1x7x128xf32, #tpu.memory_space<hbm>> -> memref<7x128xf32, #tpu.memory_space<hbm>>
    tpu.enqueue_dma source(%dma_start3A_456 : memref<7x128xf32, #tpu.memory_space<hbm>>) target(%dma_start3A_452 : memref<7x128xf32, #tpu.memory_space<vmem_shared>>) target_semaphore(%arg18 : memref<!tpu.dma_semaphore, #tpu.memory_space<semaphore_mem>>)
    %add3A_457 = arith.constant 1 : i32
    %add3A_458 = arith.addi %add3A_6, %add3A_457 : i32
    %add3A_459 = arith.constant 287 : i32
    %add3A_460 = arith.addi %mul3A_4, %add3A_459 : i32
    %dma_start3A_461 = arith.constant 5 : i32
    %dma_start3A_462 = arith.constant 0 : i32
    %dma_start3A_463 = tpu.memref_slice %arg19[%add3A_460, %dma_start3A_462] : memref<5376x128xf32, #tpu.memory_space<vmem_shared>> -> memref<7x128xf32, #tpu.memory_space<vmem_shared>>
    %dma_start3A_464 = arith.constant 0 : i32
    %dma_start3A_465 = arith.constant 0 : i32
    %dma_start3A_466 = tpu.memref_slice %arg2[%dma_start3A_461, %add3A_458, %dma_start3A_464, %dma_start3A_465] : memref<6x512x7x128xf32, #tpu.memory_space<hbm>> -> memref<1x1x7x128xf32, #tpu.memory_space<hbm>>
    %dma_start3A_467 = tpu.memref_squeeze %dma_start3A_466 : memref<1x1x7x128xf32, #tpu.memory_space<hbm>> -> memref<7x128xf32, #tpu.memory_space<hbm>>
    tpu.enqueue_dma source(%dma_start3A_467 : memref<7x128xf32, #tpu.memory_space<hbm>>) target(%dma_start3A_463 : memref<7x128xf32, #tpu.memory_space<vmem_shared>>) target_semaphore(%arg18 : memref<!tpu.dma_semaphore, #tpu.memory_space<semaphore_mem>>)
    %add3A_468 = arith.constant 2 : i32
    %add3A_469 = arith.addi %add3A_6, %add3A_468 : i32
    %add3A_470 = arith.constant 294 : i32
    %add3A_471 = arith.addi %mul3A_4, %add3A_470 : i32
    %dma_start3A_472 = arith.constant 5 : i32
    %dma_start3A_473 = arith.constant 0 : i32
    %dma_start3A_474 = tpu.memref_slice %arg19[%add3A_471, %dma_start3A_473] : memref<5376x128xf32, #tpu.memory_space<vmem_shared>> -> memref<7x128xf32, #tpu.memory_space<vmem_shared>>
    %dma_start3A_475 = arith.constant 0 : i32
    %dma_start3A_476 = arith.constant 0 : i32
    %dma_start3A_477 = tpu.memref_slice %arg2[%dma_start3A_472, %add3A_469, %dma_start3A_475, %dma_start3A_476] : memref<6x512x7x128xf32, #tpu.memory_space<hbm>> -> memref<1x1x7x128xf32, #tpu.memory_space<hbm>>
    %dma_start3A_478 = tpu.memref_squeeze %dma_start3A_477 : memref<1x1x7x128xf32, #tpu.memory_space<hbm>> -> memref<7x128xf32, #tpu.memory_space<hbm>>
    tpu.enqueue_dma source(%dma_start3A_478 : memref<7x128xf32, #tpu.memory_space<hbm>>) target(%dma_start3A_474 : memref<7x128xf32, #tpu.memory_space<vmem_shared>>) target_semaphore(%arg18 : memref<!tpu.dma_semaphore, #tpu.memory_space<semaphore_mem>>)
    %add3A_479 = arith.constant 3 : i32
    %add3A_480 = arith.addi %add3A_6, %add3A_479 : i32
    %add3A_481 = arith.constant 301 : i32
    %add3A_482 = arith.addi %mul3A_4, %add3A_481 : i32
    %dma_start3A_483 = arith.constant 5 : i32
    %dma_start3A_484 = arith.constant 0 : i32
    %dma_start3A_485 = tpu.memref_slice %arg19[%add3A_482, %dma_start3A_484] : memref<5376x128xf32, #tpu.memory_space<vmem_shared>> -> memref<7x128xf32, #tpu.memory_space<vmem_shared>>
    %dma_start3A_486 = arith.constant 0 : i32
    %dma_start3A_487 = arith.constant 0 : i32
    %dma_start3A_488 = tpu.memref_slice %arg2[%dma_start3A_483, %add3A_480, %dma_start3A_486, %dma_start3A_487] : memref<6x512x7x128xf32, #tpu.memory_space<hbm>> -> memref<1x1x7x128xf32, #tpu.memory_space<hbm>>
    %dma_start3A_489 = tpu.memref_squeeze %dma_start3A_488 : memref<1x1x7x128xf32, #tpu.memory_space<hbm>> -> memref<7x128xf32, #tpu.memory_space<hbm>>
    tpu.enqueue_dma source(%dma_start3A_489 : memref<7x128xf32, #tpu.memory_space<hbm>>) target(%dma_start3A_485 : memref<7x128xf32, #tpu.memory_space<vmem_shared>>) target_semaphore(%arg18 : memref<!tpu.dma_semaphore, #tpu.memory_space<semaphore_mem>>)
    %add3A_490 = arith.constant 4 : i32
    %add3A_491 = arith.addi %add3A_6, %add3A_490 : i32
    %add3A_492 = arith.constant 308 : i32
    %add3A_493 = arith.addi %mul3A_4, %add3A_492 : i32
    %dma_start3A_494 = arith.constant 5 : i32
    %dma_start3A_495 = arith.constant 0 : i32
    %dma_start3A_496 = tpu.memref_slice %arg19[%add3A_493, %dma_start3A_495] : memref<5376x128xf32, #tpu.memory_space<vmem_shared>> -> memref<7x128xf32, #tpu.memory_space<vmem_shared>>
    %dma_start3A_497 = arith.constant 0 : i32
    %dma_start3A_498 = arith.constant 0 : i32
    %dma_start3A_499 = tpu.memref_slice %arg2[%dma_start3A_494, %add3A_491, %dma_start3A_497, %dma_start3A_498] : memref<6x512x7x128xf32, #tpu.memory_space<hbm>> -> memref<1x1x7x128xf32, #tpu.memory_space<hbm>>
    %dma_start3A_500 = tpu.memref_squeeze %dma_start3A_499 : memref<1x1x7x128xf32, #tpu.memory_space<hbm>> -> memref<7x128xf32, #tpu.memory_space<hbm>>
    tpu.enqueue_dma source(%dma_start3A_500 : memref<7x128xf32, #tpu.memory_space<hbm>>) target(%dma_start3A_496 : memref<7x128xf32, #tpu.memory_space<vmem_shared>>) target_semaphore(%arg18 : memref<!tpu.dma_semaphore, #tpu.memory_space<semaphore_mem>>)
    %add3A_501 = arith.constant 5 : i32
    %add3A_502 = arith.addi %add3A_6, %add3A_501 : i32
    %add3A_503 = arith.constant 315 : i32
    %add3A_504 = arith.addi %mul3A_4, %add3A_503 : i32
    %dma_start3A_505 = arith.constant 5 : i32
    %dma_start3A_506 = arith.constant 0 : i32
    %dma_start3A_507 = tpu.memref_slice %arg19[%add3A_504, %dma_start3A_506] : memref<5376x128xf32, #tpu.memory_space<vmem_shared>> -> memref<7x128xf32, #tpu.memory_space<vmem_shared>>
    %dma_start3A_508 = arith.constant 0 : i32
    %dma_start3A_509 = arith.constant 0 : i32
    %dma_start3A_510 = tpu.memref_slice %arg2[%dma_start3A_505, %add3A_502, %dma_start3A_508, %dma_start3A_509] : memref<6x512x7x128xf32, #tpu.memory_space<hbm>> -> memref<1x1x7x128xf32, #tpu.memory_space<hbm>>
    %dma_start3A_511 = tpu.memref_squeeze %dma_start3A_510 : memref<1x1x7x128xf32, #tpu.memory_space<hbm>> -> memref<7x128xf32, #tpu.memory_space<hbm>>
    tpu.enqueue_dma source(%dma_start3A_511 : memref<7x128xf32, #tpu.memory_space<hbm>>) target(%dma_start3A_507 : memref<7x128xf32, #tpu.memory_space<vmem_shared>>) target_semaphore(%arg18 : memref<!tpu.dma_semaphore, #tpu.memory_space<semaphore_mem>>)
    %add3A_512 = arith.constant 6 : i32
    %add3A_513 = arith.addi %add3A_6, %add3A_512 : i32
    %add3A_514 = arith.constant 322 : i32
    %add3A_515 = arith.addi %mul3A_4, %add3A_514 : i32
    %dma_start3A_516 = arith.constant 5 : i32
    %dma_start3A_517 = arith.constant 0 : i32
    %dma_start3A_518 = tpu.memref_slice %arg19[%add3A_515, %dma_start3A_517] : memref<5376x128xf32, #tpu.memory_space<vmem_shared>> -> memref<7x128xf32, #tpu.memory_space<vmem_shared>>
    %dma_start3A_519 = arith.constant 0 : i32
    %dma_start3A_520 = arith.constant 0 : i32
    %dma_start3A_521 = tpu.memref_slice %arg2[%dma_start3A_516, %add3A_513, %dma_start3A_519, %dma_start3A_520] : memref<6x512x7x128xf32, #tpu.memory_space<hbm>> -> memref<1x1x7x128xf32, #tpu.memory_space<hbm>>
    %dma_start3A_522 = tpu.memref_squeeze %dma_start3A_521 : memref<1x1x7x128xf32, #tpu.memory_space<hbm>> -> memref<7x128xf32, #tpu.memory_space<hbm>>
    tpu.enqueue_dma source(%dma_start3A_522 : memref<7x128xf32, #tpu.memory_space<hbm>>) target(%dma_start3A_518 : memref<7x128xf32, #tpu.memory_space<vmem_shared>>) target_semaphore(%arg18 : memref<!tpu.dma_semaphore, #tpu.memory_space<semaphore_mem>>)
    %add3A_523 = arith.constant 7 : i32
    %add3A_524 = arith.addi %add3A_6, %add3A_523 : i32
    %add3A_525 = arith.constant 329 : i32
    %add3A_526 = arith.addi %mul3A_4, %add3A_525 : i32
    %dma_start3A_527 = arith.constant 5 : i32
    %dma_start3A_528 = arith.constant 0 : i32
    %dma_start3A_529 = tpu.memref_slice %arg19[%add3A_526, %dma_start3A_528] : memref<5376x128xf32, #tpu.memory_space<vmem_shared>> -> memref<7x128xf32, #tpu.memory_space<vmem_shared>>
    %dma_start3A_530 = arith.constant 0 : i32
    %dma_start3A_531 = arith.constant 0 : i32
    %dma_start3A_532 = tpu.memref_slice %arg2[%dma_start3A_527, %add3A_524, %dma_start3A_530, %dma_start3A_531] : memref<6x512x7x128xf32, #tpu.memory_space<hbm>> -> memref<1x1x7x128xf32, #tpu.memory_space<hbm>>
    %dma_start3A_533 = tpu.memref_squeeze %dma_start3A_532 : memref<1x1x7x128xf32, #tpu.memory_space<hbm>> -> memref<7x128xf32, #tpu.memory_space<hbm>>
    tpu.enqueue_dma source(%dma_start3A_533 : memref<7x128xf32, #tpu.memory_space<hbm>>) target(%dma_start3A_529 : memref<7x128xf32, #tpu.memory_space<vmem_shared>>) target_semaphore(%arg18 : memref<!tpu.dma_semaphore, #tpu.memory_space<semaphore_mem>>)
    %dma_wait3A = arith.constant 0 : i32
    %dma_wait3A_534 = arith.constant 0 : i32
    %dma_wait3A_535 = arith.constant 0 : i32
    %dma_wait3A_536 = arith.constant 0 : i32
    %dma_wait3A_537 = tpu.memref_slice %arg19[%dma_wait3A_535, %dma_wait3A_536] : memref<5376x128xf32, #tpu.memory_space<vmem_shared>> -> memref<7x128xf32, #tpu.memory_space<vmem_shared>>
    %dma_wait3A_538 = arith.constant 0 : i32
    %dma_wait3A_539 = arith.constant 0 : i32
    %dma_wait3A_540 = tpu.memref_slice %arg2[%dma_wait3A, %dma_wait3A_534, %dma_wait3A_538, %dma_wait3A_539] : memref<6x512x7x128xf32, #tpu.memory_space<hbm>> -> memref<1x1x7x128xf32, #tpu.memory_space<hbm>>
    %dma_wait3A_541 = tpu.memref_squeeze %dma_wait3A_540 : memref<1x1x7x128xf32, #tpu.memory_space<hbm>> -> memref<7x128xf32, #tpu.memory_space<hbm>>
    tpu.wait_dma2 semaphore(%arg18 : memref<!tpu.dma_semaphore, #tpu.memory_space<semaphore_mem>>) src(%dma_wait3A_541 : memref<7x128xf32, #tpu.memory_space<hbm>>) dst(%dma_wait3A_537 : memref<7x128xf32, #tpu.memory_space<vmem_shared>>)
    %dma_wait3A_542 = arith.constant 0 : i32
    %dma_wait3A_543 = arith.constant 0 : i32
    %dma_wait3A_544 = arith.constant 0 : i32
    %dma_wait3A_545 = arith.constant 0 : i32
    %dma_wait3A_546 = tpu.memref_slice %arg19[%dma_wait3A_544, %dma_wait3A_545] : memref<5376x128xf32, #tpu.memory_space<vmem_shared>> -> memref<7x128xf32, #tpu.memory_space<vmem_shared>>
    %dma_wait3A_547 = arith.constant 0 : i32
    %dma_wait3A_548 = arith.constant 0 : i32
    %dma_wait3A_549 = tpu.memref_slice %arg2[%dma_wait3A_542, %dma_wait3A_543, %dma_wait3A_547, %dma_wait3A_548] : memref<6x512x7x128xf32, #tpu.memory_space<hbm>> -> memref<1x1x7x128xf32, #tpu.memory_space<hbm>>
    %dma_wait3A_550 = tpu.memref_squeeze %dma_wait3A_549 : memref<1x1x7x128xf32, #tpu.memory_space<hbm>> -> memref<7x128xf32, #tpu.memory_space<hbm>>
    tpu.wait_dma2 semaphore(%arg18 : memref<!tpu.dma_semaphore, #tpu.memory_space<semaphore_mem>>) src(%dma_wait3A_550 : memref<7x128xf32, #tpu.memory_space<hbm>>) dst(%dma_wait3A_546 : memref<7x128xf32, #tpu.memory_space<vmem_shared>>)
    %dma_wait3A_551 = arith.constant 0 : i32
    %dma_wait3A_552 = arith.constant 0 : i32
    %dma_wait3A_553 = arith.constant 0 : i32
    %dma_wait3A_554 = arith.constant 0 : i32
    %dma_wait3A_555 = tpu.memref_slice %arg19[%dma_wait3A_553, %dma_wait3A_554] : memref<5376x128xf32, #tpu.memory_space<vmem_shared>> -> memref<7x128xf32, #tpu.memory_space<vmem_shared>>
    %dma_wait3A_556 = arith.constant 0 : i32
    %dma_wait3A_557 = arith.constant 0 : i32
    %dma_wait3A_558 = tpu.memref_slice %arg2[%dma_wait3A_551, %dma_wait3A_552, %dma_wait3A_556, %dma_wait3A_557] : memref<6x512x7x128xf32, #tpu.memory_space<hbm>> -> memref<1x1x7x128xf32, #tpu.memory_space<hbm>>
    %dma_wait3A_559 = tpu.memref_squeeze %dma_wait3A_558 : memref<1x1x7x128xf32, #tpu.memory_space<hbm>> -> memref<7x128xf32, #tpu.memory_space<hbm>>
    tpu.wait_dma2 semaphore(%arg18 : memref<!tpu.dma_semaphore, #tpu.memory_space<semaphore_mem>>) src(%dma_wait3A_559 : memref<7x128xf32, #tpu.memory_space<hbm>>) dst(%dma_wait3A_555 : memref<7x128xf32, #tpu.memory_space<vmem_shared>>)
    %dma_wait3A_560 = arith.constant 0 : i32
    %dma_wait3A_561 = arith.constant 0 : i32
    %dma_wait3A_562 = arith.constant 0 : i32
    %dma_wait3A_563 = arith.constant 0 : i32
    %dma_wait3A_564 = tpu.memref_slice %arg19[%dma_wait3A_562, %dma_wait3A_563] : memref<5376x128xf32, #tpu.memory_space<vmem_shared>> -> memref<7x128xf32, #tpu.memory_space<vmem_shared>>
    %dma_wait3A_565 = arith.constant 0 : i32
    %dma_wait3A_566 = arith.constant 0 : i32
    %dma_wait3A_567 = tpu.memref_slice %arg2[%dma_wait3A_560, %dma_wait3A_561, %dma_wait3A_565, %dma_wait3A_566] : memref<6x512x7x128xf32, #tpu.memory_space<hbm>> -> memref<1x1x7x128xf32, #tpu.memory_space<hbm>>
    %dma_wait3A_568 = tpu.memref_squeeze %dma_wait3A_567 : memref<1x1x7x128xf32, #tpu.memory_space<hbm>> -> memref<7x128xf32, #tpu.memory_space<hbm>>
    tpu.wait_dma2 semaphore(%arg18 : memref<!tpu.dma_semaphore, #tpu.memory_space<semaphore_mem>>) src(%dma_wait3A_568 : memref<7x128xf32, #tpu.memory_space<hbm>>) dst(%dma_wait3A_564 : memref<7x128xf32, #tpu.memory_space<vmem_shared>>)
    %dma_wait3A_569 = arith.constant 0 : i32
    %dma_wait3A_570 = arith.constant 0 : i32
    %dma_wait3A_571 = arith.constant 0 : i32
    %dma_wait3A_572 = arith.constant 0 : i32
    %dma_wait3A_573 = tpu.memref_slice %arg19[%dma_wait3A_571, %dma_wait3A_572] : memref<5376x128xf32, #tpu.memory_space<vmem_shared>> -> memref<7x128xf32, #tpu.memory_space<vmem_shared>>
    %dma_wait3A_574 = arith.constant 0 : i32
    %dma_wait3A_575 = arith.constant 0 : i32
    %dma_wait3A_576 = tpu.memref_slice %arg2[%dma_wait3A_569, %dma_wait3A_570, %dma_wait3A_574, %dma_wait3A_575] : memref<6x512x7x128xf32, #tpu.memory_space<hbm>> -> memref<1x1x7x128xf32, #tpu.memory_space<hbm>>
    %dma_wait3A_577 = tpu.memref_squeeze %dma_wait3A_576 : memref<1x1x7x128xf32, #tpu.memory_space<hbm>> -> memref<7x128xf32, #tpu.memory_space<hbm>>
    tpu.wait_dma2 semaphore(%arg18 : memref<!tpu.dma_semaphore, #tpu.memory_space<semaphore_mem>>) src(%dma_wait3A_577 : memref<7x128xf32, #tpu.memory_space<hbm>>) dst(%dma_wait3A_573 : memref<7x128xf32, #tpu.memory_space<vmem_shared>>)
    %dma_wait3A_578 = arith.constant 0 : i32
    %dma_wait3A_579 = arith.constant 0 : i32
    %dma_wait3A_580 = arith.constant 0 : i32
    %dma_wait3A_581 = arith.constant 0 : i32
    %dma_wait3A_582 = tpu.memref_slice %arg19[%dma_wait3A_580, %dma_wait3A_581] : memref<5376x128xf32, #tpu.memory_space<vmem_shared>> -> memref<7x128xf32, #tpu.memory_space<vmem_shared>>
    %dma_wait3A_583 = arith.constant 0 : i32
    %dma_wait3A_584 = arith.constant 0 : i32
    %dma_wait3A_585 = tpu.memref_slice %arg2[%dma_wait3A_578, %dma_wait3A_579, %dma_wait3A_583, %dma_wait3A_584] : memref<6x512x7x128xf32, #tpu.memory_space<hbm>> -> memref<1x1x7x128xf32, #tpu.memory_space<hbm>>
    %dma_wait3A_586 = tpu.memref_squeeze %dma_wait3A_585 : memref<1x1x7x128xf32, #tpu.memory_space<hbm>> -> memref<7x128xf32, #tpu.memory_space<hbm>>
    tpu.wait_dma2 semaphore(%arg18 : memref<!tpu.dma_semaphore, #tpu.memory_space<semaphore_mem>>) src(%dma_wait3A_586 : memref<7x128xf32, #tpu.memory_space<hbm>>) dst(%dma_wait3A_582 : memref<7x128xf32, #tpu.memory_space<vmem_shared>>)
    %dma_wait3A_587 = arith.constant 0 : i32
    %dma_wait3A_588 = arith.constant 0 : i32
    %dma_wait3A_589 = arith.constant 0 : i32
    %dma_wait3A_590 = arith.constant 0 : i32
    %dma_wait3A_591 = tpu.memref_slice %arg19[%dma_wait3A_589, %dma_wait3A_590] : memref<5376x128xf32, #tpu.memory_space<vmem_shared>> -> memref<7x128xf32, #tpu.memory_space<vmem_shared>>
    %dma_wait3A_592 = arith.constant 0 : i32
    %dma_wait3A_593 = arith.constant 0 : i32
    %dma_wait3A_594 = tpu.memref_slice %arg2[%dma_wait3A_587, %dma_wait3A_588, %dma_wait3A_592, %dma_wait3A_593] : memref<6x512x7x128xf32, #tpu.memory_space<hbm>> -> memref<1x1x7x128xf32, #tpu.memory_space<hbm>>
    %dma_wait3A_595 = tpu.memref_squeeze %dma_wait3A_594 : memref<1x1x7x128xf32, #tpu.memory_space<hbm>> -> memref<7x128xf32, #tpu.memory_space<hbm>>
    tpu.wait_dma2 semaphore(%arg18 : memref<!tpu.dma_semaphore, #tpu.memory_space<semaphore_mem>>) src(%dma_wait3A_595 : memref<7x128xf32, #tpu.memory_space<hbm>>) dst(%dma_wait3A_591 : memref<7x128xf32, #tpu.memory_space<vmem_shared>>)
    %dma_wait3A_596 = arith.constant 0 : i32
    %dma_wait3A_597 = arith.constant 0 : i32
    %dma_wait3A_598 = arith.constant 0 : i32
    %dma_wait3A_599 = arith.constant 0 : i32
    %dma_wait3A_600 = tpu.memref_slice %arg19[%dma_wait3A_598, %dma_wait3A_599] : memref<5376x128xf32, #tpu.memory_space<vmem_shared>> -> memref<7x128xf32, #tpu.memory_space<vmem_shared>>
    %dma_wait3A_601 = arith.constant 0 : i32
    %dma_wait3A_602 = arith.constant 0 : i32
    %dma_wait3A_603 = tpu.memref_slice %arg2[%dma_wait3A_596, %dma_wait3A_597, %dma_wait3A_601, %dma_wait3A_602] : memref<6x512x7x128xf32, #tpu.memory_space<hbm>> -> memref<1x1x7x128xf32, #tpu.memory_space<hbm>>
    %dma_wait3A_604 = tpu.memref_squeeze %dma_wait3A_603 : memref<1x1x7x128xf32, #tpu.memory_space<hbm>> -> memref<7x128xf32, #tpu.memory_space<hbm>>
    tpu.wait_dma2 semaphore(%arg18 : memref<!tpu.dma_semaphore, #tpu.memory_space<semaphore_mem>>) src(%dma_wait3A_604 : memref<7x128xf32, #tpu.memory_space<hbm>>) dst(%dma_wait3A_600 : memref<7x128xf32, #tpu.memory_space<vmem_shared>>)
    %dma_wait3A_605 = arith.constant 0 : i32
    %dma_wait3A_606 = arith.constant 0 : i32
    %dma_wait3A_607 = arith.constant 0 : i32
    %dma_wait3A_608 = arith.constant 0 : i32
    %dma_wait3A_609 = tpu.memref_slice %arg19[%dma_wait3A_607, %dma_wait3A_608] : memref<5376x128xf32, #tpu.memory_space<vmem_shared>> -> memref<7x128xf32, #tpu.memory_space<vmem_shared>>
    %dma_wait3A_610 = arith.constant 0 : i32
    %dma_wait3A_611 = arith.constant 0 : i32
    %dma_wait3A_612 = tpu.memref_slice %arg2[%dma_wait3A_605, %dma_wait3A_606, %dma_wait3A_610, %dma_wait3A_611] : memref<6x512x7x128xf32, #tpu.memory_space<hbm>> -> memref<1x1x7x128xf32, #tpu.memory_space<hbm>>
    %dma_wait3A_613 = tpu.memref_squeeze %dma_wait3A_612 : memref<1x1x7x128xf32, #tpu.memory_space<hbm>> -> memref<7x128xf32, #tpu.memory_space<hbm>>
    tpu.wait_dma2 semaphore(%arg18 : memref<!tpu.dma_semaphore, #tpu.memory_space<semaphore_mem>>) src(%dma_wait3A_613 : memref<7x128xf32, #tpu.memory_space<hbm>>) dst(%dma_wait3A_609 : memref<7x128xf32, #tpu.memory_space<vmem_shared>>)
    %dma_wait3A_614 = arith.constant 0 : i32
    %dma_wait3A_615 = arith.constant 0 : i32
    %dma_wait3A_616 = arith.constant 0 : i32
    %dma_wait3A_617 = arith.constant 0 : i32
    %dma_wait3A_618 = tpu.memref_slice %arg19[%dma_wait3A_616, %dma_wait3A_617] : memref<5376x128xf32, #tpu.memory_space<vmem_shared>> -> memref<7x128xf32, #tpu.memory_space<vmem_shared>>
    %dma_wait3A_619 = arith.constant 0 : i32
    %dma_wait3A_620 = arith.constant 0 : i32
    %dma_wait3A_621 = tpu.memref_slice %arg2[%dma_wait3A_614, %dma_wait3A_615, %dma_wait3A_619, %dma_wait3A_620] : memref<6x512x7x128xf32, #tpu.memory_space<hbm>> -> memref<1x1x7x128xf32, #tpu.memory_space<hbm>>
    %dma_wait3A_622 = tpu.memref_squeeze %dma_wait3A_621 : memref<1x1x7x128xf32, #tpu.memory_space<hbm>> -> memref<7x128xf32, #tpu.memory_space<hbm>>
    tpu.wait_dma2 semaphore(%arg18 : memref<!tpu.dma_semaphore, #tpu.memory_space<semaphore_mem>>) src(%dma_wait3A_622 : memref<7x128xf32, #tpu.memory_space<hbm>>) dst(%dma_wait3A_618 : memref<7x128xf32, #tpu.memory_space<vmem_shared>>)
    %dma_wait3A_623 = arith.constant 0 : i32
    %dma_wait3A_624 = arith.constant 0 : i32
    %dma_wait3A_625 = arith.constant 0 : i32
    %dma_wait3A_626 = arith.constant 0 : i32
    %dma_wait3A_627 = tpu.memref_slice %arg19[%dma_wait3A_625, %dma_wait3A_626] : memref<5376x128xf32, #tpu.memory_space<vmem_shared>> -> memref<7x128xf32, #tpu.memory_space<vmem_shared>>
    %dma_wait3A_628 = arith.constant 0 : i32
    %dma_wait3A_629 = arith.constant 0 : i32
    %dma_wait3A_630 = tpu.memref_slice %arg2[%dma_wait3A_623, %dma_wait3A_624, %dma_wait3A_628, %dma_wait3A_629] : memref<6x512x7x128xf32, #tpu.memory_space<hbm>> -> memref<1x1x7x128xf32, #tpu.memory_space<hbm>>
    %dma_wait3A_631 = tpu.memref_squeeze %dma_wait3A_630 : memref<1x1x7x128xf32, #tpu.memory_space<hbm>> -> memref<7x128xf32, #tpu.memory_space<hbm>>
    tpu.wait_dma2 semaphore(%arg18 : memref<!tpu.dma_semaphore, #tpu.memory_space<semaphore_mem>>) src(%dma_wait3A_631 : memref<7x128xf32, #tpu.memory_space<hbm>>) dst(%dma_wait3A_627 : memref<7x128xf32, #tpu.memory_space<vmem_shared>>)
    %dma_wait3A_632 = arith.constant 0 : i32
    %dma_wait3A_633 = arith.constant 0 : i32
    %dma_wait3A_634 = arith.constant 0 : i32
    %dma_wait3A_635 = arith.constant 0 : i32
    %dma_wait3A_636 = tpu.memref_slice %arg19[%dma_wait3A_634, %dma_wait3A_635] : memref<5376x128xf32, #tpu.memory_space<vmem_shared>> -> memref<7x128xf32, #tpu.memory_space<vmem_shared>>
    %dma_wait3A_637 = arith.constant 0 : i32
    %dma_wait3A_638 = arith.constant 0 : i32
    %dma_wait3A_639 = tpu.memref_slice %arg2[%dma_wait3A_632, %dma_wait3A_633, %dma_wait3A_637, %dma_wait3A_638] : memref<6x512x7x128xf32, #tpu.memory_space<hbm>> -> memref<1x1x7x128xf32, #tpu.memory_space<hbm>>
    %dma_wait3A_640 = tpu.memref_squeeze %dma_wait3A_639 : memref<1x1x7x128xf32, #tpu.memory_space<hbm>> -> memref<7x128xf32, #tpu.memory_space<hbm>>
    tpu.wait_dma2 semaphore(%arg18 : memref<!tpu.dma_semaphore, #tpu.memory_space<semaphore_mem>>) src(%dma_wait3A_640 : memref<7x128xf32, #tpu.memory_space<hbm>>) dst(%dma_wait3A_636 : memref<7x128xf32, #tpu.memory_space<vmem_shared>>)
    %dma_wait3A_641 = arith.constant 0 : i32
    %dma_wait3A_642 = arith.constant 0 : i32
    %dma_wait3A_643 = arith.constant 0 : i32
    %dma_wait3A_644 = arith.constant 0 : i32
    %dma_wait3A_645 = tpu.memref_slice %arg19[%dma_wait3A_643, %dma_wait3A_644] : memref<5376x128xf32, #tpu.memory_space<vmem_shared>> -> memref<7x128xf32, #tpu.memory_space<vmem_shared>>
    %dma_wait3A_646 = arith.constant 0 : i32
    %dma_wait3A_647 = arith.constant 0 : i32
    %dma_wait3A_648 = tpu.memref_slice %arg2[%dma_wait3A_641, %dma_wait3A_642, %dma_wait3A_646, %dma_wait3A_647] : memref<6x512x7x128xf32, #tpu.memory_space<hbm>> -> memref<1x1x7x128xf32, #tpu.memory_space<hbm>>
    %dma_wait3A_649 = tpu.memref_squeeze %dma_wait3A_648 : memref<1x1x7x128xf32, #tpu.memory_space<hbm>> -> memref<7x128xf32, #tpu.memory_space<hbm>>
    tpu.wait_dma2 semaphore(%arg18 : memref<!tpu.dma_semaphore, #tpu.memory_space<semaphore_mem>>) src(%dma_wait3A_649 : memref<7x128xf32, #tpu.memory_space<hbm>>) dst(%dma_wait3A_645 : memref<7x128xf32, #tpu.memory_space<vmem_shared>>)
    %dma_wait3A_650 = arith.constant 0 : i32
    %dma_wait3A_651 = arith.constant 0 : i32
    %dma_wait3A_652 = arith.constant 0 : i32
    %dma_wait3A_653 = arith.constant 0 : i32
    %dma_wait3A_654 = tpu.memref_slice %arg19[%dma_wait3A_652, %dma_wait3A_653] : memref<5376x128xf32, #tpu.memory_space<vmem_shared>> -> memref<7x128xf32, #tpu.memory_space<vmem_shared>>
    %dma_wait3A_655 = arith.constant 0 : i32
    %dma_wait3A_656 = arith.constant 0 : i32
    %dma_wait3A_657 = tpu.memref_slice %arg2[%dma_wait3A_650, %dma_wait3A_651, %dma_wait3A_655, %dma_wait3A_656] : memref<6x512x7x128xf32, #tpu.memory_space<hbm>> -> memref<1x1x7x128xf32, #tpu.memory_space<hbm>>
    %dma_wait3A_658 = tpu.memref_squeeze %dma_wait3A_657 : memref<1x1x7x128xf32, #tpu.memory_space<hbm>> -> memref<7x128xf32, #tpu.memory_space<hbm>>
    tpu.wait_dma2 semaphore(%arg18 : memref<!tpu.dma_semaphore, #tpu.memory_space<semaphore_mem>>) src(%dma_wait3A_658 : memref<7x128xf32, #tpu.memory_space<hbm>>) dst(%dma_wait3A_654 : memref<7x128xf32, #tpu.memory_space<vmem_shared>>)
    %dma_wait3A_659 = arith.constant 0 : i32
    %dma_wait3A_660 = arith.constant 0 : i32
    %dma_wait3A_661 = arith.constant 0 : i32
    %dma_wait3A_662 = arith.constant 0 : i32
    %dma_wait3A_663 = tpu.memref_slice %arg19[%dma_wait3A_661, %dma_wait3A_662] : memref<5376x128xf32, #tpu.memory_space<vmem_shared>> -> memref<7x128xf32, #tpu.memory_space<vmem_shared>>
    %dma_wait3A_664 = arith.constant 0 : i32
    %dma_wait3A_665 = arith.constant 0 : i32
    %dma_wait3A_666 = tpu.memref_slice %arg2[%dma_wait3A_659, %dma_wait3A_660, %dma_wait3A_664, %dma_wait3A_665] : memref<6x512x7x128xf32, #tpu.memory_space<hbm>> -> memref<1x1x7x128xf32, #tpu.memory_space<hbm>>
    %dma_wait3A_667 = tpu.memref_squeeze %dma_wait3A_666 : memref<1x1x7x128xf32, #tpu.memory_space<hbm>> -> memref<7x128xf32, #tpu.memory_space<hbm>>
    tpu.wait_dma2 semaphore(%arg18 : memref<!tpu.dma_semaphore, #tpu.memory_space<semaphore_mem>>) src(%dma_wait3A_667 : memref<7x128xf32, #tpu.memory_space<hbm>>) dst(%dma_wait3A_663 : memref<7x128xf32, #tpu.memory_space<vmem_shared>>)
    %dma_wait3A_668 = arith.constant 0 : i32
    %dma_wait3A_669 = arith.constant 0 : i32
    %dma_wait3A_670 = arith.constant 0 : i32
    %dma_wait3A_671 = arith.constant 0 : i32
    %dma_wait3A_672 = tpu.memref_slice %arg19[%dma_wait3A_670, %dma_wait3A_671] : memref<5376x128xf32, #tpu.memory_space<vmem_shared>> -> memref<7x128xf32, #tpu.memory_space<vmem_shared>>
    %dma_wait3A_673 = arith.constant 0 : i32
    %dma_wait3A_674 = arith.constant 0 : i32
    %dma_wait3A_675 = tpu.memref_slice %arg2[%dma_wait3A_668, %dma_wait3A_669, %dma_wait3A_673, %dma_wait3A_674] : memref<6x512x7x128xf32, #tpu.memory_space<hbm>> -> memref<1x1x7x128xf32, #tpu.memory_space<hbm>>
    %dma_wait3A_676 = tpu.memref_squeeze %dma_wait3A_675 : memref<1x1x7x128xf32, #tpu.memory_space<hbm>> -> memref<7x128xf32, #tpu.memory_space<hbm>>
    tpu.wait_dma2 semaphore(%arg18 : memref<!tpu.dma_semaphore, #tpu.memory_space<semaphore_mem>>) src(%dma_wait3A_676 : memref<7x128xf32, #tpu.memory_space<hbm>>) dst(%dma_wait3A_672 : memref<7x128xf32, #tpu.memory_space<vmem_shared>>)
    %dma_wait3A_677 = arith.constant 0 : i32
    %dma_wait3A_678 = arith.constant 0 : i32
    %dma_wait3A_679 = arith.constant 0 : i32
    %dma_wait3A_680 = arith.constant 0 : i32
    %dma_wait3A_681 = tpu.memref_slice %arg19[%dma_wait3A_679, %dma_wait3A_680] : memref<5376x128xf32, #tpu.memory_space<vmem_shared>> -> memref<7x128xf32, #tpu.memory_space<vmem_shared>>
    %dma_wait3A_682 = arith.constant 0 : i32
    %dma_wait3A_683 = arith.constant 0 : i32
    %dma_wait3A_684 = tpu.memref_slice %arg2[%dma_wait3A_677, %dma_wait3A_678, %dma_wait3A_682, %dma_wait3A_683] : memref<6x512x7x128xf32, #tpu.memory_space<hbm>> -> memref<1x1x7x128xf32, #tpu.memory_space<hbm>>
    %dma_wait3A_685 = tpu.memref_squeeze %dma_wait3A_684 : memref<1x1x7x128xf32, #tpu.memory_space<hbm>> -> memref<7x128xf32, #tpu.memory_space<hbm>>
    tpu.wait_dma2 semaphore(%arg18 : memref<!tpu.dma_semaphore, #tpu.memory_space<semaphore_mem>>) src(%dma_wait3A_685 : memref<7x128xf32, #tpu.memory_space<hbm>>) dst(%dma_wait3A_681 : memref<7x128xf32, #tpu.memory_space<vmem_shared>>)
    %dma_wait3A_686 = arith.constant 0 : i32
    %dma_wait3A_687 = arith.constant 0 : i32
    %dma_wait3A_688 = arith.constant 0 : i32
    %dma_wait3A_689 = arith.constant 0 : i32
    %dma_wait3A_690 = tpu.memref_slice %arg19[%dma_wait3A_688, %dma_wait3A_689] : memref<5376x128xf32, #tpu.memory_space<vmem_shared>> -> memref<7x128xf32, #tpu.memory_space<vmem_shared>>
    %dma_wait3A_691 = arith.constant 0 : i32
    %dma_wait3A_692 = arith.constant 0 : i32
    %dma_wait3A_693 = tpu.memref_slice %arg2[%dma_wait3A_686, %dma_wait3A_687, %dma_wait3A_691, %dma_wait3A_692] : memref<6x512x7x128xf32, #tpu.memory_space<hbm>> -> memref<1x1x7x128xf32, #tpu.memory_space<hbm>>
    %dma_wait3A_694 = tpu.memref_squeeze %dma_wait3A_693 : memref<1x1x7x128xf32, #tpu.memory_space<hbm>> -> memref<7x128xf32, #tpu.memory_space<hbm>>
    tpu.wait_dma2 semaphore(%arg18 : memref<!tpu.dma_semaphore, #tpu.memory_space<semaphore_mem>>) src(%dma_wait3A_694 : memref<7x128xf32, #tpu.memory_space<hbm>>) dst(%dma_wait3A_690 : memref<7x128xf32, #tpu.memory_space<vmem_shared>>)
    %dma_wait3A_695 = arith.constant 0 : i32
    %dma_wait3A_696 = arith.constant 0 : i32
    %dma_wait3A_697 = arith.constant 0 : i32
    %dma_wait3A_698 = arith.constant 0 : i32
    %dma_wait3A_699 = tpu.memref_slice %arg19[%dma_wait3A_697, %dma_wait3A_698] : memref<5376x128xf32, #tpu.memory_space<vmem_shared>> -> memref<7x128xf32, #tpu.memory_space<vmem_shared>>
    %dma_wait3A_700 = arith.constant 0 : i32
    %dma_wait3A_701 = arith.constant 0 : i32
    %dma_wait3A_702 = tpu.memref_slice %arg2[%dma_wait3A_695, %dma_wait3A_696, %dma_wait3A_700, %dma_wait3A_701] : memref<6x512x7x128xf32, #tpu.memory_space<hbm>> -> memref<1x1x7x128xf32, #tpu.memory_space<hbm>>
    %dma_wait3A_703 = tpu.memref_squeeze %dma_wait3A_702 : memref<1x1x7x128xf32, #tpu.memory_space<hbm>> -> memref<7x128xf32, #tpu.memory_space<hbm>>
    tpu.wait_dma2 semaphore(%arg18 : memref<!tpu.dma_semaphore, #tpu.memory_space<semaphore_mem>>) src(%dma_wait3A_703 : memref<7x128xf32, #tpu.memory_space<hbm>>) dst(%dma_wait3A_699 : memref<7x128xf32, #tpu.memory_space<vmem_shared>>)
    %dma_wait3A_704 = arith.constant 0 : i32
    %dma_wait3A_705 = arith.constant 0 : i32
    %dma_wait3A_706 = arith.constant 0 : i32
    %dma_wait3A_707 = arith.constant 0 : i32
    %dma_wait3A_708 = tpu.memref_slice %arg19[%dma_wait3A_706, %dma_wait3A_707] : memref<5376x128xf32, #tpu.memory_space<vmem_shared>> -> memref<7x128xf32, #tpu.memory_space<vmem_shared>>
    %dma_wait3A_709 = arith.constant 0 : i32
    %dma_wait3A_710 = arith.constant 0 : i32
    %dma_wait3A_711 = tpu.memref_slice %arg2[%dma_wait3A_704, %dma_wait3A_705, %dma_wait3A_709, %dma_wait3A_710] : memref<6x512x7x128xf32, #tpu.memory_space<hbm>> -> memref<1x1x7x128xf32, #tpu.memory_space<hbm>>
    %dma_wait3A_712 = tpu.memref_squeeze %dma_wait3A_711 : memref<1x1x7x128xf32, #tpu.memory_space<hbm>> -> memref<7x128xf32, #tpu.memory_space<hbm>>
    tpu.wait_dma2 semaphore(%arg18 : memref<!tpu.dma_semaphore, #tpu.memory_space<semaphore_mem>>) src(%dma_wait3A_712 : memref<7x128xf32, #tpu.memory_space<hbm>>) dst(%dma_wait3A_708 : memref<7x128xf32, #tpu.memory_space<vmem_shared>>)
    %dma_wait3A_713 = arith.constant 0 : i32
    %dma_wait3A_714 = arith.constant 0 : i32
    %dma_wait3A_715 = arith.constant 0 : i32
    %dma_wait3A_716 = arith.constant 0 : i32
    %dma_wait3A_717 = tpu.memref_slice %arg19[%dma_wait3A_715, %dma_wait3A_716] : memref<5376x128xf32, #tpu.memory_space<vmem_shared>> -> memref<7x128xf32, #tpu.memory_space<vmem_shared>>
    %dma_wait3A_718 = arith.constant 0 : i32
    %dma_wait3A_719 = arith.constant 0 : i32
    %dma_wait3A_720 = tpu.memref_slice %arg2[%dma_wait3A_713, %dma_wait3A_714, %dma_wait3A_718, %dma_wait3A_719] : memref<6x512x7x128xf32, #tpu.memory_space<hbm>> -> memref<1x1x7x128xf32, #tpu.memory_space<hbm>>
    %dma_wait3A_721 = tpu.memref_squeeze %dma_wait3A_720 : memref<1x1x7x128xf32, #tpu.memory_space<hbm>> -> memref<7x128xf32, #tpu.memory_space<hbm>>
    tpu.wait_dma2 semaphore(%arg18 : memref<!tpu.dma_semaphore, #tpu.memory_space<semaphore_mem>>) src(%dma_wait3A_721 : memref<7x128xf32, #tpu.memory_space<hbm>>) dst(%dma_wait3A_717 : memref<7x128xf32, #tpu.memory_space<vmem_shared>>)
    %dma_wait3A_722 = arith.constant 0 : i32
    %dma_wait3A_723 = arith.constant 0 : i32
    %dma_wait3A_724 = arith.constant 0 : i32
    %dma_wait3A_725 = arith.constant 0 : i32
    %dma_wait3A_726 = tpu.memref_slice %arg19[%dma_wait3A_724, %dma_wait3A_725] : memref<5376x128xf32, #tpu.memory_space<vmem_shared>> -> memref<7x128xf32, #tpu.memory_space<vmem_shared>>
    %dma_wait3A_727 = arith.constant 0 : i32
    %dma_wait3A_728 = arith.constant 0 : i32
    %dma_wait3A_729 = tpu.memref_slice %arg2[%dma_wait3A_722, %dma_wait3A_723, %dma_wait3A_727, %dma_wait3A_728] : memref<6x512x7x128xf32, #tpu.memory_space<hbm>> -> memref<1x1x7x128xf32, #tpu.memory_space<hbm>>
    %dma_wait3A_730 = tpu.memref_squeeze %dma_wait3A_729 : memref<1x1x7x128xf32, #tpu.memory_space<hbm>> -> memref<7x128xf32, #tpu.memory_space<hbm>>
    tpu.wait_dma2 semaphore(%arg18 : memref<!tpu.dma_semaphore, #tpu.memory_space<semaphore_mem>>) src(%dma_wait3A_730 : memref<7x128xf32, #tpu.memory_space<hbm>>) dst(%dma_wait3A_726 : memref<7x128xf32, #tpu.memory_space<vmem_shared>>)
    %dma_wait3A_731 = arith.constant 0 : i32
    %dma_wait3A_732 = arith.constant 0 : i32
    %dma_wait3A_733 = arith.constant 0 : i32
    %dma_wait3A_734 = arith.constant 0 : i32
    %dma_wait3A_735 = tpu.memref_slice %arg19[%dma_wait3A_733, %dma_wait3A_734] : memref<5376x128xf32, #tpu.memory_space<vmem_shared>> -> memref<7x128xf32, #tpu.memory_space<vmem_shared>>
    %dma_wait3A_736 = arith.constant 0 : i32
    %dma_wait3A_737 = arith.constant 0 : i32
    %dma_wait3A_738 = tpu.memref_slice %arg2[%dma_wait3A_731, %dma_wait3A_732, %dma_wait3A_736, %dma_wait3A_737] : memref<6x512x7x128xf32, #tpu.memory_space<hbm>> -> memref<1x1x7x128xf32, #tpu.memory_space<hbm>>
    %dma_wait3A_739 = tpu.memref_squeeze %dma_wait3A_738 : memref<1x1x7x128xf32, #tpu.memory_space<hbm>> -> memref<7x128xf32, #tpu.memory_space<hbm>>
    tpu.wait_dma2 semaphore(%arg18 : memref<!tpu.dma_semaphore, #tpu.memory_space<semaphore_mem>>) src(%dma_wait3A_739 : memref<7x128xf32, #tpu.memory_space<hbm>>) dst(%dma_wait3A_735 : memref<7x128xf32, #tpu.memory_space<vmem_shared>>)
    %dma_wait3A_740 = arith.constant 0 : i32
    %dma_wait3A_741 = arith.constant 0 : i32
    %dma_wait3A_742 = arith.constant 0 : i32
    %dma_wait3A_743 = arith.constant 0 : i32
    %dma_wait3A_744 = tpu.memref_slice %arg19[%dma_wait3A_742, %dma_wait3A_743] : memref<5376x128xf32, #tpu.memory_space<vmem_shared>> -> memref<7x128xf32, #tpu.memory_space<vmem_shared>>
    %dma_wait3A_745 = arith.constant 0 : i32
    %dma_wait3A_746 = arith.constant 0 : i32
    %dma_wait3A_747 = tpu.memref_slice %arg2[%dma_wait3A_740, %dma_wait3A_741, %dma_wait3A_745, %dma_wait3A_746] : memref<6x512x7x128xf32, #tpu.memory_space<hbm>> -> memref<1x1x7x128xf32, #tpu.memory_space<hbm>>
    %dma_wait3A_748 = tpu.memref_squeeze %dma_wait3A_747 : memref<1x1x7x128xf32, #tpu.memory_space<hbm>> -> memref<7x128xf32, #tpu.memory_space<hbm>>
    tpu.wait_dma2 semaphore(%arg18 : memref<!tpu.dma_semaphore, #tpu.memory_space<semaphore_mem>>) src(%dma_wait3A_748 : memref<7x128xf32, #tpu.memory_space<hbm>>) dst(%dma_wait3A_744 : memref<7x128xf32, #tpu.memory_space<vmem_shared>>)
    %dma_wait3A_749 = arith.constant 0 : i32
    %dma_wait3A_750 = arith.constant 0 : i32
    %dma_wait3A_751 = arith.constant 0 : i32
    %dma_wait3A_752 = arith.constant 0 : i32
    %dma_wait3A_753 = tpu.memref_slice %arg19[%dma_wait3A_751, %dma_wait3A_752] : memref<5376x128xf32, #tpu.memory_space<vmem_shared>> -> memref<7x128xf32, #tpu.memory_space<vmem_shared>>
    %dma_wait3A_754 = arith.constant 0 : i32
    %dma_wait3A_755 = arith.constant 0 : i32
    %dma_wait3A_756 = tpu.memref_slice %arg2[%dma_wait3A_749, %dma_wait3A_750, %dma_wait3A_754, %dma_wait3A_755] : memref<6x512x7x128xf32, #tpu.memory_space<hbm>> -> memref<1x1x7x128xf32, #tpu.memory_space<hbm>>
    %dma_wait3A_757 = tpu.memref_squeeze %dma_wait3A_756 : memref<1x1x7x128xf32, #tpu.memory_space<hbm>> -> memref<7x128xf32, #tpu.memory_space<hbm>>
    tpu.wait_dma2 semaphore(%arg18 : memref<!tpu.dma_semaphore, #tpu.memory_space<semaphore_mem>>) src(%dma_wait3A_757 : memref<7x128xf32, #tpu.memory_space<hbm>>) dst(%dma_wait3A_753 : memref<7x128xf32, #tpu.memory_space<vmem_shared>>)
    %dma_wait3A_758 = arith.constant 0 : i32
    %dma_wait3A_759 = arith.constant 0 : i32
    %dma_wait3A_760 = arith.constant 0 : i32
    %dma_wait3A_761 = arith.constant 0 : i32
    %dma_wait3A_762 = tpu.memref_slice %arg19[%dma_wait3A_760, %dma_wait3A_761] : memref<5376x128xf32, #tpu.memory_space<vmem_shared>> -> memref<7x128xf32, #tpu.memory_space<vmem_shared>>
    %dma_wait3A_763 = arith.constant 0 : i32
    %dma_wait3A_764 = arith.constant 0 : i32
    %dma_wait3A_765 = tpu.memref_slice %arg2[%dma_wait3A_758, %dma_wait3A_759, %dma_wait3A_763, %dma_wait3A_764] : memref<6x512x7x128xf32, #tpu.memory_space<hbm>> -> memref<1x1x7x128xf32, #tpu.memory_space<hbm>>
    %dma_wait3A_766 = tpu.memref_squeeze %dma_wait3A_765 : memref<1x1x7x128xf32, #tpu.memory_space<hbm>> -> memref<7x128xf32, #tpu.memory_space<hbm>>
    tpu.wait_dma2 semaphore(%arg18 : memref<!tpu.dma_semaphore, #tpu.memory_space<semaphore_mem>>) src(%dma_wait3A_766 : memref<7x128xf32, #tpu.memory_space<hbm>>) dst(%dma_wait3A_762 : memref<7x128xf32, #tpu.memory_space<vmem_shared>>)
    %dma_wait3A_767 = arith.constant 0 : i32
    %dma_wait3A_768 = arith.constant 0 : i32
    %dma_wait3A_769 = arith.constant 0 : i32
    %dma_wait3A_770 = arith.constant 0 : i32
    %dma_wait3A_771 = tpu.memref_slice %arg19[%dma_wait3A_769, %dma_wait3A_770] : memref<5376x128xf32, #tpu.memory_space<vmem_shared>> -> memref<7x128xf32, #tpu.memory_space<vmem_shared>>
    %dma_wait3A_772 = arith.constant 0 : i32
    %dma_wait3A_773 = arith.constant 0 : i32
    %dma_wait3A_774 = tpu.memref_slice %arg2[%dma_wait3A_767, %dma_wait3A_768, %dma_wait3A_772, %dma_wait3A_773] : memref<6x512x7x128xf32, #tpu.memory_space<hbm>> -> memref<1x1x7x128xf32, #tpu.memory_space<hbm>>
    %dma_wait3A_775 = tpu.memref_squeeze %dma_wait3A_774 : memref<1x1x7x128xf32, #tpu.memory_space<hbm>> -> memref<7x128xf32, #tpu.memory_space<hbm>>
    tpu.wait_dma2 semaphore(%arg18 : memref<!tpu.dma_semaphore, #tpu.memory_space<semaphore_mem>>) src(%dma_wait3A_775 : memref<7x128xf32, #tpu.memory_space<hbm>>) dst(%dma_wait3A_771 : memref<7x128xf32, #tpu.memory_space<vmem_shared>>)
    %dma_wait3A_776 = arith.constant 0 : i32
    %dma_wait3A_777 = arith.constant 0 : i32
    %dma_wait3A_778 = arith.constant 0 : i32
    %dma_wait3A_779 = arith.constant 0 : i32
    %dma_wait3A_780 = tpu.memref_slice %arg19[%dma_wait3A_778, %dma_wait3A_779] : memref<5376x128xf32, #tpu.memory_space<vmem_shared>> -> memref<7x128xf32, #tpu.memory_space<vmem_shared>>
    %dma_wait3A_781 = arith.constant 0 : i32
    %dma_wait3A_782 = arith.constant 0 : i32
    %dma_wait3A_783 = tpu.memref_slice %arg2[%dma_wait3A_776, %dma_wait3A_777, %dma_wait3A_781, %dma_wait3A_782] : memref<6x512x7x128xf32, #tpu.memory_space<hbm>> -> memref<1x1x7x128xf32, #tpu.memory_space<hbm>>
    %dma_wait3A_784 = tpu.memref_squeeze %dma_wait3A_783 : memref<1x1x7x128xf32, #tpu.memory_space<hbm>> -> memref<7x128xf32, #tpu.memory_space<hbm>>
    tpu.wait_dma2 semaphore(%arg18 : memref<!tpu.dma_semaphore, #tpu.memory_space<semaphore_mem>>) src(%dma_wait3A_784 : memref<7x128xf32, #tpu.memory_space<hbm>>) dst(%dma_wait3A_780 : memref<7x128xf32, #tpu.memory_space<vmem_shared>>)
    %dma_wait3A_785 = arith.constant 0 : i32
    %dma_wait3A_786 = arith.constant 0 : i32
    %dma_wait3A_787 = arith.constant 0 : i32
    %dma_wait3A_788 = arith.constant 0 : i32
    %dma_wait3A_789 = tpu.memref_slice %arg19[%dma_wait3A_787, %dma_wait3A_788] : memref<5376x128xf32, #tpu.memory_space<vmem_shared>> -> memref<7x128xf32, #tpu.memory_space<vmem_shared>>
    %dma_wait3A_790 = arith.constant 0 : i32
    %dma_wait3A_791 = arith.constant 0 : i32
    %dma_wait3A_792 = tpu.memref_slice %arg2[%dma_wait3A_785, %dma_wait3A_786, %dma_wait3A_790, %dma_wait3A_791] : memref<6x512x7x128xf32, #tpu.memory_space<hbm>> -> memref<1x1x7x128xf32, #tpu.memory_space<hbm>>
    %dma_wait3A_793 = tpu.memref_squeeze %dma_wait3A_792 : memref<1x1x7x128xf32, #tpu.memory_space<hbm>> -> memref<7x128xf32, #tpu.memory_space<hbm>>
    tpu.wait_dma2 semaphore(%arg18 : memref<!tpu.dma_semaphore, #tpu.memory_space<semaphore_mem>>) src(%dma_wait3A_793 : memref<7x128xf32, #tpu.memory_space<hbm>>) dst(%dma_wait3A_789 : memref<7x128xf32, #tpu.memory_space<vmem_shared>>)
    %dma_wait3A_794 = arith.constant 0 : i32
    %dma_wait3A_795 = arith.constant 0 : i32
    %dma_wait3A_796 = arith.constant 0 : i32
    %dma_wait3A_797 = arith.constant 0 : i32
    %dma_wait3A_798 = tpu.memref_slice %arg19[%dma_wait3A_796, %dma_wait3A_797] : memref<5376x128xf32, #tpu.memory_space<vmem_shared>> -> memref<7x128xf32, #tpu.memory_space<vmem_shared>>
    %dma_wait3A_799 = arith.constant 0 : i32
    %dma_wait3A_800 = arith.constant 0 : i32
    %dma_wait3A_801 = tpu.memref_slice %arg2[%dma_wait3A_794, %dma_wait3A_795, %dma_wait3A_799, %dma_wait3A_800] : memref<6x512x7x128xf32, #tpu.memory_space<hbm>> -> memref<1x1x7x128xf32, #tpu.memory_space<hbm>>
    %dma_wait3A_802 = tpu.memref_squeeze %dma_wait3A_801 : memref<1x1x7x128xf32, #tpu.memory_space<hbm>> -> memref<7x128xf32, #tpu.memory_space<hbm>>
    tpu.wait_dma2 semaphore(%arg18 : memref<!tpu.dma_semaphore, #tpu.memory_space<semaphore_mem>>) src(%dma_wait3A_802 : memref<7x128xf32, #tpu.memory_space<hbm>>) dst(%dma_wait3A_798 : memref<7x128xf32, #tpu.memory_space<vmem_shared>>)
    %dma_wait3A_803 = arith.constant 0 : i32
    %dma_wait3A_804 = arith.constant 0 : i32
    %dma_wait3A_805 = arith.constant 0 : i32
    %dma_wait3A_806 = arith.constant 0 : i32
    %dma_wait3A_807 = tpu.memref_slice %arg19[%dma_wait3A_805, %dma_wait3A_806] : memref<5376x128xf32, #tpu.memory_space<vmem_shared>> -> memref<7x128xf32, #tpu.memory_space<vmem_shared>>
    %dma_wait3A_808 = arith.constant 0 : i32
    %dma_wait3A_809 = arith.constant 0 : i32
    %dma_wait3A_810 = tpu.memref_slice %arg2[%dma_wait3A_803, %dma_wait3A_804, %dma_wait3A_808, %dma_wait3A_809] : memref<6x512x7x128xf32, #tpu.memory_space<hbm>> -> memref<1x1x7x128xf32, #tpu.memory_space<hbm>>
    %dma_wait3A_811 = tpu.memref_squeeze %dma_wait3A_810 : memref<1x1x7x128xf32, #tpu.memory_space<hbm>> -> memref<7x128xf32, #tpu.memory_space<hbm>>
    tpu.wait_dma2 semaphore(%arg18 : memref<!tpu.dma_semaphore, #tpu.memory_space<semaphore_mem>>) src(%dma_wait3A_811 : memref<7x128xf32, #tpu.memory_space<hbm>>) dst(%dma_wait3A_807 : memref<7x128xf32, #tpu.memory_space<vmem_shared>>)
    %dma_wait3A_812 = arith.constant 0 : i32
    %dma_wait3A_813 = arith.constant 0 : i32
    %dma_wait3A_814 = arith.constant 0 : i32
    %dma_wait3A_815 = arith.constant 0 : i32
    %dma_wait3A_816 = tpu.memref_slice %arg19[%dma_wait3A_814, %dma_wait3A_815] : memref<5376x128xf32, #tpu.memory_space<vmem_shared>> -> memref<7x128xf32, #tpu.memory_space<vmem_shared>>
    %dma_wait3A_817 = arith.constant 0 : i32
    %dma_wait3A_818 = arith.constant 0 : i32
    %dma_wait3A_819 = tpu.memref_slice %arg2[%dma_wait3A_812, %dma_wait3A_813, %dma_wait3A_817, %dma_wait3A_818] : memref<6x512x7x128xf32, #tpu.memory_space<hbm>> -> memref<1x1x7x128xf32, #tpu.memory_space<hbm>>
    %dma_wait3A_820 = tpu.memref_squeeze %dma_wait3A_819 : memref<1x1x7x128xf32, #tpu.memory_space<hbm>> -> memref<7x128xf32, #tpu.memory_space<hbm>>
    tpu.wait_dma2 semaphore(%arg18 : memref<!tpu.dma_semaphore, #tpu.memory_space<semaphore_mem>>) src(%dma_wait3A_820 : memref<7x128xf32, #tpu.memory_space<hbm>>) dst(%dma_wait3A_816 : memref<7x128xf32, #tpu.memory_space<vmem_shared>>)
    %dma_wait3A_821 = arith.constant 0 : i32
    %dma_wait3A_822 = arith.constant 0 : i32
    %dma_wait3A_823 = arith.constant 0 : i32
    %dma_wait3A_824 = arith.constant 0 : i32
    %dma_wait3A_825 = tpu.memref_slice %arg19[%dma_wait3A_823, %dma_wait3A_824] : memref<5376x128xf32, #tpu.memory_space<vmem_shared>> -> memref<7x128xf32, #tpu.memory_space<vmem_shared>>
    %dma_wait3A_826 = arith.constant 0 : i32
    %dma_wait3A_827 = arith.constant 0 : i32
    %dma_wait3A_828 = tpu.memref_slice %arg2[%dma_wait3A_821, %dma_wait3A_822, %dma_wait3A_826, %dma_wait3A_827] : memref<6x512x7x128xf32, #tpu.memory_space<hbm>> -> memref<1x1x7x128xf32, #tpu.memory_space<hbm>>
    %dma_wait3A_829 = tpu.memref_squeeze %dma_wait3A_828 : memref<1x1x7x128xf32, #tpu.memory_space<hbm>> -> memref<7x128xf32, #tpu.memory_space<hbm>>
    tpu.wait_dma2 semaphore(%arg18 : memref<!tpu.dma_semaphore, #tpu.memory_space<semaphore_mem>>) src(%dma_wait3A_829 : memref<7x128xf32, #tpu.memory_space<hbm>>) dst(%dma_wait3A_825 : memref<7x128xf32, #tpu.memory_space<vmem_shared>>)
    %dma_wait3A_830 = arith.constant 0 : i32
    %dma_wait3A_831 = arith.constant 0 : i32
    %dma_wait3A_832 = arith.constant 0 : i32
    %dma_wait3A_833 = arith.constant 0 : i32
    %dma_wait3A_834 = tpu.memref_slice %arg19[%dma_wait3A_832, %dma_wait3A_833] : memref<5376x128xf32, #tpu.memory_space<vmem_shared>> -> memref<7x128xf32, #tpu.memory_space<vmem_shared>>
    %dma_wait3A_835 = arith.constant 0 : i32
    %dma_wait3A_836 = arith.constant 0 : i32
    %dma_wait3A_837 = tpu.memref_slice %arg2[%dma_wait3A_830, %dma_wait3A_831, %dma_wait3A_835, %dma_wait3A_836] : memref<6x512x7x128xf32, #tpu.memory_space<hbm>> -> memref<1x1x7x128xf32, #tpu.memory_space<hbm>>
    %dma_wait3A_838 = tpu.memref_squeeze %dma_wait3A_837 : memref<1x1x7x128xf32, #tpu.memory_space<hbm>> -> memref<7x128xf32, #tpu.memory_space<hbm>>
    tpu.wait_dma2 semaphore(%arg18 : memref<!tpu.dma_semaphore, #tpu.memory_space<semaphore_mem>>) src(%dma_wait3A_838 : memref<7x128xf32, #tpu.memory_space<hbm>>) dst(%dma_wait3A_834 : memref<7x128xf32, #tpu.memory_space<vmem_shared>>)
    %dma_wait3A_839 = arith.constant 0 : i32
    %dma_wait3A_840 = arith.constant 0 : i32
    %dma_wait3A_841 = arith.constant 0 : i32
    %dma_wait3A_842 = arith.constant 0 : i32
    %dma_wait3A_843 = tpu.memref_slice %arg19[%dma_wait3A_841, %dma_wait3A_842] : memref<5376x128xf32, #tpu.memory_space<vmem_shared>> -> memref<7x128xf32, #tpu.memory_space<vmem_shared>>
    %dma_wait3A_844 = arith.constant 0 : i32
    %dma_wait3A_845 = arith.constant 0 : i32
    %dma_wait3A_846 = tpu.memref_slice %arg2[%dma_wait3A_839, %dma_wait3A_840, %dma_wait3A_844, %dma_wait3A_845] : memref<6x512x7x128xf32, #tpu.memory_space<hbm>> -> memref<1x1x7x128xf32, #tpu.memory_space<hbm>>
    %dma_wait3A_847 = tpu.memref_squeeze %dma_wait3A_846 : memref<1x1x7x128xf32, #tpu.memory_space<hbm>> -> memref<7x128xf32, #tpu.memory_space<hbm>>
    tpu.wait_dma2 semaphore(%arg18 : memref<!tpu.dma_semaphore, #tpu.memory_space<semaphore_mem>>) src(%dma_wait3A_847 : memref<7x128xf32, #tpu.memory_space<hbm>>) dst(%dma_wait3A_843 : memref<7x128xf32, #tpu.memory_space<vmem_shared>>)
    %dma_wait3A_848 = arith.constant 0 : i32
    %dma_wait3A_849 = arith.constant 0 : i32
    %dma_wait3A_850 = arith.constant 0 : i32
    %dma_wait3A_851 = arith.constant 0 : i32
    %dma_wait3A_852 = tpu.memref_slice %arg19[%dma_wait3A_850, %dma_wait3A_851] : memref<5376x128xf32, #tpu.memory_space<vmem_shared>> -> memref<7x128xf32, #tpu.memory_space<vmem_shared>>
    %dma_wait3A_853 = arith.constant 0 : i32
    %dma_wait3A_854 = arith.constant 0 : i32
    %dma_wait3A_855 = tpu.memref_slice %arg2[%dma_wait3A_848, %dma_wait3A_849, %dma_wait3A_853, %dma_wait3A_854] : memref<6x512x7x128xf32, #tpu.memory_space<hbm>> -> memref<1x1x7x128xf32, #tpu.memory_space<hbm>>
    %dma_wait3A_856 = tpu.memref_squeeze %dma_wait3A_855 : memref<1x1x7x128xf32, #tpu.memory_space<hbm>> -> memref<7x128xf32, #tpu.memory_space<hbm>>
    tpu.wait_dma2 semaphore(%arg18 : memref<!tpu.dma_semaphore, #tpu.memory_space<semaphore_mem>>) src(%dma_wait3A_856 : memref<7x128xf32, #tpu.memory_space<hbm>>) dst(%dma_wait3A_852 : memref<7x128xf32, #tpu.memory_space<vmem_shared>>)
    %dma_wait3A_857 = arith.constant 0 : i32
    %dma_wait3A_858 = arith.constant 0 : i32
    %dma_wait3A_859 = arith.constant 0 : i32
    %dma_wait3A_860 = arith.constant 0 : i32
    %dma_wait3A_861 = tpu.memref_slice %arg19[%dma_wait3A_859, %dma_wait3A_860] : memref<5376x128xf32, #tpu.memory_space<vmem_shared>> -> memref<7x128xf32, #tpu.memory_space<vmem_shared>>
    %dma_wait3A_862 = arith.constant 0 : i32
    %dma_wait3A_863 = arith.constant 0 : i32
    %dma_wait3A_864 = tpu.memref_slice %arg2[%dma_wait3A_857, %dma_wait3A_858, %dma_wait3A_862, %dma_wait3A_863] : memref<6x512x7x128xf32, #tpu.memory_space<hbm>> -> memref<1x1x7x128xf32, #tpu.memory_space<hbm>>
    %dma_wait3A_865 = tpu.memref_squeeze %dma_wait3A_864 : memref<1x1x7x128xf32, #tpu.memory_space<hbm>> -> memref<7x128xf32, #tpu.memory_space<hbm>>
    tpu.wait_dma2 semaphore(%arg18 : memref<!tpu.dma_semaphore, #tpu.memory_space<semaphore_mem>>) src(%dma_wait3A_865 : memref<7x128xf32, #tpu.memory_space<hbm>>) dst(%dma_wait3A_861 : memref<7x128xf32, #tpu.memory_space<vmem_shared>>)
    %dma_wait3A_866 = arith.constant 0 : i32
    %dma_wait3A_867 = arith.constant 0 : i32
    %dma_wait3A_868 = arith.constant 0 : i32
    %dma_wait3A_869 = arith.constant 0 : i32
    %dma_wait3A_870 = tpu.memref_slice %arg19[%dma_wait3A_868, %dma_wait3A_869] : memref<5376x128xf32, #tpu.memory_space<vmem_shared>> -> memref<7x128xf32, #tpu.memory_space<vmem_shared>>
    %dma_wait3A_871 = arith.constant 0 : i32
    %dma_wait3A_872 = arith.constant 0 : i32
    %dma_wait3A_873 = tpu.memref_slice %arg2[%dma_wait3A_866, %dma_wait3A_867, %dma_wait3A_871, %dma_wait3A_872] : memref<6x512x7x128xf32, #tpu.memory_space<hbm>> -> memref<1x1x7x128xf32, #tpu.memory_space<hbm>>
    %dma_wait3A_874 = tpu.memref_squeeze %dma_wait3A_873 : memref<1x1x7x128xf32, #tpu.memory_space<hbm>> -> memref<7x128xf32, #tpu.memory_space<hbm>>
    tpu.wait_dma2 semaphore(%arg18 : memref<!tpu.dma_semaphore, #tpu.memory_space<semaphore_mem>>) src(%dma_wait3A_874 : memref<7x128xf32, #tpu.memory_space<hbm>>) dst(%dma_wait3A_870 : memref<7x128xf32, #tpu.memory_space<vmem_shared>>)
    %dma_wait3A_875 = arith.constant 0 : i32
    %dma_wait3A_876 = arith.constant 0 : i32
    %dma_wait3A_877 = arith.constant 0 : i32
    %dma_wait3A_878 = arith.constant 0 : i32
    %dma_wait3A_879 = tpu.memref_slice %arg19[%dma_wait3A_877, %dma_wait3A_878] : memref<5376x128xf32, #tpu.memory_space<vmem_shared>> -> memref<7x128xf32, #tpu.memory_space<vmem_shared>>
    %dma_wait3A_880 = arith.constant 0 : i32
    %dma_wait3A_881 = arith.constant 0 : i32
    %dma_wait3A_882 = tpu.memref_slice %arg2[%dma_wait3A_875, %dma_wait3A_876, %dma_wait3A_880, %dma_wait3A_881] : memref<6x512x7x128xf32, #tpu.memory_space<hbm>> -> memref<1x1x7x128xf32, #tpu.memory_space<hbm>>
    %dma_wait3A_883 = tpu.memref_squeeze %dma_wait3A_882 : memref<1x1x7x128xf32, #tpu.memory_space<hbm>> -> memref<7x128xf32, #tpu.memory_space<hbm>>
    tpu.wait_dma2 semaphore(%arg18 : memref<!tpu.dma_semaphore, #tpu.memory_space<semaphore_mem>>) src(%dma_wait3A_883 : memref<7x128xf32, #tpu.memory_space<hbm>>) dst(%dma_wait3A_879 : memref<7x128xf32, #tpu.memory_space<vmem_shared>>)
    %dma_wait3A_884 = arith.constant 0 : i32
    %dma_wait3A_885 = arith.constant 0 : i32
    %dma_wait3A_886 = arith.constant 0 : i32
    %dma_wait3A_887 = arith.constant 0 : i32
    %dma_wait3A_888 = tpu.memref_slice %arg19[%dma_wait3A_886, %dma_wait3A_887] : memref<5376x128xf32, #tpu.memory_space<vmem_shared>> -> memref<7x128xf32, #tpu.memory_space<vmem_shared>>
    %dma_wait3A_889 = arith.constant 0 : i32
    %dma_wait3A_890 = arith.constant 0 : i32
    %dma_wait3A_891 = tpu.memref_slice %arg2[%dma_wait3A_884, %dma_wait3A_885, %dma_wait3A_889, %dma_wait3A_890] : memref<6x512x7x128xf32, #tpu.memory_space<hbm>> -> memref<1x1x7x128xf32, #tpu.memory_space<hbm>>
    %dma_wait3A_892 = tpu.memref_squeeze %dma_wait3A_891 : memref<1x1x7x128xf32, #tpu.memory_space<hbm>> -> memref<7x128xf32, #tpu.memory_space<hbm>>
    tpu.wait_dma2 semaphore(%arg18 : memref<!tpu.dma_semaphore, #tpu.memory_space<semaphore_mem>>) src(%dma_wait3A_892 : memref<7x128xf32, #tpu.memory_space<hbm>>) dst(%dma_wait3A_888 : memref<7x128xf32, #tpu.memory_space<vmem_shared>>)
    %dma_wait3A_893 = arith.constant 0 : i32
    %dma_wait3A_894 = arith.constant 0 : i32
    %dma_wait3A_895 = arith.constant 0 : i32
    %dma_wait3A_896 = arith.constant 0 : i32
    %dma_wait3A_897 = tpu.memref_slice %arg19[%dma_wait3A_895, %dma_wait3A_896] : memref<5376x128xf32, #tpu.memory_space<vmem_shared>> -> memref<7x128xf32, #tpu.memory_space<vmem_shared>>
    %dma_wait3A_898 = arith.constant 0 : i32
    %dma_wait3A_899 = arith.constant 0 : i32
    %dma_wait3A_900 = tpu.memref_slice %arg2[%dma_wait3A_893, %dma_wait3A_894, %dma_wait3A_898, %dma_wait3A_899] : memref<6x512x7x128xf32, #tpu.memory_space<hbm>> -> memref<1x1x7x128xf32, #tpu.memory_space<hbm>>
    %dma_wait3A_901 = tpu.memref_squeeze %dma_wait3A_900 : memref<1x1x7x128xf32, #tpu.memory_space<hbm>> -> memref<7x128xf32, #tpu.memory_space<hbm>>
    tpu.wait_dma2 semaphore(%arg18 : memref<!tpu.dma_semaphore, #tpu.memory_space<semaphore_mem>>) src(%dma_wait3A_901 : memref<7x128xf32, #tpu.memory_space<hbm>>) dst(%dma_wait3A_897 : memref<7x128xf32, #tpu.memory_space<vmem_shared>>)
    %dma_wait3A_902 = arith.constant 0 : i32
    %dma_wait3A_903 = arith.constant 0 : i32
    %dma_wait3A_904 = arith.constant 0 : i32
    %dma_wait3A_905 = arith.constant 0 : i32
    %dma_wait3A_906 = tpu.memref_slice %arg19[%dma_wait3A_904, %dma_wait3A_905] : memref<5376x128xf32, #tpu.memory_space<vmem_shared>> -> memref<7x128xf32, #tpu.memory_space<vmem_shared>>
    %dma_wait3A_907 = arith.constant 0 : i32
    %dma_wait3A_908 = arith.constant 0 : i32
    %dma_wait3A_909 = tpu.memref_slice %arg2[%dma_wait3A_902, %dma_wait3A_903, %dma_wait3A_907, %dma_wait3A_908] : memref<6x512x7x128xf32, #tpu.memory_space<hbm>> -> memref<1x1x7x128xf32, #tpu.memory_space<hbm>>
    %dma_wait3A_910 = tpu.memref_squeeze %dma_wait3A_909 : memref<1x1x7x128xf32, #tpu.memory_space<hbm>> -> memref<7x128xf32, #tpu.memory_space<hbm>>
    tpu.wait_dma2 semaphore(%arg18 : memref<!tpu.dma_semaphore, #tpu.memory_space<semaphore_mem>>) src(%dma_wait3A_910 : memref<7x128xf32, #tpu.memory_space<hbm>>) dst(%dma_wait3A_906 : memref<7x128xf32, #tpu.memory_space<vmem_shared>>)
    %dma_wait3A_911 = arith.constant 0 : i32
    %dma_wait3A_912 = arith.constant 0 : i32
    %dma_wait3A_913 = arith.constant 0 : i32
    %dma_wait3A_914 = arith.constant 0 : i32
    %dma_wait3A_915 = tpu.memref_slice %arg19[%dma_wait3A_913, %dma_wait3A_914] : memref<5376x128xf32, #tpu.memory_space<vmem_shared>> -> memref<7x128xf32, #tpu.memory_space<vmem_shared>>
    %dma_wait3A_916 = arith.constant 0 : i32
    %dma_wait3A_917 = arith.constant 0 : i32
    %dma_wait3A_918 = tpu.memref_slice %arg2[%dma_wait3A_911, %dma_wait3A_912, %dma_wait3A_916, %dma_wait3A_917] : memref<6x512x7x128xf32, #tpu.memory_space<hbm>> -> memref<1x1x7x128xf32, #tpu.memory_space<hbm>>
    %dma_wait3A_919 = tpu.memref_squeeze %dma_wait3A_918 : memref<1x1x7x128xf32, #tpu.memory_space<hbm>> -> memref<7x128xf32, #tpu.memory_space<hbm>>
    tpu.wait_dma2 semaphore(%arg18 : memref<!tpu.dma_semaphore, #tpu.memory_space<semaphore_mem>>) src(%dma_wait3A_919 : memref<7x128xf32, #tpu.memory_space<hbm>>) dst(%dma_wait3A_915 : memref<7x128xf32, #tpu.memory_space<vmem_shared>>)
    %dma_wait3A_920 = arith.constant 0 : i32
    %dma_wait3A_921 = arith.constant 0 : i32
    %dma_wait3A_922 = arith.constant 0 : i32
    %dma_wait3A_923 = arith.constant 0 : i32
    %dma_wait3A_924 = tpu.memref_slice %arg19[%dma_wait3A_922, %dma_wait3A_923] : memref<5376x128xf32, #tpu.memory_space<vmem_shared>> -> memref<7x128xf32, #tpu.memory_space<vmem_shared>>
    %dma_wait3A_925 = arith.constant 0 : i32
    %dma_wait3A_926 = arith.constant 0 : i32
    %dma_wait3A_927 = tpu.memref_slice %arg2[%dma_wait3A_920, %dma_wait3A_921, %dma_wait3A_925, %dma_wait3A_926] : memref<6x512x7x128xf32, #tpu.memory_space<hbm>> -> memref<1x1x7x128xf32, #tpu.memory_space<hbm>>
    %dma_wait3A_928 = tpu.memref_squeeze %dma_wait3A_927 : memref<1x1x7x128xf32, #tpu.memory_space<hbm>> -> memref<7x128xf32, #tpu.memory_space<hbm>>
    tpu.wait_dma2 semaphore(%arg18 : memref<!tpu.dma_semaphore, #tpu.memory_space<semaphore_mem>>) src(%dma_wait3A_928 : memref<7x128xf32, #tpu.memory_space<hbm>>) dst(%dma_wait3A_924 : memref<7x128xf32, #tpu.memory_space<vmem_shared>>)
    %dma_wait3A_929 = arith.constant 0 : i32
    %dma_wait3A_930 = arith.constant 0 : i32
    %dma_wait3A_931 = arith.constant 0 : i32
    %dma_wait3A_932 = arith.constant 0 : i32
    %dma_wait3A_933 = tpu.memref_slice %arg19[%dma_wait3A_931, %dma_wait3A_932] : memref<5376x128xf32, #tpu.memory_space<vmem_shared>> -> memref<7x128xf32, #tpu.memory_space<vmem_shared>>
    %dma_wait3A_934 = arith.constant 0 : i32
    %dma_wait3A_935 = arith.constant 0 : i32
    %dma_wait3A_936 = tpu.memref_slice %arg2[%dma_wait3A_929, %dma_wait3A_930, %dma_wait3A_934, %dma_wait3A_935] : memref<6x512x7x128xf32, #tpu.memory_space<hbm>> -> memref<1x1x7x128xf32, #tpu.memory_space<hbm>>
    %dma_wait3A_937 = tpu.memref_squeeze %dma_wait3A_936 : memref<1x1x7x128xf32, #tpu.memory_space<hbm>> -> memref<7x128xf32, #tpu.memory_space<hbm>>
    tpu.wait_dma2 semaphore(%arg18 : memref<!tpu.dma_semaphore, #tpu.memory_space<semaphore_mem>>) src(%dma_wait3A_937 : memref<7x128xf32, #tpu.memory_space<hbm>>) dst(%dma_wait3A_933 : memref<7x128xf32, #tpu.memory_space<vmem_shared>>)
    %dma_wait3A_938 = arith.constant 0 : i32
    %dma_wait3A_939 = arith.constant 0 : i32
    %dma_wait3A_940 = arith.constant 0 : i32
    %dma_wait3A_941 = arith.constant 0 : i32
    %dma_wait3A_942 = tpu.memref_slice %arg19[%dma_wait3A_940, %dma_wait3A_941] : memref<5376x128xf32, #tpu.memory_space<vmem_shared>> -> memref<7x128xf32, #tpu.memory_space<vmem_shared>>
    %dma_wait3A_943 = arith.constant 0 : i32
    %dma_wait3A_944 = arith.constant 0 : i32
    %dma_wait3A_945 = tpu.memref_slice %arg2[%dma_wait3A_938, %dma_wait3A_939, %dma_wait3A_943, %dma_wait3A_944] : memref<6x512x7x128xf32, #tpu.memory_space<hbm>> -> memref<1x1x7x128xf32, #tpu.memory_space<hbm>>
    %dma_wait3A_946 = tpu.memref_squeeze %dma_wait3A_945 : memref<1x1x7x128xf32, #tpu.memory_space<hbm>> -> memref<7x128xf32, #tpu.memory_space<hbm>>
    tpu.wait_dma2 semaphore(%arg18 : memref<!tpu.dma_semaphore, #tpu.memory_space<semaphore_mem>>) src(%dma_wait3A_946 : memref<7x128xf32, #tpu.memory_space<hbm>>) dst(%dma_wait3A_942 : memref<7x128xf32, #tpu.memory_space<vmem_shared>>)
    %dma_wait3A_947 = arith.constant 0 : i32
    %dma_wait3A_948 = arith.constant 0 : i32
    %dma_wait3A_949 = arith.constant 0 : i32
    %dma_wait3A_950 = arith.constant 0 : i32
    %dma_wait3A_951 = tpu.memref_slice %arg19[%dma_wait3A_949, %dma_wait3A_950] : memref<5376x128xf32, #tpu.memory_space<vmem_shared>> -> memref<7x128xf32, #tpu.memory_space<vmem_shared>>
    %dma_wait3A_952 = arith.constant 0 : i32
    %dma_wait3A_953 = arith.constant 0 : i32
    %dma_wait3A_954 = tpu.memref_slice %arg2[%dma_wait3A_947, %dma_wait3A_948, %dma_wait3A_952, %dma_wait3A_953] : memref<6x512x7x128xf32, #tpu.memory_space<hbm>> -> memref<1x1x7x128xf32, #tpu.memory_space<hbm>>
    %dma_wait3A_955 = tpu.memref_squeeze %dma_wait3A_954 : memref<1x1x7x128xf32, #tpu.memory_space<hbm>> -> memref<7x128xf32, #tpu.memory_space<hbm>>
    tpu.wait_dma2 semaphore(%arg18 : memref<!tpu.dma_semaphore, #tpu.memory_space<semaphore_mem>>) src(%dma_wait3A_955 : memref<7x128xf32, #tpu.memory_space<hbm>>) dst(%dma_wait3A_951 : memref<7x128xf32, #tpu.memory_space<vmem_shared>>)
    %dma_wait3A_956 = arith.constant 0 : i32
    %dma_wait3A_957 = arith.constant 0 : i32
    %dma_wait3A_958 = arith.constant 0 : i32
    %dma_wait3A_959 = arith.constant 0 : i32
    %dma_wait3A_960 = tpu.memref_slice %arg19[%dma_wait3A_958, %dma_wait3A_959] : memref<5376x128xf32, #tpu.memory_space<vmem_shared>> -> memref<7x128xf32, #tpu.memory_space<vmem_shared>>
    %dma_wait3A_961 = arith.constant 0 : i32
    %dma_wait3A_962 = arith.constant 0 : i32
    %dma_wait3A_963 = tpu.memref_slice %arg2[%dma_wait3A_956, %dma_wait3A_957, %dma_wait3A_961, %dma_wait3A_962] : memref<6x512x7x128xf32, #tpu.memory_space<hbm>> -> memref<1x1x7x128xf32, #tpu.memory_space<hbm>>
    %dma_wait3A_964 = tpu.memref_squeeze %dma_wait3A_963 : memref<1x1x7x128xf32, #tpu.memory_space<hbm>> -> memref<7x128xf32, #tpu.memory_space<hbm>>
    tpu.wait_dma2 semaphore(%arg18 : memref<!tpu.dma_semaphore, #tpu.memory_space<semaphore_mem>>) src(%dma_wait3A_964 : memref<7x128xf32, #tpu.memory_space<hbm>>) dst(%dma_wait3A_960 : memref<7x128xf32, #tpu.memory_space<vmem_shared>>)
    %scan3A = arith.constant 0 : i32
    %scan3A_965 = arith.constant 0 : i32
    %scan3A_966 = arith.constant 0 : i32
    %scan3A_967 = arith.constant 2 : i32
    %scan3A_968 = arith.addi %scan3A_966, %scan3A_967 : i32
    %scan3A_969 = arith.constant 1 : i32
    scf.for %scan3A_2034 = %scan3A_966 to %scan3A_968 step %scan3A_969  : i32 {
      %mul3A_2035 = arith.constant 16 : i32
      %mul3A_2036 = arith.muli %scan3A_2034, %mul3A_2035 : i32
      %add3A_2037 = vector.broadcast %mul3A_2036 : i32 to vector<16xi32>
      %add3A_2038 = arith.addi %add3A_2037, %iota3A : vector<16xi32>
      %and3A = arith.constant 3 : i32
      %and3A_2039 = vector.broadcast %and3A : i32 to vector<16xi32>
      %and3A_2040 = arith.andi %add3A_2038, %and3A_2039 : vector<16xi32>
      %shift_right_logical3A = arith.constant 2 : i32
      %shift_right_logical3A_2041 = vector.broadcast %shift_right_logical3A : i32 to vector<16xi32>
      %shift_right_logical3A_2042 = arith.shrui %add3A_2038, %shift_right_logical3A_2041 : vector<16xi32>
      %mul3A_2043 = arith.constant 4 : i32
      %mul3A_2044 = arith.muli %scan3A_965, %mul3A_2043 : i32
      %add3A_2045 = vector.broadcast %mul3A_2044 : i32 to vector<16xi32>
      %add3A_2046 = arith.addi %add3A_2045, %and3A_2040 : vector<16xi32>
      %gather3A = tpu.vector_load_idx %arg5[%add3A_2046] : memref<288xi32, #tpu.memory_space<vmem>>[vector<16xi32>], vector<16xi32>,
      %add3A_2047 = vector.broadcast %mul3A_4 : i32 to vector<16xi32>
      %add3A_2048 = arith.addi %add3A_2047, %gather3A : vector<16xi32>
      %mul3A_2049 = arith.constant 7 : i32
      %mul3A_2050 = vector.broadcast %mul3A_2049 : i32 to vector<16xi32>
      %mul3A_2051 = arith.muli %shift_right_logical3A_2042, %mul3A_2050 : vector<16xi32>
      %add3A_2052 = arith.addi %add3A_2048, %mul3A_2051 : vector<16xi32>
      %mul3A_2053 = arith.constant 16 : i32
      %mul3A_2054 = arith.muli %scan3A_2034, %mul3A_2053 : i32
      %swap3A = arith.index_cast %mul3A_2054 : i32 to index
      %swap3A_2055 = tpu.vector_load %arg6[%swap3A] {strides = array<i32>} : memref<32xi32, #tpu.memory_space<vmem>>, vector<16xi32>,
      tpu.vector_store %arg6[%swap3A], %add3A_2052 {strides = array<i32>} : memref<32xi32, #tpu.memory_space<vmem>>, vector<16xi32>,
    }
    %scan3A_970 = arith.constant 2 : i32
    %dma_start3A_971 = arith.constant 0 : i32
    %dma_start3A_972 = arith.constant 0 : i32
    %dma_start3A_973 = tpu.memref_slice %arg19[%dma_start3A_971, %dma_start3A_972] : memref<5376x128xf32, #tpu.memory_space<vmem_shared>> -> memref<5376x128xf32, #tpu.memory_space<vmem_shared>>
    tpu.enqueue_indirect_dma source(%dma_start3A_973 : memref<5376x128xf32, #tpu.memory_space<vmem_shared>>) target(%arg9 : memref<32x128xf32, #tpu.memory_space<vmem>>) offsets(%arg6 : memref<32xi32, #tpu.memory_space<vmem>>) semaphore(%arg12 : memref<!tpu.dma_semaphore, #tpu.memory_space<semaphore_mem>>)
    %scan3A_974 = arith.constant 0 : i32
    %scan3A_975 = arith.constant 1 : i32
    %scan3A_976 = arith.constant 0 : i32
    %scan3A_977 = arith.constant 2 : i32
    %scan3A_978 = arith.addi %scan3A_976, %scan3A_977 : i32
    %scan3A_979 = arith.constant 1 : i32
    scf.for %scan3A_2034 = %scan3A_976 to %scan3A_978 step %scan3A_979  : i32 {
      %mul3A_2035 = arith.constant 16 : i32
      %mul3A_2036 = arith.muli %scan3A_2034, %mul3A_2035 : i32
      %add3A_2037 = vector.broadcast %mul3A_2036 : i32 to vector<16xi32>
      %add3A_2038 = arith.addi %add3A_2037, %iota3A : vector<16xi32>
      %and3A = arith.constant 3 : i32
      %and3A_2039 = vector.broadcast %and3A : i32 to vector<16xi32>
      %and3A_2040 = arith.andi %add3A_2038, %and3A_2039 : vector<16xi32>
      %shift_right_logical3A = arith.constant 2 : i32
      %shift_right_logical3A_2041 = vector.broadcast %shift_right_logical3A : i32 to vector<16xi32>
      %shift_right_logical3A_2042 = arith.shrui %add3A_2038, %shift_right_logical3A_2041 : vector<16xi32>
      %mul3A_2043 = arith.constant 4 : i32
      %mul3A_2044 = arith.muli %scan3A_975, %mul3A_2043 : i32
      %add3A_2045 = vector.broadcast %mul3A_2044 : i32 to vector<16xi32>
      %add3A_2046 = arith.addi %add3A_2045, %and3A_2040 : vector<16xi32>
      %gather3A = tpu.vector_load_idx %arg5[%add3A_2046] : memref<288xi32, #tpu.memory_space<vmem>>[vector<16xi32>], vector<16xi32>,
      %add3A_2047 = vector.broadcast %mul3A_4 : i32 to vector<16xi32>
      %add3A_2048 = arith.addi %add3A_2047, %gather3A : vector<16xi32>
      %mul3A_2049 = arith.constant 7 : i32
      %mul3A_2050 = vector.broadcast %mul3A_2049 : i32 to vector<16xi32>
      %mul3A_2051 = arith.muli %shift_right_logical3A_2042, %mul3A_2050 : vector<16xi32>
      %add3A_2052 = arith.addi %add3A_2048, %mul3A_2051 : vector<16xi32>
      %mul3A_2053 = arith.constant 16 : i32
      %mul3A_2054 = arith.muli %scan3A_2034, %mul3A_2053 : i32
      %swap3A = arith.index_cast %mul3A_2054 : i32 to index
      %swap3A_2055 = tpu.vector_load %arg7[%swap3A] {strides = array<i32>} : memref<32xi32, #tpu.memory_space<vmem>>, vector<16xi32>,
      tpu.vector_store %arg7[%swap3A], %add3A_2052 {strides = array<i32>} : memref<32xi32, #tpu.memory_space<vmem>>, vector<16xi32>,
    }
    %scan3A_980 = arith.constant 2 : i32
    %dma_start3A_981 = arith.constant 0 : i32
    %dma_start3A_982 = arith.constant 0 : i32
    %dma_start3A_983 = tpu.memref_slice %arg19[%dma_start3A_981, %dma_start3A_982] : memref<5376x128xf32, #tpu.memory_space<vmem_shared>> -> memref<5376x128xf32, #tpu.memory_space<vmem_shared>>
    tpu.enqueue_indirect_dma source(%dma_start3A_983 : memref<5376x128xf32, #tpu.memory_space<vmem_shared>>) target(%arg10 : memref<32x128xf32, #tpu.memory_space<vmem>>) offsets(%arg7 : memref<32xi32, #tpu.memory_space<vmem>>) semaphore(%arg13 : memref<!tpu.dma_semaphore, #tpu.memory_space<semaphore_mem>>)
    %scan3A_984 = arith.constant 0 : i32
    %scan3A_985 = arith.constant 2 : i32
    %scan3A_986 = arith.constant 0 : i32
    %scan3A_987 = arith.constant 2 : i32
    %scan3A_988 = arith.addi %scan3A_986, %scan3A_987 : i32
    %scan3A_989 = arith.constant 1 : i32
    scf.for %scan3A_2034 = %scan3A_986 to %scan3A_988 step %scan3A_989  : i32 {
      %mul3A_2035 = arith.constant 16 : i32
      %mul3A_2036 = arith.muli %scan3A_2034, %mul3A_2035 : i32
      %add3A_2037 = vector.broadcast %mul3A_2036 : i32 to vector<16xi32>
      %add3A_2038 = arith.addi %add3A_2037, %iota3A : vector<16xi32>
      %and3A = arith.constant 3 : i32
      %and3A_2039 = vector.broadcast %and3A : i32 to vector<16xi32>
      %and3A_2040 = arith.andi %add3A_2038, %and3A_2039 : vector<16xi32>
      %shift_right_logical3A = arith.constant 2 : i32
      %shift_right_logical3A_2041 = vector.broadcast %shift_right_logical3A : i32 to vector<16xi32>
      %shift_right_logical3A_2042 = arith.shrui %add3A_2038, %shift_right_logical3A_2041 : vector<16xi32>
      %mul3A_2043 = arith.constant 4 : i32
      %mul3A_2044 = arith.muli %scan3A_985, %mul3A_2043 : i32
      %add3A_2045 = vector.broadcast %mul3A_2044 : i32 to vector<16xi32>
      %add3A_2046 = arith.addi %add3A_2045, %and3A_2040 : vector<16xi32>
      %gather3A = tpu.vector_load_idx %arg5[%add3A_2046] : memref<288xi32, #tpu.memory_space<vmem>>[vector<16xi32>], vector<16xi32>,
      %add3A_2047 = vector.broadcast %mul3A_4 : i32 to vector<16xi32>
      %add3A_2048 = arith.addi %add3A_2047, %gather3A : vector<16xi32>
      %mul3A_2049 = arith.constant 7 : i32
      %mul3A_2050 = vector.broadcast %mul3A_2049 : i32 to vector<16xi32>
      %mul3A_2051 = arith.muli %shift_right_logical3A_2042, %mul3A_2050 : vector<16xi32>
      %add3A_2052 = arith.addi %add3A_2048, %mul3A_2051 : vector<16xi32>
      %mul3A_2053 = arith.constant 16 : i32
      %mul3A_2054 = arith.muli %scan3A_2034, %mul3A_2053 : i32
      %swap3A = arith.index_cast %mul3A_2054 : i32 to index
      %swap3A_2055 = tpu.vector_load %arg8[%swap3A] {strides = array<i32>} : memref<32xi32, #tpu.memory_space<vmem>>, vector<16xi32>,
      tpu.vector_store %arg8[%swap3A], %add3A_2052 {strides = array<i32>} : memref<32xi32, #tpu.memory_space<vmem>>, vector<16xi32>,
    }
    %scan3A_990 = arith.constant 2 : i32
    %dma_start3A_991 = arith.constant 0 : i32
    %dma_start3A_992 = arith.constant 0 : i32
    %dma_start3A_993 = tpu.memref_slice %arg19[%dma_start3A_991, %dma_start3A_992] : memref<5376x128xf32, #tpu.memory_space<vmem_shared>> -> memref<5376x128xf32, #tpu.memory_space<vmem_shared>>
    tpu.enqueue_indirect_dma source(%dma_start3A_993 : memref<5376x128xf32, #tpu.memory_space<vmem_shared>>) target(%arg11 : memref<32x128xf32, #tpu.memory_space<vmem>>) offsets(%arg8 : memref<32xi32, #tpu.memory_space<vmem>>) semaphore(%arg14 : memref<!tpu.dma_semaphore, #tpu.memory_space<semaphore_mem>>)
    %scan3A_994 = arith.constant 0 : i32
    %scan3A_995 = arith.constant 0 : i32
    %scan3A_996 = arith.constant 23 : i32
    %scan3A_997 = arith.addi %scan3A_995, %scan3A_996 : i32
    %scan3A_998 = arith.constant 1 : i32
    scf.for %scan3A_2034 = %scan3A_995 to %scan3A_997 step %scan3A_998  : i32 {
      %mul3A_2035 = arith.constant 3 : i32
      %mul3A_2036 = arith.muli %scan3A_2034, %mul3A_2035 : i32
      %add3A_2037 = arith.constant 0 : i32
      %add3A_2038 = arith.addi %mul3A_2036, %add3A_2037 : i32
      %mul3A_2039 = arith.constant 2048 : i32
      %mul3A_2040 = arith.muli %add3A_2038, %mul3A_2039 : i32
      %mul3A_2041 = arith.constant 4 : i32
      %mul3A_2042 = arith.muli %add3A_6, %mul3A_2041 : i32
      %add3A_2043 = arith.addi %mul3A_2040, %mul3A_2042 : i32
      %dma_wait3A_2044 = arith.constant 0 : i32
      %dma_wait3A_2045 = arith.constant 0 : i32
      %dma_wait3A_2046 = tpu.memref_slice %arg19[%dma_wait3A_2044, %dma_wait3A_2045] : memref<5376x128xf32, #tpu.memory_space<vmem_shared>> -> memref<5376x128xf32, #tpu.memory_space<vmem_shared>>
      tpu.wait_indirect_dma semaphore(%arg12 : memref<!tpu.dma_semaphore, #tpu.memory_space<semaphore_mem>>) src(%dma_wait3A_2046 : memref<5376x128xf32, #tpu.memory_space<vmem_shared>>) dst(%arg9 : memref<32x128xf32, #tpu.memory_space<vmem>>)
      %dma_start3A_2047 = arith.constant 0 : i32
      %dma_start3A_2048 = tpu.memref_slice %arg4[%add3A_2043, %dma_start3A_2047] : memref<141312x128xf32, #tpu.memory_space<hbm>> -> memref<32x128xf32, #tpu.memory_space<hbm>>
      %dma_start3A_2049 = arith.constant 0 : i32
      %dma_start3A_2050 = tpu.memref_slice %arg4[%add3A_2043, %dma_start3A_2049] : memref<141312x128xf32, #tpu.memory_space<hbm>> -> memref<32x128xf32, #tpu.memory_space<hbm>>
      tpu.enqueue_dma source(%arg9 : memref<32x128xf32, #tpu.memory_space<vmem>>) target(%dma_start3A_2050 : memref<32x128xf32, #tpu.memory_space<hbm>>) target_semaphore(%arg15 : memref<!tpu.dma_semaphore, #tpu.memory_space<semaphore_mem>>)
      %add3A_2051 = arith.constant 3 : i32
      %add3A_2052 = arith.addi %add3A_2038, %add3A_2051 : i32
      %lt3A = arith.constant 69 : i32
      %lt3A_2053 = arith.cmpi slt, %add3A_2052, %lt3A : i32
      %convert_element_type3A = arith.extui %lt3A_2053 : i1 to i32
      %cond3A = arith.constant 0 : i32
      %cond3A_2054 = arith.cmpi ne, %convert_element_type3A, %cond3A : i32
      scf.if %cond3A_2054 {
        %add3A_2101 = arith.constant 3 : i32
        %add3A_2102 = arith.addi %add3A_2038, %add3A_2101 : i32
        %scan3A_2103 = arith.constant 0 : i32
        %scan3A_2104 = arith.constant 0 : i32
        %scan3A_2105 = arith.constant 2 : i32
        %scan3A_2106 = arith.addi %scan3A_2104, %scan3A_2105 : i32
        %scan3A_2107 = arith.constant 1 : i32
        scf.for %scan3A_2116 = %scan3A_2104 to %scan3A_2106 step %scan3A_2107  : i32 {
          %mul3A_2117 = arith.constant 16 : i32
          %mul3A_2118 = arith.muli %scan3A_2116, %mul3A_2117 : i32
          %add3A_2119 = vector.broadcast %mul3A_2118 : i32 to vector<16xi32>
          %add3A_2120 = arith.addi %add3A_2119, %iota3A : vector<16xi32>
          %and3A = arith.constant 3 : i32
          %and3A_2121 = vector.broadcast %and3A : i32 to vector<16xi32>
          %and3A_2122 = arith.andi %add3A_2120, %and3A_2121 : vector<16xi32>
          %shift_right_logical3A = arith.constant 2 : i32
          %shift_right_logical3A_2123 = vector.broadcast %shift_right_logical3A : i32 to vector<16xi32>
          %shift_right_logical3A_2124 = arith.shrui %add3A_2120, %shift_right_logical3A_2123 : vector<16xi32>
          %mul3A_2125 = arith.constant 4 : i32
          %mul3A_2126 = arith.muli %add3A_2102, %mul3A_2125 : i32
          %add3A_2127 = vector.broadcast %mul3A_2126 : i32 to vector<16xi32>
          %add3A_2128 = arith.addi %add3A_2127, %and3A_2122 : vector<16xi32>
          %gather3A = tpu.vector_load_idx %arg5[%add3A_2128] : memref<288xi32, #tpu.memory_space<vmem>>[vector<16xi32>], vector<16xi32>,
          %add3A_2129 = vector.broadcast %mul3A_4 : i32 to vector<16xi32>
          %add3A_2130 = arith.addi %add3A_2129, %gather3A : vector<16xi32>
          %mul3A_2131 = arith.constant 7 : i32
          %mul3A_2132 = vector.broadcast %mul3A_2131 : i32 to vector<16xi32>
          %mul3A_2133 = arith.muli %shift_right_logical3A_2124, %mul3A_2132 : vector<16xi32>
          %add3A_2134 = arith.addi %add3A_2130, %mul3A_2133 : vector<16xi32>
          %mul3A_2135 = arith.constant 16 : i32
          %mul3A_2136 = arith.muli %scan3A_2116, %mul3A_2135 : i32
          %swap3A = arith.index_cast %mul3A_2136 : i32 to index
          %swap3A_2137 = tpu.vector_load %arg6[%swap3A] {strides = array<i32>} : memref<32xi32, #tpu.memory_space<vmem>>, vector<16xi32>,
          tpu.vector_store %arg6[%swap3A], %add3A_2134 {strides = array<i32>} : memref<32xi32, #tpu.memory_space<vmem>>, vector<16xi32>,
        }
        %scan3A_2108 = arith.constant 2 : i32
        %dma_wait3A_2109 = arith.constant 0 : i32
        %dma_wait3A_2110 = tpu.memref_slice %arg4[%add3A_2043, %dma_wait3A_2109] : memref<141312x128xf32, #tpu.memory_space<hbm>> -> memref<32x128xf32, #tpu.memory_space<hbm>>
        %dma_wait3A_2111 = arith.constant 0 : i32
        %dma_wait3A_2112 = tpu.memref_slice %arg4[%add3A_2043, %dma_wait3A_2111] : memref<141312x128xf32, #tpu.memory_space<hbm>> -> memref<32x128xf32, #tpu.memory_space<hbm>>
        tpu.wait_dma2 semaphore(%arg15 : memref<!tpu.dma_semaphore, #tpu.memory_space<semaphore_mem>>) src(%arg9 : memref<32x128xf32, #tpu.memory_space<vmem>>) dst(%dma_wait3A_2112 : memref<32x128xf32, #tpu.memory_space<hbm>>)
        %dma_start3A_2113 = arith.constant 0 : i32
        %dma_start3A_2114 = arith.constant 0 : i32
        %dma_start3A_2115 = tpu.memref_slice %arg19[%dma_start3A_2113, %dma_start3A_2114] : memref<5376x128xf32, #tpu.memory_space<vmem_shared>> -> memref<5376x128xf32, #tpu.memory_space<vmem_shared>>
        tpu.enqueue_indirect_dma source(%dma_start3A_2115 : memref<5376x128xf32, #tpu.memory_space<vmem_shared>>) target(%arg9 : memref<32x128xf32, #tpu.memory_space<vmem>>) offsets(%arg6 : memref<32xi32, #tpu.memory_space<vmem>>) semaphore(%arg12 : memref<!tpu.dma_semaphore, #tpu.memory_space<semaphore_mem>>)
      } else {
      }
      %mul3A_2055 = arith.constant 3 : i32
      %mul3A_2056 = arith.muli %scan3A_2034, %mul3A_2055 : i32
      %add3A_2057 = arith.constant 1 : i32
      %add3A_2058 = arith.addi %mul3A_2056, %add3A_2057 : i32
      %mul3A_2059 = arith.constant 2048 : i32
      %mul3A_2060 = arith.muli %add3A_2058, %mul3A_2059 : i32
      %mul3A_2061 = arith.constant 4 : i32
      %mul3A_2062 = arith.muli %add3A_6, %mul3A_2061 : i32
      %add3A_2063 = arith.addi %mul3A_2060, %mul3A_2062 : i32
      %dma_wait3A_2064 = arith.constant 0 : i32
      %dma_wait3A_2065 = arith.constant 0 : i32
      %dma_wait3A_2066 = tpu.memref_slice %arg19[%dma_wait3A_2064, %dma_wait3A_2065] : memref<5376x128xf32, #tpu.memory_space<vmem_shared>> -> memref<5376x128xf32, #tpu.memory_space<vmem_shared>>
      tpu.wait_indirect_dma semaphore(%arg13 : memref<!tpu.dma_semaphore, #tpu.memory_space<semaphore_mem>>) src(%dma_wait3A_2066 : memref<5376x128xf32, #tpu.memory_space<vmem_shared>>) dst(%arg10 : memref<32x128xf32, #tpu.memory_space<vmem>>)
      %dma_start3A_2067 = arith.constant 0 : i32
      %dma_start3A_2068 = tpu.memref_slice %arg4[%add3A_2063, %dma_start3A_2067] : memref<141312x128xf32, #tpu.memory_space<hbm>> -> memref<32x128xf32, #tpu.memory_space<hbm>>
      %dma_start3A_2069 = arith.constant 0 : i32
      %dma_start3A_2070 = tpu.memref_slice %arg4[%add3A_2063, %dma_start3A_2069] : memref<141312x128xf32, #tpu.memory_space<hbm>> -> memref<32x128xf32, #tpu.memory_space<hbm>>
      tpu.enqueue_dma source(%arg10 : memref<32x128xf32, #tpu.memory_space<vmem>>) target(%dma_start3A_2070 : memref<32x128xf32, #tpu.memory_space<hbm>>) target_semaphore(%arg16 : memref<!tpu.dma_semaphore, #tpu.memory_space<semaphore_mem>>)
      %add3A_2071 = arith.constant 3 : i32
      %add3A_2072 = arith.addi %add3A_2058, %add3A_2071 : i32
      %lt3A_2073 = arith.constant 69 : i32
      %lt3A_2074 = arith.cmpi slt, %add3A_2072, %lt3A_2073 : i32
      %convert_element_type3A_2075 = arith.extui %lt3A_2074 : i1 to i32
      %cond3A_2076 = arith.constant 0 : i32
      %cond3A_2077 = arith.cmpi ne, %convert_element_type3A_2075, %cond3A_2076 : i32
      scf.if %cond3A_2077 {
        %add3A_2101 = arith.constant 3 : i32
        %add3A_2102 = arith.addi %add3A_2058, %add3A_2101 : i32
        %scan3A_2103 = arith.constant 0 : i32
        %scan3A_2104 = arith.constant 0 : i32
        %scan3A_2105 = arith.constant 2 : i32
        %scan3A_2106 = arith.addi %scan3A_2104, %scan3A_2105 : i32
        %scan3A_2107 = arith.constant 1 : i32
        scf.for %scan3A_2116 = %scan3A_2104 to %scan3A_2106 step %scan3A_2107  : i32 {
          %mul3A_2117 = arith.constant 16 : i32
          %mul3A_2118 = arith.muli %scan3A_2116, %mul3A_2117 : i32
          %add3A_2119 = vector.broadcast %mul3A_2118 : i32 to vector<16xi32>
          %add3A_2120 = arith.addi %add3A_2119, %iota3A : vector<16xi32>
          %and3A = arith.constant 3 : i32
          %and3A_2121 = vector.broadcast %and3A : i32 to vector<16xi32>
          %and3A_2122 = arith.andi %add3A_2120, %and3A_2121 : vector<16xi32>
          %shift_right_logical3A = arith.constant 2 : i32
          %shift_right_logical3A_2123 = vector.broadcast %shift_right_logical3A : i32 to vector<16xi32>
          %shift_right_logical3A_2124 = arith.shrui %add3A_2120, %shift_right_logical3A_2123 : vector<16xi32>
          %mul3A_2125 = arith.constant 4 : i32
          %mul3A_2126 = arith.muli %add3A_2102, %mul3A_2125 : i32
          %add3A_2127 = vector.broadcast %mul3A_2126 : i32 to vector<16xi32>
          %add3A_2128 = arith.addi %add3A_2127, %and3A_2122 : vector<16xi32>
          %gather3A = tpu.vector_load_idx %arg5[%add3A_2128] : memref<288xi32, #tpu.memory_space<vmem>>[vector<16xi32>], vector<16xi32>,
          %add3A_2129 = vector.broadcast %mul3A_4 : i32 to vector<16xi32>
          %add3A_2130 = arith.addi %add3A_2129, %gather3A : vector<16xi32>
          %mul3A_2131 = arith.constant 7 : i32
          %mul3A_2132 = vector.broadcast %mul3A_2131 : i32 to vector<16xi32>
          %mul3A_2133 = arith.muli %shift_right_logical3A_2124, %mul3A_2132 : vector<16xi32>
          %add3A_2134 = arith.addi %add3A_2130, %mul3A_2133 : vector<16xi32>
          %mul3A_2135 = arith.constant 16 : i32
          %mul3A_2136 = arith.muli %scan3A_2116, %mul3A_2135 : i32
          %swap3A = arith.index_cast %mul3A_2136 : i32 to index
          %swap3A_2137 = tpu.vector_load %arg7[%swap3A] {strides = array<i32>} : memref<32xi32, #tpu.memory_space<vmem>>, vector<16xi32>,
          tpu.vector_store %arg7[%swap3A], %add3A_2134 {strides = array<i32>} : memref<32xi32, #tpu.memory_space<vmem>>, vector<16xi32>,
        }
        %scan3A_2108 = arith.constant 2 : i32
        %dma_wait3A_2109 = arith.constant 0 : i32
        %dma_wait3A_2110 = tpu.memref_slice %arg4[%add3A_2063, %dma_wait3A_2109] : memref<141312x128xf32, #tpu.memory_space<hbm>> -> memref<32x128xf32, #tpu.memory_space<hbm>>
        %dma_wait3A_2111 = arith.constant 0 : i32
        %dma_wait3A_2112 = tpu.memref_slice %arg4[%add3A_2063, %dma_wait3A_2111] : memref<141312x128xf32, #tpu.memory_space<hbm>> -> memref<32x128xf32, #tpu.memory_space<hbm>>
        tpu.wait_dma2 semaphore(%arg16 : memref<!tpu.dma_semaphore, #tpu.memory_space<semaphore_mem>>) src(%arg10 : memref<32x128xf32, #tpu.memory_space<vmem>>) dst(%dma_wait3A_2112 : memref<32x128xf32, #tpu.memory_space<hbm>>)
        %dma_start3A_2113 = arith.constant 0 : i32
        %dma_start3A_2114 = arith.constant 0 : i32
        %dma_start3A_2115 = tpu.memref_slice %arg19[%dma_start3A_2113, %dma_start3A_2114] : memref<5376x128xf32, #tpu.memory_space<vmem_shared>> -> memref<5376x128xf32, #tpu.memory_space<vmem_shared>>
        tpu.enqueue_indirect_dma source(%dma_start3A_2115 : memref<5376x128xf32, #tpu.memory_space<vmem_shared>>) target(%arg10 : memref<32x128xf32, #tpu.memory_space<vmem>>) offsets(%arg7 : memref<32xi32, #tpu.memory_space<vmem>>) semaphore(%arg13 : memref<!tpu.dma_semaphore, #tpu.memory_space<semaphore_mem>>)
      } else {
      }
      %mul3A_2078 = arith.constant 3 : i32
      %mul3A_2079 = arith.muli %scan3A_2034, %mul3A_2078 : i32
      %add3A_2080 = arith.constant 2 : i32
      %add3A_2081 = arith.addi %mul3A_2079, %add3A_2080 : i32
      %mul3A_2082 = arith.constant 2048 : i32
      %mul3A_2083 = arith.muli %add3A_2081, %mul3A_2082 : i32
      %mul3A_2084 = arith.constant 4 : i32
      %mul3A_2085 = arith.muli %add3A_6, %mul3A_2084 : i32
      %add3A_2086 = arith.addi %mul3A_2083, %mul3A_2085 : i32
      %dma_wait3A_2087 = arith.constant 0 : i32
      %dma_wait3A_2088 = arith.constant 0 : i32
      %dma_wait3A_2089 = tpu.memref_slice %arg19[%dma_wait3A_2087, %dma_wait3A_2088] : memref<5376x128xf32, #tpu.memory_space<vmem_shared>> -> memref<5376x128xf32, #tpu.memory_space<vmem_shared>>
      tpu.wait_indirect_dma semaphore(%arg14 : memref<!tpu.dma_semaphore, #tpu.memory_space<semaphore_mem>>) src(%dma_wait3A_2089 : memref<5376x128xf32, #tpu.memory_space<vmem_shared>>) dst(%arg11 : memref<32x128xf32, #tpu.memory_space<vmem>>)
      %dma_start3A_2090 = arith.constant 0 : i32
      %dma_start3A_2091 = tpu.memref_slice %arg4[%add3A_2086, %dma_start3A_2090] : memref<141312x128xf32, #tpu.memory_space<hbm>> -> memref<32x128xf32, #tpu.memory_space<hbm>>
      %dma_start3A_2092 = arith.constant 0 : i32
      %dma_start3A_2093 = tpu.memref_slice %arg4[%add3A_2086, %dma_start3A_2092] : memref<141312x128xf32, #tpu.memory_space<hbm>> -> memref<32x128xf32, #tpu.memory_space<hbm>>
      tpu.enqueue_dma source(%arg11 : memref<32x128xf32, #tpu.memory_space<vmem>>) target(%dma_start3A_2093 : memref<32x128xf32, #tpu.memory_space<hbm>>) target_semaphore(%arg17 : memref<!tpu.dma_semaphore, #tpu.memory_space<semaphore_mem>>)
      %add3A_2094 = arith.constant 3 : i32
      %add3A_2095 = arith.addi %add3A_2081, %add3A_2094 : i32
      %lt3A_2096 = arith.constant 69 : i32
      %lt3A_2097 = arith.cmpi slt, %add3A_2095, %lt3A_2096 : i32
      %convert_element_type3A_2098 = arith.extui %lt3A_2097 : i1 to i32
      %cond3A_2099 = arith.constant 0 : i32
      %cond3A_2100 = arith.cmpi ne, %convert_element_type3A_2098, %cond3A_2099 : i32
      scf.if %cond3A_2100 {
        %add3A_2101 = arith.constant 3 : i32
        %add3A_2102 = arith.addi %add3A_2081, %add3A_2101 : i32
        %scan3A_2103 = arith.constant 0 : i32
        %scan3A_2104 = arith.constant 0 : i32
        %scan3A_2105 = arith.constant 2 : i32
        %scan3A_2106 = arith.addi %scan3A_2104, %scan3A_2105 : i32
        %scan3A_2107 = arith.constant 1 : i32
        scf.for %scan3A_2116 = %scan3A_2104 to %scan3A_2106 step %scan3A_2107  : i32 {
          %mul3A_2117 = arith.constant 16 : i32
          %mul3A_2118 = arith.muli %scan3A_2116, %mul3A_2117 : i32
          %add3A_2119 = vector.broadcast %mul3A_2118 : i32 to vector<16xi32>
          %add3A_2120 = arith.addi %add3A_2119, %iota3A : vector<16xi32>
          %and3A = arith.constant 3 : i32
          %and3A_2121 = vector.broadcast %and3A : i32 to vector<16xi32>
          %and3A_2122 = arith.andi %add3A_2120, %and3A_2121 : vector<16xi32>
          %shift_right_logical3A = arith.constant 2 : i32
          %shift_right_logical3A_2123 = vector.broadcast %shift_right_logical3A : i32 to vector<16xi32>
          %shift_right_logical3A_2124 = arith.shrui %add3A_2120, %shift_right_logical3A_2123 : vector<16xi32>
          %mul3A_2125 = arith.constant 4 : i32
          %mul3A_2126 = arith.muli %add3A_2102, %mul3A_2125 : i32
          %add3A_2127 = vector.broadcast %mul3A_2126 : i32 to vector<16xi32>
          %add3A_2128 = arith.addi %add3A_2127, %and3A_2122 : vector<16xi32>
          %gather3A = tpu.vector_load_idx %arg5[%add3A_2128] : memref<288xi32, #tpu.memory_space<vmem>>[vector<16xi32>], vector<16xi32>,
          %add3A_2129 = vector.broadcast %mul3A_4 : i32 to vector<16xi32>
          %add3A_2130 = arith.addi %add3A_2129, %gather3A : vector<16xi32>
          %mul3A_2131 = arith.constant 7 : i32
          %mul3A_2132 = vector.broadcast %mul3A_2131 : i32 to vector<16xi32>
          %mul3A_2133 = arith.muli %shift_right_logical3A_2124, %mul3A_2132 : vector<16xi32>
          %add3A_2134 = arith.addi %add3A_2130, %mul3A_2133 : vector<16xi32>
          %mul3A_2135 = arith.constant 16 : i32
          %mul3A_2136 = arith.muli %scan3A_2116, %mul3A_2135 : i32
          %swap3A = arith.index_cast %mul3A_2136 : i32 to index
          %swap3A_2137 = tpu.vector_load %arg8[%swap3A] {strides = array<i32>} : memref<32xi32, #tpu.memory_space<vmem>>, vector<16xi32>,
          tpu.vector_store %arg8[%swap3A], %add3A_2134 {strides = array<i32>} : memref<32xi32, #tpu.memory_space<vmem>>, vector<16xi32>,
        }
        %scan3A_2108 = arith.constant 2 : i32
        %dma_wait3A_2109 = arith.constant 0 : i32
        %dma_wait3A_2110 = tpu.memref_slice %arg4[%add3A_2086, %dma_wait3A_2109] : memref<141312x128xf32, #tpu.memory_space<hbm>> -> memref<32x128xf32, #tpu.memory_space<hbm>>
        %dma_wait3A_2111 = arith.constant 0 : i32
        %dma_wait3A_2112 = tpu.memref_slice %arg4[%add3A_2086, %dma_wait3A_2111] : memref<141312x128xf32, #tpu.memory_space<hbm>> -> memref<32x128xf32, #tpu.memory_space<hbm>>
        tpu.wait_dma2 semaphore(%arg17 : memref<!tpu.dma_semaphore, #tpu.memory_space<semaphore_mem>>) src(%arg11 : memref<32x128xf32, #tpu.memory_space<vmem>>) dst(%dma_wait3A_2112 : memref<32x128xf32, #tpu.memory_space<hbm>>)
        %dma_start3A_2113 = arith.constant 0 : i32
        %dma_start3A_2114 = arith.constant 0 : i32
        %dma_start3A_2115 = tpu.memref_slice %arg19[%dma_start3A_2113, %dma_start3A_2114] : memref<5376x128xf32, #tpu.memory_space<vmem_shared>> -> memref<5376x128xf32, #tpu.memory_space<vmem_shared>>
        tpu.enqueue_indirect_dma source(%dma_start3A_2115 : memref<5376x128xf32, #tpu.memory_space<vmem_shared>>) target(%arg11 : memref<32x128xf32, #tpu.memory_space<vmem>>) offsets(%arg8 : memref<32xi32, #tpu.memory_space<vmem>>) semaphore(%arg14 : memref<!tpu.dma_semaphore, #tpu.memory_space<semaphore_mem>>)
      } else {
      }
    }
    %scan3A_999 = arith.constant 23 : i32
    %dma_wait3A_1000 = arith.constant 0 : i32
    %dma_wait3A_1001 = arith.constant 0 : i32
    %dma_wait3A_1002 = tpu.memref_slice %arg4[%dma_wait3A_1000, %dma_wait3A_1001] : memref<141312x128xf32, #tpu.memory_space<hbm>> -> memref<32x128xf32, #tpu.memory_space<hbm>>
    %dma_wait3A_1003 = arith.constant 0 : i32
    %dma_wait3A_1004 = arith.constant 0 : i32
    %dma_wait3A_1005 = tpu.memref_slice %arg4[%dma_wait3A_1003, %dma_wait3A_1004] : memref<141312x128xf32, #tpu.memory_space<hbm>> -> memref<32x128xf32, #tpu.memory_space<hbm>>
    tpu.wait_dma2 semaphore(%arg15 : memref<!tpu.dma_semaphore, #tpu.memory_space<semaphore_mem>>) src(%arg9 : memref<32x128xf32, #tpu.memory_space<vmem>>) dst(%dma_wait3A_1005 : memref<32x128xf32, #tpu.memory_space<hbm>>)
    %dma_wait3A_1006 = arith.constant 0 : i32
    %dma_wait3A_1007 = arith.constant 0 : i32
    %dma_wait3A_1008 = tpu.memref_slice %arg4[%dma_wait3A_1006, %dma_wait3A_1007] : memref<141312x128xf32, #tpu.memory_space<hbm>> -> memref<32x128xf32, #tpu.memory_space<hbm>>
    %dma_wait3A_1009 = arith.constant 0 : i32
    %dma_wait3A_1010 = arith.constant 0 : i32
    %dma_wait3A_1011 = tpu.memref_slice %arg4[%dma_wait3A_1009, %dma_wait3A_1010] : memref<141312x128xf32, #tpu.memory_space<hbm>> -> memref<32x128xf32, #tpu.memory_space<hbm>>
    tpu.wait_dma2 semaphore(%arg16 : memref<!tpu.dma_semaphore, #tpu.memory_space<semaphore_mem>>) src(%arg10 : memref<32x128xf32, #tpu.memory_space<vmem>>) dst(%dma_wait3A_1011 : memref<32x128xf32, #tpu.memory_space<hbm>>)
    %dma_wait3A_1012 = arith.constant 0 : i32
    %dma_wait3A_1013 = arith.constant 0 : i32
    %dma_wait3A_1014 = tpu.memref_slice %arg4[%dma_wait3A_1012, %dma_wait3A_1013] : memref<141312x128xf32, #tpu.memory_space<hbm>> -> memref<32x128xf32, #tpu.memory_space<hbm>>
    %dma_wait3A_1015 = arith.constant 0 : i32
    %dma_wait3A_1016 = arith.constant 0 : i32
    %dma_wait3A_1017 = tpu.memref_slice %arg4[%dma_wait3A_1015, %dma_wait3A_1016] : memref<141312x128xf32, #tpu.memory_space<hbm>> -> memref<32x128xf32, #tpu.memory_space<hbm>>
    tpu.wait_dma2 semaphore(%arg17 : memref<!tpu.dma_semaphore, #tpu.memory_space<semaphore_mem>>) src(%arg11 : memref<32x128xf32, #tpu.memory_space<vmem>>) dst(%dma_wait3A_1017 : memref<32x128xf32, #tpu.memory_space<hbm>>)
    %add3A_1018 = arith.constant 8 : i32
    %add3A_1019 = arith.addi %mul3A_2, %add3A_1018 : i32
    %add3A_1020 = arith.constant 0 : i32
    %add3A_1021 = arith.addi %add3A_1019, %add3A_1020 : i32
    %add3A_1022 = arith.constant 0 : i32
    %add3A_1023 = arith.addi %mul3A_4, %add3A_1022 : i32
    %dma_start3A_1024 = arith.constant 0 : i32
    %dma_start3A_1025 = arith.constant 0 : i32
    %dma_start3A_1026 = tpu.memref_slice %arg19[%add3A_1023, %dma_start3A_1025] : memref<5376x128xf32, #tpu.memory_space<vmem_shared>> -> memref<7x128xf32, #tpu.memory_space<vmem_shared>>
    %dma_start3A_1027 = arith.constant 0 : i32
    %dma_start3A_1028 = arith.constant 0 : i32
    %dma_start3A_1029 = tpu.memref_slice %arg2[%dma_start3A_1024, %add3A_1021, %dma_start3A_1027, %dma_start3A_1028] : memref<6x512x7x128xf32, #tpu.memory_space<hbm>> -> memref<1x1x7x128xf32, #tpu.memory_space<hbm>>
    %dma_start3A_1030 = tpu.memref_squeeze %dma_start3A_1029 : memref<1x1x7x128xf32, #tpu.memory_space<hbm>> -> memref<7x128xf32, #tpu.memory_space<hbm>>
    tpu.enqueue_dma source(%dma_start3A_1030 : memref<7x128xf32, #tpu.memory_space<hbm>>) target(%dma_start3A_1026 : memref<7x128xf32, #tpu.memory_space<vmem_shared>>) target_semaphore(%arg18 : memref<!tpu.dma_semaphore, #tpu.memory_space<semaphore_mem>>)
    %add3A_1031 = arith.constant 1 : i32
    %add3A_1032 = arith.addi %add3A_1019, %add3A_1031 : i32
    %add3A_1033 = arith.constant 7 : i32
    %add3A_1034 = arith.addi %mul3A_4, %add3A_1033 : i32
    %dma_start3A_1035 = arith.constant 0 : i32
    %dma_start3A_1036 = arith.constant 0 : i32
    %dma_start3A_1037 = tpu.memref_slice %arg19[%add3A_1034, %dma_start3A_1036] : memref<5376x128xf32, #tpu.memory_space<vmem_shared>> -> memref<7x128xf32, #tpu.memory_space<vmem_shared>>
    %dma_start3A_1038 = arith.constant 0 : i32
    %dma_start3A_1039 = arith.constant 0 : i32
    %dma_start3A_1040 = tpu.memref_slice %arg2[%dma_start3A_1035, %add3A_1032, %dma_start3A_1038, %dma_start3A_1039] : memref<6x512x7x128xf32, #tpu.memory_space<hbm>> -> memref<1x1x7x128xf32, #tpu.memory_space<hbm>>
    %dma_start3A_1041 = tpu.memref_squeeze %dma_start3A_1040 : memref<1x1x7x128xf32, #tpu.memory_space<hbm>> -> memref<7x128xf32, #tpu.memory_space<hbm>>
    tpu.enqueue_dma source(%dma_start3A_1041 : memref<7x128xf32, #tpu.memory_space<hbm>>) target(%dma_start3A_1037 : memref<7x128xf32, #tpu.memory_space<vmem_shared>>) target_semaphore(%arg18 : memref<!tpu.dma_semaphore, #tpu.memory_space<semaphore_mem>>)
    %add3A_1042 = arith.constant 2 : i32
    %add3A_1043 = arith.addi %add3A_1019, %add3A_1042 : i32
    %add3A_1044 = arith.constant 14 : i32
    %add3A_1045 = arith.addi %mul3A_4, %add3A_1044 : i32
    %dma_start3A_1046 = arith.constant 0 : i32
    %dma_start3A_1047 = arith.constant 0 : i32
    %dma_start3A_1048 = tpu.memref_slice %arg19[%add3A_1045, %dma_start3A_1047] : memref<5376x128xf32, #tpu.memory_space<vmem_shared>> -> memref<7x128xf32, #tpu.memory_space<vmem_shared>>
    %dma_start3A_1049 = arith.constant 0 : i32
    %dma_start3A_1050 = arith.constant 0 : i32
    %dma_start3A_1051 = tpu.memref_slice %arg2[%dma_start3A_1046, %add3A_1043, %dma_start3A_1049, %dma_start3A_1050] : memref<6x512x7x128xf32, #tpu.memory_space<hbm>> -> memref<1x1x7x128xf32, #tpu.memory_space<hbm>>
    %dma_start3A_1052 = tpu.memref_squeeze %dma_start3A_1051 : memref<1x1x7x128xf32, #tpu.memory_space<hbm>> -> memref<7x128xf32, #tpu.memory_space<hbm>>
    tpu.enqueue_dma source(%dma_start3A_1052 : memref<7x128xf32, #tpu.memory_space<hbm>>) target(%dma_start3A_1048 : memref<7x128xf32, #tpu.memory_space<vmem_shared>>) target_semaphore(%arg18 : memref<!tpu.dma_semaphore, #tpu.memory_space<semaphore_mem>>)
    %add3A_1053 = arith.constant 3 : i32
    %add3A_1054 = arith.addi %add3A_1019, %add3A_1053 : i32
    %add3A_1055 = arith.constant 21 : i32
    %add3A_1056 = arith.addi %mul3A_4, %add3A_1055 : i32
    %dma_start3A_1057 = arith.constant 0 : i32
    %dma_start3A_1058 = arith.constant 0 : i32
    %dma_start3A_1059 = tpu.memref_slice %arg19[%add3A_1056, %dma_start3A_1058] : memref<5376x128xf32, #tpu.memory_space<vmem_shared>> -> memref<7x128xf32, #tpu.memory_space<vmem_shared>>
    %dma_start3A_1060 = arith.constant 0 : i32
    %dma_start3A_1061 = arith.constant 0 : i32
    %dma_start3A_1062 = tpu.memref_slice %arg2[%dma_start3A_1057, %add3A_1054, %dma_start3A_1060, %dma_start3A_1061] : memref<6x512x7x128xf32, #tpu.memory_space<hbm>> -> memref<1x1x7x128xf32, #tpu.memory_space<hbm>>
    %dma_start3A_1063 = tpu.memref_squeeze %dma_start3A_1062 : memref<1x1x7x128xf32, #tpu.memory_space<hbm>> -> memref<7x128xf32, #tpu.memory_space<hbm>>
    tpu.enqueue_dma source(%dma_start3A_1063 : memref<7x128xf32, #tpu.memory_space<hbm>>) target(%dma_start3A_1059 : memref<7x128xf32, #tpu.memory_space<vmem_shared>>) target_semaphore(%arg18 : memref<!tpu.dma_semaphore, #tpu.memory_space<semaphore_mem>>)
    %add3A_1064 = arith.constant 4 : i32
    %add3A_1065 = arith.addi %add3A_1019, %add3A_1064 : i32
    %add3A_1066 = arith.constant 28 : i32
    %add3A_1067 = arith.addi %mul3A_4, %add3A_1066 : i32
    %dma_start3A_1068 = arith.constant 0 : i32
    %dma_start3A_1069 = arith.constant 0 : i32
    %dma_start3A_1070 = tpu.memref_slice %arg19[%add3A_1067, %dma_start3A_1069] : memref<5376x128xf32, #tpu.memory_space<vmem_shared>> -> memref<7x128xf32, #tpu.memory_space<vmem_shared>>
    %dma_start3A_1071 = arith.constant 0 : i32
    %dma_start3A_1072 = arith.constant 0 : i32
    %dma_start3A_1073 = tpu.memref_slice %arg2[%dma_start3A_1068, %add3A_1065, %dma_start3A_1071, %dma_start3A_1072] : memref<6x512x7x128xf32, #tpu.memory_space<hbm>> -> memref<1x1x7x128xf32, #tpu.memory_space<hbm>>
    %dma_start3A_1074 = tpu.memref_squeeze %dma_start3A_1073 : memref<1x1x7x128xf32, #tpu.memory_space<hbm>> -> memref<7x128xf32, #tpu.memory_space<hbm>>
    tpu.enqueue_dma source(%dma_start3A_1074 : memref<7x128xf32, #tpu.memory_space<hbm>>) target(%dma_start3A_1070 : memref<7x128xf32, #tpu.memory_space<vmem_shared>>) target_semaphore(%arg18 : memref<!tpu.dma_semaphore, #tpu.memory_space<semaphore_mem>>)
    %add3A_1075 = arith.constant 5 : i32
    %add3A_1076 = arith.addi %add3A_1019, %add3A_1075 : i32
    %add3A_1077 = arith.constant 35 : i32
    %add3A_1078 = arith.addi %mul3A_4, %add3A_1077 : i32
    %dma_start3A_1079 = arith.constant 0 : i32
    %dma_start3A_1080 = arith.constant 0 : i32
    %dma_start3A_1081 = tpu.memref_slice %arg19[%add3A_1078, %dma_start3A_1080] : memref<5376x128xf32, #tpu.memory_space<vmem_shared>> -> memref<7x128xf32, #tpu.memory_space<vmem_shared>>
    %dma_start3A_1082 = arith.constant 0 : i32
    %dma_start3A_1083 = arith.constant 0 : i32
    %dma_start3A_1084 = tpu.memref_slice %arg2[%dma_start3A_1079, %add3A_1076, %dma_start3A_1082, %dma_start3A_1083] : memref<6x512x7x128xf32, #tpu.memory_space<hbm>> -> memref<1x1x7x128xf32, #tpu.memory_space<hbm>>
    %dma_start3A_1085 = tpu.memref_squeeze %dma_start3A_1084 : memref<1x1x7x128xf32, #tpu.memory_space<hbm>> -> memref<7x128xf32, #tpu.memory_space<hbm>>
    tpu.enqueue_dma source(%dma_start3A_1085 : memref<7x128xf32, #tpu.memory_space<hbm>>) target(%dma_start3A_1081 : memref<7x128xf32, #tpu.memory_space<vmem_shared>>) target_semaphore(%arg18 : memref<!tpu.dma_semaphore, #tpu.memory_space<semaphore_mem>>)
    %add3A_1086 = arith.constant 6 : i32
    %add3A_1087 = arith.addi %add3A_1019, %add3A_1086 : i32
    %add3A_1088 = arith.constant 42 : i32
    %add3A_1089 = arith.addi %mul3A_4, %add3A_1088 : i32
    %dma_start3A_1090 = arith.constant 0 : i32
    %dma_start3A_1091 = arith.constant 0 : i32
    %dma_start3A_1092 = tpu.memref_slice %arg19[%add3A_1089, %dma_start3A_1091] : memref<5376x128xf32, #tpu.memory_space<vmem_shared>> -> memref<7x128xf32, #tpu.memory_space<vmem_shared>>
    %dma_start3A_1093 = arith.constant 0 : i32
    %dma_start3A_1094 = arith.constant 0 : i32
    %dma_start3A_1095 = tpu.memref_slice %arg2[%dma_start3A_1090, %add3A_1087, %dma_start3A_1093, %dma_start3A_1094] : memref<6x512x7x128xf32, #tpu.memory_space<hbm>> -> memref<1x1x7x128xf32, #tpu.memory_space<hbm>>
    %dma_start3A_1096 = tpu.memref_squeeze %dma_start3A_1095 : memref<1x1x7x128xf32, #tpu.memory_space<hbm>> -> memref<7x128xf32, #tpu.memory_space<hbm>>
    tpu.enqueue_dma source(%dma_start3A_1096 : memref<7x128xf32, #tpu.memory_space<hbm>>) target(%dma_start3A_1092 : memref<7x128xf32, #tpu.memory_space<vmem_shared>>) target_semaphore(%arg18 : memref<!tpu.dma_semaphore, #tpu.memory_space<semaphore_mem>>)
    %add3A_1097 = arith.constant 7 : i32
    %add3A_1098 = arith.addi %add3A_1019, %add3A_1097 : i32
    %add3A_1099 = arith.constant 49 : i32
    %add3A_1100 = arith.addi %mul3A_4, %add3A_1099 : i32
    %dma_start3A_1101 = arith.constant 0 : i32
    %dma_start3A_1102 = arith.constant 0 : i32
    %dma_start3A_1103 = tpu.memref_slice %arg19[%add3A_1100, %dma_start3A_1102] : memref<5376x128xf32, #tpu.memory_space<vmem_shared>> -> memref<7x128xf32, #tpu.memory_space<vmem_shared>>
    %dma_start3A_1104 = arith.constant 0 : i32
    %dma_start3A_1105 = arith.constant 0 : i32
    %dma_start3A_1106 = tpu.memref_slice %arg2[%dma_start3A_1101, %add3A_1098, %dma_start3A_1104, %dma_start3A_1105] : memref<6x512x7x128xf32, #tpu.memory_space<hbm>> -> memref<1x1x7x128xf32, #tpu.memory_space<hbm>>
    %dma_start3A_1107 = tpu.memref_squeeze %dma_start3A_1106 : memref<1x1x7x128xf32, #tpu.memory_space<hbm>> -> memref<7x128xf32, #tpu.memory_space<hbm>>
    tpu.enqueue_dma source(%dma_start3A_1107 : memref<7x128xf32, #tpu.memory_space<hbm>>) target(%dma_start3A_1103 : memref<7x128xf32, #tpu.memory_space<vmem_shared>>) target_semaphore(%arg18 : memref<!tpu.dma_semaphore, #tpu.memory_space<semaphore_mem>>)
    %add3A_1108 = arith.constant 0 : i32
    %add3A_1109 = arith.addi %add3A_1019, %add3A_1108 : i32
    %add3A_1110 = arith.constant 56 : i32
    %add3A_1111 = arith.addi %mul3A_4, %add3A_1110 : i32
    %dma_start3A_1112 = arith.constant 1 : i32
    %dma_start3A_1113 = arith.constant 0 : i32
    %dma_start3A_1114 = tpu.memref_slice %arg19[%add3A_1111, %dma_start3A_1113] : memref<5376x128xf32, #tpu.memory_space<vmem_shared>> -> memref<7x128xf32, #tpu.memory_space<vmem_shared>>
    %dma_start3A_1115 = arith.constant 0 : i32
    %dma_start3A_1116 = arith.constant 0 : i32
    %dma_start3A_1117 = tpu.memref_slice %arg2[%dma_start3A_1112, %add3A_1109, %dma_start3A_1115, %dma_start3A_1116] : memref<6x512x7x128xf32, #tpu.memory_space<hbm>> -> memref<1x1x7x128xf32, #tpu.memory_space<hbm>>
    %dma_start3A_1118 = tpu.memref_squeeze %dma_start3A_1117 : memref<1x1x7x128xf32, #tpu.memory_space<hbm>> -> memref<7x128xf32, #tpu.memory_space<hbm>>
    tpu.enqueue_dma source(%dma_start3A_1118 : memref<7x128xf32, #tpu.memory_space<hbm>>) target(%dma_start3A_1114 : memref<7x128xf32, #tpu.memory_space<vmem_shared>>) target_semaphore(%arg18 : memref<!tpu.dma_semaphore, #tpu.memory_space<semaphore_mem>>)
    %add3A_1119 = arith.constant 1 : i32
    %add3A_1120 = arith.addi %add3A_1019, %add3A_1119 : i32
    %add3A_1121 = arith.constant 63 : i32
    %add3A_1122 = arith.addi %mul3A_4, %add3A_1121 : i32
    %dma_start3A_1123 = arith.constant 1 : i32
    %dma_start3A_1124 = arith.constant 0 : i32
    %dma_start3A_1125 = tpu.memref_slice %arg19[%add3A_1122, %dma_start3A_1124] : memref<5376x128xf32, #tpu.memory_space<vmem_shared>> -> memref<7x128xf32, #tpu.memory_space<vmem_shared>>
    %dma_start3A_1126 = arith.constant 0 : i32
    %dma_start3A_1127 = arith.constant 0 : i32
    %dma_start3A_1128 = tpu.memref_slice %arg2[%dma_start3A_1123, %add3A_1120, %dma_start3A_1126, %dma_start3A_1127] : memref<6x512x7x128xf32, #tpu.memory_space<hbm>> -> memref<1x1x7x128xf32, #tpu.memory_space<hbm>>
    %dma_start3A_1129 = tpu.memref_squeeze %dma_start3A_1128 : memref<1x1x7x128xf32, #tpu.memory_space<hbm>> -> memref<7x128xf32, #tpu.memory_space<hbm>>
    tpu.enqueue_dma source(%dma_start3A_1129 : memref<7x128xf32, #tpu.memory_space<hbm>>) target(%dma_start3A_1125 : memref<7x128xf32, #tpu.memory_space<vmem_shared>>) target_semaphore(%arg18 : memref<!tpu.dma_semaphore, #tpu.memory_space<semaphore_mem>>)
    %add3A_1130 = arith.constant 2 : i32
    %add3A_1131 = arith.addi %add3A_1019, %add3A_1130 : i32
    %add3A_1132 = arith.constant 70 : i32
    %add3A_1133 = arith.addi %mul3A_4, %add3A_1132 : i32
    %dma_start3A_1134 = arith.constant 1 : i32
    %dma_start3A_1135 = arith.constant 0 : i32
    %dma_start3A_1136 = tpu.memref_slice %arg19[%add3A_1133, %dma_start3A_1135] : memref<5376x128xf32, #tpu.memory_space<vmem_shared>> -> memref<7x128xf32, #tpu.memory_space<vmem_shared>>
    %dma_start3A_1137 = arith.constant 0 : i32
    %dma_start3A_1138 = arith.constant 0 : i32
    %dma_start3A_1139 = tpu.memref_slice %arg2[%dma_start3A_1134, %add3A_1131, %dma_start3A_1137, %dma_start3A_1138] : memref<6x512x7x128xf32, #tpu.memory_space<hbm>> -> memref<1x1x7x128xf32, #tpu.memory_space<hbm>>
    %dma_start3A_1140 = tpu.memref_squeeze %dma_start3A_1139 : memref<1x1x7x128xf32, #tpu.memory_space<hbm>> -> memref<7x128xf32, #tpu.memory_space<hbm>>
    tpu.enqueue_dma source(%dma_start3A_1140 : memref<7x128xf32, #tpu.memory_space<hbm>>) target(%dma_start3A_1136 : memref<7x128xf32, #tpu.memory_space<vmem_shared>>) target_semaphore(%arg18 : memref<!tpu.dma_semaphore, #tpu.memory_space<semaphore_mem>>)
    %add3A_1141 = arith.constant 3 : i32
    %add3A_1142 = arith.addi %add3A_1019, %add3A_1141 : i32
    %add3A_1143 = arith.constant 77 : i32
    %add3A_1144 = arith.addi %mul3A_4, %add3A_1143 : i32
    %dma_start3A_1145 = arith.constant 1 : i32
    %dma_start3A_1146 = arith.constant 0 : i32
    %dma_start3A_1147 = tpu.memref_slice %arg19[%add3A_1144, %dma_start3A_1146] : memref<5376x128xf32, #tpu.memory_space<vmem_shared>> -> memref<7x128xf32, #tpu.memory_space<vmem_shared>>
    %dma_start3A_1148 = arith.constant 0 : i32
    %dma_start3A_1149 = arith.constant 0 : i32
    %dma_start3A_1150 = tpu.memref_slice %arg2[%dma_start3A_1145, %add3A_1142, %dma_start3A_1148, %dma_start3A_1149] : memref<6x512x7x128xf32, #tpu.memory_space<hbm>> -> memref<1x1x7x128xf32, #tpu.memory_space<hbm>>
    %dma_start3A_1151 = tpu.memref_squeeze %dma_start3A_1150 : memref<1x1x7x128xf32, #tpu.memory_space<hbm>> -> memref<7x128xf32, #tpu.memory_space<hbm>>
    tpu.enqueue_dma source(%dma_start3A_1151 : memref<7x128xf32, #tpu.memory_space<hbm>>) target(%dma_start3A_1147 : memref<7x128xf32, #tpu.memory_space<vmem_shared>>) target_semaphore(%arg18 : memref<!tpu.dma_semaphore, #tpu.memory_space<semaphore_mem>>)
    %add3A_1152 = arith.constant 4 : i32
    %add3A_1153 = arith.addi %add3A_1019, %add3A_1152 : i32
    %add3A_1154 = arith.constant 84 : i32
    %add3A_1155 = arith.addi %mul3A_4, %add3A_1154 : i32
    %dma_start3A_1156 = arith.constant 1 : i32
    %dma_start3A_1157 = arith.constant 0 : i32
    %dma_start3A_1158 = tpu.memref_slice %arg19[%add3A_1155, %dma_start3A_1157] : memref<5376x128xf32, #tpu.memory_space<vmem_shared>> -> memref<7x128xf32, #tpu.memory_space<vmem_shared>>
    %dma_start3A_1159 = arith.constant 0 : i32
    %dma_start3A_1160 = arith.constant 0 : i32
    %dma_start3A_1161 = tpu.memref_slice %arg2[%dma_start3A_1156, %add3A_1153, %dma_start3A_1159, %dma_start3A_1160] : memref<6x512x7x128xf32, #tpu.memory_space<hbm>> -> memref<1x1x7x128xf32, #tpu.memory_space<hbm>>
    %dma_start3A_1162 = tpu.memref_squeeze %dma_start3A_1161 : memref<1x1x7x128xf32, #tpu.memory_space<hbm>> -> memref<7x128xf32, #tpu.memory_space<hbm>>
    tpu.enqueue_dma source(%dma_start3A_1162 : memref<7x128xf32, #tpu.memory_space<hbm>>) target(%dma_start3A_1158 : memref<7x128xf32, #tpu.memory_space<vmem_shared>>) target_semaphore(%arg18 : memref<!tpu.dma_semaphore, #tpu.memory_space<semaphore_mem>>)
    %add3A_1163 = arith.constant 5 : i32
    %add3A_1164 = arith.addi %add3A_1019, %add3A_1163 : i32
    %add3A_1165 = arith.constant 91 : i32
    %add3A_1166 = arith.addi %mul3A_4, %add3A_1165 : i32
    %dma_start3A_1167 = arith.constant 1 : i32
    %dma_start3A_1168 = arith.constant 0 : i32
    %dma_start3A_1169 = tpu.memref_slice %arg19[%add3A_1166, %dma_start3A_1168] : memref<5376x128xf32, #tpu.memory_space<vmem_shared>> -> memref<7x128xf32, #tpu.memory_space<vmem_shared>>
    %dma_start3A_1170 = arith.constant 0 : i32
    %dma_start3A_1171 = arith.constant 0 : i32
    %dma_start3A_1172 = tpu.memref_slice %arg2[%dma_start3A_1167, %add3A_1164, %dma_start3A_1170, %dma_start3A_1171] : memref<6x512x7x128xf32, #tpu.memory_space<hbm>> -> memref<1x1x7x128xf32, #tpu.memory_space<hbm>>
    %dma_start3A_1173 = tpu.memref_squeeze %dma_start3A_1172 : memref<1x1x7x128xf32, #tpu.memory_space<hbm>> -> memref<7x128xf32, #tpu.memory_space<hbm>>
    tpu.enqueue_dma source(%dma_start3A_1173 : memref<7x128xf32, #tpu.memory_space<hbm>>) target(%dma_start3A_1169 : memref<7x128xf32, #tpu.memory_space<vmem_shared>>) target_semaphore(%arg18 : memref<!tpu.dma_semaphore, #tpu.memory_space<semaphore_mem>>)
    %add3A_1174 = arith.constant 6 : i32
    %add3A_1175 = arith.addi %add3A_1019, %add3A_1174 : i32
    %add3A_1176 = arith.constant 98 : i32
    %add3A_1177 = arith.addi %mul3A_4, %add3A_1176 : i32
    %dma_start3A_1178 = arith.constant 1 : i32
    %dma_start3A_1179 = arith.constant 0 : i32
    %dma_start3A_1180 = tpu.memref_slice %arg19[%add3A_1177, %dma_start3A_1179] : memref<5376x128xf32, #tpu.memory_space<vmem_shared>> -> memref<7x128xf32, #tpu.memory_space<vmem_shared>>
    %dma_start3A_1181 = arith.constant 0 : i32
    %dma_start3A_1182 = arith.constant 0 : i32
    %dma_start3A_1183 = tpu.memref_slice %arg2[%dma_start3A_1178, %add3A_1175, %dma_start3A_1181, %dma_start3A_1182] : memref<6x512x7x128xf32, #tpu.memory_space<hbm>> -> memref<1x1x7x128xf32, #tpu.memory_space<hbm>>
    %dma_start3A_1184 = tpu.memref_squeeze %dma_start3A_1183 : memref<1x1x7x128xf32, #tpu.memory_space<hbm>> -> memref<7x128xf32, #tpu.memory_space<hbm>>
    tpu.enqueue_dma source(%dma_start3A_1184 : memref<7x128xf32, #tpu.memory_space<hbm>>) target(%dma_start3A_1180 : memref<7x128xf32, #tpu.memory_space<vmem_shared>>) target_semaphore(%arg18 : memref<!tpu.dma_semaphore, #tpu.memory_space<semaphore_mem>>)
    %add3A_1185 = arith.constant 7 : i32
    %add3A_1186 = arith.addi %add3A_1019, %add3A_1185 : i32
    %add3A_1187 = arith.constant 105 : i32
    %add3A_1188 = arith.addi %mul3A_4, %add3A_1187 : i32
    %dma_start3A_1189 = arith.constant 1 : i32
    %dma_start3A_1190 = arith.constant 0 : i32
    %dma_start3A_1191 = tpu.memref_slice %arg19[%add3A_1188, %dma_start3A_1190] : memref<5376x128xf32, #tpu.memory_space<vmem_shared>> -> memref<7x128xf32, #tpu.memory_space<vmem_shared>>
    %dma_start3A_1192 = arith.constant 0 : i32
    %dma_start3A_1193 = arith.constant 0 : i32
    %dma_start3A_1194 = tpu.memref_slice %arg2[%dma_start3A_1189, %add3A_1186, %dma_start3A_1192, %dma_start3A_1193] : memref<6x512x7x128xf32, #tpu.memory_space<hbm>> -> memref<1x1x7x128xf32, #tpu.memory_space<hbm>>
    %dma_start3A_1195 = tpu.memref_squeeze %dma_start3A_1194 : memref<1x1x7x128xf32, #tpu.memory_space<hbm>> -> memref<7x128xf32, #tpu.memory_space<hbm>>
    tpu.enqueue_dma source(%dma_start3A_1195 : memref<7x128xf32, #tpu.memory_space<hbm>>) target(%dma_start3A_1191 : memref<7x128xf32, #tpu.memory_space<vmem_shared>>) target_semaphore(%arg18 : memref<!tpu.dma_semaphore, #tpu.memory_space<semaphore_mem>>)
    %add3A_1196 = arith.constant 0 : i32
    %add3A_1197 = arith.addi %add3A_1019, %add3A_1196 : i32
    %add3A_1198 = arith.constant 112 : i32
    %add3A_1199 = arith.addi %mul3A_4, %add3A_1198 : i32
    %dma_start3A_1200 = arith.constant 2 : i32
    %dma_start3A_1201 = arith.constant 0 : i32
    %dma_start3A_1202 = tpu.memref_slice %arg19[%add3A_1199, %dma_start3A_1201] : memref<5376x128xf32, #tpu.memory_space<vmem_shared>> -> memref<7x128xf32, #tpu.memory_space<vmem_shared>>
    %dma_start3A_1203 = arith.constant 0 : i32
    %dma_start3A_1204 = arith.constant 0 : i32
    %dma_start3A_1205 = tpu.memref_slice %arg2[%dma_start3A_1200, %add3A_1197, %dma_start3A_1203, %dma_start3A_1204] : memref<6x512x7x128xf32, #tpu.memory_space<hbm>> -> memref<1x1x7x128xf32, #tpu.memory_space<hbm>>
    %dma_start3A_1206 = tpu.memref_squeeze %dma_start3A_1205 : memref<1x1x7x128xf32, #tpu.memory_space<hbm>> -> memref<7x128xf32, #tpu.memory_space<hbm>>
    tpu.enqueue_dma source(%dma_start3A_1206 : memref<7x128xf32, #tpu.memory_space<hbm>>) target(%dma_start3A_1202 : memref<7x128xf32, #tpu.memory_space<vmem_shared>>) target_semaphore(%arg18 : memref<!tpu.dma_semaphore, #tpu.memory_space<semaphore_mem>>)
    %add3A_1207 = arith.constant 1 : i32
    %add3A_1208 = arith.addi %add3A_1019, %add3A_1207 : i32
    %add3A_1209 = arith.constant 119 : i32
    %add3A_1210 = arith.addi %mul3A_4, %add3A_1209 : i32
    %dma_start3A_1211 = arith.constant 2 : i32
    %dma_start3A_1212 = arith.constant 0 : i32
    %dma_start3A_1213 = tpu.memref_slice %arg19[%add3A_1210, %dma_start3A_1212] : memref<5376x128xf32, #tpu.memory_space<vmem_shared>> -> memref<7x128xf32, #tpu.memory_space<vmem_shared>>
    %dma_start3A_1214 = arith.constant 0 : i32
    %dma_start3A_1215 = arith.constant 0 : i32
    %dma_start3A_1216 = tpu.memref_slice %arg2[%dma_start3A_1211, %add3A_1208, %dma_start3A_1214, %dma_start3A_1215] : memref<6x512x7x128xf32, #tpu.memory_space<hbm>> -> memref<1x1x7x128xf32, #tpu.memory_space<hbm>>
    %dma_start3A_1217 = tpu.memref_squeeze %dma_start3A_1216 : memref<1x1x7x128xf32, #tpu.memory_space<hbm>> -> memref<7x128xf32, #tpu.memory_space<hbm>>
    tpu.enqueue_dma source(%dma_start3A_1217 : memref<7x128xf32, #tpu.memory_space<hbm>>) target(%dma_start3A_1213 : memref<7x128xf32, #tpu.memory_space<vmem_shared>>) target_semaphore(%arg18 : memref<!tpu.dma_semaphore, #tpu.memory_space<semaphore_mem>>)
    %add3A_1218 = arith.constant 2 : i32
    %add3A_1219 = arith.addi %add3A_1019, %add3A_1218 : i32
    %add3A_1220 = arith.constant 126 : i32
    %add3A_1221 = arith.addi %mul3A_4, %add3A_1220 : i32
    %dma_start3A_1222 = arith.constant 2 : i32
    %dma_start3A_1223 = arith.constant 0 : i32
    %dma_start3A_1224 = tpu.memref_slice %arg19[%add3A_1221, %dma_start3A_1223] : memref<5376x128xf32, #tpu.memory_space<vmem_shared>> -> memref<7x128xf32, #tpu.memory_space<vmem_shared>>
    %dma_start3A_1225 = arith.constant 0 : i32
    %dma_start3A_1226 = arith.constant 0 : i32
    %dma_start3A_1227 = tpu.memref_slice %arg2[%dma_start3A_1222, %add3A_1219, %dma_start3A_1225, %dma_start3A_1226] : memref<6x512x7x128xf32, #tpu.memory_space<hbm>> -> memref<1x1x7x128xf32, #tpu.memory_space<hbm>>
    %dma_start3A_1228 = tpu.memref_squeeze %dma_start3A_1227 : memref<1x1x7x128xf32, #tpu.memory_space<hbm>> -> memref<7x128xf32, #tpu.memory_space<hbm>>
    tpu.enqueue_dma source(%dma_start3A_1228 : memref<7x128xf32, #tpu.memory_space<hbm>>) target(%dma_start3A_1224 : memref<7x128xf32, #tpu.memory_space<vmem_shared>>) target_semaphore(%arg18 : memref<!tpu.dma_semaphore, #tpu.memory_space<semaphore_mem>>)
    %add3A_1229 = arith.constant 3 : i32
    %add3A_1230 = arith.addi %add3A_1019, %add3A_1229 : i32
    %add3A_1231 = arith.constant 133 : i32
    %add3A_1232 = arith.addi %mul3A_4, %add3A_1231 : i32
    %dma_start3A_1233 = arith.constant 2 : i32
    %dma_start3A_1234 = arith.constant 0 : i32
    %dma_start3A_1235 = tpu.memref_slice %arg19[%add3A_1232, %dma_start3A_1234] : memref<5376x128xf32, #tpu.memory_space<vmem_shared>> -> memref<7x128xf32, #tpu.memory_space<vmem_shared>>
    %dma_start3A_1236 = arith.constant 0 : i32
    %dma_start3A_1237 = arith.constant 0 : i32
    %dma_start3A_1238 = tpu.memref_slice %arg2[%dma_start3A_1233, %add3A_1230, %dma_start3A_1236, %dma_start3A_1237] : memref<6x512x7x128xf32, #tpu.memory_space<hbm>> -> memref<1x1x7x128xf32, #tpu.memory_space<hbm>>
    %dma_start3A_1239 = tpu.memref_squeeze %dma_start3A_1238 : memref<1x1x7x128xf32, #tpu.memory_space<hbm>> -> memref<7x128xf32, #tpu.memory_space<hbm>>
    tpu.enqueue_dma source(%dma_start3A_1239 : memref<7x128xf32, #tpu.memory_space<hbm>>) target(%dma_start3A_1235 : memref<7x128xf32, #tpu.memory_space<vmem_shared>>) target_semaphore(%arg18 : memref<!tpu.dma_semaphore, #tpu.memory_space<semaphore_mem>>)
    %add3A_1240 = arith.constant 4 : i32
    %add3A_1241 = arith.addi %add3A_1019, %add3A_1240 : i32
    %add3A_1242 = arith.constant 140 : i32
    %add3A_1243 = arith.addi %mul3A_4, %add3A_1242 : i32
    %dma_start3A_1244 = arith.constant 2 : i32
    %dma_start3A_1245 = arith.constant 0 : i32
    %dma_start3A_1246 = tpu.memref_slice %arg19[%add3A_1243, %dma_start3A_1245] : memref<5376x128xf32, #tpu.memory_space<vmem_shared>> -> memref<7x128xf32, #tpu.memory_space<vmem_shared>>
    %dma_start3A_1247 = arith.constant 0 : i32
    %dma_start3A_1248 = arith.constant 0 : i32
    %dma_start3A_1249 = tpu.memref_slice %arg2[%dma_start3A_1244, %add3A_1241, %dma_start3A_1247, %dma_start3A_1248] : memref<6x512x7x128xf32, #tpu.memory_space<hbm>> -> memref<1x1x7x128xf32, #tpu.memory_space<hbm>>
    %dma_start3A_1250 = tpu.memref_squeeze %dma_start3A_1249 : memref<1x1x7x128xf32, #tpu.memory_space<hbm>> -> memref<7x128xf32, #tpu.memory_space<hbm>>
    tpu.enqueue_dma source(%dma_start3A_1250 : memref<7x128xf32, #tpu.memory_space<hbm>>) target(%dma_start3A_1246 : memref<7x128xf32, #tpu.memory_space<vmem_shared>>) target_semaphore(%arg18 : memref<!tpu.dma_semaphore, #tpu.memory_space<semaphore_mem>>)
    %add3A_1251 = arith.constant 5 : i32
    %add3A_1252 = arith.addi %add3A_1019, %add3A_1251 : i32
    %add3A_1253 = arith.constant 147 : i32
    %add3A_1254 = arith.addi %mul3A_4, %add3A_1253 : i32
    %dma_start3A_1255 = arith.constant 2 : i32
    %dma_start3A_1256 = arith.constant 0 : i32
    %dma_start3A_1257 = tpu.memref_slice %arg19[%add3A_1254, %dma_start3A_1256] : memref<5376x128xf32, #tpu.memory_space<vmem_shared>> -> memref<7x128xf32, #tpu.memory_space<vmem_shared>>
    %dma_start3A_1258 = arith.constant 0 : i32
    %dma_start3A_1259 = arith.constant 0 : i32
    %dma_start3A_1260 = tpu.memref_slice %arg2[%dma_start3A_1255, %add3A_1252, %dma_start3A_1258, %dma_start3A_1259] : memref<6x512x7x128xf32, #tpu.memory_space<hbm>> -> memref<1x1x7x128xf32, #tpu.memory_space<hbm>>
    %dma_start3A_1261 = tpu.memref_squeeze %dma_start3A_1260 : memref<1x1x7x128xf32, #tpu.memory_space<hbm>> -> memref<7x128xf32, #tpu.memory_space<hbm>>
    tpu.enqueue_dma source(%dma_start3A_1261 : memref<7x128xf32, #tpu.memory_space<hbm>>) target(%dma_start3A_1257 : memref<7x128xf32, #tpu.memory_space<vmem_shared>>) target_semaphore(%arg18 : memref<!tpu.dma_semaphore, #tpu.memory_space<semaphore_mem>>)
    %add3A_1262 = arith.constant 6 : i32
    %add3A_1263 = arith.addi %add3A_1019, %add3A_1262 : i32
    %add3A_1264 = arith.constant 154 : i32
    %add3A_1265 = arith.addi %mul3A_4, %add3A_1264 : i32
    %dma_start3A_1266 = arith.constant 2 : i32
    %dma_start3A_1267 = arith.constant 0 : i32
    %dma_start3A_1268 = tpu.memref_slice %arg19[%add3A_1265, %dma_start3A_1267] : memref<5376x128xf32, #tpu.memory_space<vmem_shared>> -> memref<7x128xf32, #tpu.memory_space<vmem_shared>>
    %dma_start3A_1269 = arith.constant 0 : i32
    %dma_start3A_1270 = arith.constant 0 : i32
    %dma_start3A_1271 = tpu.memref_slice %arg2[%dma_start3A_1266, %add3A_1263, %dma_start3A_1269, %dma_start3A_1270] : memref<6x512x7x128xf32, #tpu.memory_space<hbm>> -> memref<1x1x7x128xf32, #tpu.memory_space<hbm>>
    %dma_start3A_1272 = tpu.memref_squeeze %dma_start3A_1271 : memref<1x1x7x128xf32, #tpu.memory_space<hbm>> -> memref<7x128xf32, #tpu.memory_space<hbm>>
    tpu.enqueue_dma source(%dma_start3A_1272 : memref<7x128xf32, #tpu.memory_space<hbm>>) target(%dma_start3A_1268 : memref<7x128xf32, #tpu.memory_space<vmem_shared>>) target_semaphore(%arg18 : memref<!tpu.dma_semaphore, #tpu.memory_space<semaphore_mem>>)
    %add3A_1273 = arith.constant 7 : i32
    %add3A_1274 = arith.addi %add3A_1019, %add3A_1273 : i32
    %add3A_1275 = arith.constant 161 : i32
    %add3A_1276 = arith.addi %mul3A_4, %add3A_1275 : i32
    %dma_start3A_1277 = arith.constant 2 : i32
    %dma_start3A_1278 = arith.constant 0 : i32
    %dma_start3A_1279 = tpu.memref_slice %arg19[%add3A_1276, %dma_start3A_1278] : memref<5376x128xf32, #tpu.memory_space<vmem_shared>> -> memref<7x128xf32, #tpu.memory_space<vmem_shared>>
    %dma_start3A_1280 = arith.constant 0 : i32
    %dma_start3A_1281 = arith.constant 0 : i32
    %dma_start3A_1282 = tpu.memref_slice %arg2[%dma_start3A_1277, %add3A_1274, %dma_start3A_1280, %dma_start3A_1281] : memref<6x512x7x128xf32, #tpu.memory_space<hbm>> -> memref<1x1x7x128xf32, #tpu.memory_space<hbm>>
    %dma_start3A_1283 = tpu.memref_squeeze %dma_start3A_1282 : memref<1x1x7x128xf32, #tpu.memory_space<hbm>> -> memref<7x128xf32, #tpu.memory_space<hbm>>
    tpu.enqueue_dma source(%dma_start3A_1283 : memref<7x128xf32, #tpu.memory_space<hbm>>) target(%dma_start3A_1279 : memref<7x128xf32, #tpu.memory_space<vmem_shared>>) target_semaphore(%arg18 : memref<!tpu.dma_semaphore, #tpu.memory_space<semaphore_mem>>)
    %add3A_1284 = arith.constant 0 : i32
    %add3A_1285 = arith.addi %add3A_1019, %add3A_1284 : i32
    %add3A_1286 = arith.constant 168 : i32
    %add3A_1287 = arith.addi %mul3A_4, %add3A_1286 : i32
    %dma_start3A_1288 = arith.constant 3 : i32
    %dma_start3A_1289 = arith.constant 0 : i32
    %dma_start3A_1290 = tpu.memref_slice %arg19[%add3A_1287, %dma_start3A_1289] : memref<5376x128xf32, #tpu.memory_space<vmem_shared>> -> memref<7x128xf32, #tpu.memory_space<vmem_shared>>
    %dma_start3A_1291 = arith.constant 0 : i32
    %dma_start3A_1292 = arith.constant 0 : i32
    %dma_start3A_1293 = tpu.memref_slice %arg2[%dma_start3A_1288, %add3A_1285, %dma_start3A_1291, %dma_start3A_1292] : memref<6x512x7x128xf32, #tpu.memory_space<hbm>> -> memref<1x1x7x128xf32, #tpu.memory_space<hbm>>
    %dma_start3A_1294 = tpu.memref_squeeze %dma_start3A_1293 : memref<1x1x7x128xf32, #tpu.memory_space<hbm>> -> memref<7x128xf32, #tpu.memory_space<hbm>>
    tpu.enqueue_dma source(%dma_start3A_1294 : memref<7x128xf32, #tpu.memory_space<hbm>>) target(%dma_start3A_1290 : memref<7x128xf32, #tpu.memory_space<vmem_shared>>) target_semaphore(%arg18 : memref<!tpu.dma_semaphore, #tpu.memory_space<semaphore_mem>>)
    %add3A_1295 = arith.constant 1 : i32
    %add3A_1296 = arith.addi %add3A_1019, %add3A_1295 : i32
    %add3A_1297 = arith.constant 175 : i32
    %add3A_1298 = arith.addi %mul3A_4, %add3A_1297 : i32
    %dma_start3A_1299 = arith.constant 3 : i32
    %dma_start3A_1300 = arith.constant 0 : i32
    %dma_start3A_1301 = tpu.memref_slice %arg19[%add3A_1298, %dma_start3A_1300] : memref<5376x128xf32, #tpu.memory_space<vmem_shared>> -> memref<7x128xf32, #tpu.memory_space<vmem_shared>>
    %dma_start3A_1302 = arith.constant 0 : i32
    %dma_start3A_1303 = arith.constant 0 : i32
    %dma_start3A_1304 = tpu.memref_slice %arg2[%dma_start3A_1299, %add3A_1296, %dma_start3A_1302, %dma_start3A_1303] : memref<6x512x7x128xf32, #tpu.memory_space<hbm>> -> memref<1x1x7x128xf32, #tpu.memory_space<hbm>>
    %dma_start3A_1305 = tpu.memref_squeeze %dma_start3A_1304 : memref<1x1x7x128xf32, #tpu.memory_space<hbm>> -> memref<7x128xf32, #tpu.memory_space<hbm>>
    tpu.enqueue_dma source(%dma_start3A_1305 : memref<7x128xf32, #tpu.memory_space<hbm>>) target(%dma_start3A_1301 : memref<7x128xf32, #tpu.memory_space<vmem_shared>>) target_semaphore(%arg18 : memref<!tpu.dma_semaphore, #tpu.memory_space<semaphore_mem>>)
    %add3A_1306 = arith.constant 2 : i32
    %add3A_1307 = arith.addi %add3A_1019, %add3A_1306 : i32
    %add3A_1308 = arith.constant 182 : i32
    %add3A_1309 = arith.addi %mul3A_4, %add3A_1308 : i32
    %dma_start3A_1310 = arith.constant 3 : i32
    %dma_start3A_1311 = arith.constant 0 : i32
    %dma_start3A_1312 = tpu.memref_slice %arg19[%add3A_1309, %dma_start3A_1311] : memref<5376x128xf32, #tpu.memory_space<vmem_shared>> -> memref<7x128xf32, #tpu.memory_space<vmem_shared>>
    %dma_start3A_1313 = arith.constant 0 : i32
    %dma_start3A_1314 = arith.constant 0 : i32
    %dma_start3A_1315 = tpu.memref_slice %arg2[%dma_start3A_1310, %add3A_1307, %dma_start3A_1313, %dma_start3A_1314] : memref<6x512x7x128xf32, #tpu.memory_space<hbm>> -> memref<1x1x7x128xf32, #tpu.memory_space<hbm>>
    %dma_start3A_1316 = tpu.memref_squeeze %dma_start3A_1315 : memref<1x1x7x128xf32, #tpu.memory_space<hbm>> -> memref<7x128xf32, #tpu.memory_space<hbm>>
    tpu.enqueue_dma source(%dma_start3A_1316 : memref<7x128xf32, #tpu.memory_space<hbm>>) target(%dma_start3A_1312 : memref<7x128xf32, #tpu.memory_space<vmem_shared>>) target_semaphore(%arg18 : memref<!tpu.dma_semaphore, #tpu.memory_space<semaphore_mem>>)
    %add3A_1317 = arith.constant 3 : i32
    %add3A_1318 = arith.addi %add3A_1019, %add3A_1317 : i32
    %add3A_1319 = arith.constant 189 : i32
    %add3A_1320 = arith.addi %mul3A_4, %add3A_1319 : i32
    %dma_start3A_1321 = arith.constant 3 : i32
    %dma_start3A_1322 = arith.constant 0 : i32
    %dma_start3A_1323 = tpu.memref_slice %arg19[%add3A_1320, %dma_start3A_1322] : memref<5376x128xf32, #tpu.memory_space<vmem_shared>> -> memref<7x128xf32, #tpu.memory_space<vmem_shared>>
    %dma_start3A_1324 = arith.constant 0 : i32
    %dma_start3A_1325 = arith.constant 0 : i32
    %dma_start3A_1326 = tpu.memref_slice %arg2[%dma_start3A_1321, %add3A_1318, %dma_start3A_1324, %dma_start3A_1325] : memref<6x512x7x128xf32, #tpu.memory_space<hbm>> -> memref<1x1x7x128xf32, #tpu.memory_space<hbm>>
    %dma_start3A_1327 = tpu.memref_squeeze %dma_start3A_1326 : memref<1x1x7x128xf32, #tpu.memory_space<hbm>> -> memref<7x128xf32, #tpu.memory_space<hbm>>
    tpu.enqueue_dma source(%dma_start3A_1327 : memref<7x128xf32, #tpu.memory_space<hbm>>) target(%dma_start3A_1323 : memref<7x128xf32, #tpu.memory_space<vmem_shared>>) target_semaphore(%arg18 : memref<!tpu.dma_semaphore, #tpu.memory_space<semaphore_mem>>)
    %add3A_1328 = arith.constant 4 : i32
    %add3A_1329 = arith.addi %add3A_1019, %add3A_1328 : i32
    %add3A_1330 = arith.constant 196 : i32
    %add3A_1331 = arith.addi %mul3A_4, %add3A_1330 : i32
    %dma_start3A_1332 = arith.constant 3 : i32
    %dma_start3A_1333 = arith.constant 0 : i32
    %dma_start3A_1334 = tpu.memref_slice %arg19[%add3A_1331, %dma_start3A_1333] : memref<5376x128xf32, #tpu.memory_space<vmem_shared>> -> memref<7x128xf32, #tpu.memory_space<vmem_shared>>
    %dma_start3A_1335 = arith.constant 0 : i32
    %dma_start3A_1336 = arith.constant 0 : i32
    %dma_start3A_1337 = tpu.memref_slice %arg2[%dma_start3A_1332, %add3A_1329, %dma_start3A_1335, %dma_start3A_1336] : memref<6x512x7x128xf32, #tpu.memory_space<hbm>> -> memref<1x1x7x128xf32, #tpu.memory_space<hbm>>
    %dma_start3A_1338 = tpu.memref_squeeze %dma_start3A_1337 : memref<1x1x7x128xf32, #tpu.memory_space<hbm>> -> memref<7x128xf32, #tpu.memory_space<hbm>>
    tpu.enqueue_dma source(%dma_start3A_1338 : memref<7x128xf32, #tpu.memory_space<hbm>>) target(%dma_start3A_1334 : memref<7x128xf32, #tpu.memory_space<vmem_shared>>) target_semaphore(%arg18 : memref<!tpu.dma_semaphore, #tpu.memory_space<semaphore_mem>>)
    %add3A_1339 = arith.constant 5 : i32
    %add3A_1340 = arith.addi %add3A_1019, %add3A_1339 : i32
    %add3A_1341 = arith.constant 203 : i32
    %add3A_1342 = arith.addi %mul3A_4, %add3A_1341 : i32
    %dma_start3A_1343 = arith.constant 3 : i32
    %dma_start3A_1344 = arith.constant 0 : i32
    %dma_start3A_1345 = tpu.memref_slice %arg19[%add3A_1342, %dma_start3A_1344] : memref<5376x128xf32, #tpu.memory_space<vmem_shared>> -> memref<7x128xf32, #tpu.memory_space<vmem_shared>>
    %dma_start3A_1346 = arith.constant 0 : i32
    %dma_start3A_1347 = arith.constant 0 : i32
    %dma_start3A_1348 = tpu.memref_slice %arg2[%dma_start3A_1343, %add3A_1340, %dma_start3A_1346, %dma_start3A_1347] : memref<6x512x7x128xf32, #tpu.memory_space<hbm>> -> memref<1x1x7x128xf32, #tpu.memory_space<hbm>>
    %dma_start3A_1349 = tpu.memref_squeeze %dma_start3A_1348 : memref<1x1x7x128xf32, #tpu.memory_space<hbm>> -> memref<7x128xf32, #tpu.memory_space<hbm>>
    tpu.enqueue_dma source(%dma_start3A_1349 : memref<7x128xf32, #tpu.memory_space<hbm>>) target(%dma_start3A_1345 : memref<7x128xf32, #tpu.memory_space<vmem_shared>>) target_semaphore(%arg18 : memref<!tpu.dma_semaphore, #tpu.memory_space<semaphore_mem>>)
    %add3A_1350 = arith.constant 6 : i32
    %add3A_1351 = arith.addi %add3A_1019, %add3A_1350 : i32
    %add3A_1352 = arith.constant 210 : i32
    %add3A_1353 = arith.addi %mul3A_4, %add3A_1352 : i32
    %dma_start3A_1354 = arith.constant 3 : i32
    %dma_start3A_1355 = arith.constant 0 : i32
    %dma_start3A_1356 = tpu.memref_slice %arg19[%add3A_1353, %dma_start3A_1355] : memref<5376x128xf32, #tpu.memory_space<vmem_shared>> -> memref<7x128xf32, #tpu.memory_space<vmem_shared>>
    %dma_start3A_1357 = arith.constant 0 : i32
    %dma_start3A_1358 = arith.constant 0 : i32
    %dma_start3A_1359 = tpu.memref_slice %arg2[%dma_start3A_1354, %add3A_1351, %dma_start3A_1357, %dma_start3A_1358] : memref<6x512x7x128xf32, #tpu.memory_space<hbm>> -> memref<1x1x7x128xf32, #tpu.memory_space<hbm>>
    %dma_start3A_1360 = tpu.memref_squeeze %dma_start3A_1359 : memref<1x1x7x128xf32, #tpu.memory_space<hbm>> -> memref<7x128xf32, #tpu.memory_space<hbm>>
    tpu.enqueue_dma source(%dma_start3A_1360 : memref<7x128xf32, #tpu.memory_space<hbm>>) target(%dma_start3A_1356 : memref<7x128xf32, #tpu.memory_space<vmem_shared>>) target_semaphore(%arg18 : memref<!tpu.dma_semaphore, #tpu.memory_space<semaphore_mem>>)
    %add3A_1361 = arith.constant 7 : i32
    %add3A_1362 = arith.addi %add3A_1019, %add3A_1361 : i32
    %add3A_1363 = arith.constant 217 : i32
    %add3A_1364 = arith.addi %mul3A_4, %add3A_1363 : i32
    %dma_start3A_1365 = arith.constant 3 : i32
    %dma_start3A_1366 = arith.constant 0 : i32
    %dma_start3A_1367 = tpu.memref_slice %arg19[%add3A_1364, %dma_start3A_1366] : memref<5376x128xf32, #tpu.memory_space<vmem_shared>> -> memref<7x128xf32, #tpu.memory_space<vmem_shared>>
    %dma_start3A_1368 = arith.constant 0 : i32
    %dma_start3A_1369 = arith.constant 0 : i32
    %dma_start3A_1370 = tpu.memref_slice %arg2[%dma_start3A_1365, %add3A_1362, %dma_start3A_1368, %dma_start3A_1369] : memref<6x512x7x128xf32, #tpu.memory_space<hbm>> -> memref<1x1x7x128xf32, #tpu.memory_space<hbm>>
    %dma_start3A_1371 = tpu.memref_squeeze %dma_start3A_1370 : memref<1x1x7x128xf32, #tpu.memory_space<hbm>> -> memref<7x128xf32, #tpu.memory_space<hbm>>
    tpu.enqueue_dma source(%dma_start3A_1371 : memref<7x128xf32, #tpu.memory_space<hbm>>) target(%dma_start3A_1367 : memref<7x128xf32, #tpu.memory_space<vmem_shared>>) target_semaphore(%arg18 : memref<!tpu.dma_semaphore, #tpu.memory_space<semaphore_mem>>)
    %add3A_1372 = arith.constant 0 : i32
    %add3A_1373 = arith.addi %add3A_1019, %add3A_1372 : i32
    %add3A_1374 = arith.constant 224 : i32
    %add3A_1375 = arith.addi %mul3A_4, %add3A_1374 : i32
    %dma_start3A_1376 = arith.constant 4 : i32
    %dma_start3A_1377 = arith.constant 0 : i32
    %dma_start3A_1378 = tpu.memref_slice %arg19[%add3A_1375, %dma_start3A_1377] : memref<5376x128xf32, #tpu.memory_space<vmem_shared>> -> memref<7x128xf32, #tpu.memory_space<vmem_shared>>
    %dma_start3A_1379 = arith.constant 0 : i32
    %dma_start3A_1380 = arith.constant 0 : i32
    %dma_start3A_1381 = tpu.memref_slice %arg2[%dma_start3A_1376, %add3A_1373, %dma_start3A_1379, %dma_start3A_1380] : memref<6x512x7x128xf32, #tpu.memory_space<hbm>> -> memref<1x1x7x128xf32, #tpu.memory_space<hbm>>
    %dma_start3A_1382 = tpu.memref_squeeze %dma_start3A_1381 : memref<1x1x7x128xf32, #tpu.memory_space<hbm>> -> memref<7x128xf32, #tpu.memory_space<hbm>>
    tpu.enqueue_dma source(%dma_start3A_1382 : memref<7x128xf32, #tpu.memory_space<hbm>>) target(%dma_start3A_1378 : memref<7x128xf32, #tpu.memory_space<vmem_shared>>) target_semaphore(%arg18 : memref<!tpu.dma_semaphore, #tpu.memory_space<semaphore_mem>>)
    %add3A_1383 = arith.constant 1 : i32
    %add3A_1384 = arith.addi %add3A_1019, %add3A_1383 : i32
    %add3A_1385 = arith.constant 231 : i32
    %add3A_1386 = arith.addi %mul3A_4, %add3A_1385 : i32
    %dma_start3A_1387 = arith.constant 4 : i32
    %dma_start3A_1388 = arith.constant 0 : i32
    %dma_start3A_1389 = tpu.memref_slice %arg19[%add3A_1386, %dma_start3A_1388] : memref<5376x128xf32, #tpu.memory_space<vmem_shared>> -> memref<7x128xf32, #tpu.memory_space<vmem_shared>>
    %dma_start3A_1390 = arith.constant 0 : i32
    %dma_start3A_1391 = arith.constant 0 : i32
    %dma_start3A_1392 = tpu.memref_slice %arg2[%dma_start3A_1387, %add3A_1384, %dma_start3A_1390, %dma_start3A_1391] : memref<6x512x7x128xf32, #tpu.memory_space<hbm>> -> memref<1x1x7x128xf32, #tpu.memory_space<hbm>>
    %dma_start3A_1393 = tpu.memref_squeeze %dma_start3A_1392 : memref<1x1x7x128xf32, #tpu.memory_space<hbm>> -> memref<7x128xf32, #tpu.memory_space<hbm>>
    tpu.enqueue_dma source(%dma_start3A_1393 : memref<7x128xf32, #tpu.memory_space<hbm>>) target(%dma_start3A_1389 : memref<7x128xf32, #tpu.memory_space<vmem_shared>>) target_semaphore(%arg18 : memref<!tpu.dma_semaphore, #tpu.memory_space<semaphore_mem>>)
    %add3A_1394 = arith.constant 2 : i32
    %add3A_1395 = arith.addi %add3A_1019, %add3A_1394 : i32
    %add3A_1396 = arith.constant 238 : i32
    %add3A_1397 = arith.addi %mul3A_4, %add3A_1396 : i32
    %dma_start3A_1398 = arith.constant 4 : i32
    %dma_start3A_1399 = arith.constant 0 : i32
    %dma_start3A_1400 = tpu.memref_slice %arg19[%add3A_1397, %dma_start3A_1399] : memref<5376x128xf32, #tpu.memory_space<vmem_shared>> -> memref<7x128xf32, #tpu.memory_space<vmem_shared>>
    %dma_start3A_1401 = arith.constant 0 : i32
    %dma_start3A_1402 = arith.constant 0 : i32
    %dma_start3A_1403 = tpu.memref_slice %arg2[%dma_start3A_1398, %add3A_1395, %dma_start3A_1401, %dma_start3A_1402] : memref<6x512x7x128xf32, #tpu.memory_space<hbm>> -> memref<1x1x7x128xf32, #tpu.memory_space<hbm>>
    %dma_start3A_1404 = tpu.memref_squeeze %dma_start3A_1403 : memref<1x1x7x128xf32, #tpu.memory_space<hbm>> -> memref<7x128xf32, #tpu.memory_space<hbm>>
    tpu.enqueue_dma source(%dma_start3A_1404 : memref<7x128xf32, #tpu.memory_space<hbm>>) target(%dma_start3A_1400 : memref<7x128xf32, #tpu.memory_space<vmem_shared>>) target_semaphore(%arg18 : memref<!tpu.dma_semaphore, #tpu.memory_space<semaphore_mem>>)
    %add3A_1405 = arith.constant 3 : i32
    %add3A_1406 = arith.addi %add3A_1019, %add3A_1405 : i32
    %add3A_1407 = arith.constant 245 : i32
    %add3A_1408 = arith.addi %mul3A_4, %add3A_1407 : i32
    %dma_start3A_1409 = arith.constant 4 : i32
    %dma_start3A_1410 = arith.constant 0 : i32
    %dma_start3A_1411 = tpu.memref_slice %arg19[%add3A_1408, %dma_start3A_1410] : memref<5376x128xf32, #tpu.memory_space<vmem_shared>> -> memref<7x128xf32, #tpu.memory_space<vmem_shared>>
    %dma_start3A_1412 = arith.constant 0 : i32
    %dma_start3A_1413 = arith.constant 0 : i32
    %dma_start3A_1414 = tpu.memref_slice %arg2[%dma_start3A_1409, %add3A_1406, %dma_start3A_1412, %dma_start3A_1413] : memref<6x512x7x128xf32, #tpu.memory_space<hbm>> -> memref<1x1x7x128xf32, #tpu.memory_space<hbm>>
    %dma_start3A_1415 = tpu.memref_squeeze %dma_start3A_1414 : memref<1x1x7x128xf32, #tpu.memory_space<hbm>> -> memref<7x128xf32, #tpu.memory_space<hbm>>
    tpu.enqueue_dma source(%dma_start3A_1415 : memref<7x128xf32, #tpu.memory_space<hbm>>) target(%dma_start3A_1411 : memref<7x128xf32, #tpu.memory_space<vmem_shared>>) target_semaphore(%arg18 : memref<!tpu.dma_semaphore, #tpu.memory_space<semaphore_mem>>)
    %add3A_1416 = arith.constant 4 : i32
    %add3A_1417 = arith.addi %add3A_1019, %add3A_1416 : i32
    %add3A_1418 = arith.constant 252 : i32
    %add3A_1419 = arith.addi %mul3A_4, %add3A_1418 : i32
    %dma_start3A_1420 = arith.constant 4 : i32
    %dma_start3A_1421 = arith.constant 0 : i32
    %dma_start3A_1422 = tpu.memref_slice %arg19[%add3A_1419, %dma_start3A_1421] : memref<5376x128xf32, #tpu.memory_space<vmem_shared>> -> memref<7x128xf32, #tpu.memory_space<vmem_shared>>
    %dma_start3A_1423 = arith.constant 0 : i32
    %dma_start3A_1424 = arith.constant 0 : i32
    %dma_start3A_1425 = tpu.memref_slice %arg2[%dma_start3A_1420, %add3A_1417, %dma_start3A_1423, %dma_start3A_1424] : memref<6x512x7x128xf32, #tpu.memory_space<hbm>> -> memref<1x1x7x128xf32, #tpu.memory_space<hbm>>
    %dma_start3A_1426 = tpu.memref_squeeze %dma_start3A_1425 : memref<1x1x7x128xf32, #tpu.memory_space<hbm>> -> memref<7x128xf32, #tpu.memory_space<hbm>>
    tpu.enqueue_dma source(%dma_start3A_1426 : memref<7x128xf32, #tpu.memory_space<hbm>>) target(%dma_start3A_1422 : memref<7x128xf32, #tpu.memory_space<vmem_shared>>) target_semaphore(%arg18 : memref<!tpu.dma_semaphore, #tpu.memory_space<semaphore_mem>>)
    %add3A_1427 = arith.constant 5 : i32
    %add3A_1428 = arith.addi %add3A_1019, %add3A_1427 : i32
    %add3A_1429 = arith.constant 259 : i32
    %add3A_1430 = arith.addi %mul3A_4, %add3A_1429 : i32
    %dma_start3A_1431 = arith.constant 4 : i32
    %dma_start3A_1432 = arith.constant 0 : i32
    %dma_start3A_1433 = tpu.memref_slice %arg19[%add3A_1430, %dma_start3A_1432] : memref<5376x128xf32, #tpu.memory_space<vmem_shared>> -> memref<7x128xf32, #tpu.memory_space<vmem_shared>>
    %dma_start3A_1434 = arith.constant 0 : i32
    %dma_start3A_1435 = arith.constant 0 : i32
    %dma_start3A_1436 = tpu.memref_slice %arg2[%dma_start3A_1431, %add3A_1428, %dma_start3A_1434, %dma_start3A_1435] : memref<6x512x7x128xf32, #tpu.memory_space<hbm>> -> memref<1x1x7x128xf32, #tpu.memory_space<hbm>>
    %dma_start3A_1437 = tpu.memref_squeeze %dma_start3A_1436 : memref<1x1x7x128xf32, #tpu.memory_space<hbm>> -> memref<7x128xf32, #tpu.memory_space<hbm>>
    tpu.enqueue_dma source(%dma_start3A_1437 : memref<7x128xf32, #tpu.memory_space<hbm>>) target(%dma_start3A_1433 : memref<7x128xf32, #tpu.memory_space<vmem_shared>>) target_semaphore(%arg18 : memref<!tpu.dma_semaphore, #tpu.memory_space<semaphore_mem>>)
    %add3A_1438 = arith.constant 6 : i32
    %add3A_1439 = arith.addi %add3A_1019, %add3A_1438 : i32
    %add3A_1440 = arith.constant 266 : i32
    %add3A_1441 = arith.addi %mul3A_4, %add3A_1440 : i32
    %dma_start3A_1442 = arith.constant 4 : i32
    %dma_start3A_1443 = arith.constant 0 : i32
    %dma_start3A_1444 = tpu.memref_slice %arg19[%add3A_1441, %dma_start3A_1443] : memref<5376x128xf32, #tpu.memory_space<vmem_shared>> -> memref<7x128xf32, #tpu.memory_space<vmem_shared>>
    %dma_start3A_1445 = arith.constant 0 : i32
    %dma_start3A_1446 = arith.constant 0 : i32
    %dma_start3A_1447 = tpu.memref_slice %arg2[%dma_start3A_1442, %add3A_1439, %dma_start3A_1445, %dma_start3A_1446] : memref<6x512x7x128xf32, #tpu.memory_space<hbm>> -> memref<1x1x7x128xf32, #tpu.memory_space<hbm>>
    %dma_start3A_1448 = tpu.memref_squeeze %dma_start3A_1447 : memref<1x1x7x128xf32, #tpu.memory_space<hbm>> -> memref<7x128xf32, #tpu.memory_space<hbm>>
    tpu.enqueue_dma source(%dma_start3A_1448 : memref<7x128xf32, #tpu.memory_space<hbm>>) target(%dma_start3A_1444 : memref<7x128xf32, #tpu.memory_space<vmem_shared>>) target_semaphore(%arg18 : memref<!tpu.dma_semaphore, #tpu.memory_space<semaphore_mem>>)
    %add3A_1449 = arith.constant 7 : i32
    %add3A_1450 = arith.addi %add3A_1019, %add3A_1449 : i32
    %add3A_1451 = arith.constant 273 : i32
    %add3A_1452 = arith.addi %mul3A_4, %add3A_1451 : i32
    %dma_start3A_1453 = arith.constant 4 : i32
    %dma_start3A_1454 = arith.constant 0 : i32
    %dma_start3A_1455 = tpu.memref_slice %arg19[%add3A_1452, %dma_start3A_1454] : memref<5376x128xf32, #tpu.memory_space<vmem_shared>> -> memref<7x128xf32, #tpu.memory_space<vmem_shared>>
    %dma_start3A_1456 = arith.constant 0 : i32
    %dma_start3A_1457 = arith.constant 0 : i32
    %dma_start3A_1458 = tpu.memref_slice %arg2[%dma_start3A_1453, %add3A_1450, %dma_start3A_1456, %dma_start3A_1457] : memref<6x512x7x128xf32, #tpu.memory_space<hbm>> -> memref<1x1x7x128xf32, #tpu.memory_space<hbm>>
    %dma_start3A_1459 = tpu.memref_squeeze %dma_start3A_1458 : memref<1x1x7x128xf32, #tpu.memory_space<hbm>> -> memref<7x128xf32, #tpu.memory_space<hbm>>
    tpu.enqueue_dma source(%dma_start3A_1459 : memref<7x128xf32, #tpu.memory_space<hbm>>) target(%dma_start3A_1455 : memref<7x128xf32, #tpu.memory_space<vmem_shared>>) target_semaphore(%arg18 : memref<!tpu.dma_semaphore, #tpu.memory_space<semaphore_mem>>)
    %add3A_1460 = arith.constant 0 : i32
    %add3A_1461 = arith.addi %add3A_1019, %add3A_1460 : i32
    %add3A_1462 = arith.constant 280 : i32
    %add3A_1463 = arith.addi %mul3A_4, %add3A_1462 : i32
    %dma_start3A_1464 = arith.constant 5 : i32
    %dma_start3A_1465 = arith.constant 0 : i32
    %dma_start3A_1466 = tpu.memref_slice %arg19[%add3A_1463, %dma_start3A_1465] : memref<5376x128xf32, #tpu.memory_space<vmem_shared>> -> memref<7x128xf32, #tpu.memory_space<vmem_shared>>
    %dma_start3A_1467 = arith.constant 0 : i32
    %dma_start3A_1468 = arith.constant 0 : i32
    %dma_start3A_1469 = tpu.memref_slice %arg2[%dma_start3A_1464, %add3A_1461, %dma_start3A_1467, %dma_start3A_1468] : memref<6x512x7x128xf32, #tpu.memory_space<hbm>> -> memref<1x1x7x128xf32, #tpu.memory_space<hbm>>
    %dma_start3A_1470 = tpu.memref_squeeze %dma_start3A_1469 : memref<1x1x7x128xf32, #tpu.memory_space<hbm>> -> memref<7x128xf32, #tpu.memory_space<hbm>>
    tpu.enqueue_dma source(%dma_start3A_1470 : memref<7x128xf32, #tpu.memory_space<hbm>>) target(%dma_start3A_1466 : memref<7x128xf32, #tpu.memory_space<vmem_shared>>) target_semaphore(%arg18 : memref<!tpu.dma_semaphore, #tpu.memory_space<semaphore_mem>>)
    %add3A_1471 = arith.constant 1 : i32
    %add3A_1472 = arith.addi %add3A_1019, %add3A_1471 : i32
    %add3A_1473 = arith.constant 287 : i32
    %add3A_1474 = arith.addi %mul3A_4, %add3A_1473 : i32
    %dma_start3A_1475 = arith.constant 5 : i32
    %dma_start3A_1476 = arith.constant 0 : i32
    %dma_start3A_1477 = tpu.memref_slice %arg19[%add3A_1474, %dma_start3A_1476] : memref<5376x128xf32, #tpu.memory_space<vmem_shared>> -> memref<7x128xf32, #tpu.memory_space<vmem_shared>>
    %dma_start3A_1478 = arith.constant 0 : i32
    %dma_start3A_1479 = arith.constant 0 : i32
    %dma_start3A_1480 = tpu.memref_slice %arg2[%dma_start3A_1475, %add3A_1472, %dma_start3A_1478, %dma_start3A_1479] : memref<6x512x7x128xf32, #tpu.memory_space<hbm>> -> memref<1x1x7x128xf32, #tpu.memory_space<hbm>>
    %dma_start3A_1481 = tpu.memref_squeeze %dma_start3A_1480 : memref<1x1x7x128xf32, #tpu.memory_space<hbm>> -> memref<7x128xf32, #tpu.memory_space<hbm>>
    tpu.enqueue_dma source(%dma_start3A_1481 : memref<7x128xf32, #tpu.memory_space<hbm>>) target(%dma_start3A_1477 : memref<7x128xf32, #tpu.memory_space<vmem_shared>>) target_semaphore(%arg18 : memref<!tpu.dma_semaphore, #tpu.memory_space<semaphore_mem>>)
    %add3A_1482 = arith.constant 2 : i32
    %add3A_1483 = arith.addi %add3A_1019, %add3A_1482 : i32
    %add3A_1484 = arith.constant 294 : i32
    %add3A_1485 = arith.addi %mul3A_4, %add3A_1484 : i32
    %dma_start3A_1486 = arith.constant 5 : i32
    %dma_start3A_1487 = arith.constant 0 : i32
    %dma_start3A_1488 = tpu.memref_slice %arg19[%add3A_1485, %dma_start3A_1487] : memref<5376x128xf32, #tpu.memory_space<vmem_shared>> -> memref<7x128xf32, #tpu.memory_space<vmem_shared>>
    %dma_start3A_1489 = arith.constant 0 : i32
    %dma_start3A_1490 = arith.constant 0 : i32
    %dma_start3A_1491 = tpu.memref_slice %arg2[%dma_start3A_1486, %add3A_1483, %dma_start3A_1489, %dma_start3A_1490] : memref<6x512x7x128xf32, #tpu.memory_space<hbm>> -> memref<1x1x7x128xf32, #tpu.memory_space<hbm>>
    %dma_start3A_1492 = tpu.memref_squeeze %dma_start3A_1491 : memref<1x1x7x128xf32, #tpu.memory_space<hbm>> -> memref<7x128xf32, #tpu.memory_space<hbm>>
    tpu.enqueue_dma source(%dma_start3A_1492 : memref<7x128xf32, #tpu.memory_space<hbm>>) target(%dma_start3A_1488 : memref<7x128xf32, #tpu.memory_space<vmem_shared>>) target_semaphore(%arg18 : memref<!tpu.dma_semaphore, #tpu.memory_space<semaphore_mem>>)
    %add3A_1493 = arith.constant 3 : i32
    %add3A_1494 = arith.addi %add3A_1019, %add3A_1493 : i32
    %add3A_1495 = arith.constant 301 : i32
    %add3A_1496 = arith.addi %mul3A_4, %add3A_1495 : i32
    %dma_start3A_1497 = arith.constant 5 : i32
    %dma_start3A_1498 = arith.constant 0 : i32
    %dma_start3A_1499 = tpu.memref_slice %arg19[%add3A_1496, %dma_start3A_1498] : memref<5376x128xf32, #tpu.memory_space<vmem_shared>> -> memref<7x128xf32, #tpu.memory_space<vmem_shared>>
    %dma_start3A_1500 = arith.constant 0 : i32
    %dma_start3A_1501 = arith.constant 0 : i32
    %dma_start3A_1502 = tpu.memref_slice %arg2[%dma_start3A_1497, %add3A_1494, %dma_start3A_1500, %dma_start3A_1501] : memref<6x512x7x128xf32, #tpu.memory_space<hbm>> -> memref<1x1x7x128xf32, #tpu.memory_space<hbm>>
    %dma_start3A_1503 = tpu.memref_squeeze %dma_start3A_1502 : memref<1x1x7x128xf32, #tpu.memory_space<hbm>> -> memref<7x128xf32, #tpu.memory_space<hbm>>
    tpu.enqueue_dma source(%dma_start3A_1503 : memref<7x128xf32, #tpu.memory_space<hbm>>) target(%dma_start3A_1499 : memref<7x128xf32, #tpu.memory_space<vmem_shared>>) target_semaphore(%arg18 : memref<!tpu.dma_semaphore, #tpu.memory_space<semaphore_mem>>)
    %add3A_1504 = arith.constant 4 : i32
    %add3A_1505 = arith.addi %add3A_1019, %add3A_1504 : i32
    %add3A_1506 = arith.constant 308 : i32
    %add3A_1507 = arith.addi %mul3A_4, %add3A_1506 : i32
    %dma_start3A_1508 = arith.constant 5 : i32
    %dma_start3A_1509 = arith.constant 0 : i32
    %dma_start3A_1510 = tpu.memref_slice %arg19[%add3A_1507, %dma_start3A_1509] : memref<5376x128xf32, #tpu.memory_space<vmem_shared>> -> memref<7x128xf32, #tpu.memory_space<vmem_shared>>
    %dma_start3A_1511 = arith.constant 0 : i32
    %dma_start3A_1512 = arith.constant 0 : i32
    %dma_start3A_1513 = tpu.memref_slice %arg2[%dma_start3A_1508, %add3A_1505, %dma_start3A_1511, %dma_start3A_1512] : memref<6x512x7x128xf32, #tpu.memory_space<hbm>> -> memref<1x1x7x128xf32, #tpu.memory_space<hbm>>
    %dma_start3A_1514 = tpu.memref_squeeze %dma_start3A_1513 : memref<1x1x7x128xf32, #tpu.memory_space<hbm>> -> memref<7x128xf32, #tpu.memory_space<hbm>>
    tpu.enqueue_dma source(%dma_start3A_1514 : memref<7x128xf32, #tpu.memory_space<hbm>>) target(%dma_start3A_1510 : memref<7x128xf32, #tpu.memory_space<vmem_shared>>) target_semaphore(%arg18 : memref<!tpu.dma_semaphore, #tpu.memory_space<semaphore_mem>>)
    %add3A_1515 = arith.constant 5 : i32
    %add3A_1516 = arith.addi %add3A_1019, %add3A_1515 : i32
    %add3A_1517 = arith.constant 315 : i32
    %add3A_1518 = arith.addi %mul3A_4, %add3A_1517 : i32
    %dma_start3A_1519 = arith.constant 5 : i32
    %dma_start3A_1520 = arith.constant 0 : i32
    %dma_start3A_1521 = tpu.memref_slice %arg19[%add3A_1518, %dma_start3A_1520] : memref<5376x128xf32, #tpu.memory_space<vmem_shared>> -> memref<7x128xf32, #tpu.memory_space<vmem_shared>>
    %dma_start3A_1522 = arith.constant 0 : i32
    %dma_start3A_1523 = arith.constant 0 : i32
    %dma_start3A_1524 = tpu.memref_slice %arg2[%dma_start3A_1519, %add3A_1516, %dma_start3A_1522, %dma_start3A_1523] : memref<6x512x7x128xf32, #tpu.memory_space<hbm>> -> memref<1x1x7x128xf32, #tpu.memory_space<hbm>>
    %dma_start3A_1525 = tpu.memref_squeeze %dma_start3A_1524 : memref<1x1x7x128xf32, #tpu.memory_space<hbm>> -> memref<7x128xf32, #tpu.memory_space<hbm>>
    tpu.enqueue_dma source(%dma_start3A_1525 : memref<7x128xf32, #tpu.memory_space<hbm>>) target(%dma_start3A_1521 : memref<7x128xf32, #tpu.memory_space<vmem_shared>>) target_semaphore(%arg18 : memref<!tpu.dma_semaphore, #tpu.memory_space<semaphore_mem>>)
    %add3A_1526 = arith.constant 6 : i32
    %add3A_1527 = arith.addi %add3A_1019, %add3A_1526 : i32
    %add3A_1528 = arith.constant 322 : i32
    %add3A_1529 = arith.addi %mul3A_4, %add3A_1528 : i32
    %dma_start3A_1530 = arith.constant 5 : i32
    %dma_start3A_1531 = arith.constant 0 : i32
    %dma_start3A_1532 = tpu.memref_slice %arg19[%add3A_1529, %dma_start3A_1531] : memref<5376x128xf32, #tpu.memory_space<vmem_shared>> -> memref<7x128xf32, #tpu.memory_space<vmem_shared>>
    %dma_start3A_1533 = arith.constant 0 : i32
    %dma_start3A_1534 = arith.constant 0 : i32
    %dma_start3A_1535 = tpu.memref_slice %arg2[%dma_start3A_1530, %add3A_1527, %dma_start3A_1533, %dma_start3A_1534] : memref<6x512x7x128xf32, #tpu.memory_space<hbm>> -> memref<1x1x7x128xf32, #tpu.memory_space<hbm>>
    %dma_start3A_1536 = tpu.memref_squeeze %dma_start3A_1535 : memref<1x1x7x128xf32, #tpu.memory_space<hbm>> -> memref<7x128xf32, #tpu.memory_space<hbm>>
    tpu.enqueue_dma source(%dma_start3A_1536 : memref<7x128xf32, #tpu.memory_space<hbm>>) target(%dma_start3A_1532 : memref<7x128xf32, #tpu.memory_space<vmem_shared>>) target_semaphore(%arg18 : memref<!tpu.dma_semaphore, #tpu.memory_space<semaphore_mem>>)
    %add3A_1537 = arith.constant 7 : i32
    %add3A_1538 = arith.addi %add3A_1019, %add3A_1537 : i32
    %add3A_1539 = arith.constant 329 : i32
    %add3A_1540 = arith.addi %mul3A_4, %add3A_1539 : i32
    %dma_start3A_1541 = arith.constant 5 : i32
    %dma_start3A_1542 = arith.constant 0 : i32
    %dma_start3A_1543 = tpu.memref_slice %arg19[%add3A_1540, %dma_start3A_1542] : memref<5376x128xf32, #tpu.memory_space<vmem_shared>> -> memref<7x128xf32, #tpu.memory_space<vmem_shared>>
    %dma_start3A_1544 = arith.constant 0 : i32
    %dma_start3A_1545 = arith.constant 0 : i32
    %dma_start3A_1546 = tpu.memref_slice %arg2[%dma_start3A_1541, %add3A_1538, %dma_start3A_1544, %dma_start3A_1545] : memref<6x512x7x128xf32, #tpu.memory_space<hbm>> -> memref<1x1x7x128xf32, #tpu.memory_space<hbm>>
    %dma_start3A_1547 = tpu.memref_squeeze %dma_start3A_1546 : memref<1x1x7x128xf32, #tpu.memory_space<hbm>> -> memref<7x128xf32, #tpu.memory_space<hbm>>
    tpu.enqueue_dma source(%dma_start3A_1547 : memref<7x128xf32, #tpu.memory_space<hbm>>) target(%dma_start3A_1543 : memref<7x128xf32, #tpu.memory_space<vmem_shared>>) target_semaphore(%arg18 : memref<!tpu.dma_semaphore, #tpu.memory_space<semaphore_mem>>)
    %dma_wait3A_1548 = arith.constant 0 : i32
    %dma_wait3A_1549 = arith.constant 0 : i32
    %dma_wait3A_1550 = arith.constant 0 : i32
    %dma_wait3A_1551 = arith.constant 0 : i32
    %dma_wait3A_1552 = tpu.memref_slice %arg19[%dma_wait3A_1550, %dma_wait3A_1551] : memref<5376x128xf32, #tpu.memory_space<vmem_shared>> -> memref<7x128xf32, #tpu.memory_space<vmem_shared>>
    %dma_wait3A_1553 = arith.constant 0 : i32
    %dma_wait3A_1554 = arith.constant 0 : i32
    %dma_wait3A_1555 = tpu.memref_slice %arg2[%dma_wait3A_1548, %dma_wait3A_1549, %dma_wait3A_1553, %dma_wait3A_1554] : memref<6x512x7x128xf32, #tpu.memory_space<hbm>> -> memref<1x1x7x128xf32, #tpu.memory_space<hbm>>
    %dma_wait3A_1556 = tpu.memref_squeeze %dma_wait3A_1555 : memref<1x1x7x128xf32, #tpu.memory_space<hbm>> -> memref<7x128xf32, #tpu.memory_space<hbm>>
    tpu.wait_dma2 semaphore(%arg18 : memref<!tpu.dma_semaphore, #tpu.memory_space<semaphore_mem>>) src(%dma_wait3A_1556 : memref<7x128xf32, #tpu.memory_space<hbm>>) dst(%dma_wait3A_1552 : memref<7x128xf32, #tpu.memory_space<vmem_shared>>)
    %dma_wait3A_1557 = arith.constant 0 : i32
    %dma_wait3A_1558 = arith.constant 0 : i32
    %dma_wait3A_1559 = arith.constant 0 : i32
    %dma_wait3A_1560 = arith.constant 0 : i32
    %dma_wait3A_1561 = tpu.memref_slice %arg19[%dma_wait3A_1559, %dma_wait3A_1560] : memref<5376x128xf32, #tpu.memory_space<vmem_shared>> -> memref<7x128xf32, #tpu.memory_space<vmem_shared>>
    %dma_wait3A_1562 = arith.constant 0 : i32
    %dma_wait3A_1563 = arith.constant 0 : i32
    %dma_wait3A_1564 = tpu.memref_slice %arg2[%dma_wait3A_1557, %dma_wait3A_1558, %dma_wait3A_1562, %dma_wait3A_1563] : memref<6x512x7x128xf32, #tpu.memory_space<hbm>> -> memref<1x1x7x128xf32, #tpu.memory_space<hbm>>
    %dma_wait3A_1565 = tpu.memref_squeeze %dma_wait3A_1564 : memref<1x1x7x128xf32, #tpu.memory_space<hbm>> -> memref<7x128xf32, #tpu.memory_space<hbm>>
    tpu.wait_dma2 semaphore(%arg18 : memref<!tpu.dma_semaphore, #tpu.memory_space<semaphore_mem>>) src(%dma_wait3A_1565 : memref<7x128xf32, #tpu.memory_space<hbm>>) dst(%dma_wait3A_1561 : memref<7x128xf32, #tpu.memory_space<vmem_shared>>)
    %dma_wait3A_1566 = arith.constant 0 : i32
    %dma_wait3A_1567 = arith.constant 0 : i32
    %dma_wait3A_1568 = arith.constant 0 : i32
    %dma_wait3A_1569 = arith.constant 0 : i32
    %dma_wait3A_1570 = tpu.memref_slice %arg19[%dma_wait3A_1568, %dma_wait3A_1569] : memref<5376x128xf32, #tpu.memory_space<vmem_shared>> -> memref<7x128xf32, #tpu.memory_space<vmem_shared>>
    %dma_wait3A_1571 = arith.constant 0 : i32
    %dma_wait3A_1572 = arith.constant 0 : i32
    %dma_wait3A_1573 = tpu.memref_slice %arg2[%dma_wait3A_1566, %dma_wait3A_1567, %dma_wait3A_1571, %dma_wait3A_1572] : memref<6x512x7x128xf32, #tpu.memory_space<hbm>> -> memref<1x1x7x128xf32, #tpu.memory_space<hbm>>
    %dma_wait3A_1574 = tpu.memref_squeeze %dma_wait3A_1573 : memref<1x1x7x128xf32, #tpu.memory_space<hbm>> -> memref<7x128xf32, #tpu.memory_space<hbm>>
    tpu.wait_dma2 semaphore(%arg18 : memref<!tpu.dma_semaphore, #tpu.memory_space<semaphore_mem>>) src(%dma_wait3A_1574 : memref<7x128xf32, #tpu.memory_space<hbm>>) dst(%dma_wait3A_1570 : memref<7x128xf32, #tpu.memory_space<vmem_shared>>)
    %dma_wait3A_1575 = arith.constant 0 : i32
    %dma_wait3A_1576 = arith.constant 0 : i32
    %dma_wait3A_1577 = arith.constant 0 : i32
    %dma_wait3A_1578 = arith.constant 0 : i32
    %dma_wait3A_1579 = tpu.memref_slice %arg19[%dma_wait3A_1577, %dma_wait3A_1578] : memref<5376x128xf32, #tpu.memory_space<vmem_shared>> -> memref<7x128xf32, #tpu.memory_space<vmem_shared>>
    %dma_wait3A_1580 = arith.constant 0 : i32
    %dma_wait3A_1581 = arith.constant 0 : i32
    %dma_wait3A_1582 = tpu.memref_slice %arg2[%dma_wait3A_1575, %dma_wait3A_1576, %dma_wait3A_1580, %dma_wait3A_1581] : memref<6x512x7x128xf32, #tpu.memory_space<hbm>> -> memref<1x1x7x128xf32, #tpu.memory_space<hbm>>
    %dma_wait3A_1583 = tpu.memref_squeeze %dma_wait3A_1582 : memref<1x1x7x128xf32, #tpu.memory_space<hbm>> -> memref<7x128xf32, #tpu.memory_space<hbm>>
    tpu.wait_dma2 semaphore(%arg18 : memref<!tpu.dma_semaphore, #tpu.memory_space<semaphore_mem>>) src(%dma_wait3A_1583 : memref<7x128xf32, #tpu.memory_space<hbm>>) dst(%dma_wait3A_1579 : memref<7x128xf32, #tpu.memory_space<vmem_shared>>)
    %dma_wait3A_1584 = arith.constant 0 : i32
    %dma_wait3A_1585 = arith.constant 0 : i32
    %dma_wait3A_1586 = arith.constant 0 : i32
    %dma_wait3A_1587 = arith.constant 0 : i32
    %dma_wait3A_1588 = tpu.memref_slice %arg19[%dma_wait3A_1586, %dma_wait3A_1587] : memref<5376x128xf32, #tpu.memory_space<vmem_shared>> -> memref<7x128xf32, #tpu.memory_space<vmem_shared>>
    %dma_wait3A_1589 = arith.constant 0 : i32
    %dma_wait3A_1590 = arith.constant 0 : i32
    %dma_wait3A_1591 = tpu.memref_slice %arg2[%dma_wait3A_1584, %dma_wait3A_1585, %dma_wait3A_1589, %dma_wait3A_1590] : memref<6x512x7x128xf32, #tpu.memory_space<hbm>> -> memref<1x1x7x128xf32, #tpu.memory_space<hbm>>
    %dma_wait3A_1592 = tpu.memref_squeeze %dma_wait3A_1591 : memref<1x1x7x128xf32, #tpu.memory_space<hbm>> -> memref<7x128xf32, #tpu.memory_space<hbm>>
    tpu.wait_dma2 semaphore(%arg18 : memref<!tpu.dma_semaphore, #tpu.memory_space<semaphore_mem>>) src(%dma_wait3A_1592 : memref<7x128xf32, #tpu.memory_space<hbm>>) dst(%dma_wait3A_1588 : memref<7x128xf32, #tpu.memory_space<vmem_shared>>)
    %dma_wait3A_1593 = arith.constant 0 : i32
    %dma_wait3A_1594 = arith.constant 0 : i32
    %dma_wait3A_1595 = arith.constant 0 : i32
    %dma_wait3A_1596 = arith.constant 0 : i32
    %dma_wait3A_1597 = tpu.memref_slice %arg19[%dma_wait3A_1595, %dma_wait3A_1596] : memref<5376x128xf32, #tpu.memory_space<vmem_shared>> -> memref<7x128xf32, #tpu.memory_space<vmem_shared>>
    %dma_wait3A_1598 = arith.constant 0 : i32
    %dma_wait3A_1599 = arith.constant 0 : i32
    %dma_wait3A_1600 = tpu.memref_slice %arg2[%dma_wait3A_1593, %dma_wait3A_1594, %dma_wait3A_1598, %dma_wait3A_1599] : memref<6x512x7x128xf32, #tpu.memory_space<hbm>> -> memref<1x1x7x128xf32, #tpu.memory_space<hbm>>
    %dma_wait3A_1601 = tpu.memref_squeeze %dma_wait3A_1600 : memref<1x1x7x128xf32, #tpu.memory_space<hbm>> -> memref<7x128xf32, #tpu.memory_space<hbm>>
    tpu.wait_dma2 semaphore(%arg18 : memref<!tpu.dma_semaphore, #tpu.memory_space<semaphore_mem>>) src(%dma_wait3A_1601 : memref<7x128xf32, #tpu.memory_space<hbm>>) dst(%dma_wait3A_1597 : memref<7x128xf32, #tpu.memory_space<vmem_shared>>)
    %dma_wait3A_1602 = arith.constant 0 : i32
    %dma_wait3A_1603 = arith.constant 0 : i32
    %dma_wait3A_1604 = arith.constant 0 : i32
    %dma_wait3A_1605 = arith.constant 0 : i32
    %dma_wait3A_1606 = tpu.memref_slice %arg19[%dma_wait3A_1604, %dma_wait3A_1605] : memref<5376x128xf32, #tpu.memory_space<vmem_shared>> -> memref<7x128xf32, #tpu.memory_space<vmem_shared>>
    %dma_wait3A_1607 = arith.constant 0 : i32
    %dma_wait3A_1608 = arith.constant 0 : i32
    %dma_wait3A_1609 = tpu.memref_slice %arg2[%dma_wait3A_1602, %dma_wait3A_1603, %dma_wait3A_1607, %dma_wait3A_1608] : memref<6x512x7x128xf32, #tpu.memory_space<hbm>> -> memref<1x1x7x128xf32, #tpu.memory_space<hbm>>
    %dma_wait3A_1610 = tpu.memref_squeeze %dma_wait3A_1609 : memref<1x1x7x128xf32, #tpu.memory_space<hbm>> -> memref<7x128xf32, #tpu.memory_space<hbm>>
    tpu.wait_dma2 semaphore(%arg18 : memref<!tpu.dma_semaphore, #tpu.memory_space<semaphore_mem>>) src(%dma_wait3A_1610 : memref<7x128xf32, #tpu.memory_space<hbm>>) dst(%dma_wait3A_1606 : memref<7x128xf32, #tpu.memory_space<vmem_shared>>)
    %dma_wait3A_1611 = arith.constant 0 : i32
    %dma_wait3A_1612 = arith.constant 0 : i32
    %dma_wait3A_1613 = arith.constant 0 : i32
    %dma_wait3A_1614 = arith.constant 0 : i32
    %dma_wait3A_1615 = tpu.memref_slice %arg19[%dma_wait3A_1613, %dma_wait3A_1614] : memref<5376x128xf32, #tpu.memory_space<vmem_shared>> -> memref<7x128xf32, #tpu.memory_space<vmem_shared>>
    %dma_wait3A_1616 = arith.constant 0 : i32
    %dma_wait3A_1617 = arith.constant 0 : i32
    %dma_wait3A_1618 = tpu.memref_slice %arg2[%dma_wait3A_1611, %dma_wait3A_1612, %dma_wait3A_1616, %dma_wait3A_1617] : memref<6x512x7x128xf32, #tpu.memory_space<hbm>> -> memref<1x1x7x128xf32, #tpu.memory_space<hbm>>
    %dma_wait3A_1619 = tpu.memref_squeeze %dma_wait3A_1618 : memref<1x1x7x128xf32, #tpu.memory_space<hbm>> -> memref<7x128xf32, #tpu.memory_space<hbm>>
    tpu.wait_dma2 semaphore(%arg18 : memref<!tpu.dma_semaphore, #tpu.memory_space<semaphore_mem>>) src(%dma_wait3A_1619 : memref<7x128xf32, #tpu.memory_space<hbm>>) dst(%dma_wait3A_1615 : memref<7x128xf32, #tpu.memory_space<vmem_shared>>)
    %dma_wait3A_1620 = arith.constant 0 : i32
    %dma_wait3A_1621 = arith.constant 0 : i32
    %dma_wait3A_1622 = arith.constant 0 : i32
    %dma_wait3A_1623 = arith.constant 0 : i32
    %dma_wait3A_1624 = tpu.memref_slice %arg19[%dma_wait3A_1622, %dma_wait3A_1623] : memref<5376x128xf32, #tpu.memory_space<vmem_shared>> -> memref<7x128xf32, #tpu.memory_space<vmem_shared>>
    %dma_wait3A_1625 = arith.constant 0 : i32
    %dma_wait3A_1626 = arith.constant 0 : i32
    %dma_wait3A_1627 = tpu.memref_slice %arg2[%dma_wait3A_1620, %dma_wait3A_1621, %dma_wait3A_1625, %dma_wait3A_1626] : memref<6x512x7x128xf32, #tpu.memory_space<hbm>> -> memref<1x1x7x128xf32, #tpu.memory_space<hbm>>
    %dma_wait3A_1628 = tpu.memref_squeeze %dma_wait3A_1627 : memref<1x1x7x128xf32, #tpu.memory_space<hbm>> -> memref<7x128xf32, #tpu.memory_space<hbm>>
    tpu.wait_dma2 semaphore(%arg18 : memref<!tpu.dma_semaphore, #tpu.memory_space<semaphore_mem>>) src(%dma_wait3A_1628 : memref<7x128xf32, #tpu.memory_space<hbm>>) dst(%dma_wait3A_1624 : memref<7x128xf32, #tpu.memory_space<vmem_shared>>)
    %dma_wait3A_1629 = arith.constant 0 : i32
    %dma_wait3A_1630 = arith.constant 0 : i32
    %dma_wait3A_1631 = arith.constant 0 : i32
    %dma_wait3A_1632 = arith.constant 0 : i32
    %dma_wait3A_1633 = tpu.memref_slice %arg19[%dma_wait3A_1631, %dma_wait3A_1632] : memref<5376x128xf32, #tpu.memory_space<vmem_shared>> -> memref<7x128xf32, #tpu.memory_space<vmem_shared>>
    %dma_wait3A_1634 = arith.constant 0 : i32
    %dma_wait3A_1635 = arith.constant 0 : i32
    %dma_wait3A_1636 = tpu.memref_slice %arg2[%dma_wait3A_1629, %dma_wait3A_1630, %dma_wait3A_1634, %dma_wait3A_1635] : memref<6x512x7x128xf32, #tpu.memory_space<hbm>> -> memref<1x1x7x128xf32, #tpu.memory_space<hbm>>
    %dma_wait3A_1637 = tpu.memref_squeeze %dma_wait3A_1636 : memref<1x1x7x128xf32, #tpu.memory_space<hbm>> -> memref<7x128xf32, #tpu.memory_space<hbm>>
    tpu.wait_dma2 semaphore(%arg18 : memref<!tpu.dma_semaphore, #tpu.memory_space<semaphore_mem>>) src(%dma_wait3A_1637 : memref<7x128xf32, #tpu.memory_space<hbm>>) dst(%dma_wait3A_1633 : memref<7x128xf32, #tpu.memory_space<vmem_shared>>)
    %dma_wait3A_1638 = arith.constant 0 : i32
    %dma_wait3A_1639 = arith.constant 0 : i32
    %dma_wait3A_1640 = arith.constant 0 : i32
    %dma_wait3A_1641 = arith.constant 0 : i32
    %dma_wait3A_1642 = tpu.memref_slice %arg19[%dma_wait3A_1640, %dma_wait3A_1641] : memref<5376x128xf32, #tpu.memory_space<vmem_shared>> -> memref<7x128xf32, #tpu.memory_space<vmem_shared>>
    %dma_wait3A_1643 = arith.constant 0 : i32
    %dma_wait3A_1644 = arith.constant 0 : i32
    %dma_wait3A_1645 = tpu.memref_slice %arg2[%dma_wait3A_1638, %dma_wait3A_1639, %dma_wait3A_1643, %dma_wait3A_1644] : memref<6x512x7x128xf32, #tpu.memory_space<hbm>> -> memref<1x1x7x128xf32, #tpu.memory_space<hbm>>
    %dma_wait3A_1646 = tpu.memref_squeeze %dma_wait3A_1645 : memref<1x1x7x128xf32, #tpu.memory_space<hbm>> -> memref<7x128xf32, #tpu.memory_space<hbm>>
    tpu.wait_dma2 semaphore(%arg18 : memref<!tpu.dma_semaphore, #tpu.memory_space<semaphore_mem>>) src(%dma_wait3A_1646 : memref<7x128xf32, #tpu.memory_space<hbm>>) dst(%dma_wait3A_1642 : memref<7x128xf32, #tpu.memory_space<vmem_shared>>)
    %dma_wait3A_1647 = arith.constant 0 : i32
    %dma_wait3A_1648 = arith.constant 0 : i32
    %dma_wait3A_1649 = arith.constant 0 : i32
    %dma_wait3A_1650 = arith.constant 0 : i32
    %dma_wait3A_1651 = tpu.memref_slice %arg19[%dma_wait3A_1649, %dma_wait3A_1650] : memref<5376x128xf32, #tpu.memory_space<vmem_shared>> -> memref<7x128xf32, #tpu.memory_space<vmem_shared>>
    %dma_wait3A_1652 = arith.constant 0 : i32
    %dma_wait3A_1653 = arith.constant 0 : i32
    %dma_wait3A_1654 = tpu.memref_slice %arg2[%dma_wait3A_1647, %dma_wait3A_1648, %dma_wait3A_1652, %dma_wait3A_1653] : memref<6x512x7x128xf32, #tpu.memory_space<hbm>> -> memref<1x1x7x128xf32, #tpu.memory_space<hbm>>
    %dma_wait3A_1655 = tpu.memref_squeeze %dma_wait3A_1654 : memref<1x1x7x128xf32, #tpu.memory_space<hbm>> -> memref<7x128xf32, #tpu.memory_space<hbm>>
    tpu.wait_dma2 semaphore(%arg18 : memref<!tpu.dma_semaphore, #tpu.memory_space<semaphore_mem>>) src(%dma_wait3A_1655 : memref<7x128xf32, #tpu.memory_space<hbm>>) dst(%dma_wait3A_1651 : memref<7x128xf32, #tpu.memory_space<vmem_shared>>)
    %dma_wait3A_1656 = arith.constant 0 : i32
    %dma_wait3A_1657 = arith.constant 0 : i32
    %dma_wait3A_1658 = arith.constant 0 : i32
    %dma_wait3A_1659 = arith.constant 0 : i32
    %dma_wait3A_1660 = tpu.memref_slice %arg19[%dma_wait3A_1658, %dma_wait3A_1659] : memref<5376x128xf32, #tpu.memory_space<vmem_shared>> -> memref<7x128xf32, #tpu.memory_space<vmem_shared>>
    %dma_wait3A_1661 = arith.constant 0 : i32
    %dma_wait3A_1662 = arith.constant 0 : i32
    %dma_wait3A_1663 = tpu.memref_slice %arg2[%dma_wait3A_1656, %dma_wait3A_1657, %dma_wait3A_1661, %dma_wait3A_1662] : memref<6x512x7x128xf32, #tpu.memory_space<hbm>> -> memref<1x1x7x128xf32, #tpu.memory_space<hbm>>
    %dma_wait3A_1664 = tpu.memref_squeeze %dma_wait3A_1663 : memref<1x1x7x128xf32, #tpu.memory_space<hbm>> -> memref<7x128xf32, #tpu.memory_space<hbm>>
    tpu.wait_dma2 semaphore(%arg18 : memref<!tpu.dma_semaphore, #tpu.memory_space<semaphore_mem>>) src(%dma_wait3A_1664 : memref<7x128xf32, #tpu.memory_space<hbm>>) dst(%dma_wait3A_1660 : memref<7x128xf32, #tpu.memory_space<vmem_shared>>)
    %dma_wait3A_1665 = arith.constant 0 : i32
    %dma_wait3A_1666 = arith.constant 0 : i32
    %dma_wait3A_1667 = arith.constant 0 : i32
    %dma_wait3A_1668 = arith.constant 0 : i32
    %dma_wait3A_1669 = tpu.memref_slice %arg19[%dma_wait3A_1667, %dma_wait3A_1668] : memref<5376x128xf32, #tpu.memory_space<vmem_shared>> -> memref<7x128xf32, #tpu.memory_space<vmem_shared>>
    %dma_wait3A_1670 = arith.constant 0 : i32
    %dma_wait3A_1671 = arith.constant 0 : i32
    %dma_wait3A_1672 = tpu.memref_slice %arg2[%dma_wait3A_1665, %dma_wait3A_1666, %dma_wait3A_1670, %dma_wait3A_1671] : memref<6x512x7x128xf32, #tpu.memory_space<hbm>> -> memref<1x1x7x128xf32, #tpu.memory_space<hbm>>
    %dma_wait3A_1673 = tpu.memref_squeeze %dma_wait3A_1672 : memref<1x1x7x128xf32, #tpu.memory_space<hbm>> -> memref<7x128xf32, #tpu.memory_space<hbm>>
    tpu.wait_dma2 semaphore(%arg18 : memref<!tpu.dma_semaphore, #tpu.memory_space<semaphore_mem>>) src(%dma_wait3A_1673 : memref<7x128xf32, #tpu.memory_space<hbm>>) dst(%dma_wait3A_1669 : memref<7x128xf32, #tpu.memory_space<vmem_shared>>)
    %dma_wait3A_1674 = arith.constant 0 : i32
    %dma_wait3A_1675 = arith.constant 0 : i32
    %dma_wait3A_1676 = arith.constant 0 : i32
    %dma_wait3A_1677 = arith.constant 0 : i32
    %dma_wait3A_1678 = tpu.memref_slice %arg19[%dma_wait3A_1676, %dma_wait3A_1677] : memref<5376x128xf32, #tpu.memory_space<vmem_shared>> -> memref<7x128xf32, #tpu.memory_space<vmem_shared>>
    %dma_wait3A_1679 = arith.constant 0 : i32
    %dma_wait3A_1680 = arith.constant 0 : i32
    %dma_wait3A_1681 = tpu.memref_slice %arg2[%dma_wait3A_1674, %dma_wait3A_1675, %dma_wait3A_1679, %dma_wait3A_1680] : memref<6x512x7x128xf32, #tpu.memory_space<hbm>> -> memref<1x1x7x128xf32, #tpu.memory_space<hbm>>
    %dma_wait3A_1682 = tpu.memref_squeeze %dma_wait3A_1681 : memref<1x1x7x128xf32, #tpu.memory_space<hbm>> -> memref<7x128xf32, #tpu.memory_space<hbm>>
    tpu.wait_dma2 semaphore(%arg18 : memref<!tpu.dma_semaphore, #tpu.memory_space<semaphore_mem>>) src(%dma_wait3A_1682 : memref<7x128xf32, #tpu.memory_space<hbm>>) dst(%dma_wait3A_1678 : memref<7x128xf32, #tpu.memory_space<vmem_shared>>)
    %dma_wait3A_1683 = arith.constant 0 : i32
    %dma_wait3A_1684 = arith.constant 0 : i32
    %dma_wait3A_1685 = arith.constant 0 : i32
    %dma_wait3A_1686 = arith.constant 0 : i32
    %dma_wait3A_1687 = tpu.memref_slice %arg19[%dma_wait3A_1685, %dma_wait3A_1686] : memref<5376x128xf32, #tpu.memory_space<vmem_shared>> -> memref<7x128xf32, #tpu.memory_space<vmem_shared>>
    %dma_wait3A_1688 = arith.constant 0 : i32
    %dma_wait3A_1689 = arith.constant 0 : i32
    %dma_wait3A_1690 = tpu.memref_slice %arg2[%dma_wait3A_1683, %dma_wait3A_1684, %dma_wait3A_1688, %dma_wait3A_1689] : memref<6x512x7x128xf32, #tpu.memory_space<hbm>> -> memref<1x1x7x128xf32, #tpu.memory_space<hbm>>
    %dma_wait3A_1691 = tpu.memref_squeeze %dma_wait3A_1690 : memref<1x1x7x128xf32, #tpu.memory_space<hbm>> -> memref<7x128xf32, #tpu.memory_space<hbm>>
    tpu.wait_dma2 semaphore(%arg18 : memref<!tpu.dma_semaphore, #tpu.memory_space<semaphore_mem>>) src(%dma_wait3A_1691 : memref<7x128xf32, #tpu.memory_space<hbm>>) dst(%dma_wait3A_1687 : memref<7x128xf32, #tpu.memory_space<vmem_shared>>)
    %dma_wait3A_1692 = arith.constant 0 : i32
    %dma_wait3A_1693 = arith.constant 0 : i32
    %dma_wait3A_1694 = arith.constant 0 : i32
    %dma_wait3A_1695 = arith.constant 0 : i32
    %dma_wait3A_1696 = tpu.memref_slice %arg19[%dma_wait3A_1694, %dma_wait3A_1695] : memref<5376x128xf32, #tpu.memory_space<vmem_shared>> -> memref<7x128xf32, #tpu.memory_space<vmem_shared>>
    %dma_wait3A_1697 = arith.constant 0 : i32
    %dma_wait3A_1698 = arith.constant 0 : i32
    %dma_wait3A_1699 = tpu.memref_slice %arg2[%dma_wait3A_1692, %dma_wait3A_1693, %dma_wait3A_1697, %dma_wait3A_1698] : memref<6x512x7x128xf32, #tpu.memory_space<hbm>> -> memref<1x1x7x128xf32, #tpu.memory_space<hbm>>
    %dma_wait3A_1700 = tpu.memref_squeeze %dma_wait3A_1699 : memref<1x1x7x128xf32, #tpu.memory_space<hbm>> -> memref<7x128xf32, #tpu.memory_space<hbm>>
    tpu.wait_dma2 semaphore(%arg18 : memref<!tpu.dma_semaphore, #tpu.memory_space<semaphore_mem>>) src(%dma_wait3A_1700 : memref<7x128xf32, #tpu.memory_space<hbm>>) dst(%dma_wait3A_1696 : memref<7x128xf32, #tpu.memory_space<vmem_shared>>)
    %dma_wait3A_1701 = arith.constant 0 : i32
    %dma_wait3A_1702 = arith.constant 0 : i32
    %dma_wait3A_1703 = arith.constant 0 : i32
    %dma_wait3A_1704 = arith.constant 0 : i32
    %dma_wait3A_1705 = tpu.memref_slice %arg19[%dma_wait3A_1703, %dma_wait3A_1704] : memref<5376x128xf32, #tpu.memory_space<vmem_shared>> -> memref<7x128xf32, #tpu.memory_space<vmem_shared>>
    %dma_wait3A_1706 = arith.constant 0 : i32
    %dma_wait3A_1707 = arith.constant 0 : i32
    %dma_wait3A_1708 = tpu.memref_slice %arg2[%dma_wait3A_1701, %dma_wait3A_1702, %dma_wait3A_1706, %dma_wait3A_1707] : memref<6x512x7x128xf32, #tpu.memory_space<hbm>> -> memref<1x1x7x128xf32, #tpu.memory_space<hbm>>
    %dma_wait3A_1709 = tpu.memref_squeeze %dma_wait3A_1708 : memref<1x1x7x128xf32, #tpu.memory_space<hbm>> -> memref<7x128xf32, #tpu.memory_space<hbm>>
    tpu.wait_dma2 semaphore(%arg18 : memref<!tpu.dma_semaphore, #tpu.memory_space<semaphore_mem>>) src(%dma_wait3A_1709 : memref<7x128xf32, #tpu.memory_space<hbm>>) dst(%dma_wait3A_1705 : memref<7x128xf32, #tpu.memory_space<vmem_shared>>)
    %dma_wait3A_1710 = arith.constant 0 : i32
    %dma_wait3A_1711 = arith.constant 0 : i32
    %dma_wait3A_1712 = arith.constant 0 : i32
    %dma_wait3A_1713 = arith.constant 0 : i32
    %dma_wait3A_1714 = tpu.memref_slice %arg19[%dma_wait3A_1712, %dma_wait3A_1713] : memref<5376x128xf32, #tpu.memory_space<vmem_shared>> -> memref<7x128xf32, #tpu.memory_space<vmem_shared>>
    %dma_wait3A_1715 = arith.constant 0 : i32
    %dma_wait3A_1716 = arith.constant 0 : i32
    %dma_wait3A_1717 = tpu.memref_slice %arg2[%dma_wait3A_1710, %dma_wait3A_1711, %dma_wait3A_1715, %dma_wait3A_1716] : memref<6x512x7x128xf32, #tpu.memory_space<hbm>> -> memref<1x1x7x128xf32, #tpu.memory_space<hbm>>
    %dma_wait3A_1718 = tpu.memref_squeeze %dma_wait3A_1717 : memref<1x1x7x128xf32, #tpu.memory_space<hbm>> -> memref<7x128xf32, #tpu.memory_space<hbm>>
    tpu.wait_dma2 semaphore(%arg18 : memref<!tpu.dma_semaphore, #tpu.memory_space<semaphore_mem>>) src(%dma_wait3A_1718 : memref<7x128xf32, #tpu.memory_space<hbm>>) dst(%dma_wait3A_1714 : memref<7x128xf32, #tpu.memory_space<vmem_shared>>)
    %dma_wait3A_1719 = arith.constant 0 : i32
    %dma_wait3A_1720 = arith.constant 0 : i32
    %dma_wait3A_1721 = arith.constant 0 : i32
    %dma_wait3A_1722 = arith.constant 0 : i32
    %dma_wait3A_1723 = tpu.memref_slice %arg19[%dma_wait3A_1721, %dma_wait3A_1722] : memref<5376x128xf32, #tpu.memory_space<vmem_shared>> -> memref<7x128xf32, #tpu.memory_space<vmem_shared>>
    %dma_wait3A_1724 = arith.constant 0 : i32
    %dma_wait3A_1725 = arith.constant 0 : i32
    %dma_wait3A_1726 = tpu.memref_slice %arg2[%dma_wait3A_1719, %dma_wait3A_1720, %dma_wait3A_1724, %dma_wait3A_1725] : memref<6x512x7x128xf32, #tpu.memory_space<hbm>> -> memref<1x1x7x128xf32, #tpu.memory_space<hbm>>
    %dma_wait3A_1727 = tpu.memref_squeeze %dma_wait3A_1726 : memref<1x1x7x128xf32, #tpu.memory_space<hbm>> -> memref<7x128xf32, #tpu.memory_space<hbm>>
    tpu.wait_dma2 semaphore(%arg18 : memref<!tpu.dma_semaphore, #tpu.memory_space<semaphore_mem>>) src(%dma_wait3A_1727 : memref<7x128xf32, #tpu.memory_space<hbm>>) dst(%dma_wait3A_1723 : memref<7x128xf32, #tpu.memory_space<vmem_shared>>)
    %dma_wait3A_1728 = arith.constant 0 : i32
    %dma_wait3A_1729 = arith.constant 0 : i32
    %dma_wait3A_1730 = arith.constant 0 : i32
    %dma_wait3A_1731 = arith.constant 0 : i32
    %dma_wait3A_1732 = tpu.memref_slice %arg19[%dma_wait3A_1730, %dma_wait3A_1731] : memref<5376x128xf32, #tpu.memory_space<vmem_shared>> -> memref<7x128xf32, #tpu.memory_space<vmem_shared>>
    %dma_wait3A_1733 = arith.constant 0 : i32
    %dma_wait3A_1734 = arith.constant 0 : i32
    %dma_wait3A_1735 = tpu.memref_slice %arg2[%dma_wait3A_1728, %dma_wait3A_1729, %dma_wait3A_1733, %dma_wait3A_1734] : memref<6x512x7x128xf32, #tpu.memory_space<hbm>> -> memref<1x1x7x128xf32, #tpu.memory_space<hbm>>
    %dma_wait3A_1736 = tpu.memref_squeeze %dma_wait3A_1735 : memref<1x1x7x128xf32, #tpu.memory_space<hbm>> -> memref<7x128xf32, #tpu.memory_space<hbm>>
    tpu.wait_dma2 semaphore(%arg18 : memref<!tpu.dma_semaphore, #tpu.memory_space<semaphore_mem>>) src(%dma_wait3A_1736 : memref<7x128xf32, #tpu.memory_space<hbm>>) dst(%dma_wait3A_1732 : memref<7x128xf32, #tpu.memory_space<vmem_shared>>)
    %dma_wait3A_1737 = arith.constant 0 : i32
    %dma_wait3A_1738 = arith.constant 0 : i32
    %dma_wait3A_1739 = arith.constant 0 : i32
    %dma_wait3A_1740 = arith.constant 0 : i32
    %dma_wait3A_1741 = tpu.memref_slice %arg19[%dma_wait3A_1739, %dma_wait3A_1740] : memref<5376x128xf32, #tpu.memory_space<vmem_shared>> -> memref<7x128xf32, #tpu.memory_space<vmem_shared>>
    %dma_wait3A_1742 = arith.constant 0 : i32
    %dma_wait3A_1743 = arith.constant 0 : i32
    %dma_wait3A_1744 = tpu.memref_slice %arg2[%dma_wait3A_1737, %dma_wait3A_1738, %dma_wait3A_1742, %dma_wait3A_1743] : memref<6x512x7x128xf32, #tpu.memory_space<hbm>> -> memref<1x1x7x128xf32, #tpu.memory_space<hbm>>
    %dma_wait3A_1745 = tpu.memref_squeeze %dma_wait3A_1744 : memref<1x1x7x128xf32, #tpu.memory_space<hbm>> -> memref<7x128xf32, #tpu.memory_space<hbm>>
    tpu.wait_dma2 semaphore(%arg18 : memref<!tpu.dma_semaphore, #tpu.memory_space<semaphore_mem>>) src(%dma_wait3A_1745 : memref<7x128xf32, #tpu.memory_space<hbm>>) dst(%dma_wait3A_1741 : memref<7x128xf32, #tpu.memory_space<vmem_shared>>)
    %dma_wait3A_1746 = arith.constant 0 : i32
    %dma_wait3A_1747 = arith.constant 0 : i32
    %dma_wait3A_1748 = arith.constant 0 : i32
    %dma_wait3A_1749 = arith.constant 0 : i32
    %dma_wait3A_1750 = tpu.memref_slice %arg19[%dma_wait3A_1748, %dma_wait3A_1749] : memref<5376x128xf32, #tpu.memory_space<vmem_shared>> -> memref<7x128xf32, #tpu.memory_space<vmem_shared>>
    %dma_wait3A_1751 = arith.constant 0 : i32
    %dma_wait3A_1752 = arith.constant 0 : i32
    %dma_wait3A_1753 = tpu.memref_slice %arg2[%dma_wait3A_1746, %dma_wait3A_1747, %dma_wait3A_1751, %dma_wait3A_1752] : memref<6x512x7x128xf32, #tpu.memory_space<hbm>> -> memref<1x1x7x128xf32, #tpu.memory_space<hbm>>
    %dma_wait3A_1754 = tpu.memref_squeeze %dma_wait3A_1753 : memref<1x1x7x128xf32, #tpu.memory_space<hbm>> -> memref<7x128xf32, #tpu.memory_space<hbm>>
    tpu.wait_dma2 semaphore(%arg18 : memref<!tpu.dma_semaphore, #tpu.memory_space<semaphore_mem>>) src(%dma_wait3A_1754 : memref<7x128xf32, #tpu.memory_space<hbm>>) dst(%dma_wait3A_1750 : memref<7x128xf32, #tpu.memory_space<vmem_shared>>)
    %dma_wait3A_1755 = arith.constant 0 : i32
    %dma_wait3A_1756 = arith.constant 0 : i32
    %dma_wait3A_1757 = arith.constant 0 : i32
    %dma_wait3A_1758 = arith.constant 0 : i32
    %dma_wait3A_1759 = tpu.memref_slice %arg19[%dma_wait3A_1757, %dma_wait3A_1758] : memref<5376x128xf32, #tpu.memory_space<vmem_shared>> -> memref<7x128xf32, #tpu.memory_space<vmem_shared>>
    %dma_wait3A_1760 = arith.constant 0 : i32
    %dma_wait3A_1761 = arith.constant 0 : i32
    %dma_wait3A_1762 = tpu.memref_slice %arg2[%dma_wait3A_1755, %dma_wait3A_1756, %dma_wait3A_1760, %dma_wait3A_1761] : memref<6x512x7x128xf32, #tpu.memory_space<hbm>> -> memref<1x1x7x128xf32, #tpu.memory_space<hbm>>
    %dma_wait3A_1763 = tpu.memref_squeeze %dma_wait3A_1762 : memref<1x1x7x128xf32, #tpu.memory_space<hbm>> -> memref<7x128xf32, #tpu.memory_space<hbm>>
    tpu.wait_dma2 semaphore(%arg18 : memref<!tpu.dma_semaphore, #tpu.memory_space<semaphore_mem>>) src(%dma_wait3A_1763 : memref<7x128xf32, #tpu.memory_space<hbm>>) dst(%dma_wait3A_1759 : memref<7x128xf32, #tpu.memory_space<vmem_shared>>)
    %dma_wait3A_1764 = arith.constant 0 : i32
    %dma_wait3A_1765 = arith.constant 0 : i32
    %dma_wait3A_1766 = arith.constant 0 : i32
    %dma_wait3A_1767 = arith.constant 0 : i32
    %dma_wait3A_1768 = tpu.memref_slice %arg19[%dma_wait3A_1766, %dma_wait3A_1767] : memref<5376x128xf32, #tpu.memory_space<vmem_shared>> -> memref<7x128xf32, #tpu.memory_space<vmem_shared>>
    %dma_wait3A_1769 = arith.constant 0 : i32
    %dma_wait3A_1770 = arith.constant 0 : i32
    %dma_wait3A_1771 = tpu.memref_slice %arg2[%dma_wait3A_1764, %dma_wait3A_1765, %dma_wait3A_1769, %dma_wait3A_1770] : memref<6x512x7x128xf32, #tpu.memory_space<hbm>> -> memref<1x1x7x128xf32, #tpu.memory_space<hbm>>
    %dma_wait3A_1772 = tpu.memref_squeeze %dma_wait3A_1771 : memref<1x1x7x128xf32, #tpu.memory_space<hbm>> -> memref<7x128xf32, #tpu.memory_space<hbm>>
    tpu.wait_dma2 semaphore(%arg18 : memref<!tpu.dma_semaphore, #tpu.memory_space<semaphore_mem>>) src(%dma_wait3A_1772 : memref<7x128xf32, #tpu.memory_space<hbm>>) dst(%dma_wait3A_1768 : memref<7x128xf32, #tpu.memory_space<vmem_shared>>)
    %dma_wait3A_1773 = arith.constant 0 : i32
    %dma_wait3A_1774 = arith.constant 0 : i32
    %dma_wait3A_1775 = arith.constant 0 : i32
    %dma_wait3A_1776 = arith.constant 0 : i32
    %dma_wait3A_1777 = tpu.memref_slice %arg19[%dma_wait3A_1775, %dma_wait3A_1776] : memref<5376x128xf32, #tpu.memory_space<vmem_shared>> -> memref<7x128xf32, #tpu.memory_space<vmem_shared>>
    %dma_wait3A_1778 = arith.constant 0 : i32
    %dma_wait3A_1779 = arith.constant 0 : i32
    %dma_wait3A_1780 = tpu.memref_slice %arg2[%dma_wait3A_1773, %dma_wait3A_1774, %dma_wait3A_1778, %dma_wait3A_1779] : memref<6x512x7x128xf32, #tpu.memory_space<hbm>> -> memref<1x1x7x128xf32, #tpu.memory_space<hbm>>
    %dma_wait3A_1781 = tpu.memref_squeeze %dma_wait3A_1780 : memref<1x1x7x128xf32, #tpu.memory_space<hbm>> -> memref<7x128xf32, #tpu.memory_space<hbm>>
    tpu.wait_dma2 semaphore(%arg18 : memref<!tpu.dma_semaphore, #tpu.memory_space<semaphore_mem>>) src(%dma_wait3A_1781 : memref<7x128xf32, #tpu.memory_space<hbm>>) dst(%dma_wait3A_1777 : memref<7x128xf32, #tpu.memory_space<vmem_shared>>)
    %dma_wait3A_1782 = arith.constant 0 : i32
    %dma_wait3A_1783 = arith.constant 0 : i32
    %dma_wait3A_1784 = arith.constant 0 : i32
    %dma_wait3A_1785 = arith.constant 0 : i32
    %dma_wait3A_1786 = tpu.memref_slice %arg19[%dma_wait3A_1784, %dma_wait3A_1785] : memref<5376x128xf32, #tpu.memory_space<vmem_shared>> -> memref<7x128xf32, #tpu.memory_space<vmem_shared>>
    %dma_wait3A_1787 = arith.constant 0 : i32
    %dma_wait3A_1788 = arith.constant 0 : i32
    %dma_wait3A_1789 = tpu.memref_slice %arg2[%dma_wait3A_1782, %dma_wait3A_1783, %dma_wait3A_1787, %dma_wait3A_1788] : memref<6x512x7x128xf32, #tpu.memory_space<hbm>> -> memref<1x1x7x128xf32, #tpu.memory_space<hbm>>
    %dma_wait3A_1790 = tpu.memref_squeeze %dma_wait3A_1789 : memref<1x1x7x128xf32, #tpu.memory_space<hbm>> -> memref<7x128xf32, #tpu.memory_space<hbm>>
    tpu.wait_dma2 semaphore(%arg18 : memref<!tpu.dma_semaphore, #tpu.memory_space<semaphore_mem>>) src(%dma_wait3A_1790 : memref<7x128xf32, #tpu.memory_space<hbm>>) dst(%dma_wait3A_1786 : memref<7x128xf32, #tpu.memory_space<vmem_shared>>)
    %dma_wait3A_1791 = arith.constant 0 : i32
    %dma_wait3A_1792 = arith.constant 0 : i32
    %dma_wait3A_1793 = arith.constant 0 : i32
    %dma_wait3A_1794 = arith.constant 0 : i32
    %dma_wait3A_1795 = tpu.memref_slice %arg19[%dma_wait3A_1793, %dma_wait3A_1794] : memref<5376x128xf32, #tpu.memory_space<vmem_shared>> -> memref<7x128xf32, #tpu.memory_space<vmem_shared>>
    %dma_wait3A_1796 = arith.constant 0 : i32
    %dma_wait3A_1797 = arith.constant 0 : i32
    %dma_wait3A_1798 = tpu.memref_slice %arg2[%dma_wait3A_1791, %dma_wait3A_1792, %dma_wait3A_1796, %dma_wait3A_1797] : memref<6x512x7x128xf32, #tpu.memory_space<hbm>> -> memref<1x1x7x128xf32, #tpu.memory_space<hbm>>
    %dma_wait3A_1799 = tpu.memref_squeeze %dma_wait3A_1798 : memref<1x1x7x128xf32, #tpu.memory_space<hbm>> -> memref<7x128xf32, #tpu.memory_space<hbm>>
    tpu.wait_dma2 semaphore(%arg18 : memref<!tpu.dma_semaphore, #tpu.memory_space<semaphore_mem>>) src(%dma_wait3A_1799 : memref<7x128xf32, #tpu.memory_space<hbm>>) dst(%dma_wait3A_1795 : memref<7x128xf32, #tpu.memory_space<vmem_shared>>)
    %dma_wait3A_1800 = arith.constant 0 : i32
    %dma_wait3A_1801 = arith.constant 0 : i32
    %dma_wait3A_1802 = arith.constant 0 : i32
    %dma_wait3A_1803 = arith.constant 0 : i32
    %dma_wait3A_1804 = tpu.memref_slice %arg19[%dma_wait3A_1802, %dma_wait3A_1803] : memref<5376x128xf32, #tpu.memory_space<vmem_shared>> -> memref<7x128xf32, #tpu.memory_space<vmem_shared>>
    %dma_wait3A_1805 = arith.constant 0 : i32
    %dma_wait3A_1806 = arith.constant 0 : i32
    %dma_wait3A_1807 = tpu.memref_slice %arg2[%dma_wait3A_1800, %dma_wait3A_1801, %dma_wait3A_1805, %dma_wait3A_1806] : memref<6x512x7x128xf32, #tpu.memory_space<hbm>> -> memref<1x1x7x128xf32, #tpu.memory_space<hbm>>
    %dma_wait3A_1808 = tpu.memref_squeeze %dma_wait3A_1807 : memref<1x1x7x128xf32, #tpu.memory_space<hbm>> -> memref<7x128xf32, #tpu.memory_space<hbm>>
    tpu.wait_dma2 semaphore(%arg18 : memref<!tpu.dma_semaphore, #tpu.memory_space<semaphore_mem>>) src(%dma_wait3A_1808 : memref<7x128xf32, #tpu.memory_space<hbm>>) dst(%dma_wait3A_1804 : memref<7x128xf32, #tpu.memory_space<vmem_shared>>)
    %dma_wait3A_1809 = arith.constant 0 : i32
    %dma_wait3A_1810 = arith.constant 0 : i32
    %dma_wait3A_1811 = arith.constant 0 : i32
    %dma_wait3A_1812 = arith.constant 0 : i32
    %dma_wait3A_1813 = tpu.memref_slice %arg19[%dma_wait3A_1811, %dma_wait3A_1812] : memref<5376x128xf32, #tpu.memory_space<vmem_shared>> -> memref<7x128xf32, #tpu.memory_space<vmem_shared>>
    %dma_wait3A_1814 = arith.constant 0 : i32
    %dma_wait3A_1815 = arith.constant 0 : i32
    %dma_wait3A_1816 = tpu.memref_slice %arg2[%dma_wait3A_1809, %dma_wait3A_1810, %dma_wait3A_1814, %dma_wait3A_1815] : memref<6x512x7x128xf32, #tpu.memory_space<hbm>> -> memref<1x1x7x128xf32, #tpu.memory_space<hbm>>
    %dma_wait3A_1817 = tpu.memref_squeeze %dma_wait3A_1816 : memref<1x1x7x128xf32, #tpu.memory_space<hbm>> -> memref<7x128xf32, #tpu.memory_space<hbm>>
    tpu.wait_dma2 semaphore(%arg18 : memref<!tpu.dma_semaphore, #tpu.memory_space<semaphore_mem>>) src(%dma_wait3A_1817 : memref<7x128xf32, #tpu.memory_space<hbm>>) dst(%dma_wait3A_1813 : memref<7x128xf32, #tpu.memory_space<vmem_shared>>)
    %dma_wait3A_1818 = arith.constant 0 : i32
    %dma_wait3A_1819 = arith.constant 0 : i32
    %dma_wait3A_1820 = arith.constant 0 : i32
    %dma_wait3A_1821 = arith.constant 0 : i32
    %dma_wait3A_1822 = tpu.memref_slice %arg19[%dma_wait3A_1820, %dma_wait3A_1821] : memref<5376x128xf32, #tpu.memory_space<vmem_shared>> -> memref<7x128xf32, #tpu.memory_space<vmem_shared>>
    %dma_wait3A_1823 = arith.constant 0 : i32
    %dma_wait3A_1824 = arith.constant 0 : i32
    %dma_wait3A_1825 = tpu.memref_slice %arg2[%dma_wait3A_1818, %dma_wait3A_1819, %dma_wait3A_1823, %dma_wait3A_1824] : memref<6x512x7x128xf32, #tpu.memory_space<hbm>> -> memref<1x1x7x128xf32, #tpu.memory_space<hbm>>
    %dma_wait3A_1826 = tpu.memref_squeeze %dma_wait3A_1825 : memref<1x1x7x128xf32, #tpu.memory_space<hbm>> -> memref<7x128xf32, #tpu.memory_space<hbm>>
    tpu.wait_dma2 semaphore(%arg18 : memref<!tpu.dma_semaphore, #tpu.memory_space<semaphore_mem>>) src(%dma_wait3A_1826 : memref<7x128xf32, #tpu.memory_space<hbm>>) dst(%dma_wait3A_1822 : memref<7x128xf32, #tpu.memory_space<vmem_shared>>)
    %dma_wait3A_1827 = arith.constant 0 : i32
    %dma_wait3A_1828 = arith.constant 0 : i32
    %dma_wait3A_1829 = arith.constant 0 : i32
    %dma_wait3A_1830 = arith.constant 0 : i32
    %dma_wait3A_1831 = tpu.memref_slice %arg19[%dma_wait3A_1829, %dma_wait3A_1830] : memref<5376x128xf32, #tpu.memory_space<vmem_shared>> -> memref<7x128xf32, #tpu.memory_space<vmem_shared>>
    %dma_wait3A_1832 = arith.constant 0 : i32
    %dma_wait3A_1833 = arith.constant 0 : i32
    %dma_wait3A_1834 = tpu.memref_slice %arg2[%dma_wait3A_1827, %dma_wait3A_1828, %dma_wait3A_1832, %dma_wait3A_1833] : memref<6x512x7x128xf32, #tpu.memory_space<hbm>> -> memref<1x1x7x128xf32, #tpu.memory_space<hbm>>
    %dma_wait3A_1835 = tpu.memref_squeeze %dma_wait3A_1834 : memref<1x1x7x128xf32, #tpu.memory_space<hbm>> -> memref<7x128xf32, #tpu.memory_space<hbm>>
    tpu.wait_dma2 semaphore(%arg18 : memref<!tpu.dma_semaphore, #tpu.memory_space<semaphore_mem>>) src(%dma_wait3A_1835 : memref<7x128xf32, #tpu.memory_space<hbm>>) dst(%dma_wait3A_1831 : memref<7x128xf32, #tpu.memory_space<vmem_shared>>)
    %dma_wait3A_1836 = arith.constant 0 : i32
    %dma_wait3A_1837 = arith.constant 0 : i32
    %dma_wait3A_1838 = arith.constant 0 : i32
    %dma_wait3A_1839 = arith.constant 0 : i32
    %dma_wait3A_1840 = tpu.memref_slice %arg19[%dma_wait3A_1838, %dma_wait3A_1839] : memref<5376x128xf32, #tpu.memory_space<vmem_shared>> -> memref<7x128xf32, #tpu.memory_space<vmem_shared>>
    %dma_wait3A_1841 = arith.constant 0 : i32
    %dma_wait3A_1842 = arith.constant 0 : i32
    %dma_wait3A_1843 = tpu.memref_slice %arg2[%dma_wait3A_1836, %dma_wait3A_1837, %dma_wait3A_1841, %dma_wait3A_1842] : memref<6x512x7x128xf32, #tpu.memory_space<hbm>> -> memref<1x1x7x128xf32, #tpu.memory_space<hbm>>
    %dma_wait3A_1844 = tpu.memref_squeeze %dma_wait3A_1843 : memref<1x1x7x128xf32, #tpu.memory_space<hbm>> -> memref<7x128xf32, #tpu.memory_space<hbm>>
    tpu.wait_dma2 semaphore(%arg18 : memref<!tpu.dma_semaphore, #tpu.memory_space<semaphore_mem>>) src(%dma_wait3A_1844 : memref<7x128xf32, #tpu.memory_space<hbm>>) dst(%dma_wait3A_1840 : memref<7x128xf32, #tpu.memory_space<vmem_shared>>)
    %dma_wait3A_1845 = arith.constant 0 : i32
    %dma_wait3A_1846 = arith.constant 0 : i32
    %dma_wait3A_1847 = arith.constant 0 : i32
    %dma_wait3A_1848 = arith.constant 0 : i32
    %dma_wait3A_1849 = tpu.memref_slice %arg19[%dma_wait3A_1847, %dma_wait3A_1848] : memref<5376x128xf32, #tpu.memory_space<vmem_shared>> -> memref<7x128xf32, #tpu.memory_space<vmem_shared>>
    %dma_wait3A_1850 = arith.constant 0 : i32
    %dma_wait3A_1851 = arith.constant 0 : i32
    %dma_wait3A_1852 = tpu.memref_slice %arg2[%dma_wait3A_1845, %dma_wait3A_1846, %dma_wait3A_1850, %dma_wait3A_1851] : memref<6x512x7x128xf32, #tpu.memory_space<hbm>> -> memref<1x1x7x128xf32, #tpu.memory_space<hbm>>
    %dma_wait3A_1853 = tpu.memref_squeeze %dma_wait3A_1852 : memref<1x1x7x128xf32, #tpu.memory_space<hbm>> -> memref<7x128xf32, #tpu.memory_space<hbm>>
    tpu.wait_dma2 semaphore(%arg18 : memref<!tpu.dma_semaphore, #tpu.memory_space<semaphore_mem>>) src(%dma_wait3A_1853 : memref<7x128xf32, #tpu.memory_space<hbm>>) dst(%dma_wait3A_1849 : memref<7x128xf32, #tpu.memory_space<vmem_shared>>)
    %dma_wait3A_1854 = arith.constant 0 : i32
    %dma_wait3A_1855 = arith.constant 0 : i32
    %dma_wait3A_1856 = arith.constant 0 : i32
    %dma_wait3A_1857 = arith.constant 0 : i32
    %dma_wait3A_1858 = tpu.memref_slice %arg19[%dma_wait3A_1856, %dma_wait3A_1857] : memref<5376x128xf32, #tpu.memory_space<vmem_shared>> -> memref<7x128xf32, #tpu.memory_space<vmem_shared>>
    %dma_wait3A_1859 = arith.constant 0 : i32
    %dma_wait3A_1860 = arith.constant 0 : i32
    %dma_wait3A_1861 = tpu.memref_slice %arg2[%dma_wait3A_1854, %dma_wait3A_1855, %dma_wait3A_1859, %dma_wait3A_1860] : memref<6x512x7x128xf32, #tpu.memory_space<hbm>> -> memref<1x1x7x128xf32, #tpu.memory_space<hbm>>
    %dma_wait3A_1862 = tpu.memref_squeeze %dma_wait3A_1861 : memref<1x1x7x128xf32, #tpu.memory_space<hbm>> -> memref<7x128xf32, #tpu.memory_space<hbm>>
    tpu.wait_dma2 semaphore(%arg18 : memref<!tpu.dma_semaphore, #tpu.memory_space<semaphore_mem>>) src(%dma_wait3A_1862 : memref<7x128xf32, #tpu.memory_space<hbm>>) dst(%dma_wait3A_1858 : memref<7x128xf32, #tpu.memory_space<vmem_shared>>)
    %dma_wait3A_1863 = arith.constant 0 : i32
    %dma_wait3A_1864 = arith.constant 0 : i32
    %dma_wait3A_1865 = arith.constant 0 : i32
    %dma_wait3A_1866 = arith.constant 0 : i32
    %dma_wait3A_1867 = tpu.memref_slice %arg19[%dma_wait3A_1865, %dma_wait3A_1866] : memref<5376x128xf32, #tpu.memory_space<vmem_shared>> -> memref<7x128xf32, #tpu.memory_space<vmem_shared>>
    %dma_wait3A_1868 = arith.constant 0 : i32
    %dma_wait3A_1869 = arith.constant 0 : i32
    %dma_wait3A_1870 = tpu.memref_slice %arg2[%dma_wait3A_1863, %dma_wait3A_1864, %dma_wait3A_1868, %dma_wait3A_1869] : memref<6x512x7x128xf32, #tpu.memory_space<hbm>> -> memref<1x1x7x128xf32, #tpu.memory_space<hbm>>
    %dma_wait3A_1871 = tpu.memref_squeeze %dma_wait3A_1870 : memref<1x1x7x128xf32, #tpu.memory_space<hbm>> -> memref<7x128xf32, #tpu.memory_space<hbm>>
    tpu.wait_dma2 semaphore(%arg18 : memref<!tpu.dma_semaphore, #tpu.memory_space<semaphore_mem>>) src(%dma_wait3A_1871 : memref<7x128xf32, #tpu.memory_space<hbm>>) dst(%dma_wait3A_1867 : memref<7x128xf32, #tpu.memory_space<vmem_shared>>)
    %dma_wait3A_1872 = arith.constant 0 : i32
    %dma_wait3A_1873 = arith.constant 0 : i32
    %dma_wait3A_1874 = arith.constant 0 : i32
    %dma_wait3A_1875 = arith.constant 0 : i32
    %dma_wait3A_1876 = tpu.memref_slice %arg19[%dma_wait3A_1874, %dma_wait3A_1875] : memref<5376x128xf32, #tpu.memory_space<vmem_shared>> -> memref<7x128xf32, #tpu.memory_space<vmem_shared>>
    %dma_wait3A_1877 = arith.constant 0 : i32
    %dma_wait3A_1878 = arith.constant 0 : i32
    %dma_wait3A_1879 = tpu.memref_slice %arg2[%dma_wait3A_1872, %dma_wait3A_1873, %dma_wait3A_1877, %dma_wait3A_1878] : memref<6x512x7x128xf32, #tpu.memory_space<hbm>> -> memref<1x1x7x128xf32, #tpu.memory_space<hbm>>
    %dma_wait3A_1880 = tpu.memref_squeeze %dma_wait3A_1879 : memref<1x1x7x128xf32, #tpu.memory_space<hbm>> -> memref<7x128xf32, #tpu.memory_space<hbm>>
    tpu.wait_dma2 semaphore(%arg18 : memref<!tpu.dma_semaphore, #tpu.memory_space<semaphore_mem>>) src(%dma_wait3A_1880 : memref<7x128xf32, #tpu.memory_space<hbm>>) dst(%dma_wait3A_1876 : memref<7x128xf32, #tpu.memory_space<vmem_shared>>)
    %dma_wait3A_1881 = arith.constant 0 : i32
    %dma_wait3A_1882 = arith.constant 0 : i32
    %dma_wait3A_1883 = arith.constant 0 : i32
    %dma_wait3A_1884 = arith.constant 0 : i32
    %dma_wait3A_1885 = tpu.memref_slice %arg19[%dma_wait3A_1883, %dma_wait3A_1884] : memref<5376x128xf32, #tpu.memory_space<vmem_shared>> -> memref<7x128xf32, #tpu.memory_space<vmem_shared>>
    %dma_wait3A_1886 = arith.constant 0 : i32
    %dma_wait3A_1887 = arith.constant 0 : i32
    %dma_wait3A_1888 = tpu.memref_slice %arg2[%dma_wait3A_1881, %dma_wait3A_1882, %dma_wait3A_1886, %dma_wait3A_1887] : memref<6x512x7x128xf32, #tpu.memory_space<hbm>> -> memref<1x1x7x128xf32, #tpu.memory_space<hbm>>
    %dma_wait3A_1889 = tpu.memref_squeeze %dma_wait3A_1888 : memref<1x1x7x128xf32, #tpu.memory_space<hbm>> -> memref<7x128xf32, #tpu.memory_space<hbm>>
    tpu.wait_dma2 semaphore(%arg18 : memref<!tpu.dma_semaphore, #tpu.memory_space<semaphore_mem>>) src(%dma_wait3A_1889 : memref<7x128xf32, #tpu.memory_space<hbm>>) dst(%dma_wait3A_1885 : memref<7x128xf32, #tpu.memory_space<vmem_shared>>)
    %dma_wait3A_1890 = arith.constant 0 : i32
    %dma_wait3A_1891 = arith.constant 0 : i32
    %dma_wait3A_1892 = arith.constant 0 : i32
    %dma_wait3A_1893 = arith.constant 0 : i32
    %dma_wait3A_1894 = tpu.memref_slice %arg19[%dma_wait3A_1892, %dma_wait3A_1893] : memref<5376x128xf32, #tpu.memory_space<vmem_shared>> -> memref<7x128xf32, #tpu.memory_space<vmem_shared>>
    %dma_wait3A_1895 = arith.constant 0 : i32
    %dma_wait3A_1896 = arith.constant 0 : i32
    %dma_wait3A_1897 = tpu.memref_slice %arg2[%dma_wait3A_1890, %dma_wait3A_1891, %dma_wait3A_1895, %dma_wait3A_1896] : memref<6x512x7x128xf32, #tpu.memory_space<hbm>> -> memref<1x1x7x128xf32, #tpu.memory_space<hbm>>
    %dma_wait3A_1898 = tpu.memref_squeeze %dma_wait3A_1897 : memref<1x1x7x128xf32, #tpu.memory_space<hbm>> -> memref<7x128xf32, #tpu.memory_space<hbm>>
    tpu.wait_dma2 semaphore(%arg18 : memref<!tpu.dma_semaphore, #tpu.memory_space<semaphore_mem>>) src(%dma_wait3A_1898 : memref<7x128xf32, #tpu.memory_space<hbm>>) dst(%dma_wait3A_1894 : memref<7x128xf32, #tpu.memory_space<vmem_shared>>)
    %dma_wait3A_1899 = arith.constant 0 : i32
    %dma_wait3A_1900 = arith.constant 0 : i32
    %dma_wait3A_1901 = arith.constant 0 : i32
    %dma_wait3A_1902 = arith.constant 0 : i32
    %dma_wait3A_1903 = tpu.memref_slice %arg19[%dma_wait3A_1901, %dma_wait3A_1902] : memref<5376x128xf32, #tpu.memory_space<vmem_shared>> -> memref<7x128xf32, #tpu.memory_space<vmem_shared>>
    %dma_wait3A_1904 = arith.constant 0 : i32
    %dma_wait3A_1905 = arith.constant 0 : i32
    %dma_wait3A_1906 = tpu.memref_slice %arg2[%dma_wait3A_1899, %dma_wait3A_1900, %dma_wait3A_1904, %dma_wait3A_1905] : memref<6x512x7x128xf32, #tpu.memory_space<hbm>> -> memref<1x1x7x128xf32, #tpu.memory_space<hbm>>
    %dma_wait3A_1907 = tpu.memref_squeeze %dma_wait3A_1906 : memref<1x1x7x128xf32, #tpu.memory_space<hbm>> -> memref<7x128xf32, #tpu.memory_space<hbm>>
    tpu.wait_dma2 semaphore(%arg18 : memref<!tpu.dma_semaphore, #tpu.memory_space<semaphore_mem>>) src(%dma_wait3A_1907 : memref<7x128xf32, #tpu.memory_space<hbm>>) dst(%dma_wait3A_1903 : memref<7x128xf32, #tpu.memory_space<vmem_shared>>)
    %dma_wait3A_1908 = arith.constant 0 : i32
    %dma_wait3A_1909 = arith.constant 0 : i32
    %dma_wait3A_1910 = arith.constant 0 : i32
    %dma_wait3A_1911 = arith.constant 0 : i32
    %dma_wait3A_1912 = tpu.memref_slice %arg19[%dma_wait3A_1910, %dma_wait3A_1911] : memref<5376x128xf32, #tpu.memory_space<vmem_shared>> -> memref<7x128xf32, #tpu.memory_space<vmem_shared>>
    %dma_wait3A_1913 = arith.constant 0 : i32
    %dma_wait3A_1914 = arith.constant 0 : i32
    %dma_wait3A_1915 = tpu.memref_slice %arg2[%dma_wait3A_1908, %dma_wait3A_1909, %dma_wait3A_1913, %dma_wait3A_1914] : memref<6x512x7x128xf32, #tpu.memory_space<hbm>> -> memref<1x1x7x128xf32, #tpu.memory_space<hbm>>
    %dma_wait3A_1916 = tpu.memref_squeeze %dma_wait3A_1915 : memref<1x1x7x128xf32, #tpu.memory_space<hbm>> -> memref<7x128xf32, #tpu.memory_space<hbm>>
    tpu.wait_dma2 semaphore(%arg18 : memref<!tpu.dma_semaphore, #tpu.memory_space<semaphore_mem>>) src(%dma_wait3A_1916 : memref<7x128xf32, #tpu.memory_space<hbm>>) dst(%dma_wait3A_1912 : memref<7x128xf32, #tpu.memory_space<vmem_shared>>)
    %dma_wait3A_1917 = arith.constant 0 : i32
    %dma_wait3A_1918 = arith.constant 0 : i32
    %dma_wait3A_1919 = arith.constant 0 : i32
    %dma_wait3A_1920 = arith.constant 0 : i32
    %dma_wait3A_1921 = tpu.memref_slice %arg19[%dma_wait3A_1919, %dma_wait3A_1920] : memref<5376x128xf32, #tpu.memory_space<vmem_shared>> -> memref<7x128xf32, #tpu.memory_space<vmem_shared>>
    %dma_wait3A_1922 = arith.constant 0 : i32
    %dma_wait3A_1923 = arith.constant 0 : i32
    %dma_wait3A_1924 = tpu.memref_slice %arg2[%dma_wait3A_1917, %dma_wait3A_1918, %dma_wait3A_1922, %dma_wait3A_1923] : memref<6x512x7x128xf32, #tpu.memory_space<hbm>> -> memref<1x1x7x128xf32, #tpu.memory_space<hbm>>
    %dma_wait3A_1925 = tpu.memref_squeeze %dma_wait3A_1924 : memref<1x1x7x128xf32, #tpu.memory_space<hbm>> -> memref<7x128xf32, #tpu.memory_space<hbm>>
    tpu.wait_dma2 semaphore(%arg18 : memref<!tpu.dma_semaphore, #tpu.memory_space<semaphore_mem>>) src(%dma_wait3A_1925 : memref<7x128xf32, #tpu.memory_space<hbm>>) dst(%dma_wait3A_1921 : memref<7x128xf32, #tpu.memory_space<vmem_shared>>)
    %dma_wait3A_1926 = arith.constant 0 : i32
    %dma_wait3A_1927 = arith.constant 0 : i32
    %dma_wait3A_1928 = arith.constant 0 : i32
    %dma_wait3A_1929 = arith.constant 0 : i32
    %dma_wait3A_1930 = tpu.memref_slice %arg19[%dma_wait3A_1928, %dma_wait3A_1929] : memref<5376x128xf32, #tpu.memory_space<vmem_shared>> -> memref<7x128xf32, #tpu.memory_space<vmem_shared>>
    %dma_wait3A_1931 = arith.constant 0 : i32
    %dma_wait3A_1932 = arith.constant 0 : i32
    %dma_wait3A_1933 = tpu.memref_slice %arg2[%dma_wait3A_1926, %dma_wait3A_1927, %dma_wait3A_1931, %dma_wait3A_1932] : memref<6x512x7x128xf32, #tpu.memory_space<hbm>> -> memref<1x1x7x128xf32, #tpu.memory_space<hbm>>
    %dma_wait3A_1934 = tpu.memref_squeeze %dma_wait3A_1933 : memref<1x1x7x128xf32, #tpu.memory_space<hbm>> -> memref<7x128xf32, #tpu.memory_space<hbm>>
    tpu.wait_dma2 semaphore(%arg18 : memref<!tpu.dma_semaphore, #tpu.memory_space<semaphore_mem>>) src(%dma_wait3A_1934 : memref<7x128xf32, #tpu.memory_space<hbm>>) dst(%dma_wait3A_1930 : memref<7x128xf32, #tpu.memory_space<vmem_shared>>)
    %dma_wait3A_1935 = arith.constant 0 : i32
    %dma_wait3A_1936 = arith.constant 0 : i32
    %dma_wait3A_1937 = arith.constant 0 : i32
    %dma_wait3A_1938 = arith.constant 0 : i32
    %dma_wait3A_1939 = tpu.memref_slice %arg19[%dma_wait3A_1937, %dma_wait3A_1938] : memref<5376x128xf32, #tpu.memory_space<vmem_shared>> -> memref<7x128xf32, #tpu.memory_space<vmem_shared>>
    %dma_wait3A_1940 = arith.constant 0 : i32
    %dma_wait3A_1941 = arith.constant 0 : i32
    %dma_wait3A_1942 = tpu.memref_slice %arg2[%dma_wait3A_1935, %dma_wait3A_1936, %dma_wait3A_1940, %dma_wait3A_1941] : memref<6x512x7x128xf32, #tpu.memory_space<hbm>> -> memref<1x1x7x128xf32, #tpu.memory_space<hbm>>
    %dma_wait3A_1943 = tpu.memref_squeeze %dma_wait3A_1942 : memref<1x1x7x128xf32, #tpu.memory_space<hbm>> -> memref<7x128xf32, #tpu.memory_space<hbm>>
    tpu.wait_dma2 semaphore(%arg18 : memref<!tpu.dma_semaphore, #tpu.memory_space<semaphore_mem>>) src(%dma_wait3A_1943 : memref<7x128xf32, #tpu.memory_space<hbm>>) dst(%dma_wait3A_1939 : memref<7x128xf32, #tpu.memory_space<vmem_shared>>)
    %dma_wait3A_1944 = arith.constant 0 : i32
    %dma_wait3A_1945 = arith.constant 0 : i32
    %dma_wait3A_1946 = arith.constant 0 : i32
    %dma_wait3A_1947 = arith.constant 0 : i32
    %dma_wait3A_1948 = tpu.memref_slice %arg19[%dma_wait3A_1946, %dma_wait3A_1947] : memref<5376x128xf32, #tpu.memory_space<vmem_shared>> -> memref<7x128xf32, #tpu.memory_space<vmem_shared>>
    %dma_wait3A_1949 = arith.constant 0 : i32
    %dma_wait3A_1950 = arith.constant 0 : i32
    %dma_wait3A_1951 = tpu.memref_slice %arg2[%dma_wait3A_1944, %dma_wait3A_1945, %dma_wait3A_1949, %dma_wait3A_1950] : memref<6x512x7x128xf32, #tpu.memory_space<hbm>> -> memref<1x1x7x128xf32, #tpu.memory_space<hbm>>
    %dma_wait3A_1952 = tpu.memref_squeeze %dma_wait3A_1951 : memref<1x1x7x128xf32, #tpu.memory_space<hbm>> -> memref<7x128xf32, #tpu.memory_space<hbm>>
    tpu.wait_dma2 semaphore(%arg18 : memref<!tpu.dma_semaphore, #tpu.memory_space<semaphore_mem>>) src(%dma_wait3A_1952 : memref<7x128xf32, #tpu.memory_space<hbm>>) dst(%dma_wait3A_1948 : memref<7x128xf32, #tpu.memory_space<vmem_shared>>)
    %dma_wait3A_1953 = arith.constant 0 : i32
    %dma_wait3A_1954 = arith.constant 0 : i32
    %dma_wait3A_1955 = arith.constant 0 : i32
    %dma_wait3A_1956 = arith.constant 0 : i32
    %dma_wait3A_1957 = tpu.memref_slice %arg19[%dma_wait3A_1955, %dma_wait3A_1956] : memref<5376x128xf32, #tpu.memory_space<vmem_shared>> -> memref<7x128xf32, #tpu.memory_space<vmem_shared>>
    %dma_wait3A_1958 = arith.constant 0 : i32
    %dma_wait3A_1959 = arith.constant 0 : i32
    %dma_wait3A_1960 = tpu.memref_slice %arg2[%dma_wait3A_1953, %dma_wait3A_1954, %dma_wait3A_1958, %dma_wait3A_1959] : memref<6x512x7x128xf32, #tpu.memory_space<hbm>> -> memref<1x1x7x128xf32, #tpu.memory_space<hbm>>
    %dma_wait3A_1961 = tpu.memref_squeeze %dma_wait3A_1960 : memref<1x1x7x128xf32, #tpu.memory_space<hbm>> -> memref<7x128xf32, #tpu.memory_space<hbm>>
    tpu.wait_dma2 semaphore(%arg18 : memref<!tpu.dma_semaphore, #tpu.memory_space<semaphore_mem>>) src(%dma_wait3A_1961 : memref<7x128xf32, #tpu.memory_space<hbm>>) dst(%dma_wait3A_1957 : memref<7x128xf32, #tpu.memory_space<vmem_shared>>)
    %dma_wait3A_1962 = arith.constant 0 : i32
    %dma_wait3A_1963 = arith.constant 0 : i32
    %dma_wait3A_1964 = arith.constant 0 : i32
    %dma_wait3A_1965 = arith.constant 0 : i32
    %dma_wait3A_1966 = tpu.memref_slice %arg19[%dma_wait3A_1964, %dma_wait3A_1965] : memref<5376x128xf32, #tpu.memory_space<vmem_shared>> -> memref<7x128xf32, #tpu.memory_space<vmem_shared>>
    %dma_wait3A_1967 = arith.constant 0 : i32
    %dma_wait3A_1968 = arith.constant 0 : i32
    %dma_wait3A_1969 = tpu.memref_slice %arg2[%dma_wait3A_1962, %dma_wait3A_1963, %dma_wait3A_1967, %dma_wait3A_1968] : memref<6x512x7x128xf32, #tpu.memory_space<hbm>> -> memref<1x1x7x128xf32, #tpu.memory_space<hbm>>
    %dma_wait3A_1970 = tpu.memref_squeeze %dma_wait3A_1969 : memref<1x1x7x128xf32, #tpu.memory_space<hbm>> -> memref<7x128xf32, #tpu.memory_space<hbm>>
    tpu.wait_dma2 semaphore(%arg18 : memref<!tpu.dma_semaphore, #tpu.memory_space<semaphore_mem>>) src(%dma_wait3A_1970 : memref<7x128xf32, #tpu.memory_space<hbm>>) dst(%dma_wait3A_1966 : memref<7x128xf32, #tpu.memory_space<vmem_shared>>)
    %dma_wait3A_1971 = arith.constant 0 : i32
    %dma_wait3A_1972 = arith.constant 0 : i32
    %dma_wait3A_1973 = arith.constant 0 : i32
    %dma_wait3A_1974 = arith.constant 0 : i32
    %dma_wait3A_1975 = tpu.memref_slice %arg19[%dma_wait3A_1973, %dma_wait3A_1974] : memref<5376x128xf32, #tpu.memory_space<vmem_shared>> -> memref<7x128xf32, #tpu.memory_space<vmem_shared>>
    %dma_wait3A_1976 = arith.constant 0 : i32
    %dma_wait3A_1977 = arith.constant 0 : i32
    %dma_wait3A_1978 = tpu.memref_slice %arg2[%dma_wait3A_1971, %dma_wait3A_1972, %dma_wait3A_1976, %dma_wait3A_1977] : memref<6x512x7x128xf32, #tpu.memory_space<hbm>> -> memref<1x1x7x128xf32, #tpu.memory_space<hbm>>
    %dma_wait3A_1979 = tpu.memref_squeeze %dma_wait3A_1978 : memref<1x1x7x128xf32, #tpu.memory_space<hbm>> -> memref<7x128xf32, #tpu.memory_space<hbm>>
    tpu.wait_dma2 semaphore(%arg18 : memref<!tpu.dma_semaphore, #tpu.memory_space<semaphore_mem>>) src(%dma_wait3A_1979 : memref<7x128xf32, #tpu.memory_space<hbm>>) dst(%dma_wait3A_1975 : memref<7x128xf32, #tpu.memory_space<vmem_shared>>)
    %scan3A_1980 = arith.constant 0 : i32
    %scan3A_1981 = arith.constant 0 : i32
    %scan3A_1982 = arith.constant 0 : i32
    %scan3A_1983 = arith.constant 2 : i32
    %scan3A_1984 = arith.addi %scan3A_1982, %scan3A_1983 : i32
    %scan3A_1985 = arith.constant 1 : i32
    scf.for %scan3A_2034 = %scan3A_1982 to %scan3A_1984 step %scan3A_1985  : i32 {
      %mul3A_2035 = arith.constant 16 : i32
      %mul3A_2036 = arith.muli %scan3A_2034, %mul3A_2035 : i32
      %add3A_2037 = vector.broadcast %mul3A_2036 : i32 to vector<16xi32>
      %add3A_2038 = arith.addi %add3A_2037, %iota3A : vector<16xi32>
      %and3A = arith.constant 3 : i32
      %and3A_2039 = vector.broadcast %and3A : i32 to vector<16xi32>
      %and3A_2040 = arith.andi %add3A_2038, %and3A_2039 : vector<16xi32>
      %shift_right_logical3A = arith.constant 2 : i32
      %shift_right_logical3A_2041 = vector.broadcast %shift_right_logical3A : i32 to vector<16xi32>
      %shift_right_logical3A_2042 = arith.shrui %add3A_2038, %shift_right_logical3A_2041 : vector<16xi32>
      %mul3A_2043 = arith.constant 4 : i32
      %mul3A_2044 = arith.muli %scan3A_1981, %mul3A_2043 : i32
      %add3A_2045 = vector.broadcast %mul3A_2044 : i32 to vector<16xi32>
      %add3A_2046 = arith.addi %add3A_2045, %and3A_2040 : vector<16xi32>
      %gather3A = tpu.vector_load_idx %arg5[%add3A_2046] : memref<288xi32, #tpu.memory_space<vmem>>[vector<16xi32>], vector<16xi32>,
      %add3A_2047 = vector.broadcast %mul3A_4 : i32 to vector<16xi32>
      %add3A_2048 = arith.addi %add3A_2047, %gather3A : vector<16xi32>
      %mul3A_2049 = arith.constant 7 : i32
      %mul3A_2050 = vector.broadcast %mul3A_2049 : i32 to vector<16xi32>
      %mul3A_2051 = arith.muli %shift_right_logical3A_2042, %mul3A_2050 : vector<16xi32>
      %add3A_2052 = arith.addi %add3A_2048, %mul3A_2051 : vector<16xi32>
      %mul3A_2053 = arith.constant 16 : i32
      %mul3A_2054 = arith.muli %scan3A_2034, %mul3A_2053 : i32
      %swap3A = arith.index_cast %mul3A_2054 : i32 to index
      %swap3A_2055 = tpu.vector_load %arg6[%swap3A] {strides = array<i32>} : memref<32xi32, #tpu.memory_space<vmem>>, vector<16xi32>,
      tpu.vector_store %arg6[%swap3A], %add3A_2052 {strides = array<i32>} : memref<32xi32, #tpu.memory_space<vmem>>, vector<16xi32>,
    }
    %scan3A_1986 = arith.constant 2 : i32
    %dma_start3A_1987 = arith.constant 0 : i32
    %dma_start3A_1988 = arith.constant 0 : i32
    %dma_start3A_1989 = tpu.memref_slice %arg19[%dma_start3A_1987, %dma_start3A_1988] : memref<5376x128xf32, #tpu.memory_space<vmem_shared>> -> memref<5376x128xf32, #tpu.memory_space<vmem_shared>>
    tpu.enqueue_indirect_dma source(%dma_start3A_1989 : memref<5376x128xf32, #tpu.memory_space<vmem_shared>>) target(%arg9 : memref<32x128xf32, #tpu.memory_space<vmem>>) offsets(%arg6 : memref<32xi32, #tpu.memory_space<vmem>>) semaphore(%arg12 : memref<!tpu.dma_semaphore, #tpu.memory_space<semaphore_mem>>)
    %scan3A_1990 = arith.constant 0 : i32
    %scan3A_1991 = arith.constant 1 : i32
    %scan3A_1992 = arith.constant 0 : i32
    %scan3A_1993 = arith.constant 2 : i32
    %scan3A_1994 = arith.addi %scan3A_1992, %scan3A_1993 : i32
    %scan3A_1995 = arith.constant 1 : i32
    scf.for %scan3A_2034 = %scan3A_1992 to %scan3A_1994 step %scan3A_1995  : i32 {
      %mul3A_2035 = arith.constant 16 : i32
      %mul3A_2036 = arith.muli %scan3A_2034, %mul3A_2035 : i32
      %add3A_2037 = vector.broadcast %mul3A_2036 : i32 to vector<16xi32>
      %add3A_2038 = arith.addi %add3A_2037, %iota3A : vector<16xi32>
      %and3A = arith.constant 3 : i32
      %and3A_2039 = vector.broadcast %and3A : i32 to vector<16xi32>
      %and3A_2040 = arith.andi %add3A_2038, %and3A_2039 : vector<16xi32>
      %shift_right_logical3A = arith.constant 2 : i32
      %shift_right_logical3A_2041 = vector.broadcast %shift_right_logical3A : i32 to vector<16xi32>
      %shift_right_logical3A_2042 = arith.shrui %add3A_2038, %shift_right_logical3A_2041 : vector<16xi32>
      %mul3A_2043 = arith.constant 4 : i32
      %mul3A_2044 = arith.muli %scan3A_1991, %mul3A_2043 : i32
      %add3A_2045 = vector.broadcast %mul3A_2044 : i32 to vector<16xi32>
      %add3A_2046 = arith.addi %add3A_2045, %and3A_2040 : vector<16xi32>
      %gather3A = tpu.vector_load_idx %arg5[%add3A_2046] : memref<288xi32, #tpu.memory_space<vmem>>[vector<16xi32>], vector<16xi32>,
      %add3A_2047 = vector.broadcast %mul3A_4 : i32 to vector<16xi32>
      %add3A_2048 = arith.addi %add3A_2047, %gather3A : vector<16xi32>
      %mul3A_2049 = arith.constant 7 : i32
      %mul3A_2050 = vector.broadcast %mul3A_2049 : i32 to vector<16xi32>
      %mul3A_2051 = arith.muli %shift_right_logical3A_2042, %mul3A_2050 : vector<16xi32>
      %add3A_2052 = arith.addi %add3A_2048, %mul3A_2051 : vector<16xi32>
      %mul3A_2053 = arith.constant 16 : i32
      %mul3A_2054 = arith.muli %scan3A_2034, %mul3A_2053 : i32
      %swap3A = arith.index_cast %mul3A_2054 : i32 to index
      %swap3A_2055 = tpu.vector_load %arg7[%swap3A] {strides = array<i32>} : memref<32xi32, #tpu.memory_space<vmem>>, vector<16xi32>,
      tpu.vector_store %arg7[%swap3A], %add3A_2052 {strides = array<i32>} : memref<32xi32, #tpu.memory_space<vmem>>, vector<16xi32>,
    }
    %scan3A_1996 = arith.constant 2 : i32
    %dma_start3A_1997 = arith.constant 0 : i32
    %dma_start3A_1998 = arith.constant 0 : i32
    %dma_start3A_1999 = tpu.memref_slice %arg19[%dma_start3A_1997, %dma_start3A_1998] : memref<5376x128xf32, #tpu.memory_space<vmem_shared>> -> memref<5376x128xf32, #tpu.memory_space<vmem_shared>>
    tpu.enqueue_indirect_dma source(%dma_start3A_1999 : memref<5376x128xf32, #tpu.memory_space<vmem_shared>>) target(%arg10 : memref<32x128xf32, #tpu.memory_space<vmem>>) offsets(%arg7 : memref<32xi32, #tpu.memory_space<vmem>>) semaphore(%arg13 : memref<!tpu.dma_semaphore, #tpu.memory_space<semaphore_mem>>)
    %scan3A_2000 = arith.constant 0 : i32
    %scan3A_2001 = arith.constant 2 : i32
    %scan3A_2002 = arith.constant 0 : i32
    %scan3A_2003 = arith.constant 2 : i32
    %scan3A_2004 = arith.addi %scan3A_2002, %scan3A_2003 : i32
    %scan3A_2005 = arith.constant 1 : i32
    scf.for %scan3A_2034 = %scan3A_2002 to %scan3A_2004 step %scan3A_2005  : i32 {
      %mul3A_2035 = arith.constant 16 : i32
      %mul3A_2036 = arith.muli %scan3A_2034, %mul3A_2035 : i32
      %add3A_2037 = vector.broadcast %mul3A_2036 : i32 to vector<16xi32>
      %add3A_2038 = arith.addi %add3A_2037, %iota3A : vector<16xi32>
      %and3A = arith.constant 3 : i32
      %and3A_2039 = vector.broadcast %and3A : i32 to vector<16xi32>
      %and3A_2040 = arith.andi %add3A_2038, %and3A_2039 : vector<16xi32>
      %shift_right_logical3A = arith.constant 2 : i32
      %shift_right_logical3A_2041 = vector.broadcast %shift_right_logical3A : i32 to vector<16xi32>
      %shift_right_logical3A_2042 = arith.shrui %add3A_2038, %shift_right_logical3A_2041 : vector<16xi32>
      %mul3A_2043 = arith.constant 4 : i32
      %mul3A_2044 = arith.muli %scan3A_2001, %mul3A_2043 : i32
      %add3A_2045 = vector.broadcast %mul3A_2044 : i32 to vector<16xi32>
      %add3A_2046 = arith.addi %add3A_2045, %and3A_2040 : vector<16xi32>
      %gather3A = tpu.vector_load_idx %arg5[%add3A_2046] : memref<288xi32, #tpu.memory_space<vmem>>[vector<16xi32>], vector<16xi32>,
      %add3A_2047 = vector.broadcast %mul3A_4 : i32 to vector<16xi32>
      %add3A_2048 = arith.addi %add3A_2047, %gather3A : vector<16xi32>
      %mul3A_2049 = arith.constant 7 : i32
      %mul3A_2050 = vector.broadcast %mul3A_2049 : i32 to vector<16xi32>
      %mul3A_2051 = arith.muli %shift_right_logical3A_2042, %mul3A_2050 : vector<16xi32>
      %add3A_2052 = arith.addi %add3A_2048, %mul3A_2051 : vector<16xi32>
      %mul3A_2053 = arith.constant 16 : i32
      %mul3A_2054 = arith.muli %scan3A_2034, %mul3A_2053 : i32
      %swap3A = arith.index_cast %mul3A_2054 : i32 to index
      %swap3A_2055 = tpu.vector_load %arg8[%swap3A] {strides = array<i32>} : memref<32xi32, #tpu.memory_space<vmem>>, vector<16xi32>,
      tpu.vector_store %arg8[%swap3A], %add3A_2052 {strides = array<i32>} : memref<32xi32, #tpu.memory_space<vmem>>, vector<16xi32>,
    }
    %scan3A_2006 = arith.constant 2 : i32
    %dma_start3A_2007 = arith.constant 0 : i32
    %dma_start3A_2008 = arith.constant 0 : i32
    %dma_start3A_2009 = tpu.memref_slice %arg19[%dma_start3A_2007, %dma_start3A_2008] : memref<5376x128xf32, #tpu.memory_space<vmem_shared>> -> memref<5376x128xf32, #tpu.memory_space<vmem_shared>>
    tpu.enqueue_indirect_dma source(%dma_start3A_2009 : memref<5376x128xf32, #tpu.memory_space<vmem_shared>>) target(%arg11 : memref<32x128xf32, #tpu.memory_space<vmem>>) offsets(%arg8 : memref<32xi32, #tpu.memory_space<vmem>>) semaphore(%arg14 : memref<!tpu.dma_semaphore, #tpu.memory_space<semaphore_mem>>)
    %scan3A_2010 = arith.constant 0 : i32
    %scan3A_2011 = arith.constant 0 : i32
    %scan3A_2012 = arith.constant 23 : i32
    %scan3A_2013 = arith.addi %scan3A_2011, %scan3A_2012 : i32
    %scan3A_2014 = arith.constant 1 : i32
    scf.for %scan3A_2034 = %scan3A_2011 to %scan3A_2013 step %scan3A_2014  : i32 {
      %mul3A_2035 = arith.constant 3 : i32
      %mul3A_2036 = arith.muli %scan3A_2034, %mul3A_2035 : i32
      %add3A_2037 = arith.constant 0 : i32
      %add3A_2038 = arith.addi %mul3A_2036, %add3A_2037 : i32
      %mul3A_2039 = arith.constant 2048 : i32
      %mul3A_2040 = arith.muli %add3A_2038, %mul3A_2039 : i32
      %mul3A_2041 = arith.constant 4 : i32
      %mul3A_2042 = arith.muli %add3A_1019, %mul3A_2041 : i32
      %add3A_2043 = arith.addi %mul3A_2040, %mul3A_2042 : i32
      %dma_wait3A_2044 = arith.constant 0 : i32
      %dma_wait3A_2045 = arith.constant 0 : i32
      %dma_wait3A_2046 = tpu.memref_slice %arg19[%dma_wait3A_2044, %dma_wait3A_2045] : memref<5376x128xf32, #tpu.memory_space<vmem_shared>> -> memref<5376x128xf32, #tpu.memory_space<vmem_shared>>
      tpu.wait_indirect_dma semaphore(%arg12 : memref<!tpu.dma_semaphore, #tpu.memory_space<semaphore_mem>>) src(%dma_wait3A_2046 : memref<5376x128xf32, #tpu.memory_space<vmem_shared>>) dst(%arg9 : memref<32x128xf32, #tpu.memory_space<vmem>>)
      %dma_start3A_2047 = arith.constant 0 : i32
      %dma_start3A_2048 = tpu.memref_slice %arg4[%add3A_2043, %dma_start3A_2047] : memref<141312x128xf32, #tpu.memory_space<hbm>> -> memref<32x128xf32, #tpu.memory_space<hbm>>
      %dma_start3A_2049 = arith.constant 0 : i32
      %dma_start3A_2050 = tpu.memref_slice %arg4[%add3A_2043, %dma_start3A_2049] : memref<141312x128xf32, #tpu.memory_space<hbm>> -> memref<32x128xf32, #tpu.memory_space<hbm>>
      tpu.enqueue_dma source(%arg9 : memref<32x128xf32, #tpu.memory_space<vmem>>) target(%dma_start3A_2050 : memref<32x128xf32, #tpu.memory_space<hbm>>) target_semaphore(%arg15 : memref<!tpu.dma_semaphore, #tpu.memory_space<semaphore_mem>>)
      %add3A_2051 = arith.constant 3 : i32
      %add3A_2052 = arith.addi %add3A_2038, %add3A_2051 : i32
      %lt3A = arith.constant 69 : i32
      %lt3A_2053 = arith.cmpi slt, %add3A_2052, %lt3A : i32
      %convert_element_type3A = arith.extui %lt3A_2053 : i1 to i32
      %cond3A = arith.constant 0 : i32
      %cond3A_2054 = arith.cmpi ne, %convert_element_type3A, %cond3A : i32
      scf.if %cond3A_2054 {
        %add3A_2101 = arith.constant 3 : i32
        %add3A_2102 = arith.addi %add3A_2038, %add3A_2101 : i32
        %scan3A_2103 = arith.constant 0 : i32
        %scan3A_2104 = arith.constant 0 : i32
        %scan3A_2105 = arith.constant 2 : i32
        %scan3A_2106 = arith.addi %scan3A_2104, %scan3A_2105 : i32
        %scan3A_2107 = arith.constant 1 : i32
        scf.for %scan3A_2116 = %scan3A_2104 to %scan3A_2106 step %scan3A_2107  : i32 {
          %mul3A_2117 = arith.constant 16 : i32
          %mul3A_2118 = arith.muli %scan3A_2116, %mul3A_2117 : i32
          %add3A_2119 = vector.broadcast %mul3A_2118 : i32 to vector<16xi32>
          %add3A_2120 = arith.addi %add3A_2119, %iota3A : vector<16xi32>
          %and3A = arith.constant 3 : i32
          %and3A_2121 = vector.broadcast %and3A : i32 to vector<16xi32>
          %and3A_2122 = arith.andi %add3A_2120, %and3A_2121 : vector<16xi32>
          %shift_right_logical3A = arith.constant 2 : i32
          %shift_right_logical3A_2123 = vector.broadcast %shift_right_logical3A : i32 to vector<16xi32>
          %shift_right_logical3A_2124 = arith.shrui %add3A_2120, %shift_right_logical3A_2123 : vector<16xi32>
          %mul3A_2125 = arith.constant 4 : i32
          %mul3A_2126 = arith.muli %add3A_2102, %mul3A_2125 : i32
          %add3A_2127 = vector.broadcast %mul3A_2126 : i32 to vector<16xi32>
          %add3A_2128 = arith.addi %add3A_2127, %and3A_2122 : vector<16xi32>
          %gather3A = tpu.vector_load_idx %arg5[%add3A_2128] : memref<288xi32, #tpu.memory_space<vmem>>[vector<16xi32>], vector<16xi32>,
          %add3A_2129 = vector.broadcast %mul3A_4 : i32 to vector<16xi32>
          %add3A_2130 = arith.addi %add3A_2129, %gather3A : vector<16xi32>
          %mul3A_2131 = arith.constant 7 : i32
          %mul3A_2132 = vector.broadcast %mul3A_2131 : i32 to vector<16xi32>
          %mul3A_2133 = arith.muli %shift_right_logical3A_2124, %mul3A_2132 : vector<16xi32>
          %add3A_2134 = arith.addi %add3A_2130, %mul3A_2133 : vector<16xi32>
          %mul3A_2135 = arith.constant 16 : i32
          %mul3A_2136 = arith.muli %scan3A_2116, %mul3A_2135 : i32
          %swap3A = arith.index_cast %mul3A_2136 : i32 to index
          %swap3A_2137 = tpu.vector_load %arg6[%swap3A] {strides = array<i32>} : memref<32xi32, #tpu.memory_space<vmem>>, vector<16xi32>,
          tpu.vector_store %arg6[%swap3A], %add3A_2134 {strides = array<i32>} : memref<32xi32, #tpu.memory_space<vmem>>, vector<16xi32>,
        }
        %scan3A_2108 = arith.constant 2 : i32
        %dma_wait3A_2109 = arith.constant 0 : i32
        %dma_wait3A_2110 = tpu.memref_slice %arg4[%add3A_2043, %dma_wait3A_2109] : memref<141312x128xf32, #tpu.memory_space<hbm>> -> memref<32x128xf32, #tpu.memory_space<hbm>>
        %dma_wait3A_2111 = arith.constant 0 : i32
        %dma_wait3A_2112 = tpu.memref_slice %arg4[%add3A_2043, %dma_wait3A_2111] : memref<141312x128xf32, #tpu.memory_space<hbm>> -> memref<32x128xf32, #tpu.memory_space<hbm>>
        tpu.wait_dma2 semaphore(%arg15 : memref<!tpu.dma_semaphore, #tpu.memory_space<semaphore_mem>>) src(%arg9 : memref<32x128xf32, #tpu.memory_space<vmem>>) dst(%dma_wait3A_2112 : memref<32x128xf32, #tpu.memory_space<hbm>>)
        %dma_start3A_2113 = arith.constant 0 : i32
        %dma_start3A_2114 = arith.constant 0 : i32
        %dma_start3A_2115 = tpu.memref_slice %arg19[%dma_start3A_2113, %dma_start3A_2114] : memref<5376x128xf32, #tpu.memory_space<vmem_shared>> -> memref<5376x128xf32, #tpu.memory_space<vmem_shared>>
        tpu.enqueue_indirect_dma source(%dma_start3A_2115 : memref<5376x128xf32, #tpu.memory_space<vmem_shared>>) target(%arg9 : memref<32x128xf32, #tpu.memory_space<vmem>>) offsets(%arg6 : memref<32xi32, #tpu.memory_space<vmem>>) semaphore(%arg12 : memref<!tpu.dma_semaphore, #tpu.memory_space<semaphore_mem>>)
      } else {
      }
      %mul3A_2055 = arith.constant 3 : i32
      %mul3A_2056 = arith.muli %scan3A_2034, %mul3A_2055 : i32
      %add3A_2057 = arith.constant 1 : i32
      %add3A_2058 = arith.addi %mul3A_2056, %add3A_2057 : i32
      %mul3A_2059 = arith.constant 2048 : i32
      %mul3A_2060 = arith.muli %add3A_2058, %mul3A_2059 : i32
      %mul3A_2061 = arith.constant 4 : i32
      %mul3A_2062 = arith.muli %add3A_1019, %mul3A_2061 : i32
      %add3A_2063 = arith.addi %mul3A_2060, %mul3A_2062 : i32
      %dma_wait3A_2064 = arith.constant 0 : i32
      %dma_wait3A_2065 = arith.constant 0 : i32
      %dma_wait3A_2066 = tpu.memref_slice %arg19[%dma_wait3A_2064, %dma_wait3A_2065] : memref<5376x128xf32, #tpu.memory_space<vmem_shared>> -> memref<5376x128xf32, #tpu.memory_space<vmem_shared>>
      tpu.wait_indirect_dma semaphore(%arg13 : memref<!tpu.dma_semaphore, #tpu.memory_space<semaphore_mem>>) src(%dma_wait3A_2066 : memref<5376x128xf32, #tpu.memory_space<vmem_shared>>) dst(%arg10 : memref<32x128xf32, #tpu.memory_space<vmem>>)
      %dma_start3A_2067 = arith.constant 0 : i32
      %dma_start3A_2068 = tpu.memref_slice %arg4[%add3A_2063, %dma_start3A_2067] : memref<141312x128xf32, #tpu.memory_space<hbm>> -> memref<32x128xf32, #tpu.memory_space<hbm>>
      %dma_start3A_2069 = arith.constant 0 : i32
      %dma_start3A_2070 = tpu.memref_slice %arg4[%add3A_2063, %dma_start3A_2069] : memref<141312x128xf32, #tpu.memory_space<hbm>> -> memref<32x128xf32, #tpu.memory_space<hbm>>
      tpu.enqueue_dma source(%arg10 : memref<32x128xf32, #tpu.memory_space<vmem>>) target(%dma_start3A_2070 : memref<32x128xf32, #tpu.memory_space<hbm>>) target_semaphore(%arg16 : memref<!tpu.dma_semaphore, #tpu.memory_space<semaphore_mem>>)
      %add3A_2071 = arith.constant 3 : i32
      %add3A_2072 = arith.addi %add3A_2058, %add3A_2071 : i32
      %lt3A_2073 = arith.constant 69 : i32
      %lt3A_2074 = arith.cmpi slt, %add3A_2072, %lt3A_2073 : i32
      %convert_element_type3A_2075 = arith.extui %lt3A_2074 : i1 to i32
      %cond3A_2076 = arith.constant 0 : i32
      %cond3A_2077 = arith.cmpi ne, %convert_element_type3A_2075, %cond3A_2076 : i32
      scf.if %cond3A_2077 {
        %add3A_2101 = arith.constant 3 : i32
        %add3A_2102 = arith.addi %add3A_2058, %add3A_2101 : i32
        %scan3A_2103 = arith.constant 0 : i32
        %scan3A_2104 = arith.constant 0 : i32
        %scan3A_2105 = arith.constant 2 : i32
        %scan3A_2106 = arith.addi %scan3A_2104, %scan3A_2105 : i32
        %scan3A_2107 = arith.constant 1 : i32
        scf.for %scan3A_2116 = %scan3A_2104 to %scan3A_2106 step %scan3A_2107  : i32 {
          %mul3A_2117 = arith.constant 16 : i32
          %mul3A_2118 = arith.muli %scan3A_2116, %mul3A_2117 : i32
          %add3A_2119 = vector.broadcast %mul3A_2118 : i32 to vector<16xi32>
          %add3A_2120 = arith.addi %add3A_2119, %iota3A : vector<16xi32>
          %and3A = arith.constant 3 : i32
          %and3A_2121 = vector.broadcast %and3A : i32 to vector<16xi32>
          %and3A_2122 = arith.andi %add3A_2120, %and3A_2121 : vector<16xi32>
          %shift_right_logical3A = arith.constant 2 : i32
          %shift_right_logical3A_2123 = vector.broadcast %shift_right_logical3A : i32 to vector<16xi32>
          %shift_right_logical3A_2124 = arith.shrui %add3A_2120, %shift_right_logical3A_2123 : vector<16xi32>
          %mul3A_2125 = arith.constant 4 : i32
          %mul3A_2126 = arith.muli %add3A_2102, %mul3A_2125 : i32
          %add3A_2127 = vector.broadcast %mul3A_2126 : i32 to vector<16xi32>
          %add3A_2128 = arith.addi %add3A_2127, %and3A_2122 : vector<16xi32>
          %gather3A = tpu.vector_load_idx %arg5[%add3A_2128] : memref<288xi32, #tpu.memory_space<vmem>>[vector<16xi32>], vector<16xi32>,
          %add3A_2129 = vector.broadcast %mul3A_4 : i32 to vector<16xi32>
          %add3A_2130 = arith.addi %add3A_2129, %gather3A : vector<16xi32>
          %mul3A_2131 = arith.constant 7 : i32
          %mul3A_2132 = vector.broadcast %mul3A_2131 : i32 to vector<16xi32>
          %mul3A_2133 = arith.muli %shift_right_logical3A_2124, %mul3A_2132 : vector<16xi32>
          %add3A_2134 = arith.addi %add3A_2130, %mul3A_2133 : vector<16xi32>
          %mul3A_2135 = arith.constant 16 : i32
          %mul3A_2136 = arith.muli %scan3A_2116, %mul3A_2135 : i32
          %swap3A = arith.index_cast %mul3A_2136 : i32 to index
          %swap3A_2137 = tpu.vector_load %arg7[%swap3A] {strides = array<i32>} : memref<32xi32, #tpu.memory_space<vmem>>, vector<16xi32>,
          tpu.vector_store %arg7[%swap3A], %add3A_2134 {strides = array<i32>} : memref<32xi32, #tpu.memory_space<vmem>>, vector<16xi32>,
        }
        %scan3A_2108 = arith.constant 2 : i32
        %dma_wait3A_2109 = arith.constant 0 : i32
        %dma_wait3A_2110 = tpu.memref_slice %arg4[%add3A_2063, %dma_wait3A_2109] : memref<141312x128xf32, #tpu.memory_space<hbm>> -> memref<32x128xf32, #tpu.memory_space<hbm>>
        %dma_wait3A_2111 = arith.constant 0 : i32
        %dma_wait3A_2112 = tpu.memref_slice %arg4[%add3A_2063, %dma_wait3A_2111] : memref<141312x128xf32, #tpu.memory_space<hbm>> -> memref<32x128xf32, #tpu.memory_space<hbm>>
        tpu.wait_dma2 semaphore(%arg16 : memref<!tpu.dma_semaphore, #tpu.memory_space<semaphore_mem>>) src(%arg10 : memref<32x128xf32, #tpu.memory_space<vmem>>) dst(%dma_wait3A_2112 : memref<32x128xf32, #tpu.memory_space<hbm>>)
        %dma_start3A_2113 = arith.constant 0 : i32
        %dma_start3A_2114 = arith.constant 0 : i32
        %dma_start3A_2115 = tpu.memref_slice %arg19[%dma_start3A_2113, %dma_start3A_2114] : memref<5376x128xf32, #tpu.memory_space<vmem_shared>> -> memref<5376x128xf32, #tpu.memory_space<vmem_shared>>
        tpu.enqueue_indirect_dma source(%dma_start3A_2115 : memref<5376x128xf32, #tpu.memory_space<vmem_shared>>) target(%arg10 : memref<32x128xf32, #tpu.memory_space<vmem>>) offsets(%arg7 : memref<32xi32, #tpu.memory_space<vmem>>) semaphore(%arg13 : memref<!tpu.dma_semaphore, #tpu.memory_space<semaphore_mem>>)
      } else {
      }
      %mul3A_2078 = arith.constant 3 : i32
      %mul3A_2079 = arith.muli %scan3A_2034, %mul3A_2078 : i32
      %add3A_2080 = arith.constant 2 : i32
      %add3A_2081 = arith.addi %mul3A_2079, %add3A_2080 : i32
      %mul3A_2082 = arith.constant 2048 : i32
      %mul3A_2083 = arith.muli %add3A_2081, %mul3A_2082 : i32
      %mul3A_2084 = arith.constant 4 : i32
      %mul3A_2085 = arith.muli %add3A_1019, %mul3A_2084 : i32
      %add3A_2086 = arith.addi %mul3A_2083, %mul3A_2085 : i32
      %dma_wait3A_2087 = arith.constant 0 : i32
      %dma_wait3A_2088 = arith.constant 0 : i32
      %dma_wait3A_2089 = tpu.memref_slice %arg19[%dma_wait3A_2087, %dma_wait3A_2088] : memref<5376x128xf32, #tpu.memory_space<vmem_shared>> -> memref<5376x128xf32, #tpu.memory_space<vmem_shared>>
      tpu.wait_indirect_dma semaphore(%arg14 : memref<!tpu.dma_semaphore, #tpu.memory_space<semaphore_mem>>) src(%dma_wait3A_2089 : memref<5376x128xf32, #tpu.memory_space<vmem_shared>>) dst(%arg11 : memref<32x128xf32, #tpu.memory_space<vmem>>)
      %dma_start3A_2090 = arith.constant 0 : i32
      %dma_start3A_2091 = tpu.memref_slice %arg4[%add3A_2086, %dma_start3A_2090] : memref<141312x128xf32, #tpu.memory_space<hbm>> -> memref<32x128xf32, #tpu.memory_space<hbm>>
      %dma_start3A_2092 = arith.constant 0 : i32
      %dma_start3A_2093 = tpu.memref_slice %arg4[%add3A_2086, %dma_start3A_2092] : memref<141312x128xf32, #tpu.memory_space<hbm>> -> memref<32x128xf32, #tpu.memory_space<hbm>>
      tpu.enqueue_dma source(%arg11 : memref<32x128xf32, #tpu.memory_space<vmem>>) target(%dma_start3A_2093 : memref<32x128xf32, #tpu.memory_space<hbm>>) target_semaphore(%arg17 : memref<!tpu.dma_semaphore, #tpu.memory_space<semaphore_mem>>)
      %add3A_2094 = arith.constant 3 : i32
      %add3A_2095 = arith.addi %add3A_2081, %add3A_2094 : i32
      %lt3A_2096 = arith.constant 69 : i32
      %lt3A_2097 = arith.cmpi slt, %add3A_2095, %lt3A_2096 : i32
      %convert_element_type3A_2098 = arith.extui %lt3A_2097 : i1 to i32
      %cond3A_2099 = arith.constant 0 : i32
      %cond3A_2100 = arith.cmpi ne, %convert_element_type3A_2098, %cond3A_2099 : i32
      scf.if %cond3A_2100 {
        %add3A_2101 = arith.constant 3 : i32
        %add3A_2102 = arith.addi %add3A_2081, %add3A_2101 : i32
        %scan3A_2103 = arith.constant 0 : i32
        %scan3A_2104 = arith.constant 0 : i32
        %scan3A_2105 = arith.constant 2 : i32
        %scan3A_2106 = arith.addi %scan3A_2104, %scan3A_2105 : i32
        %scan3A_2107 = arith.constant 1 : i32
        scf.for %scan3A_2116 = %scan3A_2104 to %scan3A_2106 step %scan3A_2107  : i32 {
          %mul3A_2117 = arith.constant 16 : i32
          %mul3A_2118 = arith.muli %scan3A_2116, %mul3A_2117 : i32
          %add3A_2119 = vector.broadcast %mul3A_2118 : i32 to vector<16xi32>
          %add3A_2120 = arith.addi %add3A_2119, %iota3A : vector<16xi32>
          %and3A = arith.constant 3 : i32
          %and3A_2121 = vector.broadcast %and3A : i32 to vector<16xi32>
          %and3A_2122 = arith.andi %add3A_2120, %and3A_2121 : vector<16xi32>
          %shift_right_logical3A = arith.constant 2 : i32
          %shift_right_logical3A_2123 = vector.broadcast %shift_right_logical3A : i32 to vector<16xi32>
          %shift_right_logical3A_2124 = arith.shrui %add3A_2120, %shift_right_logical3A_2123 : vector<16xi32>
          %mul3A_2125 = arith.constant 4 : i32
          %mul3A_2126 = arith.muli %add3A_2102, %mul3A_2125 : i32
          %add3A_2127 = vector.broadcast %mul3A_2126 : i32 to vector<16xi32>
          %add3A_2128 = arith.addi %add3A_2127, %and3A_2122 : vector<16xi32>
          %gather3A = tpu.vector_load_idx %arg5[%add3A_2128] : memref<288xi32, #tpu.memory_space<vmem>>[vector<16xi32>], vector<16xi32>,
          %add3A_2129 = vector.broadcast %mul3A_4 : i32 to vector<16xi32>
          %add3A_2130 = arith.addi %add3A_2129, %gather3A : vector<16xi32>
          %mul3A_2131 = arith.constant 7 : i32
          %mul3A_2132 = vector.broadcast %mul3A_2131 : i32 to vector<16xi32>
          %mul3A_2133 = arith.muli %shift_right_logical3A_2124, %mul3A_2132 : vector<16xi32>
          %add3A_2134 = arith.addi %add3A_2130, %mul3A_2133 : vector<16xi32>
          %mul3A_2135 = arith.constant 16 : i32
          %mul3A_2136 = arith.muli %scan3A_2116, %mul3A_2135 : i32
          %swap3A = arith.index_cast %mul3A_2136 : i32 to index
          %swap3A_2137 = tpu.vector_load %arg8[%swap3A] {strides = array<i32>} : memref<32xi32, #tpu.memory_space<vmem>>, vector<16xi32>,
          tpu.vector_store %arg8[%swap3A], %add3A_2134 {strides = array<i32>} : memref<32xi32, #tpu.memory_space<vmem>>, vector<16xi32>,
        }
        %scan3A_2108 = arith.constant 2 : i32
        %dma_wait3A_2109 = arith.constant 0 : i32
        %dma_wait3A_2110 = tpu.memref_slice %arg4[%add3A_2086, %dma_wait3A_2109] : memref<141312x128xf32, #tpu.memory_space<hbm>> -> memref<32x128xf32, #tpu.memory_space<hbm>>
        %dma_wait3A_2111 = arith.constant 0 : i32
        %dma_wait3A_2112 = tpu.memref_slice %arg4[%add3A_2086, %dma_wait3A_2111] : memref<141312x128xf32, #tpu.memory_space<hbm>> -> memref<32x128xf32, #tpu.memory_space<hbm>>
        tpu.wait_dma2 semaphore(%arg17 : memref<!tpu.dma_semaphore, #tpu.memory_space<semaphore_mem>>) src(%arg11 : memref<32x128xf32, #tpu.memory_space<vmem>>) dst(%dma_wait3A_2112 : memref<32x128xf32, #tpu.memory_space<hbm>>)
        %dma_start3A_2113 = arith.constant 0 : i32
        %dma_start3A_2114 = arith.constant 0 : i32
        %dma_start3A_2115 = tpu.memref_slice %arg19[%dma_start3A_2113, %dma_start3A_2114] : memref<5376x128xf32, #tpu.memory_space<vmem_shared>> -> memref<5376x128xf32, #tpu.memory_space<vmem_shared>>
        tpu.enqueue_indirect_dma source(%dma_start3A_2115 : memref<5376x128xf32, #tpu.memory_space<vmem_shared>>) target(%arg11 : memref<32x128xf32, #tpu.memory_space<vmem>>) offsets(%arg8 : memref<32xi32, #tpu.memory_space<vmem>>) semaphore(%arg14 : memref<!tpu.dma_semaphore, #tpu.memory_space<semaphore_mem>>)
      } else {
      }
    }
    %scan3A_2015 = arith.constant 23 : i32
    %dma_wait3A_2016 = arith.constant 0 : i32
    %dma_wait3A_2017 = arith.constant 0 : i32
    %dma_wait3A_2018 = tpu.memref_slice %arg4[%dma_wait3A_2016, %dma_wait3A_2017] : memref<141312x128xf32, #tpu.memory_space<hbm>> -> memref<32x128xf32, #tpu.memory_space<hbm>>
    %dma_wait3A_2019 = arith.constant 0 : i32
    %dma_wait3A_2020 = arith.constant 0 : i32
    %dma_wait3A_2021 = tpu.memref_slice %arg4[%dma_wait3A_2019, %dma_wait3A_2020] : memref<141312x128xf32, #tpu.memory_space<hbm>> -> memref<32x128xf32, #tpu.memory_space<hbm>>
    tpu.wait_dma2 semaphore(%arg15 : memref<!tpu.dma_semaphore, #tpu.memory_space<semaphore_mem>>) src(%arg9 : memref<32x128xf32, #tpu.memory_space<vmem>>) dst(%dma_wait3A_2021 : memref<32x128xf32, #tpu.memory_space<hbm>>)
    %dma_wait3A_2022 = arith.constant 0 : i32
    %dma_wait3A_2023 = arith.constant 0 : i32
    %dma_wait3A_2024 = tpu.memref_slice %arg4[%dma_wait3A_2022, %dma_wait3A_2023] : memref<141312x128xf32, #tpu.memory_space<hbm>> -> memref<32x128xf32, #tpu.memory_space<hbm>>
    %dma_wait3A_2025 = arith.constant 0 : i32
    %dma_wait3A_2026 = arith.constant 0 : i32
    %dma_wait3A_2027 = tpu.memref_slice %arg4[%dma_wait3A_2025, %dma_wait3A_2026] : memref<141312x128xf32, #tpu.memory_space<hbm>> -> memref<32x128xf32, #tpu.memory_space<hbm>>
    tpu.wait_dma2 semaphore(%arg16 : memref<!tpu.dma_semaphore, #tpu.memory_space<semaphore_mem>>) src(%arg10 : memref<32x128xf32, #tpu.memory_space<vmem>>) dst(%dma_wait3A_2027 : memref<32x128xf32, #tpu.memory_space<hbm>>)
    %dma_wait3A_2028 = arith.constant 0 : i32
    %dma_wait3A_2029 = arith.constant 0 : i32
    %dma_wait3A_2030 = tpu.memref_slice %arg4[%dma_wait3A_2028, %dma_wait3A_2029] : memref<141312x128xf32, #tpu.memory_space<hbm>> -> memref<32x128xf32, #tpu.memory_space<hbm>>
    %dma_wait3A_2031 = arith.constant 0 : i32
    %dma_wait3A_2032 = arith.constant 0 : i32
    %dma_wait3A_2033 = tpu.memref_slice %arg4[%dma_wait3A_2031, %dma_wait3A_2032] : memref<141312x128xf32, #tpu.memory_space<hbm>> -> memref<32x128xf32, #tpu.memory_space<hbm>>
    tpu.wait_dma2 semaphore(%arg17 : memref<!tpu.dma_semaphore, #tpu.memory_space<semaphore_mem>>) src(%arg11 : memref<32x128xf32, #tpu.memory_space<vmem>>) dst(%dma_wait3A_2033 : memref<32x128xf32, #tpu.memory_space<hbm>>)
    return
  }
}

</mosaic_0001>

<sc_bundles>
// kernel: kernel.3.cloned.1.call-start
scs
__scs_entry_jumppad:
0x0: {  	(pc) =	sbr.rel $0x88, $3  }
0x1: {  	(tag) =	ssettag $0x0;
	lr =	simm.s32 $0x1  }
0x2: {  	[smem:$0x3FA0] =	sst lr;
	_ =	strace $0xD0000000  }
0x3: {  	_ = 	snop  }
0x4: {  	_ = 	snop  }
0x5: {  	_ = 	snop  }
0x6: {  	_ = 	snop  }
0x7: {  	_ = 	snop  }
__scs_overlays_trampoline_lowered:
0x8: {  	[smem:$0x3FAF] =	sst s0  }
0x9: {  	[smem:$0x3FB0] =	sst s1  }
0xa: {  	[smem:$0x3FB1] =	sst s2  }
0xb: {  	[smem:$0x3FB2] =	sst s3  }
0xc: {  	[smem:$0x3FB3] =	sst s4  }
0xd: {  	[smem:$0x3FB4] =	sst s5  }
0xe: {  	[smem:$0x3FB5] =	sst s6  }
0xf: {  	[smem:$0x3FB6] =	sst s7  }
0x10: {  	[smem:$0x3FB7] =	sst s8  }
0x11: {  	[smem:$0x3FB8] =	sst s9;
	s0 =	simm.s32 @!p0 $0x0  }
0x12: {  	s1 =	sld [smem:$0x3F9E];
	s0 =	simm.s32 @p0 $0x1  }
0x13: {  	[smem:$0x3FB9] =	sst s0;
	s0 =	simm.s32 @!p1 $0x0  }
0x14: {  	s2 =	sld [smem:$0x3F9D];
	s0 =	simm.s32 @p1 $0x1  }
0x15: {  	[smem:$0x3FBA] =	sst s0;
	s0 =	simm.s32 @!p2 $0x0  }
0x16: {  	s3 =	sld [smem:$0x3FDB];
	s0 =	simm.s32 @p2 $0x1  }
0x17: {  	s4 =	simm.s32 $0x1BF5;
	[smem:$0x3FBC] =	sst s0  }
0x18: {  	s0 =	sld [smem:$0x3F9F];
	_ =	swait.ge [sflag:s4], $0x0  }
0x19: {  	s7 =	sld [smem:$0x3FA0]  }
0x1a: {  	s8 =	sadd.s32 $0xFFFFE003, lr  }
0x1b: {  	s9 =	sadd.s32 $0xFFFFFEF7, lr;
	s5 =	simm.s32 $0xFFFFFFFF;
	p2 =	slt.u32 s8, $0xFFFFF086  }
0x1c: {  	p1 =	slt.u32 s9, $0xF7A;
	s5 =	simm.s32 @!p2 $0x0  }
0x1d: {  	s5 =	simm.s32 @p1 $0x1;
	p0 =	seq.s32 s7, s2  }
0x1e: {  	s7 =	smul.u32 @!p0 $0xF7A, s2;
	p2 =	seq.s32 @!p0 s5, $0x0  }
0x1f: {  	s9 =	smul.u32 $0xF7A, s1;
	s8 =	simm.s32 @!p0 $0x1BF5;
	p2 =	por !p2, p0  }
0x20: {  	[sflag:s8] =	ssyncset.s32 @!p0 $0xFFFFF086;
	s6 =	sadd.s32 @!p0 s3, s7;
	s7 =	simm.s32 @!p0 $0x108  }
0x21: {  	s3 =	sadd.s32 s3, s9;
	s6 =	sadd.s32 @!p0 $0x88, s6;
	s7 =	simm.s32 @p2 $0x1082  }
0x22: {  	[simem:s7], [sflag:s8] =	dma.local @!p0 [hbm:s6], $0xF7A  }
0x23: {  	s9 =	sor.u32 $0xD0000000, s2;
	s6 =	simm.s32 $0x108;
	_ =	swait.ge @!p0 [sflag:s8], $0x0  }
0x24: {  	s3 =	sadd.s32 $0x88, s3;
	s6 =	simm.s32 @!p1 $0x1082;
	[sflag:s4] =	ssyncset.s32 $0xFFFFF086  }
0x25: {  	[simem:s6], [sflag:s4] =	dma.local [hbm:s3], $0xF7A  }
0x26: {  	[smem:$0x3FA0] =	sst s1;
	(tag) =	ssettag s2;
	_ =	strace s9  }
0x27: {  	s1 =	sld [smem:$0x3FB0]  }
0x28: {  	s2 =	sld [smem:$0x3FB1]  }
0x29: {  	s4 =	sld [smem:$0x3FB3]  }
0x2a: {  	p0 =	seq.s32 s5, $0x0;
	s5 =	sld [smem:$0x3FB4]  }
0x2b: {  	s6 =	sld [smem:$0x3FB5]  }
0x2c: {  	s7 =	sld [smem:$0x3FB6]  }
0x2d: {  	s3 =	simm.s32 $0x108;
	s8 =	sld [smem:$0x3FB7]  }
0x2e: {  	s3 =	simm.s32 @!p0 $0x1082;
	s9 =	sld [smem:$0x3FB8]  }
0x2f: {  	lr =	sadd.s32 s0, s3;
	s0 =	sld [smem:$0x3FAF]  }
0x30: {  	s3 =	sld [smem:$0x3FB2]  }
0x31: {  	[smem:$0x3FBB] =	sst s10  }
0x32: {  	s10 =	sld [smem:$0x3FB9];
	_ =	sdelay $0x3  }
0x33: {  	p0 =	seq.s32 s10, $0x1;
	s10 =	sld [smem:$0x3FBB];
	_ =	sdelay $0x3  }
0x34: {  	[smem:$0x3FBB] =	sst s10  }
0x35: {  	s10 =	sld [smem:$0x3FBA];
	_ =	sdelay $0x3  }
0x36: {  	p1 =	seq.s32 s10, $0x1;
	s10 =	sld [smem:$0x3FBB];
	_ =	sdelay $0x3  }
0x37: {  	[smem:$0x3FBB] =	sst s10  }
0x38: {  	s10 =	sld [smem:$0x3FBC]  }
0x39: {  	_ = 	snop;
	(pc) =	sbr.ind lr, $3  }
0x3a: {  	_ = 	snop  }
0x3b: {  	_ = 	snop  }
0x3c: {  	p2 =	seq.s32 s10, $0x1;
	s10 =	sld [smem:$0x3FBB]  }
0x3d: {  	_ =	shalt  }
0x3e: {  	_ =	shalt  }
0x3f: {  	_ =	shalt  }
0x40: {  	_ =	shalt  }
0x41: {  	_ =	shalt  }
0x42: {  	_ =	shalt  }
0x43: {  	_ =	shalt  }
0x44: {  	_ =	shalt  }
0x45: {  	_ =	shalt  }
0x46: {  	_ =	shalt  }
0x47: {  	_ =	shalt  }
0x48: {  	_ =	shalt  }
0x49: {  	_ =	shalt  }
0x4a: {  	_ =	shalt  }
0x4b: {  	_ =	shalt  }
0x4c: {  	_ =	shalt  }
0x4d: {  	_ =	shalt  }
0x4e: {  	_ =	shalt  }
0x4f: {  	_ =	shalt  }
0x50: {  	_ =	shalt  }
0x51: {  	_ =	shalt  }
0x52: {  	_ =	shalt  }
0x53: {  	_ =	shalt  }
0x54: {  	_ =	shalt  }
0x55: {  	_ =	shalt  }
0x56: {  	_ =	shalt  }
0x57: {  	_ =	shalt  }
0x58: {  	_ =	shalt  }
0x59: {  	_ =	shalt  }
0x5a: {  	_ =	shalt  }
0x5b: {  	_ =	shalt  }
0x5c: {  	_ =	shalt  }
0x5d: {  	_ =	shalt  }
0x5e: {  	_ =	shalt  }
0x5f: {  	_ =	shalt  }
0x60: {  	_ =	shalt  }
0x61: {  	_ =	shalt  }
0x62: {  	_ =	shalt  }
0x63: {  	_ =	shalt  }
0x64: {  	_ =	shalt  }
0x65: {  	_ =	shalt  }
0x66: {  	_ =	shalt  }
0x67: {  	_ =	shalt  }
0x68: {  	_ =	shalt  }
0x69: {  	_ =	shalt  }
0x6a: {  	_ =	shalt  }
0x6b: {  	_ =	shalt  }
0x6c: {  	_ =	shalt  }
0x6d: {  	_ =	shalt  }
0x6e: {  	_ =	shalt  }
0x6f: {  	_ =	shalt  }
0x70: {  	_ =	shalt  }
0x71: {  	_ =	shalt  }
0x72: {  	_ =	shalt  }
0x73: {  	_ =	shalt  }
0x74: {  	_ =	shalt  }
0x75: {  	_ =	shalt  }
0x76: {  	_ =	shalt  }
0x77: {  	_ =	shalt  }
0x78: {  	_ =	shalt  }
0x79: {  	_ =	shalt  }
0x7a: {  	_ =	shalt  }
0x7b: {  	_ =	shalt  }
0x7c: {  	_ =	shalt  }
0x7d: {  	_ =	shalt  }
0x7e: {  	_ =	shalt  }
0x7f: {  	_ =	shalt  }
0x80: {  	_ =	shalt  }
0x81: {  	_ =	shalt  }
0x82: {  	_ =	shalt  }
0x83: {  	_ =	shalt  }
0x84: {  	_ =	shalt  }
0x85: {  	_ =	shalt  }
0x86: {  	_ =	shalt  }
0x87: {  	_ =	shalt  }
.Lfunc_end0:
.L_simem_size_0:
called_computation_lowered:
.L_overlay_start_0:
0x88: {  	s2 =	sld [smem:$0x3FD9]  }
0x89: {  	s3 =	sld [smem:$0x3FFE];
	_ =	sdelay $0x1  }
0x8a: {  	s1 =	srdreg.scid  }
0x8b: {  	s0 =	sand.u32 $0x1, s1  }
0x8c: {  	s17 =	sshll.u32 s0, $0xA;
	s2 =	sadd.s32 s3, s2  }
0x8d: {  	s2 =	sadd.s32 s2, s17  }
0x8e: {  	[smem:$0x3FC7] =	sst s2  }
0x8f: {  	_ = 	snop  }
0x90: {  	s2 =	sld [smem:$0x3FC9]  }
0x91: {  	s18 =	sld [smem:$0x3FD0];
	(tm) =	ssettm $0x1  }
0x92: {  	s4 =	sld [smem:$0x3FFB];
	_ =	sdelay $0x3  }
0x93: {  	_ =	strace s4  }
0x94: {  	s4 =	sld [smem:$0x3FFC];
	_ =	sdelay $0x3  }
0x95: {  	_ =	strace s4  }
0x96: {  	s4 =	sld [smem:$0x3FFD];
	_ =	sdelay $0x3  }
0x97: {  	_ =	strace s4  }
0x98: {  	_ =	strace $0x8FFFFFFF  }
0x99: {  	s19 =	sld [smem:$0x3FDB];
	_ =	sdelay $0x1  }
0x9a: {  	s5 =	simm.s32 $_scs_section_size  }
0x9b: {  	s6 =	simm.s32 $_size__tile_overlayer_lowered;
	s7 =	simm.s32 $_tile_overlayer_lowered  }
0x9c: {  	s22 =	simm.s32 $0x1BFF;
	s21 =	sshll.u32 s7, $0x1;
	s4 =	sadd.s32 s5, s19  }
0x9d: {  	s8 =	simm.s32 $0x0;
	s20 =	sshll.u32 s6, $0x1;
	s6 =	sadd.s32 s21, s4  }
0x9e: {  	[timem:s8], [sflag:s22] =	dma.local [hbm:s6], s20  }
0x9f: {  	_ =	swait.ge [sflag:s22], s20  }
0xa0: {  	s5 =	ssub.s32 $0x0, s20;
	[sflag:s22] =	ssyncset.done $0x0  }
0xa1: {  	[sflag:s22] =	ssyncadd.s32 s5;
	_ =	sdelay $0x1  }
0xa2: {  	s23 =	simm.s32 $0x1B8B  }
0xa3: {  	_ =	swait.ge [sflag:s23], $0x1  }
0xa4: {  	[sflag:s23] =	ssyncset.done $0x0  }
0xa5: {  	s25 =	simm.s32 $0x1B8E;
	s24 =	sld [smem:$0x3FFE];
	[sflag:s23] =	ssyncadd.s32 $0xFFFFFFFF  }
0xa6: {  	s26 =	simm.s32 $execute0_lowered;
	[smem:$0x3FD2] =	sst s25  }
0xa7: {  	s6 =	sshll.u32 s26, $0x1;
	_ =	strace $0x80000046;
	[dreg:$0x1] =	wrdreg $0xFFFFFFFF  }
0xa8: {  	s28 =	simm.s32 $_size_execute0_lowered;
	s4 =	sadd.s32 s4, s6;
	[dreg:$0x0] =	wrdreg $0x0  }
0xa9: {  	s6 =	sshll.u32 s28, $0x1;
	[dreg:$0x2] =	wrdreg s4  }
0xaa: {  	[dreg:$0x3] =	wrdreg s6  }
0xab: {  	[dreg:$0x4] =	wrdreg $0xC0  }
0xac: {  	_ =	task [dreg:s8], $0x5FFFF  }
0xad: {  	[dreg:$0x1] =	wrdreg $0xFFFFFFFF  }
0xae: {  	[dreg:$0x0] =	wrdreg $0x60  }
0xaf: {  	[dreg:$0x2] =	wrdreg s2  }
0xb0: {  	[dreg:$0x3] =	wrdreg s24  }
0xb1: {  	[dreg:$0x4] =	wrdreg s18  }
0xb2: {  	[dreg:$0x5] =	wrdreg $0x33000  }
0xb3: {  	[dreg:$0x6] =	wrdreg $0x9  }
0xb4: {  	_ =	task.clear_ibuf [dreg:s8], $0x7FFFF;
	_ =	strace $0x90000046  }
0xb5: {  	s29 =	simm.s32 $0x9;
	_ =	strace $0x80000048  }
0xb6: {  	_ =	swait.ge [sflag:s29], $0x1  }
0xb7: {  	[sflag:s29] =	ssyncadd.s32 $0xFFFFFFFF  }
0xb8: {  	_ =	strace $0x90000048  }
0xb9: {  	_ =	sfence  }
0xba: {  	s30 =	sld [smem:$0x0];
	_ =	sdelay $0x2  }
0xbb: {  	s31 =	sshll.u32 s1, $0xD;
	s1 =	sshrl.u32 s1, $0x2  }
0xbc: {  	s3 =	sand.u32 $0x4000, s31;
	s1 =	sadd.s32 s1, s30  }
0xbd: {  	s0 =	sor.u32 s3, s0;
	s1 =	sshll.u32 s1, $0x11  }
0xbe: {  	s0 =	sor.u32 s1, s0  }
0xbf: {  	s0 =	sadd.s32 $0x8F2B, s0  }
0xc0: {  	[sflag:s0] =	ssyncadd.remote.s32 $0x1  }
0xc1: {  	_ =	sfence.sel $0xFFFF  }
0xc2: {  	[dreg:$0x0] =	wrdreg $0xFFFFFFFF;
	(pc) =	sbr.abs _section_cstart, $3  }
0xc3: {  	[dreg:$0x1] =	wrdreg $0xFFFFFFFF  }
0xc4: {  	_ =	task.clear_ibuf [dreg:s8], $0x2FFFF;
	_ =	strace $0x9FFFFFFF  }
0xc5: {  	(tm) =	ssettm $0x7FFFFFFF  }
tec
execute0_lowered:
.L_overlay_start_1:
0x0: {  	(tag) =	ssettag $0x1  }
0x1: {  	s0 =	rddreg [dreg:$0x0]  }
0x2: {  	s2 =	rddreg [dreg:$0x1]  }
0x3: {  	s5 =	rddreg [dreg:$0x2]  }
0x4: {  	s1 =	rddreg [dreg:$0x3]  }
0x5: {  	s3 =	simm.s32 $0x0;
	s4 =	srdreg.scid;
	s16 =	stileid.u32  }
0x6: {  	[smem:$0x7FF] =	sst s3;
	s6 =	sand.u32 $0x1, s4;
	s7 =	sshll.u32 s16, $0x1  }
0x7: {  	s8 =	smul.u32 $0x2A000, s16;
	s2 =	sadd.s32 $0x400, s2;
	s30 =	sadd.s32 $0x10000, s0  }
0x8: {  	s31 =	sadd.s32 $0x20000, s0;
	s12 =	sadd.s32 $0x30000, s0;
	s7 =	sor.u32 s6, s7  }
0x9: {  	s21 =	sadd.s32 $0x40000, s0;
	s14 =	sadd.s32 $0x50000, s0;
	s29 =	sshll.u32 s7, $0xB  }
0xa: {  	_ =	strace $0x80000047;
	[dreg:$0x5] =	wrdreg s2;
	s11 =	sadd.s32 s29, s30  }
0xb: {  	s4 =	ssub.s32 $0x2, s6;
	s13 =	sadd.s32 s29, s31;
	[dreg:$0x9] =	wrdreg s11  }
0xc: {  	s28 =	sshrl.u32 s4, $0x1;
	s20 =	sadd.s32 s29, s12;
	[dreg:$0xa] =	wrdreg s13  }
0xd: {  	s8 =	sshrl.u32 s8, $0x2;
	s19 =	sadd.s32 s29, s21;
	[dreg:$0xb] =	wrdreg s20  }
0xe: {  	s17 =	sadd.s32 s8, s1;
	s8 =	sadd.s32 s29, s14;
	[dreg:$0xc] =	wrdreg s19  }
0xf: {  	s9 =	sshll.u32 s7, $0x4;
	s2 =	ssub.s32 s4, s28;
	[dreg:$0xd] =	wrdreg s8  }
0x10: {  	s18 =	sadd.s32 s0, s29;
	s9 =	sor.u32 $0x8, s9;
	[dreg:$0x6] =	wrdreg s17  }
0x11: {  	s10 =	sadd.s32 $0x380, s17;
	s15 =	sshll.u32 s9, $0x7;
	[dreg:$0x7] =	wrdreg s18  }
0x12: {  	s29 =	sshll.u32 s9, $0x6;
	s9 =	sadd.s32 $0x700, s17;
	[dreg:$0x8] =	wrdreg s10  }
0x13: {  	s2 =	smax.u32 s2, $0x1;
	[dreg:$0x16] =	wrdreg s9  }
0x14: {  	s11 =	sadd.s32 $0xA80, s17;
	[dreg:$0x17] =	wrdreg s2  }
0x15: {  	s13 =	sadd.s32 $0xE00, s17;
	[dreg:$0x19] =	wrdreg s11  }
0x16: {  	s19 =	sadd.s32 $0x1500, s17;
	[dreg:$0x1b] =	wrdreg s13  }
0x17: {  	s20 =	sadd.s32 $0x300, s18;
	[dreg:$0x1f] =	wrdreg s19  }
0x18: {  	s8 =	sadd.s32 $0x2D80, s17;
	[smem:$0x785] =	sst s20  }
0x19: {  	s0 =	sadd.s32 s0, s15;
	[smem:$0x791] =	sst s8  }
0x1a: {  	s22 =	sadd.s32 s15, s30;
	[dreg:$0xe] =	wrdreg s0  }
0x1b: {  	s23 =	sadd.s32 s15, s31;
	[dreg:$0xf] =	wrdreg s22  }
0x1c: {  	s24 =	sadd.s32 s15, s12;
	[dreg:$0x10] =	wrdreg s23  }
0x1d: {  	s25 =	sadd.s32 s15, s21;
	[dreg:$0x11] =	wrdreg s24  }
0x1e: {  	s26 =	sadd.s32 s15, s14;
	[dreg:$0x12] =	wrdreg s25  }
0x1f: {  	s31 =	sadd.s32 $0x80, s18;
	[dreg:$0x13] =	wrdreg s26  }
0x20: {  	s10 =	sadd.s32 $0x100, s18;
	[dreg:$0x14] =	wrdreg s31  }
0x21: {  	s12 =	sadd.s32 $0x180, s18;
	[dreg:$0x18] =	wrdreg s10  }
0x22: {  	s14 =	sadd.s32 $0x200, s18;
	[dreg:$0x1a] =	wrdreg s12  }
0x23: {  	s4 =	smul.u32 $0x150, s16;
	s15 =	sadd.s32 $0x1180, s17;
	[dreg:$0x1c] =	wrdreg s14  }
0x24: {  	s30 =	sshll.u32 s16, $0xB;
	s16 =	sadd.s32 $0x280, s18;
	[dreg:$0x1d] =	wrdreg s15  }
0x25: {  	s28 =	sshll.u32 s7, $0xA;
	s21 =	sadd.s32 $0x1880, s17;
	[dreg:$0x1e] =	wrdreg s16  }
0x26: {  	s7 =	sadd.s32 s29, s5;
	s29 =	sadd.s32 $0x2300, s17;
	[smem:$0x786] =	sst s21  }
0x27: {  	s2 =	sadd.s32 $0x10180, s18;
	[smem:$0x78B] =	sst s29  }
0x28: {  	s9 =	sadd.s32 $0x10280, s18;
	[smem:$0x78E] =	sst s2  }
0x29: {  	s11 =	sadd.s32 $0x10300, s18;
	[smem:$0x792] =	sst s9  }
0x2a: {  	s13 =	sadd.s32 $0x10380, s18;
	[smem:$0x794] =	sst s11  }
0x2b: {  	s19 =	sadd.s32 $0x3F00, s17;
	[smem:$0x796] =	sst s13  }
0x2c: {  	s20 =	sadd.s32 $0x20100, s18;
	[smem:$0x79A] =	sst s19  }
0x2d: {  	s8 =	sadd.s32 $0x5780, s17;
	[smem:$0x79B] =	sst s20  }
0x2e: {  	s22 =	sadd.s32 $0x380, s18;
	[smem:$0x7A7] =	sst s8  }
0x2f: {  	s25 =	sadd.s32 $0x1C00, s17;
	[smem:$0x787] =	sst s22  }
0x30: {  	s26 =	sadd.s32 $0x1F80, s17;
	[smem:$0x788] =	sst s25  }
0x31: {  	s0 =	sadd.s32 s28, s5;
	s28 =	sadd.s32 $0x10080, s18;
	[smem:$0x789] =	sst s26  }
0x32: {  	s5 =	sadd.s32 s30, s5;
	s30 =	sadd.s32 $0x10100, s18;
	[smem:$0x78A] =	sst s28  }
0x33: {  	s31 =	sadd.s32 $0x2680, s17;
	[smem:$0x78C] =	sst s30  }
0x34: {  	s24 =	sadd.s32 $0x218000, s7;
	s7 =	sadd.s32 $0x10200, s18;
	[smem:$0x78D] =	sst s31  }
0x35: {  	s10 =	sadd.s32 $0x3100, s17;
	[smem:$0x790] =	sst s7  }
0x36: {  	s12 =	sadd.s32 $0x3480, s17;
	[smem:$0x793] =	sst s10  }
0x37: {  	s14 =	sadd.s32 $0x3800, s17;
	[smem:$0x795] =	sst s12  }
0x38: {  	s15 =	sadd.s32 $0x3B80, s17;
	[smem:$0x797] =	sst s14  }
0x39: {  	s16 =	sadd.s32 $0x20080, s18;
	[smem:$0x798] =	sst s15  }
0x3a: {  	s21 =	sadd.s32 $0x4280, s17;
	[smem:$0x799] =	sst s16  }
0x3b: {  	s29 =	sadd.s32 $0x20280, s18;
	[smem:$0x79C] =	sst s21  }
0x3c: {  	s2 =	sadd.s32 $0x5080, s17;
	[smem:$0x7A1] =	sst s29  }
0x3d: {  	s9 =	sadd.s32 $0x30080, s18;
	[smem:$0x7A4] =	sst s2  }
0x3e: {  	s11 =	sadd.s32 $0x30100, s18;
	[smem:$0x7A8] =	sst s9  }
0x3f: {  	s13 =	sadd.s32 $0x30180, s18;
	[smem:$0x7AA] =	sst s11  }
0x40: {  	s19 =	sadd.s32 $0x30280, s18;
	[smem:$0x7AC] =	sst s13  }
0x41: {  	s20 =	sadd.s32 $0x6900, s17;
	[smem:$0x7B0] =	sst s19  }
0x42: {  	s6 =	sshll.u32 s6, $0xA;
	s8 =	sadd.s32 $0x40200, s18;
	[smem:$0x7B1] =	sst s20  }
0x43: {  	s5 =	sadd.s32 s6, s5;
	s6 =	sadd.s32 $0x2A00, s17;
	[smem:$0x7BD] =	sst s8  }
0x44: {  	s22 =	sadd.s32 $0x20180, s18;
	[smem:$0x78F] =	sst s6  }
0x45: {  	s25 =	sadd.s32 $0x4600, s17;
	[smem:$0x79D] =	sst s22  }
0x46: {  	s26 =	sadd.s32 $0x20200, s18;
	[smem:$0x79E] =	sst s25  }
0x47: {  	s28 =	sadd.s32 $0x4980, s17;
	[smem:$0x79F] =	sst s26  }
0x48: {  	s30 =	sadd.s32 $0x4D00, s17;
	[smem:$0x7A0] =	sst s28  }
0x49: {  	s31 =	sadd.s32 $0x20300, s18;
	[smem:$0x7A2] =	sst s30  }
0x4a: {  	s7 =	sadd.s32 $0x5400, s17;
	[smem:$0x7A3] =	sst s31  }
0x4b: {  	s10 =	sadd.s32 $0x5B00, s17;
	[smem:$0x7A6] =	sst s7  }
0x4c: {  	s12 =	sadd.s32 $0x5E80, s17;
	[smem:$0x7A9] =	sst s10  }
0x4d: {  	s14 =	sadd.s32 $0x6200, s17;
	[smem:$0x7AB] =	sst s12  }
0x4e: {  	s15 =	sadd.s32 $0x30200, s18;
	[smem:$0x7AD] =	sst s14  }
0x4f: {  	s16 =	sadd.s32 $0x6580, s17;
	[smem:$0x7AE] =	sst s15  }
0x50: {  	s21 =	sadd.s32 $0x30300, s18;
	[smem:$0x7AF] =	sst s16  }
0x51: {  	s29 =	sadd.s32 $0x40080, s18;
	[smem:$0x7B2] =	sst s21  }
0x52: {  	s2 =	sadd.s32 $0x7A80, s17;
	[smem:$0x7B7] =	sst s29  }
0x53: {  	s9 =	sadd.s32 $0x8180, s17;
	[smem:$0x7BA] =	sst s2  }
0x54: {  	s11 =	sadd.s32 $0x8500, s17;
	[smem:$0x7BE] =	sst s9  }
0x55: {  	s13 =	sadd.s32 $0x8880, s17;
	[smem:$0x7C0] =	sst s11  }
0x56: {  	s19 =	sadd.s32 $0x50080, s18;
	[smem:$0x7C2] =	sst s13  }
0x57: {  	s20 =	sadd.s32 $0x9300, s17;
	[smem:$0x7C6] =	sst s19  }
0x58: {  	s8 =	sadd.s32 $0x480, s18;
	[smem:$0x7C7] =	sst s20  }
0x59: {  	[smem:$0x7D3] =	sst s8  }
0x5a: {  	s6 =	sadd.s32 $0x20380, s18;
	[dreg:$0x15] =	wrdreg s5  }
0x5b: {  	s22 =	sadd.s32 $0x6C80, s17;
	[smem:$0x7A5] =	sst s6  }
0x5c: {  	s25 =	sadd.s32 $0x30380, s18;
	[smem:$0x7B3] =	sst s22  }
0x5d: {  	s26 =	sadd.s32 $0x7000, s17;
	[smem:$0x7B4] =	sst s25  }
0x5e: {  	s28 =	sadd.s32 $0x7380, s17;
	[smem:$0x7B5] =	sst s26  }
0x5f: {  	s30 =	sadd.s32 $0x7700, s17;
	[smem:$0x7B6] =	sst s28  }
0x60: {  	s31 =	sadd.s32 $0x40100, s18;
	[smem:$0x7B8] =	sst s30  }
0x61: {  	s7 =	sadd.s32 $0x7E00, s17;
	[smem:$0x7B9] =	sst s31  }
0x62: {  	s10 =	sadd.s32 $0x40280, s18;
	[smem:$0x7BC] =	sst s7  }
0x63: {  	s12 =	sadd.s32 $0x40300, s18;
	[smem:$0x7BF] =	sst s10  }
0x64: {  	s14 =	sadd.s32 $0x40380, s18;
	[smem:$0x7C1] =	sst s12  }
0x65: {  	s15 =	sadd.s32 $0x8C00, s17;
	[smem:$0x7C3] =	sst s14  }
0x66: {  	s16 =	sadd.s32 $0x8F80, s17;
	[smem:$0x7C4] =	sst s15  }
0x67: {  	s21 =	sadd.s32 $0x50100, s18;
	[smem:$0x7C5] =	sst s16  }
0x68: {  	s29 =	sadd.s32 $0x9D80, s17;
	[smem:$0x7C8] =	sst s21  }
0x69: {  	s2 =	sadd.s32 $0x50300, s18;
	[smem:$0x7CD] =	sst s29  }
0x6a: {  	s9 =	sadd.s32 $0x500, s18;
	[smem:$0x7D0] =	sst s2  }
0x6b: {  	s11 =	sadd.s32 $0x600, s18;
	[smem:$0x7D4] =	sst s9  }
0x6c: {  	s13 =	sadd.s32 $0x700, s18;
	[smem:$0x7D6] =	sst s11  }
0x6d: {  	s19 =	sadd.s32 $0x10600, s18;
	[smem:$0x7D8] =	sst s13  }
0x6e: {  	s20 =	sadd.s32 $0x10680, s18;
	[smem:$0x7DD] =	sst s19  }
0x6f: {  	s8 =	sadd.s32 $0x30580, s18;
	[smem:$0x7DE] =	sst s20  }
0x70: {  	s6 =	sadd.s32 $0x40180, s18;
	[smem:$0x7EA] =	sst s8  }
0x71: {  	s22 =	sadd.s32 $0x9680, s17;
	[smem:$0x7BB] =	sst s6  }
0x72: {  	s25 =	sadd.s32 $0x50180, s18;
	[smem:$0x7C9] =	sst s22  }
0x73: {  	s26 =	sadd.s32 $0x9A00, s17;
	[smem:$0x7CA] =	sst s25  }
0x74: {  	s28 =	sadd.s32 $0x50200, s18;
	[smem:$0x7CB] =	sst s26  }
0x75: {  	s30 =	sadd.s32 $0x50280, s18;
	[smem:$0x7CC] =	sst s28  }
0x76: {  	s31 =	sadd.s32 $0xA100, s17;
	[smem:$0x7CE] =	sst s30  }
0x77: {  	s7 =	sadd.s32 $0x50380, s18;
	[smem:$0x7CF] =	sst s31  }
0x78: {  	s10 =	sadd.s32 $0x580, s18;
	[smem:$0x7D2] =	sst s7  }
0x79: {  	s12 =	sadd.s32 $0x680, s18;
	[smem:$0x7D5] =	sst s10  }
0x7a: {  	s14 =	sadd.s32 $0x780, s18;
	[smem:$0x7D7] =	sst s12  }
0x7b: {  	s15 =	sadd.s32 $0x10480, s18;
	[smem:$0x7D9] =	sst s14  }
0x7c: {  	s16 =	sadd.s32 $0x10500, s18;
	[smem:$0x7DA] =	sst s15  }
0x7d: {  	s21 =	sadd.s32 $0x10700, s18;
	[smem:$0x7DB] =	sst s16  }
0x7e: {  	s29 =	sadd.s32 $0x20600, s18;
	[smem:$0x7DF] =	sst s21  }
0x7f: {  	s2 =	sadd.s32 $0x20780, s18;
	[smem:$0x7E4] =	sst s29  }
0x80: {  	s9 =	sadd.s32 $0x30600, s18;
	[smem:$0x7E7] =	sst s2  }
0x81: {  	s11 =	sadd.s32 $0x30700, s18;
	[smem:$0x7EB] =	sst s9  }
0x82: {  	s13 =	sadd.s32 $0x40480, s18;
	[smem:$0x7ED] =	sst s11  }
0x83: {  	s19 =	sadd.s32 $0x40700, s18;
	[smem:$0x7EF] =	sst s13  }
0x84: {  	s20 =	sadd.s32 $0x40780, s18;
	[smem:$0x7F4] =	sst s19  }
0x85: {  	s6 =	sadd.s32 $0xA480, s17;
	[smem:$0x7F5] =	sst s20  }
0x86: {  	s17 =	sadd.s32 $0x10580, s18;
	[smem:$0x7D1] =	sst s6  }
0x87: {  	s22 =	sadd.s32 $0x10780, s18;
	[smem:$0x7DC] =	sst s17  }
0x88: {  	s25 =	sadd.s32 $0x20480, s18;
	[smem:$0x7E0] =	sst s22  }
0x89: {  	s26 =	sadd.s32 $0x20500, s18;
	[smem:$0x7E1] =	sst s25  }
0x8a: {  	s28 =	sadd.s32 $0x20580, s18;
	[smem:$0x7E2] =	sst s26  }
0x8b: {  	s30 =	sadd.s32 $0x20680, s18;
	[smem:$0x7E3] =	sst s28  }
0x8c: {  	s31 =	sadd.s32 $0x20700, s18;
	[smem:$0x7E5] =	sst s30  }
0x8d: {  	s7 =	sadd.s32 $0x30500, s18;
	[smem:$0x7E6] =	sst s31  }
0x8e: {  	s10 =	sadd.s32 $0x30680, s18;
	[smem:$0x7E9] =	sst s7  }
0x8f: {  	s12 =	sadd.s32 $0x30780, s18;
	[smem:$0x7EC] =	sst s10  }
0x90: {  	s14 =	sadd.s32 $0x40500, s18;
	[smem:$0x7EE] =	sst s12  }
0x91: {  	s23 =	sadd.s32 $0x218000, s0;
	s15 =	sadd.s32 $0x40580, s18;
	[smem:$0x7F0] =	sst s14  }
0x92: {  	s0 =	simm.s32 $0x7;
	s16 =	sadd.s32 $0x40600, s18;
	[smem:$0x7F1] =	sst s15  }
0x93: {  	s21 =	sadd.s32 $0x50480, s18;
	s29 =	sadd.s32 $0x50700, s18;
	[smem:$0x7F2] =	sst s16  }
0x94: {  	s2 =	simm.s32 $0x20;
	s19 =	simm.s32 $0x200;
	[smem:$0x7F6] =	sst s21  }
0x95: {  	s11 =	simm.s32 $0x2300;
	s6 =	sadd.s32 $0x30480, s18;
	[smem:$0x7FB] =	sst s29  }
0x96: {  	s13 =	simm.s32 $0x3;
	s17 =	sadd.s32 $0x40680, s18;
	[smem:$0x7E8] =	sst s6  }
0x97: {  	s22 =	sadd.s32 $0x50500, s18;
	s25 =	sadd.s32 $0x50580, s18;
	[smem:$0x7F3] =	sst s17  }
0x98: {  	v1 =	vlaneseq.u32;
	s26 =	sadd.s32 $0x50600, s18;
	s28 =	sadd.s32 $0x50680, s18;
	[smem:$0x7F7] =	sst s22  }
.Ltmp0:
0x99: {  	v0 =	vshrl.u32 v1, $0x2;
	s30 =	sadd.s32 $0x50780, s18;
	[smem:$0x7F8] =	sst s25;
	(pc) =	sbr.rel .LBB2_1-.Ltmp0, $4  }
0x9a: {  	v2 =	vmul.u32 $0x7, v0;
	s31 =	sadd.s32 $0x8200, s5;
	s15 =	simm.s32 $0x180;
	[smem:$0x7F9] =	sst s26  }
0x9b: {  	s7 =	simm.s32 $0x300;
	s21 =	simm.s32 $0x1300;
	[smem:$0x7FA] =	sst s28  }
0x9c: {  	v1 =	vand.u32 $0x3, v1;
	v0 =	vadd.s32 s4, v2;
	v2 =	vadd.s32 $0x1C, v2;
	s10 =	simm.s32 $0x280;
	s12 =	simm.s32 $0x1;
	[smem:$0x7FC] =	sst s30  }
0x9d: {  	v3 =	vor.u32 $0x4, v1;
	v4 =	vor.u32 $0x8, v1;
	v2 =	vadd.s32 s4, v2;
	s16 =	simm.s32 $0x6;
	[smem:$0x7FD] =	sst s31;
	s17 =	simm.s32 $0x0  }
.LBB2_7:
0x9e: {  	_ =	swait.ge [sflag:s22], $0x1000  }
0x9f: {  	[sflag:s22] =	ssyncset.done $0x0  }
0xa0: {  	s4 =	simm.s32 $0x5;
	[sflag:s22] =	ssyncadd.s32 $0xFFFFF000  }
0xa1: {  	_ =	swait.ge [sflag:s4], $0x1000  }
0xa2: {  	[sflag:s4] =	ssyncset.done $0x0  }
0xa3: {  	[sflag:s4] =	ssyncadd.s32 $0xFFFFF000  }
0xa4: {  	_ =	swait.ge [sflag:s16], $0x1000  }
0xa5: {  	s17 =	sadd.s32 $0x1, s17;
	s31 =	rddreg [dreg:$0x17]  }
0xa6: {  	p0 =	sne.s32 s17, s31  }
.Ltmp1:
0xa7: {  	_ = 	snop;
	(pc) =	sbr.rel @!p0 .LBB2_8-.Ltmp1, $3  }
0xa8: {  	_ =	sdelay $0x1  }
0xa9: {  	[sflag:s16] =	ssyncset.done $0x0  }
0xaa: {  	[sflag:s16] =	ssyncadd.s32 $0xFFFFF000  }
.LBB2_1:
0xab: {  	s4 =	rddreg [dreg:$0x5];
	s5 =	simm.s32 $0x8  }
0xac: {  	[tilespmem:s3], [sflag:$0x8] =	stream.linear.gather [hbm4b:s4+s3], $0x180, $0x38;
	[tilespmem:$0xDB00] =	vst v63  }
0xad: {  	s20 =	stileid.u32;
	_ =	swait.ge [sflag:s5], $0x180  }
0xae: {  	s4 =	sshll.u32 s20, $0x6;
	s22 =	rddreg [dreg:$0x6]  }
0xaf: {  	[sflag:s5] =	ssyncset.done $0x0;
	s26 =	rddreg [dreg:$0x7];
	s25 =	sshrl.u32 s22, $0x3  }
0xb0: {  	s18 =	sor.u32 $0x1C07, s4;
	[sflag:s5] =	ssyncadd.s32 $0xFFFFFE80;
	[smem:$0x760] =	sst s25  }
0xb1: {  	[spmem:s25], [sflag:s18] =	dma.local [hbm:s26], $0x70  }
0xb2: {  	s4 =	rddreg [dreg:$0x8]  }
0xb3: {  	s8 =	rddreg [dreg:$0x14];
	s6 =	sshrl.u32 s4, $0x3  }
0xb4: {  	[smem:$0x761] =	sst s6  }
0xb5: {  	[spmem:s6], [sflag:s18] =	dma.local [hbm:s8], $0x70  }
0xb6: {  	s4 =	rddreg [dreg:$0x16]  }
0xb7: {  	s14 =	rddreg [dreg:$0x18];
	s9 =	sshrl.u32 s4, $0x3  }
0xb8: {  	[smem:$0x762] =	sst s9  }
0xb9: {  	[spmem:s9], [sflag:s18] =	dma.local [hbm:s14], $0x70  }
0xba: {  	s4 =	rddreg [dreg:$0x19]  }
0xbb: {  	s22 =	rddreg [dreg:$0x1a];
	s20 =	sshrl.u32 s4, $0x3  }
0xbc: {  	[smem:$0x763] =	sst s20  }
0xbd: {  	[spmem:s20], [sflag:s18] =	dma.local [hbm:s22], $0x70  }
0xbe: {  	s4 =	rddreg [dreg:$0x1b]  }
0xbf: {  	s26 =	rddreg [dreg:$0x1c];
	s25 =	sshrl.u32 s4, $0x3  }
0xc0: {  	[smem:$0x764] =	sst s25  }
0xc1: {  	[spmem:s25], [sflag:s18] =	dma.local [hbm:s26], $0x70  }
0xc2: {  	s4 =	rddreg [dreg:$0x1d]  }
0xc3: {  	s8 =	rddreg [dreg:$0x1e];
	s6 =	sshrl.u32 s4, $0x3  }
0xc4: {  	[smem:$0x765] =	sst s6  }
0xc5: {  	[spmem:s6], [sflag:s18] =	dma.local [hbm:s8], $0x70  }
0xc6: {  	s4 =	rddreg [dreg:$0x1f]  }
0xc7: {  	s14 =	sld [smem:$0x785]  }
0xc8: {  	s9 =	sshrl.u32 s4, $0x3  }
0xc9: {  	[smem:$0x766] =	sst s9  }
0xca: {  	[spmem:s9], [sflag:s18] =	dma.local [hbm:s14], $0x70  }
0xcb: {  	s4 =	sld [smem:$0x786];
	_ =	sdelay $0x1  }
0xcc: {  	s22 =	sld [smem:$0x787]  }
0xcd: {  	s20 =	sshrl.u32 s4, $0x3  }
0xce: {  	[smem:$0x767] =	sst s20  }
0xcf: {  	[spmem:s20], [sflag:s18] =	dma.local [hbm:s22], $0x70  }
0xd0: {  	s4 =	sld [smem:$0x788];
	_ =	sdelay $0x2  }
0xd1: {  	s26 =	rddreg [dreg:$0x9];
	s25 =	sshrl.u32 s4, $0x3  }
0xd2: {  	[smem:$0x768] =	sst s25  }
0xd3: {  	[spmem:s25], [sflag:s18] =	dma.local [hbm:s26], $0x70  }
0xd4: {  	s4 =	sld [smem:$0x789];
	_ =	sdelay $0x1  }
0xd5: {  	s8 =	sld [smem:$0x78A]  }
0xd6: {  	s6 =	sshrl.u32 s4, $0x3  }
0xd7: {  	[smem:$0x769] =	sst s6  }
0xd8: {  	[spmem:s6], [sflag:s18] =	dma.local [hbm:s8], $0x70  }
0xd9: {  	s4 =	sld [smem:$0x78B];
	_ =	sdelay $0x1  }
0xda: {  	s14 =	sld [smem:$0x78C]  }
0xdb: {  	s9 =	sshrl.u32 s4, $0x3  }
0xdc: {  	[smem:$0x76A] =	sst s9  }
0xdd: {  	[spmem:s9], [sflag:s18] =	dma.local [hbm:s14], $0x70  }
0xde: {  	s4 =	sld [smem:$0x78D];
	_ =	sdelay $0x1  }
0xdf: {  	s22 =	sld [smem:$0x78E]  }
0xe0: {  	s20 =	sshrl.u32 s4, $0x3  }
0xe1: {  	[smem:$0x76B] =	sst s20  }
0xe2: {  	[spmem:s20], [sflag:s18] =	dma.local [hbm:s22], $0x70  }
0xe3: {  	s4 =	sld [smem:$0x78F];
	_ =	sdelay $0x1  }
0xe4: {  	s26 =	sld [smem:$0x790]  }
0xe5: {  	s25 =	sshrl.u32 s4, $0x3  }
0xe6: {  	[smem:$0x76C] =	sst s25  }
0xe7: {  	[spmem:s25], [sflag:s18] =	dma.local [hbm:s26], $0x70  }
0xe8: {  	s4 =	sld [smem:$0x791];
	_ =	sdelay $0x1  }
0xe9: {  	s8 =	sld [smem:$0x792]  }
0xea: {  	s6 =	sshrl.u32 s4, $0x3  }
0xeb: {  	[smem:$0x76D] =	sst s6  }
0xec: {  	[spmem:s6], [sflag:s18] =	dma.local [hbm:s8], $0x70  }
0xed: {  	s4 =	sld [smem:$0x793];
	_ =	sdelay $0x1  }
0xee: {  	s14 =	sld [smem:$0x794]  }
0xef: {  	s9 =	sshrl.u32 s4, $0x3  }
0xf0: {  	[smem:$0x76E] =	sst s9  }
0xf1: {  	[spmem:s9], [sflag:s18] =	dma.local [hbm:s14], $0x70  }
0xf2: {  	s4 =	sld [smem:$0x795];
	_ =	sdelay $0x1  }
0xf3: {  	s22 =	sld [smem:$0x796]  }
0xf4: {  	s20 =	sshrl.u32 s4, $0x3  }
0xf5: {  	[smem:$0x76F] =	sst s20  }
0xf6: {  	[spmem:s20], [sflag:s18] =	dma.local [hbm:s22], $0x70  }
0xf7: {  	s4 =	sld [smem:$0x797];
	_ =	sdelay $0x2  }
0xf8: {  	s26 =	rddreg [dreg:$0xa];
	s25 =	sshrl.u32 s4, $0x3  }
0xf9: {  	[smem:$0x770] =	sst s25  }
0xfa: {  	[spmem:s25], [sflag:s18] =	dma.local [hbm:s26], $0x70  }
0xfb: {  	s4 =	sld [smem:$0x798];
	_ =	sdelay $0x1  }
0xfc: {  	s8 =	sld [smem:$0x799]  }
0xfd: {  	s6 =	sshrl.u32 s4, $0x3  }
0xfe: {  	[smem:$0x771] =	sst s6  }
0xff: {  	[spmem:s6], [sflag:s18] =	dma.local [hbm:s8], $0x70  }
0x100: {  	s4 =	sld [smem:$0x79A];
	_ =	sdelay $0x1  }
0x101: {  	s14 =	sld [smem:$0x79B]  }
0x102: {  	s9 =	sshrl.u32 s4, $0x3  }
0x103: {  	[smem:$0x772] =	sst s9  }
0x104: {  	[spmem:s9], [sflag:s18] =	dma.local [hbm:s14], $0x70  }
0x105: {  	s4 =	sld [smem:$0x79C];
	_ =	sdelay $0x1  }
0x106: {  	s22 =	sld [smem:$0x79D]  }
0x107: {  	s20 =	sshrl.u32 s4, $0x3  }
0x108: {  	[smem:$0x773] =	sst s20  }
0x109: {  	[spmem:s20], [sflag:s18] =	dma.local [hbm:s22], $0x70  }
0x10a: {  	s4 =	sld [smem:$0x79E];
	_ =	sdelay $0x1  }
0x10b: {  	s26 =	sld [smem:$0x79F]  }
0x10c: {  	s25 =	sshrl.u32 s4, $0x3  }
0x10d: {  	[smem:$0x774] =	sst s25  }
0x10e: {  	[spmem:s25], [sflag:s18] =	dma.local [hbm:s26], $0x70  }
0x10f: {  	s4 =	sld [smem:$0x7A0];
	_ =	sdelay $0x1  }
0x110: {  	s8 =	sld [smem:$0x7A1]  }
0x111: {  	s6 =	sshrl.u32 s4, $0x3  }
0x112: {  	[smem:$0x775] =	sst s6  }
0x113: {  	[spmem:s6], [sflag:s18] =	dma.local [hbm:s8], $0x70  }
0x114: {  	s4 =	sld [smem:$0x7A2];
	_ =	sdelay $0x1  }
0x115: {  	s14 =	sld [smem:$0x7A3]  }
0x116: {  	s9 =	sshrl.u32 s4, $0x3  }
0x117: {  	[smem:$0x776] =	sst s9  }
0x118: {  	[spmem:s9], [sflag:s18] =	dma.local [hbm:s14], $0x70  }
0x119: {  	s4 =	sld [smem:$0x7A4];
	_ =	sdelay $0x1  }
0x11a: {  	s22 =	sld [smem:$0x7A5]  }
0x11b: {  	s20 =	sshrl.u32 s4, $0x3  }
0x11c: {  	[smem:$0x777] =	sst s20  }
0x11d: {  	[spmem:s20], [sflag:s18] =	dma.local [hbm:s22], $0x70  }
0x11e: {  	s4 =	sld [smem:$0x7A6];
	_ =	sdelay $0x2  }
0x11f: {  	s26 =	rddreg [dreg:$0xb];
	s25 =	sshrl.u32 s4, $0x3  }
0x120: {  	[smem:$0x778] =	sst s25  }
0x121: {  	[spmem:s25], [sflag:s18] =	dma.local [hbm:s26], $0x70  }
0x122: {  	s4 =	sld [smem:$0x7A7];
	_ =	sdelay $0x1  }
0x123: {  	s8 =	sld [smem:$0x7A8]  }
0x124: {  	s6 =	sshrl.u32 s4, $0x3  }
0x125: {  	[smem:$0x779] =	sst s6  }
0x126: {  	[spmem:s6], [sflag:s18] =	dma.local [hbm:s8], $0x70  }
0x127: {  	s4 =	sld [smem:$0x7A9];
	_ =	sdelay $0x1  }
0x128: {  	s14 =	sld [smem:$0x7AA]  }
0x129: {  	s9 =	sshrl.u32 s4, $0x3  }
0x12a: {  	[smem:$0x77A] =	sst s9  }
0x12b: {  	[spmem:s9], [sflag:s18] =	dma.local [hbm:s14], $0x70  }
0x12c: {  	s4 =	sld [smem:$0x7AB];
	_ =	sdelay $0x1  }
0x12d: {  	s22 =	sld [smem:$0x7AC]  }
0x12e: {  	s20 =	sshrl.u32 s4, $0x3  }
0x12f: {  	[smem:$0x77B] =	sst s20  }
0x130: {  	[spmem:s20], [sflag:s18] =	dma.local [hbm:s22], $0x70  }
0x131: {  	s4 =	sld [smem:$0x7AD];
	_ =	sdelay $0x1  }
0x132: {  	s26 =	sld [smem:$0x7AE]  }
0x133: {  	s25 =	sshrl.u32 s4, $0x3  }
0x134: {  	[smem:$0x77C] =	sst s25  }
0x135: {  	[spmem:s25], [sflag:s18] =	dma.local [hbm:s26], $0x70  }
0x136: {  	s4 =	sld [smem:$0x7AF];
	_ =	sdelay $0x1  }
0x137: {  	s8 =	sld [smem:$0x7B0]  }
0x138: {  	s6 =	sshrl.u32 s4, $0x3  }
0x139: {  	[smem:$0x77D] =	sst s6  }
0x13a: {  	[spmem:s6], [sflag:s18] =	dma.local [hbm:s8], $0x70  }
0x13b: {  	s4 =	sld [smem:$0x7B1];
	_ =	sdelay $0x1  }
0x13c: {  	s14 =	sld [smem:$0x7B2]  }
0x13d: {  	s9 =	sshrl.u32 s4, $0x3  }
0x13e: {  	[smem:$0x77E] =	sst s9  }
0x13f: {  	[spmem:s9], [sflag:s18] =	dma.local [hbm:s14], $0x70  }
0x140: {  	s4 =	sld [smem:$0x7B3];
	_ =	sdelay $0x1  }
0x141: {  	s22 =	sld [smem:$0x7B4]  }
0x142: {  	s20 =	sshrl.u32 s4, $0x3  }
0x143: {  	[smem:$0x77F] =	sst s20  }
0x144: {  	[spmem:s20], [sflag:s18] =	dma.local [hbm:s22], $0x70  }
0x145: {  	s4 =	sld [smem:$0x7B5];
	_ =	sdelay $0x2  }
0x146: {  	s26 =	rddreg [dreg:$0xc];
	s25 =	sshrl.u32 s4, $0x3  }
0x147: {  	[smem:$0x780] =	sst s25  }
0x148: {  	[spmem:s25], [sflag:s18] =	dma.local [hbm:s26], $0x70  }
0x149: {  	s4 =	sld [smem:$0x7B6];
	_ =	sdelay $0x1  }
0x14a: {  	s8 =	sld [smem:$0x7B7]  }
0x14b: {  	s6 =	sshrl.u32 s4, $0x3  }
0x14c: {  	[smem:$0x781] =	sst s6  }
0x14d: {  	[spmem:s6], [sflag:s18] =	dma.local [hbm:s8], $0x70  }
0x14e: {  	s4 =	sld [smem:$0x7B8];
	_ =	sdelay $0x1  }
0x14f: {  	s14 =	sld [smem:$0x7B9]  }
0x150: {  	s9 =	sshrl.u32 s4, $0x3  }
0x151: {  	[smem:$0x782] =	sst s9  }
0x152: {  	[spmem:s9], [sflag:s18] =	dma.local [hbm:s14], $0x70  }
0x153: {  	s4 =	sld [smem:$0x7BA];
	_ =	sdelay $0x1  }
0x154: {  	s22 =	sld [smem:$0x7BB]  }
0x155: {  	s20 =	sshrl.u32 s4, $0x3  }
0x156: {  	[smem:$0x783] =	sst s20  }
0x157: {  	[spmem:s20], [sflag:s18] =	dma.local [hbm:s22], $0x70  }
0x158: {  	s4 =	sld [smem:$0x7BC];
	_ =	sdelay $0x1  }
0x159: {  	s26 =	sld [smem:$0x7BD]  }
0x15a: {  	s25 =	sshrl.u32 s4, $0x3  }
0x15b: {  	[smem:$0x784] =	sst s25  }
0x15c: {  	[spmem:s25], [sflag:s18] =	dma.local [hbm:s26], $0x70  }
0x15d: {  	s4 =	sld [smem:$0x7BE]  }
0x15e: {  	s5 =	sld [smem:$0x7BF];
	_ =	sdelay $0x1  }
0x15f: {  	s25 =	sshrl.u32 s4, $0x3  }
0x160: {  	[spmem:s25], [sflag:s18] =	dma.local [hbm:s5], $0x70  }
0x161: {  	s4 =	sld [smem:$0x7C0]  }
0x162: {  	s6 =	sld [smem:$0x7C1];
	_ =	sdelay $0x1  }
0x163: {  	s26 =	sshrl.u32 s4, $0x3  }
0x164: {  	[spmem:s26], [sflag:s18] =	dma.local [hbm:s6], $0x70  }
0x165: {  	s4 =	sld [smem:$0x7C2]  }
0x166: {  	s8 =	sld [smem:$0x7C3];
	_ =	sdelay $0x1  }
0x167: {  	s4 =	sshrl.u32 s4, $0x3  }
0x168: {  	[spmem:s4], [sflag:s18] =	dma.local [hbm:s8], $0x70  }
0x169: {  	s5 =	sld [smem:$0x7C4];
	_ =	sdelay $0x2  }
0x16a: {  	s9 =	rddreg [dreg:$0xd];
	s28 =	sshrl.u32 s5, $0x3  }
0x16b: {  	[spmem:s28], [sflag:s18] =	dma.local [hbm:s9], $0x70  }
0x16c: {  	s5 =	sld [smem:$0x7C5]  }
0x16d: {  	s14 =	sld [smem:$0x7C6];
	_ =	sdelay $0x1  }
0x16e: {  	s8 =	sshrl.u32 s5, $0x3  }
0x16f: {  	[spmem:s8], [sflag:s18] =	dma.local [hbm:s14], $0x70  }
0x170: {  	s5 =	sld [smem:$0x7C7]  }
0x171: {  	s20 =	sld [smem:$0x7C8];
	_ =	sdelay $0x1  }
0x172: {  	s29 =	sshrl.u32 s5, $0x3  }
0x173: {  	[spmem:s29], [sflag:s18] =	dma.local [hbm:s20], $0x70  }
0x174: {  	s5 =	sld [smem:$0x7C9]  }
0x175: {  	s22 =	sld [smem:$0x7CA];
	_ =	sdelay $0x1  }
0x176: {  	s9 =	sshrl.u32 s5, $0x3  }
0x177: {  	[spmem:s9], [sflag:s18] =	dma.local [hbm:s22], $0x70  }
0x178: {  	s5 =	sld [smem:$0x7CB]  }
0x179: {  	s6 =	sld [smem:$0x7CC];
	_ =	sdelay $0x1  }
0x17a: {  	s20 =	sshrl.u32 s5, $0x3  }
0x17b: {  	[spmem:s20], [sflag:s18] =	dma.local [hbm:s6], $0x70  }
0x17c: {  	s5 =	sld [smem:$0x7CD]  }
0x17d: {  	s14 =	sld [smem:$0x7CE];
	_ =	sdelay $0x1  }
0x17e: {  	s30 =	sshrl.u32 s5, $0x3  }
0x17f: {  	[spmem:s30], [sflag:s18] =	dma.local [hbm:s14], $0x70  }
0x180: {  	s5 =	sld [smem:$0x7CF]  }
0x181: {  	s22 =	sld [smem:$0x7D0];
	_ =	sdelay $0x1  }
0x182: {  	s31 =	sshrl.u32 s5, $0x3  }
0x183: {  	[spmem:s31], [sflag:s18] =	dma.local [hbm:s22], $0x70  }
0x184: {  	s5 =	sld [smem:$0x7D1]  }
0x185: {  	s6 =	sld [smem:$0x7D2];
	_ =	sdelay $0x1  }
0x186: {  	s5 =	sshrl.u32 s5, $0x3  }
0x187: {  	[spmem:s5], [sflag:s18] =	dma.local [hbm:s6], $0x70  }
0x188: {  	_ =	swait.ge [sflag:s0], $0x70  }
0x189: {  	[sflag:s0] =	ssyncset.done $0x0  }
0x18a: {  	[sflag:s0] =	ssyncadd.s32 $0xFFFFFF90  }
0x18b: {  	_ =	swait.ge [sflag:s0], $0x70  }
0x18c: {  	[sflag:s0] =	ssyncset.done $0x0  }
0x18d: {  	[sflag:s0] =	ssyncadd.s32 $0xFFFFFF90  }
0x18e: {  	_ =	swait.ge [sflag:s0], $0x70  }
0x18f: {  	[sflag:s0] =	ssyncset.done $0x0  }
0x190: {  	[sflag:s0] =	ssyncadd.s32 $0xFFFFFF90  }
0x191: {  	_ =	swait.ge [sflag:s0], $0x70  }
0x192: {  	[sflag:s0] =	ssyncset.done $0x0  }
0x193: {  	[sflag:s0] =	ssyncadd.s32 $0xFFFFFF90  }
0x194: {  	_ =	swait.ge [sflag:s0], $0x70  }
0x195: {  	[sflag:s0] =	ssyncset.done $0x0  }
0x196: {  	[sflag:s0] =	ssyncadd.s32 $0xFFFFFF90  }
0x197: {  	_ =	swait.ge [sflag:s0], $0x70  }
0x198: {  	[sflag:s0] =	ssyncset.done $0x0  }
0x199: {  	[sflag:s0] =	ssyncadd.s32 $0xFFFFFF90  }
0x19a: {  	_ =	swait.ge [sflag:s0], $0x70  }
0x19b: {  	[sflag:s0] =	ssyncset.done $0x0  }
0x19c: {  	[sflag:s0] =	ssyncadd.s32 $0xFFFFFF90  }
0x19d: {  	_ =	swait.ge [sflag:s0], $0x70  }
0x19e: {  	[sflag:s0] =	ssyncset.done $0x0  }
0x19f: {  	[sflag:s0] =	ssyncadd.s32 $0xFFFFFF90  }
0x1a0: {  	_ =	swait.ge [sflag:s0], $0x70  }
0x1a1: {  	[sflag:s0] =	ssyncset.done $0x0  }
0x1a2: {  	[sflag:s0] =	ssyncadd.s32 $0xFFFFFF90  }
0x1a3: {  	_ =	swait.ge [sflag:s0], $0x70  }
0x1a4: {  	[sflag:s0] =	ssyncset.done $0x0  }
0x1a5: {  	[sflag:s0] =	ssyncadd.s32 $0xFFFFFF90  }
0x1a6: {  	_ =	swait.ge [sflag:s0], $0x70  }
0x1a7: {  	[sflag:s0] =	ssyncset.done $0x0  }
0x1a8: {  	[sflag:s0] =	ssyncadd.s32 $0xFFFFFF90  }
0x1a9: {  	_ =	swait.ge [sflag:s0], $0x70  }
0x1aa: {  	[sflag:s0] =	ssyncset.done $0x0  }
0x1ab: {  	[sflag:s0] =	ssyncadd.s32 $0xFFFFFF90  }
0x1ac: {  	_ =	swait.ge [sflag:s0], $0x70  }
0x1ad: {  	[sflag:s0] =	ssyncset.done $0x0  }
0x1ae: {  	[sflag:s0] =	ssyncadd.s32 $0xFFFFFF90  }
0x1af: {  	_ =	swait.ge [sflag:s0], $0x70  }
0x1b0: {  	[sflag:s0] =	ssyncset.done $0x0  }
0x1b1: {  	[sflag:s0] =	ssyncadd.s32 $0xFFFFFF90  }
0x1b2: {  	_ =	swait.ge [sflag:s0], $0x70  }
0x1b3: {  	[sflag:s0] =	ssyncset.done $0x0  }
0x1b4: {  	[sflag:s0] =	ssyncadd.s32 $0xFFFFFF90  }
0x1b5: {  	_ =	swait.ge [sflag:s0], $0x70  }
0x1b6: {  	[sflag:s0] =	ssyncset.done $0x0  }
0x1b7: {  	[sflag:s0] =	ssyncadd.s32 $0xFFFFFF90  }
0x1b8: {  	_ =	swait.ge [sflag:s0], $0x70  }
0x1b9: {  	[sflag:s0] =	ssyncset.done $0x0  }
0x1ba: {  	[sflag:s0] =	ssyncadd.s32 $0xFFFFFF90  }
0x1bb: {  	_ =	swait.ge [sflag:s0], $0x70  }
0x1bc: {  	[sflag:s0] =	ssyncset.done $0x0  }
0x1bd: {  	[sflag:s0] =	ssyncadd.s32 $0xFFFFFF90  }
0x1be: {  	_ =	swait.ge [sflag:s0], $0x70  }
0x1bf: {  	[sflag:s0] =	ssyncset.done $0x0  }
0x1c0: {  	[sflag:s0] =	ssyncadd.s32 $0xFFFFFF90  }
0x1c1: {  	_ =	swait.ge [sflag:s0], $0x70  }
0x1c2: {  	[sflag:s0] =	ssyncset.done $0x0  }
0x1c3: {  	[sflag:s0] =	ssyncadd.s32 $0xFFFFFF90  }
0x1c4: {  	_ =	swait.ge [sflag:s0], $0x70  }
0x1c5: {  	[sflag:s0] =	ssyncset.done $0x0  }
0x1c6: {  	[sflag:s0] =	ssyncadd.s32 $0xFFFFFF90  }
0x1c7: {  	_ =	swait.ge [sflag:s0], $0x70  }
0x1c8: {  	[sflag:s0] =	ssyncset.done $0x0  }
0x1c9: {  	[sflag:s0] =	ssyncadd.s32 $0xFFFFFF90  }
0x1ca: {  	_ =	swait.ge [sflag:s0], $0x70  }
0x1cb: {  	[sflag:s0] =	ssyncset.done $0x0  }
0x1cc: {  	[sflag:s0] =	ssyncadd.s32 $0xFFFFFF90  }
0x1cd: {  	_ =	swait.ge [sflag:s0], $0x70  }
0x1ce: {  	[sflag:s0] =	ssyncset.done $0x0  }
0x1cf: {  	[sflag:s0] =	ssyncadd.s32 $0xFFFFFF90  }
0x1d0: {  	_ =	swait.ge [sflag:s0], $0x70  }
0x1d1: {  	[sflag:s0] =	ssyncset.done $0x0  }
0x1d2: {  	[sflag:s0] =	ssyncadd.s32 $0xFFFFFF90  }
0x1d3: {  	_ =	swait.ge [sflag:s0], $0x70  }
0x1d4: {  	[sflag:s0] =	ssyncset.done $0x0  }
0x1d5: {  	[sflag:s0] =	ssyncadd.s32 $0xFFFFFF90  }
0x1d6: {  	_ =	swait.ge [sflag:s0], $0x70  }
0x1d7: {  	[sflag:s0] =	ssyncset.done $0x0  }
0x1d8: {  	[sflag:s0] =	ssyncadd.s32 $0xFFFFFF90  }
0x1d9: {  	_ =	swait.ge [sflag:s0], $0x70  }
0x1da: {  	[sflag:s0] =	ssyncset.done $0x0  }
0x1db: {  	[sflag:s0] =	ssyncadd.s32 $0xFFFFFF90  }
0x1dc: {  	_ =	swait.ge [sflag:s0], $0x70  }
0x1dd: {  	[sflag:s0] =	ssyncset.done $0x0  }
0x1de: {  	[sflag:s0] =	ssyncadd.s32 $0xFFFFFF90  }
0x1df: {  	_ =	swait.ge [sflag:s0], $0x70  }
0x1e0: {  	[sflag:s0] =	ssyncset.done $0x0  }
0x1e1: {  	[sflag:s0] =	ssyncadd.s32 $0xFFFFFF90  }
0x1e2: {  	_ =	swait.ge [sflag:s0], $0x70  }
0x1e3: {  	[sflag:s0] =	ssyncset.done $0x0  }
0x1e4: {  	[sflag:s0] =	ssyncadd.s32 $0xFFFFFF90  }
0x1e5: {  	_ =	swait.ge [sflag:s0], $0x70  }
0x1e6: {  	[sflag:s0] =	ssyncset.done $0x0  }
0x1e7: {  	[sflag:s0] =	ssyncadd.s32 $0xFFFFFF90  }
0x1e8: {  	_ =	swait.ge [sflag:s0], $0x70  }
0x1e9: {  	[sflag:s0] =	ssyncset.done $0x0  }
0x1ea: {  	[sflag:s0] =	ssyncadd.s32 $0xFFFFFF90  }
0x1eb: {  	_ =	swait.ge [sflag:s0], $0x70  }
0x1ec: {  	[sflag:s0] =	ssyncset.done $0x0  }
0x1ed: {  	[sflag:s0] =	ssyncadd.s32 $0xFFFFFF90  }
0x1ee: {  	_ =	swait.ge [sflag:s0], $0x70  }
0x1ef: {  	[sflag:s0] =	ssyncset.done $0x0  }
0x1f0: {  	[sflag:s0] =	ssyncadd.s32 $0xFFFFFF90  }
0x1f1: {  	_ =	swait.ge [sflag:s0], $0x70  }
0x1f2: {  	[sflag:s0] =	ssyncset.done $0x0  }
0x1f3: {  	[sflag:s0] =	ssyncadd.s32 $0xFFFFFF90  }
0x1f4: {  	_ =	swait.ge [sflag:s0], $0x70  }
0x1f5: {  	[sflag:s0] =	ssyncset.done $0x0  }
0x1f6: {  	[sflag:s0] =	ssyncadd.s32 $0xFFFFFF90  }
0x1f7: {  	_ =	swait.ge [sflag:s0], $0x70  }
0x1f8: {  	[sflag:s0] =	ssyncset.done $0x0  }
0x1f9: {  	[sflag:s0] =	ssyncadd.s32 $0xFFFFFF90  }
0x1fa: {  	_ =	swait.ge [sflag:s0], $0x70  }
0x1fb: {  	[sflag:s0] =	ssyncset.done $0x0  }
0x1fc: {  	[sflag:s0] =	ssyncadd.s32 $0xFFFFFF90  }
0x1fd: {  	_ =	swait.ge [sflag:s0], $0x70  }
0x1fe: {  	[sflag:s0] =	ssyncset.done $0x0  }
0x1ff: {  	[sflag:s0] =	ssyncadd.s32 $0xFFFFFF90  }
0x200: {  	_ =	swait.ge [sflag:s0], $0x70  }
0x201: {  	[sflag:s0] =	ssyncset.done $0x0  }
0x202: {  	[sflag:s0] =	ssyncadd.s32 $0xFFFFFF90  }
0x203: {  	_ =	swait.ge [sflag:s0], $0x70  }
0x204: {  	[sflag:s0] =	ssyncset.done $0x0  }
0x205: {  	[sflag:s0] =	ssyncadd.s32 $0xFFFFFF90  }
0x206: {  	_ =	swait.ge [sflag:s0], $0x70  }
0x207: {  	[sflag:s0] =	ssyncset.done $0x0  }
0x208: {  	[sflag:s0] =	ssyncadd.s32 $0xFFFFFF90  }
0x209: {  	_ =	swait.ge [sflag:s0], $0x70  }
0x20a: {  	[sflag:s0] =	ssyncset.done $0x0  }
0x20b: {  	[sflag:s0] =	ssyncadd.s32 $0xFFFFFF90  }
0x20c: {  	_ =	swait.ge [sflag:s0], $0x70  }
0x20d: {  	[sflag:s0] =	ssyncset.done $0x0  }
0x20e: {  	[sflag:s0] =	ssyncadd.s32 $0xFFFFFF90  }
0x20f: {  	_ =	swait.ge [sflag:s0], $0x70  }
0x210: {  	[sflag:s0] =	ssyncset.done $0x0  }
0x211: {  	[sflag:s0] =	ssyncadd.s32 $0xFFFFFF90  }
0x212: {  	_ =	swait.ge [sflag:s0], $0x70  }
0x213: {  	[sflag:s0] =	ssyncset.done $0x0  }
0x214: {  	[sflag:s0] =	ssyncadd.s32 $0xFFFFFF90  }
0x215: {  	_ =	swait.ge [sflag:s0], $0x70  }
0x216: {  	[sflag:s0] =	ssyncset.done $0x0  }
0x217: {  	[sflag:s0] =	ssyncadd.s32 $0xFFFFFF90  }
0x218: {  	v5 =	vld.idx.msk [tilespmem:v1+s3+$0x0], $0xffff;
	_ =	sdelay $0x4  }
0x219: {  	v5 =	vadd.s32 v5, v0  }
0x21a: {  	[tilespmem:$0x180] =	vst v5  }
0x21b: {  	v5 =	vld.idx.msk [tilespmem:v1+s3+$0x0], $0xffff;
	_ =	sdelay $0x4  }
0x21c: {  	v5 =	vadd.s32 v5, v2  }
0x21d: {  	[tilespmem:$0x190] =	vst v5  }
0x21e: {  	[tilespmem:s7], [sflag:$0x1] =	stream.indirect.gather [spmem:s1], $0x80, s15, s2, $0xb8;
	[tilespmem:$0xDB00] =	vst v63  }
0x21f: {  	v5 =	vld.idx.msk [tilespmem:v3+s3+$0x0], $0xffff;
	_ =	sdelay $0x4  }
0x220: {  	v5 =	vadd.s32 v5, v0  }
0x221: {  	[tilespmem:$0x200] =	vst v5  }
0x222: {  	v5 =	vld.idx.msk [tilespmem:v3+s3+$0x0], $0xffff;
	_ =	sdelay $0x4  }
0x223: {  	v5 =	vadd.s32 v5, v2  }
0x224: {  	[tilespmem:$0x210] =	vst v5  }
0x225: {  	[tilespmem:s21], [sflag:$0x2] =	stream.indirect.gather [spmem:s1], $0x80, s19, s2, $0xb8;
	[tilespmem:$0xDB00] =	vst v63  }
0x226: {  	v5 =	vld.idx.msk [tilespmem:v4+s3+$0x0], $0xffff;
	_ =	sdelay $0x4  }
0x227: {  	v5 =	vadd.s32 v5, v0  }
0x228: {  	[tilespmem:$0x280] =	vst v5  }
0x229: {  	v5 =	vld.idx.msk [tilespmem:v4+s3+$0x0], $0xffff;
	_ =	sdelay $0x4  }
0x22a: {  	v5 =	vadd.s32 v5, v2  }
0x22b: {  	s6 =	simm.s32 $0x14;
	s14 =	rddreg [dreg:$0x15];
	[tilespmem:$0x290] =	vst v5  }
0x22c: {  	[tilespmem:s11], [sflag:$0x3] =	stream.indirect.gather [spmem:s1], $0x80, s10, s2, $0xb8;
	[tilespmem:$0xDB00] =	vst v63  }
.LBB2_2:
0x22d: {  	_ =	swait.ge [sflag:s12], $0x1000  }
0x22e: {  	p0 =	seq.s32 s6, $0x11C;
	[sflag:s12] =	ssyncset.done $0x0  }
0x22f: {  	v5 =	vlaneseq.u32 @!p0;
	s15 =	simm.s32 @p0 $0x2;
	s19 =	sadd.s32 @!p0 $0xFFFFFFF8, s6;
	[sflag:s12] =	ssyncadd.s32 $0xFFFFF000  }
0x230: {  	v5 =	vand.u32 @!p0 $0x3, v5;
	[hbm4b:s14+s3] =	stream.linear.scatter [tilespmem:s7], [sflag:$0x4], $0x1000, $0x38;
	[tilespmem:$0xDB00] =	vst v63  }
0x231: {  	v6 =	vor.u32 @!p0 s19, v5;
	_ =	swait.ge @p0 [sflag:s15], $0x1000  }
0x232: {  	[sflag:s15] =	ssyncset.done @p0 $0x0  }
0x233: {  	s19 =	simm.s32 @p0 $0x1300;
	[sflag:s15] =	ssyncadd.s32 @p0 $0xFFFFF000;
	s15 =	simm.s32 @p0 $0x0  }
0x234: {  	[hbm4b:s23+s15] =	stream.linear.scatter @p0 [tilespmem:s19], [sflag:$0x5], $0x1000, $0x38;
	[tilespmem:$0xDB00] =	vst v63  }
0x235: {  	s15 =	simm.s32 @!p0 $0x0  }
0x236: {  	v7 =	vld.idx.msk @!p0 [tilespmem:v6+s15+$0x0], $0xffff;
	_ =	sdelay $0x4  }
0x237: {  	v7 =	vadd.s32 @!p0 v7, v0  }
0x238: {  	[tilespmem:$0x180] =	vst @!p0 v7  }
0x239: {  	v6 =	vld.idx.msk @!p0 [tilespmem:v6+s15+$0x0], $0xffff;
	_ =	sdelay $0x4  }
0x23a: {  	v6 =	vadd.s32 @!p0 v6, v2  }
0x23b: {  	s19 =	simm.s32 @!p0 $0x4;
	[tilespmem:$0x190] =	vst @!p0 v6  }
0x23c: {  	_ =	swait.ge @!p0 [sflag:s19], $0x1000  }
0x23d: {  	s21 =	simm.s32 @!p0 $0x180;
	[sflag:s19] =	ssyncset.done @!p0 $0x0  }
0x23e: {  	s22 =	simm.s32 @!p0 $0x300;
	[sflag:s19] =	ssyncadd.s32 @!p0 $0xFFFFF000;
	s19 =	simm.s32 @!p0 $0x20  }
0x23f: {  	[tilespmem:s22], [sflag:$0x1] =	stream.indirect.gather @!p0 [spmem:s1], $0x80, s21, s19, $0xb8;
	[tilespmem:$0xDB00] =	vst v63  }
0x240: {  	s21 =	sadd.s32 @!p0 $0xFFFFFFFC, s6  }
0x241: {  	s22 =	simm.s32 @!p0 $0x2;
	v5 =	vor.u32 @!p0 s21, v5  }
0x242: {  	_ =	swait.ge @!p0 [sflag:s22], $0x1000  }
0x243: {  	[sflag:s22] =	ssyncset.done @!p0 $0x0  }
0x244: {  	s21 =	sadd.s32 @!p0 $0x8000, s14;
	[sflag:s22] =	ssyncadd.s32 @!p0 $0xFFFFF000;
	s22 =	simm.s32 @!p0 $0x1300  }
0x245: {  	[hbm4b:s21+s15] =	stream.linear.scatter @!p0 [tilespmem:s22], [sflag:$0x5], $0x1000, $0x38;
	[tilespmem:$0xDB00] =	vst v63  }
0x246: {  	v6 =	vld.idx.msk @!p0 [tilespmem:v5+s15+$0x0], $0xffff;
	_ =	sdelay $0x4  }
0x247: {  	v6 =	vadd.s32 @!p0 v6, v0  }
0x248: {  	[tilespmem:$0x200] =	vst @!p0 v6  }
0x249: {  	v5 =	vld.idx.msk @!p0 [tilespmem:v5+s15+$0x0], $0xffff;
	_ =	sdelay $0x4  }
0x24a: {  	v5 =	vadd.s32 @!p0 v5, v2  }
0x24b: {  	s15 =	simm.s32 @!p0 $0x5;
	[tilespmem:$0x210] =	vst @!p0 v5  }
0x24c: {  	_ =	swait.ge @!p0 [sflag:s15], $0x1000  }
0x24d: {  	[sflag:s15] =	ssyncset.done @!p0 $0x0  }
0x24e: {  	[sflag:s15] =	ssyncadd.s32 @!p0 $0xFFFFF000;
	s15 =	simm.s32 @!p0 $0x200  }
0x24f: {  	[tilespmem:s22], [sflag:$0x2] =	stream.indirect.gather @!p0 [spmem:s1], $0x80, s15, s19, $0xb8;
	[tilespmem:$0xDB00] =	vst v63  }
.Ltmp2:
0x250: {  	_ = 	snop;
	(pc) =	sbr.rel @p0 .LBB2_4-.Ltmp2, $4  }
0x251: {  	_ =	swait.ge [sflag:s13], $0x1000  }
0x252: {  	[sflag:s13] =	ssyncset.done $0x0  }
0x253: {  	s22 =	sadd.s32 $0x10000, s14;
	[sflag:s13] =	ssyncadd.s32 $0xFFFFF000  }
0x254: {  	[hbm4b:s22+s3] =	stream.linear.scatter [tilespmem:s11], [sflag:$0x6], $0x1000, $0x38;
	[tilespmem:$0xDB00] =	vst v63  }
0x255: {  	v5 =	vor.u32 s6, v1;
	_ =	sdelay $0x4  }
0x256: {  	v6 =	vld.idx.msk [tilespmem:v5+s3+$0x0], $0xffff;
	_ =	sdelay $0x4  }
0x257: {  	v6 =	vadd.s32 v6, v0  }
0x258: {  	[tilespmem:$0x280] =	vst v6  }
0x259: {  	v5 =	vld.idx.msk [tilespmem:v5+s3+$0x0], $0xffff;
	_ =	sdelay $0x4  }
0x25a: {  	v5 =	vadd.s32 v5, v2  }
.Ltmp3:
0x25b: {  	[tilespmem:$0x290] =	vst v5;
	(pc) =	sbr.rel .LBB2_2-.Ltmp3, $4  }
0x25c: {  	_ =	swait.ge [sflag:s16], $0x1000  }
0x25d: {  	[sflag:s16] =	ssyncset.done $0x0  }
0x25e: {  	s6 =	sadd.s32 $0xC, s6;
	s14 =	sadd.s32 $0x18000, s14;
	[sflag:s16] =	ssyncadd.s32 $0xFFFFF000  }
0x25f: {  	[tilespmem:s11], [sflag:$0x3] =	stream.indirect.gather [spmem:s1], $0x80, s10, s2, $0xb8;
	[tilespmem:$0xDB00] =	vst v63  }
.LBB2_4:
0x260: {  	s22 =	simm.s32 $0x4  }
0x261: {  	_ =	swait.ge [sflag:s22], $0x1000  }
0x262: {  	[sflag:s22] =	ssyncset.done $0x0  }
0x263: {  	s6 =	simm.s32 $0x5;
	[sflag:s22] =	ssyncadd.s32 $0xFFFFF000  }
0x264: {  	_ =	swait.ge [sflag:s6], $0x1000  }
0x265: {  	[sflag:s6] =	ssyncset.done $0x0  }
0x266: {  	[sflag:s6] =	ssyncadd.s32 $0xFFFFF000  }
0x267: {  	_ =	swait.ge [sflag:s16], $0x1000  }
0x268: {  	s14 =	sld [smem:$0x760]  }
0x269: {  	[sflag:s16] =	ssyncset.done $0x0  }
0x26a: {  	s21 =	rddreg [dreg:$0xe];
	[sflag:s16] =	ssyncadd.s32 $0xFFFFF000  }
0x26b: {  	[spmem:s14], [sflag:s18] =	dma.local [hbm:s21], $0x70  }
0x26c: {  	s6 =	sld [smem:$0x7D3]  }
0x26d: {  	s14 =	sld [smem:$0x761];
	_ =	sdelay $0x2  }
0x26e: {  	[spmem:s14], [sflag:s18] =	dma.local [hbm:s6], $0x70  }
0x26f: {  	s6 =	sld [smem:$0x7D4]  }
0x270: {  	s14 =	sld [smem:$0x762];
	_ =	sdelay $0x2  }
0x271: {  	[spmem:s14], [sflag:s18] =	dma.local [hbm:s6], $0x70  }
0x272: {  	s6 =	sld [smem:$0x7D5]  }
0x273: {  	s14 =	sld [smem:$0x763];
	_ =	sdelay $0x2  }
0x274: {  	[spmem:s14], [sflag:s18] =	dma.local [hbm:s6], $0x70  }
0x275: {  	s6 =	sld [smem:$0x7D6]  }
0x276: {  	s14 =	sld [smem:$0x764];
	_ =	sdelay $0x2  }
0x277: {  	[spmem:s14], [sflag:s18] =	dma.local [hbm:s6], $0x70  }
0x278: {  	s6 =	sld [smem:$0x7D7]  }
0x279: {  	s14 =	sld [smem:$0x765];
	_ =	sdelay $0x2  }
0x27a: {  	[spmem:s14], [sflag:s18] =	dma.local [hbm:s6], $0x70  }
0x27b: {  	s6 =	sld [smem:$0x7D8]  }
0x27c: {  	s14 =	sld [smem:$0x766];
	_ =	sdelay $0x2  }
0x27d: {  	[spmem:s14], [sflag:s18] =	dma.local [hbm:s6], $0x70  }
0x27e: {  	s6 =	sld [smem:$0x7D9]  }
0x27f: {  	s14 =	sld [smem:$0x767];
	_ =	sdelay $0x2  }
0x280: {  	[spmem:s14], [sflag:s18] =	dma.local [hbm:s6], $0x70  }
0x281: {  	s14 =	sld [smem:$0x768];
	_ =	sdelay $0x1  }
0x282: {  	s6 =	rddreg [dreg:$0xf]  }
0x283: {  	[spmem:s14], [sflag:s18] =	dma.local [hbm:s6], $0x70  }
0x284: {  	s6 =	sld [smem:$0x7DA]  }
0x285: {  	s14 =	sld [smem:$0x769];
	_ =	sdelay $0x2  }
0x286: {  	[spmem:s14], [sflag:s18] =	dma.local [hbm:s6], $0x70  }
0x287: {  	s6 =	sld [smem:$0x7DB]  }
0x288: {  	s14 =	sld [smem:$0x76A];
	_ =	sdelay $0x2  }
0x289: {  	[spmem:s14], [sflag:s18] =	dma.local [hbm:s6], $0x70  }
0x28a: {  	s6 =	sld [smem:$0x7DC]  }
0x28b: {  	s14 =	sld [smem:$0x76B];
	_ =	sdelay $0x2  }
0x28c: {  	[spmem:s14], [sflag:s18] =	dma.local [hbm:s6], $0x70  }
0x28d: {  	s6 =	sld [smem:$0x7DD]  }
0x28e: {  	s14 =	sld [smem:$0x76C];
	_ =	sdelay $0x2  }
0x28f: {  	[spmem:s14], [sflag:s18] =	dma.local [hbm:s6], $0x70  }
0x290: {  	s6 =	sld [smem:$0x7DE]  }
0x291: {  	s14 =	sld [smem:$0x76D];
	_ =	sdelay $0x2  }
0x292: {  	[spmem:s14], [sflag:s18] =	dma.local [hbm:s6], $0x70  }
0x293: {  	s6 =	sld [smem:$0x7DF]  }
0x294: {  	s14 =	sld [smem:$0x76E];
	_ =	sdelay $0x2  }
0x295: {  	[spmem:s14], [sflag:s18] =	dma.local [hbm:s6], $0x70  }
0x296: {  	s6 =	sld [smem:$0x7E0]  }
0x297: {  	s14 =	sld [smem:$0x76F];
	_ =	sdelay $0x2  }
0x298: {  	[spmem:s14], [sflag:s18] =	dma.local [hbm:s6], $0x70  }
0x299: {  	s14 =	sld [smem:$0x770];
	_ =	sdelay $0x1  }
0x29a: {  	s6 =	rddreg [dreg:$0x10]  }
0x29b: {  	[spmem:s14], [sflag:s18] =	dma.local [hbm:s6], $0x70  }
0x29c: {  	s6 =	sld [smem:$0x7E1]  }
0x29d: {  	s14 =	sld [smem:$0x771];
	_ =	sdelay $0x2  }
0x29e: {  	[spmem:s14], [sflag:s18] =	dma.local [hbm:s6], $0x70  }
0x29f: {  	s6 =	sld [smem:$0x7E2]  }
0x2a0: {  	s14 =	sld [smem:$0x772];
	_ =	sdelay $0x2  }
0x2a1: {  	[spmem:s14], [sflag:s18] =	dma.local [hbm:s6], $0x70  }
0x2a2: {  	s6 =	sld [smem:$0x7E3]  }
0x2a3: {  	s14 =	sld [smem:$0x773];
	_ =	sdelay $0x2  }
0x2a4: {  	[spmem:s14], [sflag:s18] =	dma.local [hbm:s6], $0x70  }
0x2a5: {  	s6 =	sld [smem:$0x7E4]  }
0x2a6: {  	s14 =	sld [smem:$0x774];
	_ =	sdelay $0x2  }
0x2a7: {  	[spmem:s14], [sflag:s18] =	dma.local [hbm:s6], $0x70  }
0x2a8: {  	s6 =	sld [smem:$0x7E5]  }
0x2a9: {  	s14 =	sld [smem:$0x775];
	_ =	sdelay $0x2  }
0x2aa: {  	[spmem:s14], [sflag:s18] =	dma.local [hbm:s6], $0x70  }
0x2ab: {  	s6 =	sld [smem:$0x7E6]  }
0x2ac: {  	s14 =	sld [smem:$0x776];
	_ =	sdelay $0x2  }
0x2ad: {  	[spmem:s14], [sflag:s18] =	dma.local [hbm:s6], $0x70  }
0x2ae: {  	s6 =	sld [smem:$0x7E7]  }
0x2af: {  	s14 =	sld [smem:$0x777];
	_ =	sdelay $0x2  }
0x2b0: {  	[spmem:s14], [sflag:s18] =	dma.local [hbm:s6], $0x70  }
0x2b1: {  	s14 =	sld [smem:$0x778];
	_ =	sdelay $0x1  }
0x2b2: {  	s6 =	rddreg [dreg:$0x11]  }
0x2b3: {  	[spmem:s14], [sflag:s18] =	dma.local [hbm:s6], $0x70  }
0x2b4: {  	s6 =	sld [smem:$0x7E8]  }
0x2b5: {  	s14 =	sld [smem:$0x779];
	_ =	sdelay $0x2  }
0x2b6: {  	[spmem:s14], [sflag:s18] =	dma.local [hbm:s6], $0x70  }
0x2b7: {  	s6 =	sld [smem:$0x7E9]  }
0x2b8: {  	s14 =	sld [smem:$0x77A];
	_ =	sdelay $0x2  }
0x2b9: {  	[spmem:s14], [sflag:s18] =	dma.local [hbm:s6], $0x70  }
0x2ba: {  	s6 =	sld [smem:$0x7EA]  }
0x2bb: {  	s14 =	sld [smem:$0x77B];
	_ =	sdelay $0x2  }
0x2bc: {  	[spmem:s14], [sflag:s18] =	dma.local [hbm:s6], $0x70  }
0x2bd: {  	s6 =	sld [smem:$0x7EB]  }
0x2be: {  	s14 =	sld [smem:$0x77C];
	_ =	sdelay $0x2  }
0x2bf: {  	[spmem:s14], [sflag:s18] =	dma.local [hbm:s6], $0x70  }
0x2c0: {  	s6 =	sld [smem:$0x7EC]  }
0x2c1: {  	s14 =	sld [smem:$0x77D];
	_ =	sdelay $0x2  }
0x2c2: {  	[spmem:s14], [sflag:s18] =	dma.local [hbm:s6], $0x70  }
0x2c3: {  	s6 =	sld [smem:$0x7ED]  }
0x2c4: {  	s14 =	sld [smem:$0x77E];
	_ =	sdelay $0x2  }
0x2c5: {  	[spmem:s14], [sflag:s18] =	dma.local [hbm:s6], $0x70  }
0x2c6: {  	s6 =	sld [smem:$0x7EE]  }
0x2c7: {  	s14 =	sld [smem:$0x77F];
	_ =	sdelay $0x2  }
0x2c8: {  	[spmem:s14], [sflag:s18] =	dma.local [hbm:s6], $0x70  }
0x2c9: {  	s14 =	sld [smem:$0x780];
	_ =	sdelay $0x1  }
0x2ca: {  	s6 =	rddreg [dreg:$0x12]  }
0x2cb: {  	[spmem:s14], [sflag:s18] =	dma.local [hbm:s6], $0x70  }
0x2cc: {  	s6 =	sld [smem:$0x7EF]  }
0x2cd: {  	s14 =	sld [smem:$0x781];
	_ =	sdelay $0x2  }
0x2ce: {  	[spmem:s14], [sflag:s18] =	dma.local [hbm:s6], $0x70  }
0x2cf: {  	s6 =	sld [smem:$0x7F0]  }
0x2d0: {  	s14 =	sld [smem:$0x782];
	_ =	sdelay $0x2  }
0x2d1: {  	[spmem:s14], [sflag:s18] =	dma.local [hbm:s6], $0x70  }
0x2d2: {  	s6 =	sld [smem:$0x7F1]  }
0x2d3: {  	s14 =	sld [smem:$0x783];
	_ =	sdelay $0x2  }
0x2d4: {  	[spmem:s14], [sflag:s18] =	dma.local [hbm:s6], $0x70  }
0x2d5: {  	s6 =	sld [smem:$0x7F2]  }
0x2d6: {  	s14 =	sld [smem:$0x784];
	_ =	sdelay $0x2  }
0x2d7: {  	[spmem:s14], [sflag:s18] =	dma.local [hbm:s6], $0x70  }
0x2d8: {  	s6 =	sld [smem:$0x7F3];
	_ =	sdelay $0x2  }
0x2d9: {  	[spmem:s25], [sflag:s18] =	dma.local [hbm:s6], $0x70  }
0x2da: {  	s6 =	sld [smem:$0x7F4];
	_ =	sdelay $0x2  }
0x2db: {  	[spmem:s26], [sflag:s18] =	dma.local [hbm:s6], $0x70  }
0x2dc: {  	s6 =	sld [smem:$0x7F5];
	_ =	sdelay $0x2  }
0x2dd: {  	[spmem:s4], [sflag:s18] =	dma.local [hbm:s6], $0x70  }
0x2de: {  	s4 =	rddreg [dreg:$0x13]  }
0x2df: {  	[spmem:s28], [sflag:s18] =	dma.local [hbm:s4], $0x70  }
0x2e0: {  	s4 =	sld [smem:$0x7F6];
	_ =	sdelay $0x2  }
0x2e1: {  	[spmem:s8], [sflag:s18] =	dma.local [hbm:s4], $0x70  }
0x2e2: {  	s4 =	sld [smem:$0x7F7];
	_ =	sdelay $0x2  }
0x2e3: {  	[spmem:s29], [sflag:s18] =	dma.local [hbm:s4], $0x70  }
0x2e4: {  	s4 =	sld [smem:$0x7F8];
	_ =	sdelay $0x2  }
0x2e5: {  	[spmem:s9], [sflag:s18] =	dma.local [hbm:s4], $0x70  }
0x2e6: {  	s4 =	sld [smem:$0x7F9];
	_ =	sdelay $0x2  }
0x2e7: {  	[spmem:s20], [sflag:s18] =	dma.local [hbm:s4], $0x70  }
0x2e8: {  	s4 =	sld [smem:$0x7FA];
	_ =	sdelay $0x2  }
0x2e9: {  	[spmem:s30], [sflag:s18] =	dma.local [hbm:s4], $0x70  }
0x2ea: {  	s4 =	sld [smem:$0x7FB];
	_ =	sdelay $0x2  }
0x2eb: {  	[spmem:s31], [sflag:s18] =	dma.local [hbm:s4], $0x70  }
0x2ec: {  	s4 =	sld [smem:$0x7FC];
	_ =	sdelay $0x2  }
0x2ed: {  	[spmem:s5], [sflag:s18] =	dma.local [hbm:s4], $0x70  }
0x2ee: {  	_ =	swait.ge [sflag:s0], $0x70  }
0x2ef: {  	[sflag:s0] =	ssyncset.done $0x0  }
0x2f0: {  	[sflag:s0] =	ssyncadd.s32 $0xFFFFFF90  }
0x2f1: {  	_ =	swait.ge [sflag:s0], $0x70  }
0x2f2: {  	[sflag:s0] =	ssyncset.done $0x0  }
0x2f3: {  	[sflag:s0] =	ssyncadd.s32 $0xFFFFFF90  }
0x2f4: {  	_ =	swait.ge [sflag:s0], $0x70  }
0x2f5: {  	[sflag:s0] =	ssyncset.done $0x0  }
0x2f6: {  	[sflag:s0] =	ssyncadd.s32 $0xFFFFFF90  }
0x2f7: {  	_ =	swait.ge [sflag:s0], $0x70  }
0x2f8: {  	[sflag:s0] =	ssyncset.done $0x0  }
0x2f9: {  	[sflag:s0] =	ssyncadd.s32 $0xFFFFFF90  }
0x2fa: {  	_ =	swait.ge [sflag:s0], $0x70  }
0x2fb: {  	[sflag:s0] =	ssyncset.done $0x0  }
0x2fc: {  	[sflag:s0] =	ssyncadd.s32 $0xFFFFFF90  }
0x2fd: {  	_ =	swait.ge [sflag:s0], $0x70  }
0x2fe: {  	[sflag:s0] =	ssyncset.done $0x0  }
0x2ff: {  	[sflag:s0] =	ssyncadd.s32 $0xFFFFFF90  }
0x300: {  	_ =	swait.ge [sflag:s0], $0x70  }
0x301: {  	[sflag:s0] =	ssyncset.done $0x0  }
0x302: {  	[sflag:s0] =	ssyncadd.s32 $0xFFFFFF90  }
0x303: {  	_ =	swait.ge [sflag:s0], $0x70  }
0x304: {  	[sflag:s0] =	ssyncset.done $0x0  }
0x305: {  	[sflag:s0] =	ssyncadd.s32 $0xFFFFFF90  }
0x306: {  	_ =	swait.ge [sflag:s0], $0x70  }
0x307: {  	[sflag:s0] =	ssyncset.done $0x0  }
0x308: {  	[sflag:s0] =	ssyncadd.s32 $0xFFFFFF90  }
0x309: {  	_ =	swait.ge [sflag:s0], $0x70  }
0x30a: {  	[sflag:s0] =	ssyncset.done $0x0  }
0x30b: {  	[sflag:s0] =	ssyncadd.s32 $0xFFFFFF90  }
0x30c: {  	_ =	swait.ge [sflag:s0], $0x70  }
0x30d: {  	[sflag:s0] =	ssyncset.done $0x0  }
0x30e: {  	[sflag:s0] =	ssyncadd.s32 $0xFFFFFF90  }
0x30f: {  	_ =	swait.ge [sflag:s0], $0x70  }
0x310: {  	[sflag:s0] =	ssyncset.done $0x0  }
0x311: {  	[sflag:s0] =	ssyncadd.s32 $0xFFFFFF90  }
0x312: {  	_ =	swait.ge [sflag:s0], $0x70  }
0x313: {  	[sflag:s0] =	ssyncset.done $0x0  }
0x314: {  	[sflag:s0] =	ssyncadd.s32 $0xFFFFFF90  }
0x315: {  	_ =	swait.ge [sflag:s0], $0x70  }
0x316: {  	[sflag:s0] =	ssyncset.done $0x0  }
0x317: {  	[sflag:s0] =	ssyncadd.s32 $0xFFFFFF90  }
0x318: {  	_ =	swait.ge [sflag:s0], $0x70  }
0x319: {  	[sflag:s0] =	ssyncset.done $0x0  }
0x31a: {  	[sflag:s0] =	ssyncadd.s32 $0xFFFFFF90  }
0x31b: {  	_ =	swait.ge [sflag:s0], $0x70  }
0x31c: {  	[sflag:s0] =	ssyncset.done $0x0  }
0x31d: {  	[sflag:s0] =	ssyncadd.s32 $0xFFFFFF90  }
0x31e: {  	_ =	swait.ge [sflag:s0], $0x70  }
0x31f: {  	[sflag:s0] =	ssyncset.done $0x0  }
0x320: {  	[sflag:s0] =	ssyncadd.s32 $0xFFFFFF90  }
0x321: {  	_ =	swait.ge [sflag:s0], $0x70  }
0x322: {  	[sflag:s0] =	ssyncset.done $0x0  }
0x323: {  	[sflag:s0] =	ssyncadd.s32 $0xFFFFFF90  }
0x324: {  	_ =	swait.ge [sflag:s0], $0x70  }
0x325: {  	[sflag:s0] =	ssyncset.done $0x0  }
0x326: {  	[sflag:s0] =	ssyncadd.s32 $0xFFFFFF90  }
0x327: {  	_ =	swait.ge [sflag:s0], $0x70  }
0x328: {  	[sflag:s0] =	ssyncset.done $0x0  }
0x329: {  	[sflag:s0] =	ssyncadd.s32 $0xFFFFFF90  }
0x32a: {  	_ =	swait.ge [sflag:s0], $0x70  }
0x32b: {  	[sflag:s0] =	ssyncset.done $0x0  }
0x32c: {  	[sflag:s0] =	ssyncadd.s32 $0xFFFFFF90  }
0x32d: {  	_ =	swait.ge [sflag:s0], $0x70  }
0x32e: {  	[sflag:s0] =	ssyncset.done $0x0  }
0x32f: {  	[sflag:s0] =	ssyncadd.s32 $0xFFFFFF90  }
0x330: {  	_ =	swait.ge [sflag:s0], $0x70  }
0x331: {  	[sflag:s0] =	ssyncset.done $0x0  }
0x332: {  	[sflag:s0] =	ssyncadd.s32 $0xFFFFFF90  }
0x333: {  	_ =	swait.ge [sflag:s0], $0x70  }
0x334: {  	[sflag:s0] =	ssyncset.done $0x0  }
0x335: {  	[sflag:s0] =	ssyncadd.s32 $0xFFFFFF90  }
0x336: {  	_ =	swait.ge [sflag:s0], $0x70  }
0x337: {  	[sflag:s0] =	ssyncset.done $0x0  }
0x338: {  	[sflag:s0] =	ssyncadd.s32 $0xFFFFFF90  }
0x339: {  	_ =	swait.ge [sflag:s0], $0x70  }
0x33a: {  	[sflag:s0] =	ssyncset.done $0x0  }
0x33b: {  	[sflag:s0] =	ssyncadd.s32 $0xFFFFFF90  }
0x33c: {  	_ =	swait.ge [sflag:s0], $0x70  }
0x33d: {  	[sflag:s0] =	ssyncset.done $0x0  }
0x33e: {  	[sflag:s0] =	ssyncadd.s32 $0xFFFFFF90  }
0x33f: {  	_ =	swait.ge [sflag:s0], $0x70  }
0x340: {  	[sflag:s0] =	ssyncset.done $0x0  }
0x341: {  	[sflag:s0] =	ssyncadd.s32 $0xFFFFFF90  }
0x342: {  	_ =	swait.ge [sflag:s0], $0x70  }
0x343: {  	[sflag:s0] =	ssyncset.done $0x0  }
0x344: {  	[sflag:s0] =	ssyncadd.s32 $0xFFFFFF90  }
0x345: {  	_ =	swait.ge [sflag:s0], $0x70  }
0x346: {  	[sflag:s0] =	ssyncset.done $0x0  }
0x347: {  	[sflag:s0] =	ssyncadd.s32 $0xFFFFFF90  }
0x348: {  	_ =	swait.ge [sflag:s0], $0x70  }
0x349: {  	[sflag:s0] =	ssyncset.done $0x0  }
0x34a: {  	[sflag:s0] =	ssyncadd.s32 $0xFFFFFF90  }
0x34b: {  	_ =	swait.ge [sflag:s0], $0x70  }
0x34c: {  	[sflag:s0] =	ssyncset.done $0x0  }
0x34d: {  	[sflag:s0] =	ssyncadd.s32 $0xFFFFFF90  }
0x34e: {  	_ =	swait.ge [sflag:s0], $0x70  }
0x34f: {  	[sflag:s0] =	ssyncset.done $0x0  }
0x350: {  	[sflag:s0] =	ssyncadd.s32 $0xFFFFFF90  }
0x351: {  	_ =	swait.ge [sflag:s0], $0x70  }
0x352: {  	[sflag:s0] =	ssyncset.done $0x0  }
0x353: {  	[sflag:s0] =	ssyncadd.s32 $0xFFFFFF90  }
0x354: {  	_ =	swait.ge [sflag:s0], $0x70  }
0x355: {  	[sflag:s0] =	ssyncset.done $0x0  }
0x356: {  	[sflag:s0] =	ssyncadd.s32 $0xFFFFFF90  }
0x357: {  	_ =	swait.ge [sflag:s0], $0x70  }
0x358: {  	[sflag:s0] =	ssyncset.done $0x0  }
0x359: {  	[sflag:s0] =	ssyncadd.s32 $0xFFFFFF90  }
0x35a: {  	_ =	swait.ge [sflag:s0], $0x70  }
0x35b: {  	[sflag:s0] =	ssyncset.done $0x0  }
0x35c: {  	[sflag:s0] =	ssyncadd.s32 $0xFFFFFF90  }
0x35d: {  	_ =	swait.ge [sflag:s0], $0x70  }
0x35e: {  	[sflag:s0] =	ssyncset.done $0x0  }
0x35f: {  	[sflag:s0] =	ssyncadd.s32 $0xFFFFFF90  }
0x360: {  	_ =	swait.ge [sflag:s0], $0x70  }
0x361: {  	[sflag:s0] =	ssyncset.done $0x0  }
0x362: {  	[sflag:s0] =	ssyncadd.s32 $0xFFFFFF90  }
0x363: {  	_ =	swait.ge [sflag:s0], $0x70  }
0x364: {  	[sflag:s0] =	ssyncset.done $0x0  }
0x365: {  	[sflag:s0] =	ssyncadd.s32 $0xFFFFFF90  }
0x366: {  	_ =	swait.ge [sflag:s0], $0x70  }
0x367: {  	[sflag:s0] =	ssyncset.done $0x0  }
0x368: {  	[sflag:s0] =	ssyncadd.s32 $0xFFFFFF90  }
0x369: {  	_ =	swait.ge [sflag:s0], $0x70  }
0x36a: {  	[sflag:s0] =	ssyncset.done $0x0  }
0x36b: {  	[sflag:s0] =	ssyncadd.s32 $0xFFFFFF90  }
0x36c: {  	_ =	swait.ge [sflag:s0], $0x70  }
0x36d: {  	[sflag:s0] =	ssyncset.done $0x0  }
0x36e: {  	[sflag:s0] =	ssyncadd.s32 $0xFFFFFF90  }
0x36f: {  	_ =	swait.ge [sflag:s0], $0x70  }
0x370: {  	[sflag:s0] =	ssyncset.done $0x0  }
0x371: {  	[sflag:s0] =	ssyncadd.s32 $0xFFFFFF90  }
0x372: {  	_ =	swait.ge [sflag:s0], $0x70  }
0x373: {  	[sflag:s0] =	ssyncset.done $0x0  }
0x374: {  	[sflag:s0] =	ssyncadd.s32 $0xFFFFFF90  }
0x375: {  	_ =	swait.ge [sflag:s0], $0x70  }
0x376: {  	[sflag:s0] =	ssyncset.done $0x0  }
0x377: {  	[sflag:s0] =	ssyncadd.s32 $0xFFFFFF90  }
0x378: {  	_ =	swait.ge [sflag:s0], $0x70  }
0x379: {  	[sflag:s0] =	ssyncset.done $0x0  }
0x37a: {  	[sflag:s0] =	ssyncadd.s32 $0xFFFFFF90  }
0x37b: {  	_ =	swait.ge [sflag:s0], $0x70  }
0x37c: {  	[sflag:s0] =	ssyncset.done $0x0  }
0x37d: {  	[sflag:s0] =	ssyncadd.s32 $0xFFFFFF90  }
0x37e: {  	v5 =	vld.idx.msk [tilespmem:v1+s3+$0x0], $0xffff;
	_ =	sdelay $0x4  }
0x37f: {  	v5 =	vadd.s32 v5, v0  }
0x380: {  	[tilespmem:$0x180] =	vst v5  }
0x381: {  	v5 =	vld.idx.msk [tilespmem:v1+s3+$0x0], $0xffff;
	_ =	sdelay $0x4  }
0x382: {  	v5 =	vadd.s32 v5, v2  }
0x383: {  	s15 =	simm.s32 $0x180;
	[tilespmem:$0x190] =	vst v5  }
0x384: {  	[tilespmem:s7], [sflag:$0x1] =	stream.indirect.gather [spmem:s1], $0x80, s15, s2, $0xb8;
	[tilespmem:$0xDB00] =	vst v63  }
0x385: {  	v5 =	vld.idx.msk [tilespmem:v3+s3+$0x0], $0xffff;
	_ =	sdelay $0x4  }
0x386: {  	v5 =	vadd.s32 v5, v0  }
0x387: {  	[tilespmem:$0x200] =	vst v5  }
0x388: {  	v5 =	vld.idx.msk [tilespmem:v3+s3+$0x0], $0xffff;
	_ =	sdelay $0x4  }
0x389: {  	v5 =	vadd.s32 v5, v2  }
0x38a: {  	s19 =	simm.s32 $0x200;
	s21 =	simm.s32 $0x1300;
	[tilespmem:$0x210] =	vst v5  }
0x38b: {  	[tilespmem:s21], [sflag:$0x2] =	stream.indirect.gather [spmem:s1], $0x80, s19, s2, $0xb8;
	[tilespmem:$0xDB00] =	vst v63  }
0x38c: {  	v5 =	vld.idx.msk [tilespmem:v4+s3+$0x0], $0xffff;
	_ =	sdelay $0x4  }
0x38d: {  	v5 =	vadd.s32 v5, v0  }
0x38e: {  	[tilespmem:$0x280] =	vst v5  }
0x38f: {  	v5 =	vld.idx.msk [tilespmem:v4+s3+$0x0], $0xffff;
	_ =	sdelay $0x4  }
0x390: {  	v5 =	vadd.s32 v5, v2  }
0x391: {  	s4 =	simm.s32 $0x14;
	s5 =	sld [smem:$0x7FD];
	[tilespmem:$0x290] =	vst v5  }
0x392: {  	[tilespmem:s11], [sflag:$0x3] =	stream.indirect.gather [spmem:s1], $0x80, s10, s2, $0xb8;
	[tilespmem:$0xDB00] =	vst v63  }
.LBB2_5:
0x393: {  	_ =	swait.ge [sflag:s12], $0x1000  }
0x394: {  	[sflag:s12] =	ssyncset.done $0x0  }
0x395: {  	p0 =	seq.s32 s4, $0x11C;
	s6 =	sadd.s32 $0xFFFF8000, s5;
	[sflag:s12] =	ssyncadd.s32 $0xFFFFF000  }
0x396: {  	v5 =	vlaneseq.u32 @!p0;
	[hbm4b:s6+s3] =	stream.linear.scatter [tilespmem:s7], [sflag:$0x4], $0x1000, $0x38;
	[tilespmem:$0xDB00] =	vst v63  }
0x397: {  	s8 =	sadd.s32 @!p0 $0xFFFFFFF8, s4;
	v5 =	vand.u32 @!p0 $0x3, v5;
	s6 =	simm.s32 @p0 $0x2  }
0x398: {  	v6 =	vor.u32 @!p0 s8, v5;
	_ =	swait.ge @p0 [sflag:s6], $0x1000  }
0x399: {  	[sflag:s6] =	ssyncset.done @p0 $0x0  }
0x39a: {  	s8 =	simm.s32 @p0 $0x1300;
	[sflag:s6] =	ssyncadd.s32 @p0 $0xFFFFF000;
	s6 =	simm.s32 @p0 $0x0  }
0x39b: {  	[hbm4b:s24+s6] =	stream.linear.scatter @p0 [tilespmem:s8], [sflag:$0x5], $0x1000, $0x38;
	[tilespmem:$0xDB00] =	vst v63  }
0x39c: {  	s6 =	simm.s32 @!p0 $0x0  }
0x39d: {  	v7 =	vld.idx.msk @!p0 [tilespmem:v6+s6+$0x0], $0xffff;
	_ =	sdelay $0x4  }
0x39e: {  	v7 =	vadd.s32 @!p0 v7, v0  }
0x39f: {  	[tilespmem:$0x180] =	vst @!p0 v7  }
0x3a0: {  	v6 =	vld.idx.msk @!p0 [tilespmem:v6+s6+$0x0], $0xffff;
	_ =	sdelay $0x4  }
0x3a1: {  	v6 =	vadd.s32 @!p0 v6, v2  }
0x3a2: {  	s8 =	simm.s32 @!p0 $0x4;
	[tilespmem:$0x190] =	vst @!p0 v6  }
0x3a3: {  	_ =	swait.ge @!p0 [sflag:s8], $0x1000  }
0x3a4: {  	s9 =	simm.s32 @!p0 $0x180;
	[sflag:s8] =	ssyncset.done @!p0 $0x0  }
0x3a5: {  	s14 =	simm.s32 @!p0 $0x300;
	[sflag:s8] =	ssyncadd.s32 @!p0 $0xFFFFF000;
	s8 =	simm.s32 @!p0 $0x20  }
0x3a6: {  	[tilespmem:s14], [sflag:$0x1] =	stream.indirect.gather @!p0 [spmem:s1], $0x80, s9, s8, $0xb8;
	[tilespmem:$0xDB00] =	vst v63  }
0x3a7: {  	s9 =	sadd.s32 @!p0 $0xFFFFFFFC, s4  }
0x3a8: {  	s14 =	simm.s32 @!p0 $0x2;
	v5 =	vor.u32 @!p0 s9, v5  }
0x3a9: {  	_ =	swait.ge @!p0 [sflag:s14], $0x1000  }
0x3aa: {  	[sflag:s14] =	ssyncset.done @!p0 $0x0  }
0x3ab: {  	s9 =	simm.s32 @!p0 $0x1300;
	[sflag:s14] =	ssyncadd.s32 @!p0 $0xFFFFF000  }
0x3ac: {  	[hbm4b:s5+s6] =	stream.linear.scatter @!p0 [tilespmem:s9], [sflag:$0x5], $0x1000, $0x38;
	[tilespmem:$0xDB00] =	vst v63  }
0x3ad: {  	v6 =	vld.idx.msk @!p0 [tilespmem:v5+s6+$0x0], $0xffff;
	_ =	sdelay $0x4  }
0x3ae: {  	v6 =	vadd.s32 @!p0 v6, v0  }
0x3af: {  	[tilespmem:$0x200] =	vst @!p0 v6  }
0x3b0: {  	v5 =	vld.idx.msk @!p0 [tilespmem:v5+s6+$0x0], $0xffff;
	_ =	sdelay $0x4  }
0x3b1: {  	v5 =	vadd.s32 @!p0 v5, v2  }
0x3b2: {  	s6 =	simm.s32 @!p0 $0x5;
	[tilespmem:$0x210] =	vst @!p0 v5  }
0x3b3: {  	_ =	swait.ge @!p0 [sflag:s6], $0x1000  }
0x3b4: {  	[sflag:s6] =	ssyncset.done @!p0 $0x0  }
0x3b5: {  	[sflag:s6] =	ssyncadd.s32 @!p0 $0xFFFFF000;
	s6 =	simm.s32 @!p0 $0x200  }
0x3b6: {  	[tilespmem:s9], [sflag:$0x2] =	stream.indirect.gather @!p0 [spmem:s1], $0x80, s6, s8, $0xb8;
	[tilespmem:$0xDB00] =	vst v63  }
.Ltmp4:
0x3b7: {  	_ = 	snop;
	(pc) =	sbr.rel @p0 .LBB2_7-.Ltmp4, $4  }
0x3b8: {  	_ =	swait.ge [sflag:s13], $0x1000  }
0x3b9: {  	[sflag:s13] =	ssyncset.done $0x0  }
0x3ba: {  	s31 =	sadd.s32 $0x8000, s5;
	[sflag:s13] =	ssyncadd.s32 $0xFFFFF000  }
0x3bb: {  	[hbm4b:s31+s3] =	stream.linear.scatter [tilespmem:s11], [sflag:$0x6], $0x1000, $0x38;
	[tilespmem:$0xDB00] =	vst v63  }
0x3bc: {  	v5 =	vor.u32 s4, v1;
	_ =	sdelay $0x4  }
0x3bd: {  	v6 =	vld.idx.msk [tilespmem:v5+s3+$0x0], $0xffff;
	_ =	sdelay $0x4  }
0x3be: {  	v6 =	vadd.s32 v6, v0  }
0x3bf: {  	[tilespmem:$0x280] =	vst v6  }
0x3c0: {  	v5 =	vld.idx.msk [tilespmem:v5+s3+$0x0], $0xffff;
	_ =	sdelay $0x4  }
0x3c1: {  	v5 =	vadd.s32 v5, v2  }
.Ltmp5:
0x3c2: {  	[tilespmem:$0x290] =	vst v5;
	(pc) =	sbr.rel .LBB2_5-.Ltmp5, $4  }
0x3c3: {  	_ =	swait.ge [sflag:s16], $0x1000  }
0x3c4: {  	[sflag:s16] =	ssyncset.done $0x0  }
0x3c5: {  	s4 =	sadd.s32 $0xC, s4;
	s5 =	sadd.s32 $0x18000, s5;
	[sflag:s16] =	ssyncadd.s32 $0xFFFFF000  }
0x3c6: {  	[tilespmem:s11], [sflag:$0x3] =	stream.indirect.gather [spmem:s1], $0x80, s10, s2, $0xb8;
	[tilespmem:$0xDB00] =	vst v63  }
.LBB2_8:
0x3c7: {  	_ =	sfence.sel $0x180000  }
0x3c8: {  	[bflag:$0x0] =	sbarrier.arrive $0xFFFF  }
0x3c9: {  	_ =	strace $0x90000047  }
0x3ca: {  	s0 =	stileid.u32;
	[bflag:$0x2] =	sbarrier.arrive $0xFFFF  }
0x3cb: {  	p0 =	sne.s32 s0, $0x0;
	s0 =	rddreg [dreg:$0x4]  }
0x3cc: {  	s0 =	sadd.s32 @!p0 $0x100000, s0  }
0x3cd: {  	[sflag:s0] =	ssyncadd.tile.s32 @!p0 $0x1;
	_ =	shalt  }
.Lfunc_end2:
_tile_overlayer_lowered:
.L_overlay_start_2:
0x3ce: {  	(tag) =	ssettag $0x2  }
0x3cf: {  	s0 =	rddreg [dreg:$0x0];
	s2 =	stileid.u32  }
0x3d0: {  	s1 =	rddreg [dreg:$0x1];
	p0 =	sne.s32 s2, $0x0  }
0x3d1: {  	s3 =	rddreg [dreg:$0x2];
	[bflag:$0x3] =	sbarrier.arrive $0xFFFF;
	s2 =	simm.s32 @!p0 $0x1C08  }
0x3d2: {  	[timem:s3], [sflag:s2] =	dma.local @!p0 [hbm:s0], s1  }
0x3d3: {  	s0 =	simm.s32 @!p0 $0x8  }
0x3d4: {  	_ =	swait.ge @!p0 [sflag:s0], s1  }
0x3d5: {  	s1 =	ssub.s32 @!p0 $0x0, s1;
	[sflag:s0] =	ssyncset.done @!p0 $0x0  }
0x3d6: {  	[sflag:s0] =	ssyncadd.s32 @!p0 s1  }
0x3d7: {  	[bflag:$0x3] =	sbarrier.arrive $0xFFFF  }
0x3d8: {  	_ =	shalt  }

</sc_bundles>
